<compile_context>
chip_gen: v7x
topology: tpu7x:2x2x1
jax: 0.10.2.dev20260603
libtpu: 0.0.44.dev20260713+nightly
codegen_flags: <defaults>
</compile_context>

<pallas_src>
import numpy as np
import jax
import jax.numpy as jnp
from jax import lax
from jax.experimental import pallas as pl
from jax.experimental.pallas import tpu as pltpu
from jax.experimental.pallas import tpu_sc as plsc

_BATCH = 4
_NPTS = 120000
_L = 16
_NC, _NS = 2, 16
_NW = _NC * _NS
_B = 384
_NBLK = _NPTS // _B
_TAIL_S = _NBLK * _B
_TAIL_B = _NPTS - _TAIL_S

_F32 = jnp.float32
_I32 = jnp.int32

_CX1 = np.float32(np.float32(200.0) * (np.float32(1.0) / np.float32(100.0)))
_CZ1 = np.float32(np.float32(30.0) * (np.float32(1.0) / np.float32(6.0)))


def _quant_vec(in_v, outs_v, b, j):
    (idx0_v, xy0_v, top0_v, idx20_v, xz0_v, front0_v,
     idx1_v, xy1_v, top1_v, idx21_v, xz1_v, front1_v) = outs_v
    sl = pl.ds(j * _L, _L)
    xv = in_v[b, 0, sl]
    yv = in_v[b, 1, sl]
    zv = in_v[b, 2, sl]
    fx1 = (xv + 50.0) * _CX1
    fy1 = (yv + 50.0) * _CX1
    fz1 = (zv + 4.0) * _CZ1
    fx0 = fx1 + fx1
    fy0 = fy1 + fy1
    fz0 = fz1 + fz1

    def emit(fx, fy, fz, sxy, sz, idx_v, xy_v, top_v, idx2_v, xz_v, front_v):
        ix = fx.astype(_I32)
        iy = fy.astype(_I32)
        iz = fz.astype(_I32)
        rx = fx - ix.astype(_F32)
        ry = fy - iy.astype(_F32)
        rz = fz - iz.astype(_F32)
        idx_v[b, sl] = ix * sxy + iy
        idx2_v[b, sl] = ix * (sxy * sz) + iy * sz + iz
        xy_v[b, 0, sl] = ix
        xy_v[b, 1, sl] = iy
        top_v[b, 0, sl] = rx
        top_v[b, 1, sl] = ry
        xz_v[0, b, sl] = ix
        xz_v[1, b, sl] = iy
        xz_v[2, b, sl] = iz
        front_v[b, 0, sl] = rx
        front_v[b, 1, sl] = rz

    emit(fx0, fy0, fz0, 400, 60, idx0_v, xy0_v, top0_v, idx20_v, xz0_v, front0_v)
    emit(fx1, fy1, fz1, 200, 30, idx1_v, xy1_v, top1_v, idx21_v, xz1_v, front1_v)


def _compute_block(in_v, outs_v, nvec):
    def it(j, c):
        for b in range(_BATCH):
            _quant_vec(in_v, outs_v, b, j)
        return c

    lax.fori_loop(0, nvec, it, None)


def _out_copies(pct_echo_hbm, outs_hbm, in_v, outs_v, sem, s, size):
    sl = pl.ds(s, size)
    copies = [pltpu.make_async_copy(in_v, pct_echo_hbm.at[:, :, sl], sem)]
    for ov, oh in zip(outs_v, outs_hbm):
        if oh.ndim == 2:
            copies.append(pltpu.make_async_copy(ov, oh.at[:, sl], sem))
        else:
            copies.append(pltpu.make_async_copy(ov, oh.at[:, :, sl], sem))
    return copies


def _sc_body(pct_hbm, *refs):
    pct_echo_hbm = refs[0]
    outs_hbm = refs[1:13]
    in_v = refs[13:15]
    outs_v = (refs[15:27], refs[27:39])
    in_t = refs[39]
    outs_t = refs[40:52]
    sem_in = refs[52:54]
    sem_out = refs[54:56]
    wid = lax.axis_index("s") * _NC + lax.axis_index("c")
    nblk_w = (_NBLK - 1 - wid) // _NW + 1

    def in_fire(i, p):
        s = (i * _NW + wid) * _B
        pltpu.async_copy(pct_hbm.at[:, :, pl.ds(s, _B)], in_v[p], sem_in[p])

    def out_copies(i, p):
        s = (i * _NW + wid) * _B
        return _out_copies(pct_echo_hbm, outs_hbm, in_v[p], outs_v[p],
                           sem_out[p], s, _B)

    in_fire(0, 0)

    def step(g, _):
        for p in range(2):
            i = g * 2 + p

            @pl.when(i < nblk_w)
            def _():
                @pl.when(i + 1 < nblk_w)
                def _():
                    in_fire(i + 1, 1 - p)

                @pl.when(i >= 2)
                def _():
                    for c in out_copies(i - 2, p):
                        c.wait()

                pltpu.make_async_copy(
                    pct_hbm.at[:, :, pl.ds(0, _B)], in_v[p], sem_in[p]).wait()
                _compute_block(in_v[p], outs_v[p], _B // _L)
                for c in out_copies(i, p):
                    c.start()

        return _

    lax.fori_loop(0, (_NBLK // _NW) // 2 + 1, step, None)

    for p in range(2):
        @pl.when((nblk_w >= 1) & ((nblk_w - 1) % 2 == p))
        def _():
            for c in out_copies(nblk_w - 1, p):
                c.wait()

        @pl.when((nblk_w >= 2) & ((nblk_w - 2) % 2 == p))
        def _():
            for c in out_copies(nblk_w - 2, p):
                c.wait()

    @pl.when(wid == _NW - 1)
    def _():
        sl = pl.ds(_TAIL_S, _TAIL_B)
        pltpu.async_copy(pct_hbm.at[:, :, sl], in_t, sem_in[0]).wait()
        _compute_block(in_t, outs_t, _TAIL_B // _L)
        copies = _out_copies(pct_echo_hbm, outs_hbm, in_t, outs_t,
                             sem_out[0], _TAIL_S, _TAIL_B)
        for c in copies:
            c.start()
        for c in copies:
            c.wait()


def _out_types(n):
    return [
        jax.ShapeDtypeStruct((_BATCH, n), _I32),
        jax.ShapeDtypeStruct((_BATCH, 2, n), _I32),
        jax.ShapeDtypeStruct((_BATCH, 2, n), _F32),
        jax.ShapeDtypeStruct((_BATCH, n), _I32),
        jax.ShapeDtypeStruct((3, _BATCH, n), _I32),
        jax.ShapeDtypeStruct((_BATCH, 2, n), _F32),
    ]


def _buf_types(n):
    return [
        pltpu.VMEM((_BATCH, n), _I32),
        pltpu.VMEM((_BATCH, 2, n), _I32),
        pltpu.VMEM((_BATCH, 2, n), _F32),
        pltpu.VMEM((_BATCH, n), _I32),
        pltpu.VMEM((3, _BATCH, n), _I32),
        pltpu.VMEM((_BATCH, 2, n), _F32),
    ]


def _run_sc(pct):
    out_type = ([jax.ShapeDtypeStruct((_BATCH, 4, _NPTS), _F32)]
                + _out_types(_NPTS) * 2)

    def bufs(n):
        return _buf_types(n) * 2

    scratch = (
        [pltpu.VMEM((_BATCH, 4, _B), _F32) for _ in range(2)]
        + bufs(_B) + bufs(_B)
        + [pltpu.VMEM((_BATCH, 4, _TAIL_B), _F32)] + bufs(_TAIL_B)
        + [pltpu.SemaphoreType.DMA] * 4
    )
    mesh = plsc.VectorSubcoreMesh(
        core_axis_name="c", subcore_axis_name="s", num_cores=_NC, num_subcores=_NS)
    return pl.kernel(
        _sc_body, out_type=out_type, mesh=mesh, scratch_types=scratch,
        compiler_params=pltpu.CompilerParams(needs_layout_passes=False),
        name="pc_preprocessor3d_sc",
    )(pct)


def kernel(pc):
    pct = jnp.transpose(pc, (0, 2, 1))
    (pct_echo, idx0, xy0, top0, idx20, xz0, front0,
     idx1, xy1, top1, idx21, xz1, front1) = _run_sc(pct)
    tr = lambda a: jnp.transpose(a, (0, 2, 1))
    trc = lambda a: jnp.transpose(a, (1, 2, 0))
    return (
        tr(pct_echo),
        idx0, tr(xy0), tr(top0), idx20, trc(xz0), tr(front0),
        idx1, tr(xy1), tr(top1), idx21, trc(xz1), tr(front1),
    )

# --- scband reference (transcript-rebuilt; emitter-appended) ---
"""Pipeline reference for scband-pc-preprocessor3-d-13417477833539 (READ-ONLY COPY).

The authoritative reference and input builder live on the scoring server;
editing this copy changes nothing except your own understanding.
"""

import jax, jax.numpy as jnp
import numpy as np

LIMS = [[-50.0, 50.0], [-50.0, 50.0], [-4.0, 2.0]]
GRID_METERS = [0.5, 0.5, 0.2]
SCALES = [0.5, 1]
GRID_SIZES = [int(round((LIMS[i][1] - LIMS[i][0]) / GRID_METERS[i])) for i in range(3)]  # [200, 200, 30]


def quantitizev2(data, lim_min, lim_max, size):
    idx = (data - lim_min) / (lim_max - lim_min) * size
    idxlong = idx.astype(jnp.int32)
    idx_res = idx - idxlong.astype(jnp.float32)
    return idxlong, idx_res


def setup_inputs(seed: int = 0) -> dict:
    key = jax.random.key(seed)
    pc = jax.random.normal(key, (4, 120000, 4), dtype=jnp.float32)
    return {"pc": pc}


def reference(pc):
    # Faithful vectorized translation: per-batch loop collapses to batched ops
    # (no keep_mask, equal point counts per batch element).
    outs = []
    for scale in SCALES:
        sx = float(np.floor(float(GRID_SIZES[0]) / scale))  # grid_sizes[0].float() // scale
        sy = float(np.floor(float(GRID_SIZES[1]) / scale))
        sz = float(np.floor(float(GRID_SIZES[2]) / scale))
        xidx, xres = quantitizev2(pc[:, :, 0], LIMS[0][0], LIMS[0][1], sx)
        yidx, yres = quantitizev2(pc[:, :, 1], LIMS[1][0], LIMS[1][1], sy)
        zidx, zres = quantitizev2(pc[:, :, 2], LIMS[2][0], LIMS[2][1], sz)
        xy_indx = jnp.stack([xidx, yidx], axis=-1)
        xz_indx = jnp.stack([xidx, yidx, zidx], axis=-1)
        topres = jnp.stack([xres, yres], axis=-1)
        frontres = jnp.stack([xres, zres], axis=-1)
        size = np.int32(sx)
        size_z = np.int32(sz)
        idx = xidx * size + yidx
        idx2 = xidx * size * size_z + yidx * size_z + zidx
        outs.extend([idx, xy_indx, topres, idx2, xz_indx, frontres])
    return (pc,) + tuple(outs)

if __name__ == "__main__":
    import jax
    _d = setup_inputs()
    print(jax.jit(kernel)(*tuple(_d.values())))

</pallas_src>

<mosaic_0001>
#map = affine_map<(d0, d1) -> (0, 0, 0)>
#map1 = affine_map<(d0, d1) -> (0, 0)>
module attributes {stable_mosaic.version = 14 : i64} {
  func.func @pc_preprocessor3d_sc(%arg0: i32, %arg1: i32, %arg2: memref<4x4x120000xf32, #tpu.memory_space<hbm>>, %arg3: memref<4x4x120000xf32, #tpu.memory_space<hbm>>, %arg4: memref<4x120000xi32, #tpu.memory_space<hbm>>, %arg5: memref<4x2x120000xi32, #tpu.memory_space<hbm>>, %arg6: memref<4x2x120000xf32, #tpu.memory_space<hbm>>, %arg7: memref<4x120000xi32, #tpu.memory_space<hbm>>, %arg8: memref<3x4x120000xi32, #tpu.memory_space<hbm>>, %arg9: memref<4x2x120000xf32, #tpu.memory_space<hbm>>, %arg10: memref<4x120000xi32, #tpu.memory_space<hbm>>, %arg11: memref<4x2x120000xi32, #tpu.memory_space<hbm>>, %arg12: memref<4x2x120000xf32, #tpu.memory_space<hbm>>, %arg13: memref<4x120000xi32, #tpu.memory_space<hbm>>, %arg14: memref<3x4x120000xi32, #tpu.memory_space<hbm>>, %arg15: memref<4x2x120000xf32, #tpu.memory_space<hbm>>, %arg16: memref<4x4x384xf32, #tpu.memory_space<vmem>>, %arg17: memref<4x4x384xf32, #tpu.memory_space<vmem>>, %arg18: memref<4x384xi32, #tpu.memory_space<vmem>>, %arg19: memref<4x2x384xi32, #tpu.memory_space<vmem>>, %arg20: memref<4x2x384xf32, #tpu.memory_space<vmem>>, %arg21: memref<4x384xi32, #tpu.memory_space<vmem>>, %arg22: memref<3x4x384xi32, #tpu.memory_space<vmem>>, %arg23: memref<4x2x384xf32, #tpu.memory_space<vmem>>, %arg24: memref<4x384xi32, #tpu.memory_space<vmem>>, %arg25: memref<4x2x384xi32, #tpu.memory_space<vmem>>, %arg26: memref<4x2x384xf32, #tpu.memory_space<vmem>>, %arg27: memref<4x384xi32, #tpu.memory_space<vmem>>, %arg28: memref<3x4x384xi32, #tpu.memory_space<vmem>>, %arg29: memref<4x2x384xf32, #tpu.memory_space<vmem>>, %arg30: memref<4x384xi32, #tpu.memory_space<vmem>>, %arg31: memref<4x2x384xi32, #tpu.memory_space<vmem>>, %arg32: memref<4x2x384xf32, #tpu.memory_space<vmem>>, %arg33: memref<4x384xi32, #tpu.memory_space<vmem>>, %arg34: memref<3x4x384xi32, #tpu.memory_space<vmem>>, %arg35: memref<4x2x384xf32, #tpu.memory_space<vmem>>, %arg36: memref<4x384xi32, #tpu.memory_space<vmem>>, %arg37: memref<4x2x384xi32, #tpu.memory_space<vmem>>, %arg38: memref<4x2x384xf32, #tpu.memory_space<vmem>>, %arg39: memref<4x384xi32, #tpu.memory_space<vmem>>, %arg40: memref<3x4x384xi32, #tpu.memory_space<vmem>>, %arg41: memref<4x2x384xf32, #tpu.memory_space<vmem>>, %arg42: memref<4x4x192xf32, #tpu.memory_space<vmem>>, %arg43: memref<4x192xi32, #tpu.memory_space<vmem>>, %arg44: memref<4x2x192xi32, #tpu.memory_space<vmem>>, %arg45: memref<4x2x192xf32, #tpu.memory_space<vmem>>, %arg46: memref<4x192xi32, #tpu.memory_space<vmem>>, %arg47: memref<3x4x192xi32, #tpu.memory_space<vmem>>, %arg48: memref<4x2x192xf32, #tpu.memory_space<vmem>>, %arg49: memref<4x192xi32, #tpu.memory_space<vmem>>, %arg50: memref<4x2x192xi32, #tpu.memory_space<vmem>>, %arg51: memref<4x2x192xf32, #tpu.memory_space<vmem>>, %arg52: memref<4x192xi32, #tpu.memory_space<vmem>>, %arg53: memref<3x4x192xi32, #tpu.memory_space<vmem>>, %arg54: memref<4x2x192xf32, #tpu.memory_space<vmem>>, %arg55: memref<!tpu.dma_semaphore, #tpu.memory_space<semaphore_mem>>, %arg56: memref<!tpu.dma_semaphore, #tpu.memory_space<semaphore_mem>>, %arg57: memref<!tpu.dma_semaphore, #tpu.memory_space<semaphore_mem>>, %arg58: memref<!tpu.dma_semaphore, #tpu.memory_space<semaphore_mem>>) attributes {dimension_semantics = [#tpu.dimension_semantics<core_parallel>, #tpu.dimension_semantics<subcore_parallel>], iteration_bounds = array<i64: 2, 16>, scalar_prefetch = 0 : i64, scratch_operands = 43 : i64, tpu.core_type = #tpu.core_type<sc_vector_subcore>, window_params = [{transform_indices = #map}, {transform_indices = #map}, {transform_indices = #map1}, {transform_indices = #map}, {transform_indices = #map}, {transform_indices = #map1}, {transform_indices = #map}, {transform_indices = #map}, {transform_indices = #map1}, {transform_indices = #map}, {transform_indices = #map}, {transform_indices = #map1}, {transform_indices = #map}, {transform_indices = #map}]} {
    %mul3A = arith.constant 2 : i32
    %mul3A_0 = arith.muli %arg1, %mul3A : i32
    %add3A = arith.addi %mul3A_0, %arg0 : i32
    %sub3A = arith.constant 311 : i32
    %sub3A_1 = arith.subi %sub3A, %add3A : i32
    %jit3A = arith.constant 32 : i32
    %div3A = arith.divsi %sub3A_1, %jit3A : i32
    %sign3A = arith.constant 0 : i32
    %sign3A_2 = arith.cmpi sgt, %sub3A_1, %sign3A : i32
    %sign3A_3 = arith.extui %sign3A_2 : i1 to i32
    %sign3A_4 = arith.constant 0 : i32
    %sign3A_5 = arith.cmpi slt, %sub3A_1, %sign3A_4 : i32
    %sign3A_6 = arith.extui %sign3A_5 : i1 to i32
    %sign3A_7 = arith.subi %sign3A_3, %sign3A_6 : i32
    %sign3A_8 = arith.constant 0 : i32
    %sign3A_9 = arith.cmpi sgt, %jit3A, %sign3A_8 : i32
    %sign3A_10 = arith.extui %sign3A_9 : i1 to i32
    %sign3A_11 = arith.constant 0 : i32
    %sign3A_12 = arith.cmpi slt, %jit3A, %sign3A_11 : i32
    %sign3A_13 = arith.extui %sign3A_12 : i1 to i32
    %sign3A_14 = arith.subi %sign3A_10, %sign3A_13 : i32
    %ne3A = arith.cmpi ne, %sign3A_7, %sign3A_14 : i32
    %rem3A = arith.remsi %sub3A_1, %jit3A : i32
    %ne3A_15 = arith.constant 0 : i32
    %ne3A_16 = arith.cmpi ne, %rem3A, %ne3A_15 : i32
    %and3A = arith.andi %ne3A, %ne3A_16 : i1
    %sub3A_17 = arith.constant 1 : i32
    %sub3A_18 = arith.subi %div3A, %sub3A_17 : i32
    %select_n3A = arith.select %and3A, %sub3A_18, %div3A : i32
    %add3A_19 = arith.constant 1 : i32
    %add3A_20 = arith.addi %select_n3A, %add3A_19 : i32
    %add3A_21 = arith.constant 0 : i32
    %add3A_22 = arith.addi %add3A_21, %add3A : i32
    %mul3A_23 = arith.constant 384 : i32
    %mul3A_24 = arith.muli %add3A_22, %mul3A_23 : i32
    %dma_start3A = arith.constant 0 : i32
    %dma_start3A_25 = arith.constant 0 : i32
    %dma_start3A_26 = tpu.memref_slice %arg2[%dma_start3A, %dma_start3A_25, %mul3A_24] : memref<4x4x120000xf32, #tpu.memory_space<hbm>> -> memref<4x4x384xf32, #tpu.memory_space<hbm>>
    %dma_start3A_27 = arith.constant 0 : i32
    %dma_start3A_28 = arith.constant 0 : i32
    %dma_start3A_29 = tpu.memref_slice %arg2[%dma_start3A_27, %dma_start3A_28, %mul3A_24] : memref<4x4x120000xf32, #tpu.memory_space<hbm>> -> memref<4x4x384xf32, #tpu.memory_space<hbm>>
    tpu.enqueue_dma source(%dma_start3A_29 : memref<4x4x384xf32, #tpu.memory_space<hbm>>) target(%arg16 : memref<4x4x384xf32, #tpu.memory_space<vmem>>) target_semaphore(%arg55 : memref<!tpu.dma_semaphore, #tpu.memory_space<semaphore_mem>>)
    %scan3A = arith.constant 0 : i32
    %scan3A_30 = arith.constant 5 : i32
    %scan3A_31 = arith.addi %scan3A, %scan3A_30 : i32
    %scan3A_32 = arith.constant 1 : i32
    scf.for %scan3A_138 = %scan3A to %scan3A_31 step %scan3A_32  : i32 {
      %mul3A_139 = arith.constant 2 : i32
      %mul3A_140 = arith.muli %scan3A_138, %mul3A_139 : i32
      %add3A_141 = arith.constant 0 : i32
      %add3A_142 = arith.addi %mul3A_140, %add3A_141 : i32
      %lt3A_143 = arith.cmpi slt, %add3A_142, %add3A_20 : i32
      %convert_element_type3A_144 = arith.extui %lt3A_143 : i1 to i32
      %cond3A_145 = arith.constant 0 : i32
      %cond3A_146 = arith.cmpi ne, %convert_element_type3A_144, %cond3A_145 : i32
      scf.if %cond3A_146 {
        %add3A_155 = arith.constant 1 : i32
        %add3A_156 = arith.addi %add3A_142, %add3A_155 : i32
        %lt3A_157 = arith.cmpi slt, %add3A_156, %add3A_20 : i32
        %convert_element_type3A_158 = arith.extui %lt3A_157 : i1 to i32
        %cond3A_159 = arith.constant 0 : i32
        %cond3A_160 = arith.cmpi ne, %convert_element_type3A_158, %cond3A_159 : i32
        scf.if %cond3A_160 {
          %add3A_253 = arith.constant 1 : i32
          %add3A_254 = arith.addi %add3A_142, %add3A_253 : i32
          %mul3A_255 = arith.constant 32 : i32
          %mul3A_256 = arith.muli %add3A_254, %mul3A_255 : i32
          %add3A_257 = arith.addi %mul3A_256, %add3A : i32
          %mul3A_258 = arith.constant 384 : i32
          %mul3A_259 = arith.muli %add3A_257, %mul3A_258 : i32
          %dma_start3A_260 = arith.constant 0 : i32
          %dma_start3A_261 = arith.constant 0 : i32
          %dma_start3A_262 = tpu.memref_slice %arg2[%dma_start3A_260, %dma_start3A_261, %mul3A_259] : memref<4x4x120000xf32, #tpu.memory_space<hbm>> -> memref<4x4x384xf32, #tpu.memory_space<hbm>>
          %dma_start3A_263 = arith.constant 0 : i32
          %dma_start3A_264 = arith.constant 0 : i32
          %dma_start3A_265 = tpu.memref_slice %arg2[%dma_start3A_263, %dma_start3A_264, %mul3A_259] : memref<4x4x120000xf32, #tpu.memory_space<hbm>> -> memref<4x4x384xf32, #tpu.memory_space<hbm>>
          tpu.enqueue_dma source(%dma_start3A_265 : memref<4x4x384xf32, #tpu.memory_space<hbm>>) target(%arg17 : memref<4x4x384xf32, #tpu.memory_space<vmem>>) target_semaphore(%arg56 : memref<!tpu.dma_semaphore, #tpu.memory_space<semaphore_mem>>)
        } else {
        }
        %ge3A_161 = arith.constant 2 : i32
        %ge3A_162 = arith.cmpi sge, %add3A_142, %ge3A_161 : i32
        %convert_element_type3A_163 = arith.extui %ge3A_162 : i1 to i32
        %cond3A_164 = arith.constant 0 : i32
        %cond3A_165 = arith.cmpi ne, %convert_element_type3A_163, %cond3A_164 : i32
        scf.if %cond3A_165 {
          %sub3A_253 = arith.constant 2 : i32
          %sub3A_254 = arith.subi %add3A_142, %sub3A_253 : i32
          %mul3A_255 = arith.constant 32 : i32
          %mul3A_256 = arith.muli %sub3A_254, %mul3A_255 : i32
          %add3A_257 = arith.addi %mul3A_256, %add3A : i32
          %mul3A_258 = arith.constant 384 : i32
          %mul3A_259 = arith.muli %add3A_257, %mul3A_258 : i32
          %dma_wait3A_260 = arith.constant 0 : i32
          %dma_wait3A_261 = arith.constant 0 : i32
          %dma_wait3A_262 = tpu.memref_slice %arg3[%dma_wait3A_260, %dma_wait3A_261, %mul3A_259] : memref<4x4x120000xf32, #tpu.memory_space<hbm>> -> memref<4x4x384xf32, #tpu.memory_space<hbm>>
          %dma_wait3A_263 = arith.constant 0 : i32
          %dma_wait3A_264 = arith.constant 0 : i32
          %dma_wait3A_265 = tpu.memref_slice %arg3[%dma_wait3A_263, %dma_wait3A_264, %mul3A_259] : memref<4x4x120000xf32, #tpu.memory_space<hbm>> -> memref<4x4x384xf32, #tpu.memory_space<hbm>>
          tpu.wait_dma2 semaphore(%arg57 : memref<!tpu.dma_semaphore, #tpu.memory_space<semaphore_mem>>) src(%arg16 : memref<4x4x384xf32, #tpu.memory_space<vmem>>) dst(%dma_wait3A_265 : memref<4x4x384xf32, #tpu.memory_space<hbm>>)
          %dma_wait3A_266 = arith.constant 0 : i32
          %dma_wait3A_267 = tpu.memref_slice %arg4[%dma_wait3A_266, %mul3A_259] : memref<4x120000xi32, #tpu.memory_space<hbm>> -> memref<4x384xi32, #tpu.memory_space<hbm>>
          %dma_wait3A_268 = arith.constant 0 : i32
          %dma_wait3A_269 = tpu.memref_slice %arg4[%dma_wait3A_268, %mul3A_259] : memref<4x120000xi32, #tpu.memory_space<hbm>> -> memref<4x384xi32, #tpu.memory_space<hbm>>
          tpu.wait_dma2 semaphore(%arg57 : memref<!tpu.dma_semaphore, #tpu.memory_space<semaphore_mem>>) src(%arg18 : memref<4x384xi32, #tpu.memory_space<vmem>>) dst(%dma_wait3A_269 : memref<4x384xi32, #tpu.memory_space<hbm>>)
          %dma_wait3A_270 = arith.constant 0 : i32
          %dma_wait3A_271 = arith.constant 0 : i32
          %dma_wait3A_272 = tpu.memref_slice %arg5[%dma_wait3A_270, %dma_wait3A_271, %mul3A_259] : memref<4x2x120000xi32, #tpu.memory_space<hbm>> -> memref<4x2x384xi32, #tpu.memory_space<hbm>>
          %dma_wait3A_273 = arith.constant 0 : i32
          %dma_wait3A_274 = arith.constant 0 : i32
          %dma_wait3A_275 = tpu.memref_slice %arg5[%dma_wait3A_273, %dma_wait3A_274, %mul3A_259] : memref<4x2x120000xi32, #tpu.memory_space<hbm>> -> memref<4x2x384xi32, #tpu.memory_space<hbm>>
          tpu.wait_dma2 semaphore(%arg57 : memref<!tpu.dma_semaphore, #tpu.memory_space<semaphore_mem>>) src(%arg19 : memref<4x2x384xi32, #tpu.memory_space<vmem>>) dst(%dma_wait3A_275 : memref<4x2x384xi32, #tpu.memory_space<hbm>>)
          %dma_wait3A_276 = arith.constant 0 : i32
          %dma_wait3A_277 = arith.constant 0 : i32
          %dma_wait3A_278 = tpu.memref_slice %arg6[%dma_wait3A_276, %dma_wait3A_277, %mul3A_259] : memref<4x2x120000xf32, #tpu.memory_space<hbm>> -> memref<4x2x384xf32, #tpu.memory_space<hbm>>
          %dma_wait3A_279 = arith.constant 0 : i32
          %dma_wait3A_280 = arith.constant 0 : i32
          %dma_wait3A_281 = tpu.memref_slice %arg6[%dma_wait3A_279, %dma_wait3A_280, %mul3A_259] : memref<4x2x120000xf32, #tpu.memory_space<hbm>> -> memref<4x2x384xf32, #tpu.memory_space<hbm>>
          tpu.wait_dma2 semaphore(%arg57 : memref<!tpu.dma_semaphore, #tpu.memory_space<semaphore_mem>>) src(%arg20 : memref<4x2x384xf32, #tpu.memory_space<vmem>>) dst(%dma_wait3A_281 : memref<4x2x384xf32, #tpu.memory_space<hbm>>)
          %dma_wait3A_282 = arith.constant 0 : i32
          %dma_wait3A_283 = tpu.memref_slice %arg7[%dma_wait3A_282, %mul3A_259] : memref<4x120000xi32, #tpu.memory_space<hbm>> -> memref<4x384xi32, #tpu.memory_space<hbm>>
          %dma_wait3A_284 = arith.constant 0 : i32
          %dma_wait3A_285 = tpu.memref_slice %arg7[%dma_wait3A_284, %mul3A_259] : memref<4x120000xi32, #tpu.memory_space<hbm>> -> memref<4x384xi32, #tpu.memory_space<hbm>>
          tpu.wait_dma2 semaphore(%arg57 : memref<!tpu.dma_semaphore, #tpu.memory_space<semaphore_mem>>) src(%arg21 : memref<4x384xi32, #tpu.memory_space<vmem>>) dst(%dma_wait3A_285 : memref<4x384xi32, #tpu.memory_space<hbm>>)
          %dma_wait3A_286 = arith.constant 0 : i32
          %dma_wait3A_287 = arith.constant 0 : i32
          %dma_wait3A_288 = tpu.memref_slice %arg8[%dma_wait3A_286, %dma_wait3A_287, %mul3A_259] : memref<3x4x120000xi32, #tpu.memory_space<hbm>> -> memref<3x4x384xi32, #tpu.memory_space<hbm>>
          %dma_wait3A_289 = arith.constant 0 : i32
          %dma_wait3A_290 = arith.constant 0 : i32
          %dma_wait3A_291 = tpu.memref_slice %arg8[%dma_wait3A_289, %dma_wait3A_290, %mul3A_259] : memref<3x4x120000xi32, #tpu.memory_space<hbm>> -> memref<3x4x384xi32, #tpu.memory_space<hbm>>
          tpu.wait_dma2 semaphore(%arg57 : memref<!tpu.dma_semaphore, #tpu.memory_space<semaphore_mem>>) src(%arg22 : memref<3x4x384xi32, #tpu.memory_space<vmem>>) dst(%dma_wait3A_291 : memref<3x4x384xi32, #tpu.memory_space<hbm>>)
          %dma_wait3A_292 = arith.constant 0 : i32
          %dma_wait3A_293 = arith.constant 0 : i32
          %dma_wait3A_294 = tpu.memref_slice %arg9[%dma_wait3A_292, %dma_wait3A_293, %mul3A_259] : memref<4x2x120000xf32, #tpu.memory_space<hbm>> -> memref<4x2x384xf32, #tpu.memory_space<hbm>>
          %dma_wait3A_295 = arith.constant 0 : i32
          %dma_wait3A_296 = arith.constant 0 : i32
          %dma_wait3A_297 = tpu.memref_slice %arg9[%dma_wait3A_295, %dma_wait3A_296, %mul3A_259] : memref<4x2x120000xf32, #tpu.memory_space<hbm>> -> memref<4x2x384xf32, #tpu.memory_space<hbm>>
          tpu.wait_dma2 semaphore(%arg57 : memref<!tpu.dma_semaphore, #tpu.memory_space<semaphore_mem>>) src(%arg23 : memref<4x2x384xf32, #tpu.memory_space<vmem>>) dst(%dma_wait3A_297 : memref<4x2x384xf32, #tpu.memory_space<hbm>>)
          %dma_wait3A_298 = arith.constant 0 : i32
          %dma_wait3A_299 = tpu.memref_slice %arg10[%dma_wait3A_298, %mul3A_259] : memref<4x120000xi32, #tpu.memory_space<hbm>> -> memref<4x384xi32, #tpu.memory_space<hbm>>
          %dma_wait3A_300 = arith.constant 0 : i32
          %dma_wait3A_301 = tpu.memref_slice %arg10[%dma_wait3A_300, %mul3A_259] : memref<4x120000xi32, #tpu.memory_space<hbm>> -> memref<4x384xi32, #tpu.memory_space<hbm>>
          tpu.wait_dma2 semaphore(%arg57 : memref<!tpu.dma_semaphore, #tpu.memory_space<semaphore_mem>>) src(%arg24 : memref<4x384xi32, #tpu.memory_space<vmem>>) dst(%dma_wait3A_301 : memref<4x384xi32, #tpu.memory_space<hbm>>)
          %dma_wait3A_302 = arith.constant 0 : i32
          %dma_wait3A_303 = arith.constant 0 : i32
          %dma_wait3A_304 = tpu.memref_slice %arg11[%dma_wait3A_302, %dma_wait3A_303, %mul3A_259] : memref<4x2x120000xi32, #tpu.memory_space<hbm>> -> memref<4x2x384xi32, #tpu.memory_space<hbm>>
          %dma_wait3A_305 = arith.constant 0 : i32
          %dma_wait3A_306 = arith.constant 0 : i32
          %dma_wait3A_307 = tpu.memref_slice %arg11[%dma_wait3A_305, %dma_wait3A_306, %mul3A_259] : memref<4x2x120000xi32, #tpu.memory_space<hbm>> -> memref<4x2x384xi32, #tpu.memory_space<hbm>>
          tpu.wait_dma2 semaphore(%arg57 : memref<!tpu.dma_semaphore, #tpu.memory_space<semaphore_mem>>) src(%arg25 : memref<4x2x384xi32, #tpu.memory_space<vmem>>) dst(%dma_wait3A_307 : memref<4x2x384xi32, #tpu.memory_space<hbm>>)
          %dma_wait3A_308 = arith.constant 0 : i32
          %dma_wait3A_309 = arith.constant 0 : i32
          %dma_wait3A_310 = tpu.memref_slice %arg12[%dma_wait3A_308, %dma_wait3A_309, %mul3A_259] : memref<4x2x120000xf32, #tpu.memory_space<hbm>> -> memref<4x2x384xf32, #tpu.memory_space<hbm>>
          %dma_wait3A_311 = arith.constant 0 : i32
          %dma_wait3A_312 = arith.constant 0 : i32
          %dma_wait3A_313 = tpu.memref_slice %arg12[%dma_wait3A_311, %dma_wait3A_312, %mul3A_259] : memref<4x2x120000xf32, #tpu.memory_space<hbm>> -> memref<4x2x384xf32, #tpu.memory_space<hbm>>
          tpu.wait_dma2 semaphore(%arg57 : memref<!tpu.dma_semaphore, #tpu.memory_space<semaphore_mem>>) src(%arg26 : memref<4x2x384xf32, #tpu.memory_space<vmem>>) dst(%dma_wait3A_313 : memref<4x2x384xf32, #tpu.memory_space<hbm>>)
          %dma_wait3A_314 = arith.constant 0 : i32
          %dma_wait3A_315 = tpu.memref_slice %arg13[%dma_wait3A_314, %mul3A_259] : memref<4x120000xi32, #tpu.memory_space<hbm>> -> memref<4x384xi32, #tpu.memory_space<hbm>>
          %dma_wait3A_316 = arith.constant 0 : i32
          %dma_wait3A_317 = tpu.memref_slice %arg13[%dma_wait3A_316, %mul3A_259] : memref<4x120000xi32, #tpu.memory_space<hbm>> -> memref<4x384xi32, #tpu.memory_space<hbm>>
          tpu.wait_dma2 semaphore(%arg57 : memref<!tpu.dma_semaphore, #tpu.memory_space<semaphore_mem>>) src(%arg27 : memref<4x384xi32, #tpu.memory_space<vmem>>) dst(%dma_wait3A_317 : memref<4x384xi32, #tpu.memory_space<hbm>>)
          %dma_wait3A_318 = arith.constant 0 : i32
          %dma_wait3A_319 = arith.constant 0 : i32
          %dma_wait3A_320 = tpu.memref_slice %arg14[%dma_wait3A_318, %dma_wait3A_319, %mul3A_259] : memref<3x4x120000xi32, #tpu.memory_space<hbm>> -> memref<3x4x384xi32, #tpu.memory_space<hbm>>
          %dma_wait3A_321 = arith.constant 0 : i32
          %dma_wait3A_322 = arith.constant 0 : i32
          %dma_wait3A_323 = tpu.memref_slice %arg14[%dma_wait3A_321, %dma_wait3A_322, %mul3A_259] : memref<3x4x120000xi32, #tpu.memory_space<hbm>> -> memref<3x4x384xi32, #tpu.memory_space<hbm>>
          tpu.wait_dma2 semaphore(%arg57 : memref<!tpu.dma_semaphore, #tpu.memory_space<semaphore_mem>>) src(%arg28 : memref<3x4x384xi32, #tpu.memory_space<vmem>>) dst(%dma_wait3A_323 : memref<3x4x384xi32, #tpu.memory_space<hbm>>)
          %dma_wait3A_324 = arith.constant 0 : i32
          %dma_wait3A_325 = arith.constant 0 : i32
          %dma_wait3A_326 = tpu.memref_slice %arg15[%dma_wait3A_324, %dma_wait3A_325, %mul3A_259] : memref<4x2x120000xf32, #tpu.memory_space<hbm>> -> memref<4x2x384xf32, #tpu.memory_space<hbm>>
          %dma_wait3A_327 = arith.constant 0 : i32
          %dma_wait3A_328 = arith.constant 0 : i32
          %dma_wait3A_329 = tpu.memref_slice %arg15[%dma_wait3A_327, %dma_wait3A_328, %mul3A_259] : memref<4x2x120000xf32, #tpu.memory_space<hbm>> -> memref<4x2x384xf32, #tpu.memory_space<hbm>>
          tpu.wait_dma2 semaphore(%arg57 : memref<!tpu.dma_semaphore, #tpu.memory_space<semaphore_mem>>) src(%arg29 : memref<4x2x384xf32, #tpu.memory_space<vmem>>) dst(%dma_wait3A_329 : memref<4x2x384xf32, #tpu.memory_space<hbm>>)
        } else {
        }
        %dma_wait3A = arith.constant 0 : i32
        %dma_wait3A_166 = arith.constant 0 : i32
        %dma_wait3A_167 = arith.constant 0 : i32
        %dma_wait3A_168 = tpu.memref_slice %arg2[%dma_wait3A, %dma_wait3A_166, %dma_wait3A_167] : memref<4x4x120000xf32, #tpu.memory_space<hbm>> -> memref<4x4x384xf32, #tpu.memory_space<hbm>>
        %dma_wait3A_169 = arith.constant 0 : i32
        %dma_wait3A_170 = arith.constant 0 : i32
        %dma_wait3A_171 = arith.constant 0 : i32
        %dma_wait3A_172 = tpu.memref_slice %arg2[%dma_wait3A_169, %dma_wait3A_170, %dma_wait3A_171] : memref<4x4x120000xf32, #tpu.memory_space<hbm>> -> memref<4x4x384xf32, #tpu.memory_space<hbm>>
        tpu.wait_dma2 semaphore(%arg55 : memref<!tpu.dma_semaphore, #tpu.memory_space<semaphore_mem>>) src(%dma_wait3A_172 : memref<4x4x384xf32, #tpu.memory_space<hbm>>) dst(%arg16 : memref<4x4x384xf32, #tpu.memory_space<vmem>>)
        %scan3A_173 = arith.constant 0 : i32
        %scan3A_174 = arith.constant 24 : i32
        %scan3A_175 = arith.addi %scan3A_173, %scan3A_174 : i32
        %scan3A_176 = arith.constant 1 : i32
        scf.for %scan3A_253 = %scan3A_173 to %scan3A_175 step %scan3A_176  : i32 {
          %mul3A_254 = arith.constant 16 : i32
          %mul3A_255 = arith.muli %scan3A_253, %mul3A_254 : i32
          %get3A = arith.constant 0 : i32
          %get3A_256 = arith.constant 0 : i32
          %get3A_257 = arith.index_cast %get3A : i32 to index
          %get3A_258 = arith.index_cast %get3A_256 : i32 to index
          %get3A_259 = arith.index_cast %mul3A_255 : i32 to index
          %get3A_260 = tpu.vector_load %arg16[%get3A_257, %get3A_258, %get3A_259] {strides = array<i32>} : memref<4x4x384xf32, #tpu.memory_space<vmem>>, vector<16xf32>,
          %get3A_261 = arith.constant 0 : i32
          %get3A_262 = arith.constant 1 : i32
          %get3A_263 = arith.index_cast %get3A_261 : i32 to index
          %get3A_264 = arith.index_cast %get3A_262 : i32 to index
          %get3A_265 = arith.index_cast %mul3A_255 : i32 to index
          %get3A_266 = tpu.vector_load %arg16[%get3A_263, %get3A_264, %get3A_265] {strides = array<i32>} : memref<4x4x384xf32, #tpu.memory_space<vmem>>, vector<16xf32>,
          %get3A_267 = arith.constant 0 : i32
          %get3A_268 = arith.constant 2 : i32
          %get3A_269 = arith.index_cast %get3A_267 : i32 to index
          %get3A_270 = arith.index_cast %get3A_268 : i32 to index
          %get3A_271 = arith.index_cast %mul3A_255 : i32 to index
          %get3A_272 = tpu.vector_load %arg16[%get3A_269, %get3A_270, %get3A_271] {strides = array<i32>} : memref<4x4x384xf32, #tpu.memory_space<vmem>>, vector<16xf32>,
          %add3A_273 = arith.constant 5.000000e+01 : f32
          %add3A_274 = vector.broadcast %add3A_273 : f32 to vector<16xf32>
          %add3A_275 = arith.addf %get3A_260, %add3A_274 : vector<16xf32>
          %mul3A_276 = arith.constant 2.000000e+00 : f32
          %mul3A_277 = vector.broadcast %mul3A_276 : f32 to vector<16xf32>
          %mul3A_278 = arith.mulf %add3A_275, %mul3A_277 : vector<16xf32>
          %add3A_279 = arith.constant 5.000000e+01 : f32
          %add3A_280 = vector.broadcast %add3A_279 : f32 to vector<16xf32>
          %add3A_281 = arith.addf %get3A_266, %add3A_280 : vector<16xf32>
          %mul3A_282 = arith.constant 2.000000e+00 : f32
          %mul3A_283 = vector.broadcast %mul3A_282 : f32 to vector<16xf32>
          %mul3A_284 = arith.mulf %add3A_281, %mul3A_283 : vector<16xf32>
          %add3A_285 = arith.constant 4.000000e+00 : f32
          %add3A_286 = vector.broadcast %add3A_285 : f32 to vector<16xf32>
          %add3A_287 = arith.addf %get3A_272, %add3A_286 : vector<16xf32>
          %mul3A_288 = arith.constant 5.000000e+00 : f32
          %mul3A_289 = vector.broadcast %mul3A_288 : f32 to vector<16xf32>
          %mul3A_290 = arith.mulf %add3A_287, %mul3A_289 : vector<16xf32>
          %add3A_291 = arith.addf %mul3A_278, %mul3A_278 : vector<16xf32>
          %add3A_292 = arith.addf %mul3A_284, %mul3A_284 : vector<16xf32>
          %add3A_293 = arith.addf %mul3A_290, %mul3A_290 : vector<16xf32>
          %convert_element_type3A_294 = arith.fptosi %add3A_291 : vector<16xf32> to vector<16xi32>
          %convert_element_type3A_295 = arith.fptosi %add3A_292 : vector<16xf32> to vector<16xi32>
          %convert_element_type3A_296 = arith.fptosi %add3A_293 : vector<16xf32> to vector<16xi32>
          %convert_element_type3A_297 = arith.sitofp %convert_element_type3A_294 : vector<16xi32> to vector<16xf32>
          %sub3A_298 = arith.subf %add3A_291, %convert_element_type3A_297 : vector<16xf32>
          %convert_element_type3A_299 = arith.sitofp %convert_element_type3A_295 : vector<16xi32> to vector<16xf32>
          %sub3A_300 = arith.subf %add3A_292, %convert_element_type3A_299 : vector<16xf32>
          %convert_element_type3A_301 = arith.sitofp %convert_element_type3A_296 : vector<16xi32> to vector<16xf32>
          %sub3A_302 = arith.subf %add3A_293, %convert_element_type3A_301 : vector<16xf32>
          %mul3A_303 = arith.constant 400 : i32
          %mul3A_304 = vector.broadcast %mul3A_303 : i32 to vector<16xi32>
          %mul3A_305 = arith.muli %convert_element_type3A_294, %mul3A_304 : vector<16xi32>
          %add3A_306 = arith.addi %mul3A_305, %convert_element_type3A_295 : vector<16xi32>
          %swap3A = arith.constant 0 : i32
          %swap3A_307 = arith.index_cast %swap3A : i32 to index
          %swap3A_308 = arith.index_cast %mul3A_255 : i32 to index
          %swap3A_309 = tpu.vector_load %arg18[%swap3A_307, %swap3A_308] {strides = array<i32>} : memref<4x384xi32, #tpu.memory_space<vmem>>, vector<16xi32>,
          tpu.vector_store %arg18[%swap3A_307, %swap3A_308], %add3A_306 {strides = array<i32>} : memref<4x384xi32, #tpu.memory_space<vmem>>, vector<16xi32>,
          %mul3A_310 = arith.constant 24000 : i32
          %mul3A_311 = vector.broadcast %mul3A_310 : i32 to vector<16xi32>
          %mul3A_312 = arith.muli %convert_element_type3A_294, %mul3A_311 : vector<16xi32>
          %mul3A_313 = arith.constant 60 : i32
          %mul3A_314 = vector.broadcast %mul3A_313 : i32 to vector<16xi32>
          %mul3A_315 = arith.muli %convert_element_type3A_295, %mul3A_314 : vector<16xi32>
          %add3A_316 = arith.addi %mul3A_312, %mul3A_315 : vector<16xi32>
          %add3A_317 = arith.addi %add3A_316, %convert_element_type3A_296 : vector<16xi32>
          %swap3A_318 = arith.constant 0 : i32
          %swap3A_319 = arith.index_cast %swap3A_318 : i32 to index
          %swap3A_320 = arith.index_cast %mul3A_255 : i32 to index
          %swap3A_321 = tpu.vector_load %arg21[%swap3A_319, %swap3A_320] {strides = array<i32>} : memref<4x384xi32, #tpu.memory_space<vmem>>, vector<16xi32>,
          tpu.vector_store %arg21[%swap3A_319, %swap3A_320], %add3A_317 {strides = array<i32>} : memref<4x384xi32, #tpu.memory_space<vmem>>, vector<16xi32>,
          %swap3A_322 = arith.constant 0 : i32
          %swap3A_323 = arith.constant 0 : i32
          %swap3A_324 = arith.index_cast %swap3A_322 : i32 to index
          %swap3A_325 = arith.index_cast %swap3A_323 : i32 to index
          %swap3A_326 = arith.index_cast %mul3A_255 : i32 to index
          %swap3A_327 = tpu.vector_load %arg19[%swap3A_324, %swap3A_325, %swap3A_326] {strides = array<i32>} : memref<4x2x384xi32, #tpu.memory_space<vmem>>, vector<16xi32>,
          tpu.vector_store %arg19[%swap3A_324, %swap3A_325, %swap3A_326], %convert_element_type3A_294 {strides = array<i32>} : memref<4x2x384xi32, #tpu.memory_space<vmem>>, vector<16xi32>,
          %swap3A_328 = arith.constant 0 : i32
          %swap3A_329 = arith.constant 1 : i32
          %swap3A_330 = arith.index_cast %swap3A_328 : i32 to index
          %swap3A_331 = arith.index_cast %swap3A_329 : i32 to index
          %swap3A_332 = arith.index_cast %mul3A_255 : i32 to index
          %swap3A_333 = tpu.vector_load %arg19[%swap3A_330, %swap3A_331, %swap3A_332] {strides = array<i32>} : memref<4x2x384xi32, #tpu.memory_space<vmem>>, vector<16xi32>,
          tpu.vector_store %arg19[%swap3A_330, %swap3A_331, %swap3A_332], %convert_element_type3A_295 {strides = array<i32>} : memref<4x2x384xi32, #tpu.memory_space<vmem>>, vector<16xi32>,
          %swap3A_334 = arith.constant 0 : i32
          %swap3A_335 = arith.constant 0 : i32
          %swap3A_336 = arith.index_cast %swap3A_334 : i32 to index
          %swap3A_337 = arith.index_cast %swap3A_335 : i32 to index
          %swap3A_338 = arith.index_cast %mul3A_255 : i32 to index
          %swap3A_339 = tpu.vector_load %arg20[%swap3A_336, %swap3A_337, %swap3A_338] {strides = array<i32>} : memref<4x2x384xf32, #tpu.memory_space<vmem>>, vector<16xf32>,
          tpu.vector_store %arg20[%swap3A_336, %swap3A_337, %swap3A_338], %sub3A_298 {strides = array<i32>} : memref<4x2x384xf32, #tpu.memory_space<vmem>>, vector<16xf32>,
          %swap3A_340 = arith.constant 0 : i32
          %swap3A_341 = arith.constant 1 : i32
          %swap3A_342 = arith.index_cast %swap3A_340 : i32 to index
          %swap3A_343 = arith.index_cast %swap3A_341 : i32 to index
          %swap3A_344 = arith.index_cast %mul3A_255 : i32 to index
          %swap3A_345 = tpu.vector_load %arg20[%swap3A_342, %swap3A_343, %swap3A_344] {strides = array<i32>} : memref<4x2x384xf32, #tpu.memory_space<vmem>>, vector<16xf32>,
          tpu.vector_store %arg20[%swap3A_342, %swap3A_343, %swap3A_344], %sub3A_300 {strides = array<i32>} : memref<4x2x384xf32, #tpu.memory_space<vmem>>, vector<16xf32>,
          %swap3A_346 = arith.constant 0 : i32
          %swap3A_347 = arith.constant 0 : i32
          %swap3A_348 = arith.index_cast %swap3A_346 : i32 to index
          %swap3A_349 = arith.index_cast %swap3A_347 : i32 to index
          %swap3A_350 = arith.index_cast %mul3A_255 : i32 to index
          %swap3A_351 = tpu.vector_load %arg22[%swap3A_348, %swap3A_349, %swap3A_350] {strides = array<i32>} : memref<3x4x384xi32, #tpu.memory_space<vmem>>, vector<16xi32>,
          tpu.vector_store %arg22[%swap3A_348, %swap3A_349, %swap3A_350], %convert_element_type3A_294 {strides = array<i32>} : memref<3x4x384xi32, #tpu.memory_space<vmem>>, vector<16xi32>,
          %swap3A_352 = arith.constant 1 : i32
          %swap3A_353 = arith.constant 0 : i32
          %swap3A_354 = arith.index_cast %swap3A_352 : i32 to index
          %swap3A_355 = arith.index_cast %swap3A_353 : i32 to index
          %swap3A_356 = arith.index_cast %mul3A_255 : i32 to index
          %swap3A_357 = tpu.vector_load %arg22[%swap3A_354, %swap3A_355, %swap3A_356] {strides = array<i32>} : memref<3x4x384xi32, #tpu.memory_space<vmem>>, vector<16xi32>,
          tpu.vector_store %arg22[%swap3A_354, %swap3A_355, %swap3A_356], %convert_element_type3A_295 {strides = array<i32>} : memref<3x4x384xi32, #tpu.memory_space<vmem>>, vector<16xi32>,
          %swap3A_358 = arith.constant 2 : i32
          %swap3A_359 = arith.constant 0 : i32
          %swap3A_360 = arith.index_cast %swap3A_358 : i32 to index
          %swap3A_361 = arith.index_cast %swap3A_359 : i32 to index
          %swap3A_362 = arith.index_cast %mul3A_255 : i32 to index
          %swap3A_363 = tpu.vector_load %arg22[%swap3A_360, %swap3A_361, %swap3A_362] {strides = array<i32>} : memref<3x4x384xi32, #tpu.memory_space<vmem>>, vector<16xi32>,
          tpu.vector_store %arg22[%swap3A_360, %swap3A_361, %swap3A_362], %convert_element_type3A_296 {strides = array<i32>} : memref<3x4x384xi32, #tpu.memory_space<vmem>>, vector<16xi32>,
          %swap3A_364 = arith.constant 0 : i32
          %swap3A_365 = arith.constant 0 : i32
          %swap3A_366 = arith.index_cast %swap3A_364 : i32 to index
          %swap3A_367 = arith.index_cast %swap3A_365 : i32 to index
          %swap3A_368 = arith.index_cast %mul3A_255 : i32 to index
          %swap3A_369 = tpu.vector_load %arg23[%swap3A_366, %swap3A_367, %swap3A_368] {strides = array<i32>} : memref<4x2x384xf32, #tpu.memory_space<vmem>>, vector<16xf32>,
          tpu.vector_store %arg23[%swap3A_366, %swap3A_367, %swap3A_368], %sub3A_298 {strides = array<i32>} : memref<4x2x384xf32, #tpu.memory_space<vmem>>, vector<16xf32>,
          %swap3A_370 = arith.constant 0 : i32
          %swap3A_371 = arith.constant 1 : i32
          %swap3A_372 = arith.index_cast %swap3A_370 : i32 to index
          %swap3A_373 = arith.index_cast %swap3A_371 : i32 to index
          %swap3A_374 = arith.index_cast %mul3A_255 : i32 to index
          %swap3A_375 = tpu.vector_load %arg23[%swap3A_372, %swap3A_373, %swap3A_374] {strides = array<i32>} : memref<4x2x384xf32, #tpu.memory_space<vmem>>, vector<16xf32>,
          tpu.vector_store %arg23[%swap3A_372, %swap3A_373, %swap3A_374], %sub3A_302 {strides = array<i32>} : memref<4x2x384xf32, #tpu.memory_space<vmem>>, vector<16xf32>,
          %convert_element_type3A_376 = arith.fptosi %mul3A_278 : vector<16xf32> to vector<16xi32>
          %convert_element_type3A_377 = arith.fptosi %mul3A_284 : vector<16xf32> to vector<16xi32>
          %convert_element_type3A_378 = arith.fptosi %mul3A_290 : vector<16xf32> to vector<16xi32>
          %convert_element_type3A_379 = arith.sitofp %convert_element_type3A_376 : vector<16xi32> to vector<16xf32>
          %sub3A_380 = arith.subf %mul3A_278, %convert_element_type3A_379 : vector<16xf32>
          %convert_element_type3A_381 = arith.sitofp %convert_element_type3A_377 : vector<16xi32> to vector<16xf32>
          %sub3A_382 = arith.subf %mul3A_284, %convert_element_type3A_381 : vector<16xf32>
          %convert_element_type3A_383 = arith.sitofp %convert_element_type3A_378 : vector<16xi32> to vector<16xf32>
          %sub3A_384 = arith.subf %mul3A_290, %convert_element_type3A_383 : vector<16xf32>
          %mul3A_385 = arith.constant 200 : i32
          %mul3A_386 = vector.broadcast %mul3A_385 : i32 to vector<16xi32>
          %mul3A_387 = arith.muli %convert_element_type3A_376, %mul3A_386 : vector<16xi32>
          %add3A_388 = arith.addi %mul3A_387, %convert_element_type3A_377 : vector<16xi32>
          %swap3A_389 = arith.constant 0 : i32
          %swap3A_390 = arith.index_cast %swap3A_389 : i32 to index
          %swap3A_391 = arith.index_cast %mul3A_255 : i32 to index
          %swap3A_392 = tpu.vector_load %arg24[%swap3A_390, %swap3A_391] {strides = array<i32>} : memref<4x384xi32, #tpu.memory_space<vmem>>, vector<16xi32>,
          tpu.vector_store %arg24[%swap3A_390, %swap3A_391], %add3A_388 {strides = array<i32>} : memref<4x384xi32, #tpu.memory_space<vmem>>, vector<16xi32>,
          %mul3A_393 = arith.constant 6000 : i32
          %mul3A_394 = vector.broadcast %mul3A_393 : i32 to vector<16xi32>
          %mul3A_395 = arith.muli %convert_element_type3A_376, %mul3A_394 : vector<16xi32>
          %mul3A_396 = arith.constant 30 : i32
          %mul3A_397 = vector.broadcast %mul3A_396 : i32 to vector<16xi32>
          %mul3A_398 = arith.muli %convert_element_type3A_377, %mul3A_397 : vector<16xi32>
          %add3A_399 = arith.addi %mul3A_395, %mul3A_398 : vector<16xi32>
          %add3A_400 = arith.addi %add3A_399, %convert_element_type3A_378 : vector<16xi32>
          %swap3A_401 = arith.constant 0 : i32
          %swap3A_402 = arith.index_cast %swap3A_401 : i32 to index
          %swap3A_403 = arith.index_cast %mul3A_255 : i32 to index
          %swap3A_404 = tpu.vector_load %arg27[%swap3A_402, %swap3A_403] {strides = array<i32>} : memref<4x384xi32, #tpu.memory_space<vmem>>, vector<16xi32>,
          tpu.vector_store %arg27[%swap3A_402, %swap3A_403], %add3A_400 {strides = array<i32>} : memref<4x384xi32, #tpu.memory_space<vmem>>, vector<16xi32>,
          %swap3A_405 = arith.constant 0 : i32
          %swap3A_406 = arith.constant 0 : i32
          %swap3A_407 = arith.index_cast %swap3A_405 : i32 to index
          %swap3A_408 = arith.index_cast %swap3A_406 : i32 to index
          %swap3A_409 = arith.index_cast %mul3A_255 : i32 to index
          %swap3A_410 = tpu.vector_load %arg25[%swap3A_407, %swap3A_408, %swap3A_409] {strides = array<i32>} : memref<4x2x384xi32, #tpu.memory_space<vmem>>, vector<16xi32>,
          tpu.vector_store %arg25[%swap3A_407, %swap3A_408, %swap3A_409], %convert_element_type3A_376 {strides = array<i32>} : memref<4x2x384xi32, #tpu.memory_space<vmem>>, vector<16xi32>,
          %swap3A_411 = arith.constant 0 : i32
          %swap3A_412 = arith.constant 1 : i32
          %swap3A_413 = arith.index_cast %swap3A_411 : i32 to index
          %swap3A_414 = arith.index_cast %swap3A_412 : i32 to index
          %swap3A_415 = arith.index_cast %mul3A_255 : i32 to index
          %swap3A_416 = tpu.vector_load %arg25[%swap3A_413, %swap3A_414, %swap3A_415] {strides = array<i32>} : memref<4x2x384xi32, #tpu.memory_space<vmem>>, vector<16xi32>,
          tpu.vector_store %arg25[%swap3A_413, %swap3A_414, %swap3A_415], %convert_element_type3A_377 {strides = array<i32>} : memref<4x2x384xi32, #tpu.memory_space<vmem>>, vector<16xi32>,
          %swap3A_417 = arith.constant 0 : i32
          %swap3A_418 = arith.constant 0 : i32
          %swap3A_419 = arith.index_cast %swap3A_417 : i32 to index
          %swap3A_420 = arith.index_cast %swap3A_418 : i32 to index
          %swap3A_421 = arith.index_cast %mul3A_255 : i32 to index
          %swap3A_422 = tpu.vector_load %arg26[%swap3A_419, %swap3A_420, %swap3A_421] {strides = array<i32>} : memref<4x2x384xf32, #tpu.memory_space<vmem>>, vector<16xf32>,
          tpu.vector_store %arg26[%swap3A_419, %swap3A_420, %swap3A_421], %sub3A_380 {strides = array<i32>} : memref<4x2x384xf32, #tpu.memory_space<vmem>>, vector<16xf32>,
          %swap3A_423 = arith.constant 0 : i32
          %swap3A_424 = arith.constant 1 : i32
          %swap3A_425 = arith.index_cast %swap3A_423 : i32 to index
          %swap3A_426 = arith.index_cast %swap3A_424 : i32 to index
          %swap3A_427 = arith.index_cast %mul3A_255 : i32 to index
          %swap3A_428 = tpu.vector_load %arg26[%swap3A_425, %swap3A_426, %swap3A_427] {strides = array<i32>} : memref<4x2x384xf32, #tpu.memory_space<vmem>>, vector<16xf32>,
          tpu.vector_store %arg26[%swap3A_425, %swap3A_426, %swap3A_427], %sub3A_382 {strides = array<i32>} : memref<4x2x384xf32, #tpu.memory_space<vmem>>, vector<16xf32>,
          %swap3A_429 = arith.constant 0 : i32
          %swap3A_430 = arith.constant 0 : i32
          %swap3A_431 = arith.index_cast %swap3A_429 : i32 to index
          %swap3A_432 = arith.index_cast %swap3A_430 : i32 to index
          %swap3A_433 = arith.index_cast %mul3A_255 : i32 to index
          %swap3A_434 = tpu.vector_load %arg28[%swap3A_431, %swap3A_432, %swap3A_433] {strides = array<i32>} : memref<3x4x384xi32, #tpu.memory_space<vmem>>, vector<16xi32>,
          tpu.vector_store %arg28[%swap3A_431, %swap3A_432, %swap3A_433], %convert_element_type3A_376 {strides = array<i32>} : memref<3x4x384xi32, #tpu.memory_space<vmem>>, vector<16xi32>,
          %swap3A_435 = arith.constant 1 : i32
          %swap3A_436 = arith.constant 0 : i32
          %swap3A_437 = arith.index_cast %swap3A_435 : i32 to index
          %swap3A_438 = arith.index_cast %swap3A_436 : i32 to index
          %swap3A_439 = arith.index_cast %mul3A_255 : i32 to index
          %swap3A_440 = tpu.vector_load %arg28[%swap3A_437, %swap3A_438, %swap3A_439] {strides = array<i32>} : memref<3x4x384xi32, #tpu.memory_space<vmem>>, vector<16xi32>,
          tpu.vector_store %arg28[%swap3A_437, %swap3A_438, %swap3A_439], %convert_element_type3A_377 {strides = array<i32>} : memref<3x4x384xi32, #tpu.memory_space<vmem>>, vector<16xi32>,
          %swap3A_441 = arith.constant 2 : i32
          %swap3A_442 = arith.constant 0 : i32
          %swap3A_443 = arith.index_cast %swap3A_441 : i32 to index
          %swap3A_444 = arith.index_cast %swap3A_442 : i32 to index
          %swap3A_445 = arith.index_cast %mul3A_255 : i32 to index
          %swap3A_446 = tpu.vector_load %arg28[%swap3A_443, %swap3A_444, %swap3A_445] {strides = array<i32>} : memref<3x4x384xi32, #tpu.memory_space<vmem>>, vector<16xi32>,
          tpu.vector_store %arg28[%swap3A_443, %swap3A_444, %swap3A_445], %convert_element_type3A_378 {strides = array<i32>} : memref<3x4x384xi32, #tpu.memory_space<vmem>>, vector<16xi32>,
          %swap3A_447 = arith.constant 0 : i32
          %swap3A_448 = arith.constant 0 : i32
          %swap3A_449 = arith.index_cast %swap3A_447 : i32 to index
          %swap3A_450 = arith.index_cast %swap3A_448 : i32 to index
          %swap3A_451 = arith.index_cast %mul3A_255 : i32 to index
          %swap3A_452 = tpu.vector_load %arg29[%swap3A_449, %swap3A_450, %swap3A_451] {strides = array<i32>} : memref<4x2x384xf32, #tpu.memory_space<vmem>>, vector<16xf32>,
          tpu.vector_store %arg29[%swap3A_449, %swap3A_450, %swap3A_451], %sub3A_380 {strides = array<i32>} : memref<4x2x384xf32, #tpu.memory_space<vmem>>, vector<16xf32>,
          %swap3A_453 = arith.constant 0 : i32
          %swap3A_454 = arith.constant 1 : i32
          %swap3A_455 = arith.index_cast %swap3A_453 : i32 to index
          %swap3A_456 = arith.index_cast %swap3A_454 : i32 to index
          %swap3A_457 = arith.index_cast %mul3A_255 : i32 to index
          %swap3A_458 = tpu.vector_load %arg29[%swap3A_455, %swap3A_456, %swap3A_457] {strides = array<i32>} : memref<4x2x384xf32, #tpu.memory_space<vmem>>, vector<16xf32>,
          tpu.vector_store %arg29[%swap3A_455, %swap3A_456, %swap3A_457], %sub3A_384 {strides = array<i32>} : memref<4x2x384xf32, #tpu.memory_space<vmem>>, vector<16xf32>,
          %mul3A_459 = arith.constant 16 : i32
          %mul3A_460 = arith.muli %scan3A_253, %mul3A_459 : i32
          %get3A_461 = arith.constant 1 : i32
          %get3A_462 = arith.constant 0 : i32
          %get3A_463 = arith.index_cast %get3A_461 : i32 to index
          %get3A_464 = arith.index_cast %get3A_462 : i32 to index
          %get3A_465 = arith.index_cast %mul3A_460 : i32 to index
          %get3A_466 = tpu.vector_load %arg16[%get3A_463, %get3A_464, %get3A_465] {strides = array<i32>} : memref<4x4x384xf32, #tpu.memory_space<vmem>>, vector<16xf32>,
          %get3A_467 = arith.constant 1 : i32
          %get3A_468 = arith.constant 1 : i32
          %get3A_469 = arith.index_cast %get3A_467 : i32 to index
          %get3A_470 = arith.index_cast %get3A_468 : i32 to index
          %get3A_471 = arith.index_cast %mul3A_460 : i32 to index
          %get3A_472 = tpu.vector_load %arg16[%get3A_469, %get3A_470, %get3A_471] {strides = array<i32>} : memref<4x4x384xf32, #tpu.memory_space<vmem>>, vector<16xf32>,
          %get3A_473 = arith.constant 1 : i32
          %get3A_474 = arith.constant 2 : i32
          %get3A_475 = arith.index_cast %get3A_473 : i32 to index
          %get3A_476 = arith.index_cast %get3A_474 : i32 to index
          %get3A_477 = arith.index_cast %mul3A_460 : i32 to index
          %get3A_478 = tpu.vector_load %arg16[%get3A_475, %get3A_476, %get3A_477] {strides = array<i32>} : memref<4x4x384xf32, #tpu.memory_space<vmem>>, vector<16xf32>,
          %add3A_479 = arith.constant 5.000000e+01 : f32
          %add3A_480 = vector.broadcast %add3A_479 : f32 to vector<16xf32>
          %add3A_481 = arith.addf %get3A_466, %add3A_480 : vector<16xf32>
          %mul3A_482 = arith.constant 2.000000e+00 : f32
          %mul3A_483 = vector.broadcast %mul3A_482 : f32 to vector<16xf32>
          %mul3A_484 = arith.mulf %add3A_481, %mul3A_483 : vector<16xf32>
          %add3A_485 = arith.constant 5.000000e+01 : f32
          %add3A_486 = vector.broadcast %add3A_485 : f32 to vector<16xf32>
          %add3A_487 = arith.addf %get3A_472, %add3A_486 : vector<16xf32>
          %mul3A_488 = arith.constant 2.000000e+00 : f32
          %mul3A_489 = vector.broadcast %mul3A_488 : f32 to vector<16xf32>
          %mul3A_490 = arith.mulf %add3A_487, %mul3A_489 : vector<16xf32>
          %add3A_491 = arith.constant 4.000000e+00 : f32
          %add3A_492 = vector.broadcast %add3A_491 : f32 to vector<16xf32>
          %add3A_493 = arith.addf %get3A_478, %add3A_492 : vector<16xf32>
          %mul3A_494 = arith.constant 5.000000e+00 : f32
          %mul3A_495 = vector.broadcast %mul3A_494 : f32 to vector<16xf32>
          %mul3A_496 = arith.mulf %add3A_493, %mul3A_495 : vector<16xf32>
          %add3A_497 = arith.addf %mul3A_484, %mul3A_484 : vector<16xf32>
          %add3A_498 = arith.addf %mul3A_490, %mul3A_490 : vector<16xf32>
          %add3A_499 = arith.addf %mul3A_496, %mul3A_496 : vector<16xf32>
          %convert_element_type3A_500 = arith.fptosi %add3A_497 : vector<16xf32> to vector<16xi32>
          %convert_element_type3A_501 = arith.fptosi %add3A_498 : vector<16xf32> to vector<16xi32>
          %convert_element_type3A_502 = arith.fptosi %add3A_499 : vector<16xf32> to vector<16xi32>
          %convert_element_type3A_503 = arith.sitofp %convert_element_type3A_500 : vector<16xi32> to vector<16xf32>
          %sub3A_504 = arith.subf %add3A_497, %convert_element_type3A_503 : vector<16xf32>
          %convert_element_type3A_505 = arith.sitofp %convert_element_type3A_501 : vector<16xi32> to vector<16xf32>
          %sub3A_506 = arith.subf %add3A_498, %convert_element_type3A_505 : vector<16xf32>
          %convert_element_type3A_507 = arith.sitofp %convert_element_type3A_502 : vector<16xi32> to vector<16xf32>
          %sub3A_508 = arith.subf %add3A_499, %convert_element_type3A_507 : vector<16xf32>
          %mul3A_509 = arith.constant 400 : i32
          %mul3A_510 = vector.broadcast %mul3A_509 : i32 to vector<16xi32>
          %mul3A_511 = arith.muli %convert_element_type3A_500, %mul3A_510 : vector<16xi32>
          %add3A_512 = arith.addi %mul3A_511, %convert_element_type3A_501 : vector<16xi32>
          %swap3A_513 = arith.constant 1 : i32
          %swap3A_514 = arith.index_cast %swap3A_513 : i32 to index
          %swap3A_515 = arith.index_cast %mul3A_460 : i32 to index
          %swap3A_516 = tpu.vector_load %arg18[%swap3A_514, %swap3A_515] {strides = array<i32>} : memref<4x384xi32, #tpu.memory_space<vmem>>, vector<16xi32>,
          tpu.vector_store %arg18[%swap3A_514, %swap3A_515], %add3A_512 {strides = array<i32>} : memref<4x384xi32, #tpu.memory_space<vmem>>, vector<16xi32>,
          %mul3A_517 = arith.constant 24000 : i32
          %mul3A_518 = vector.broadcast %mul3A_517 : i32 to vector<16xi32>
          %mul3A_519 = arith.muli %convert_element_type3A_500, %mul3A_518 : vector<16xi32>
          %mul3A_520 = arith.constant 60 : i32
          %mul3A_521 = vector.broadcast %mul3A_520 : i32 to vector<16xi32>
          %mul3A_522 = arith.muli %convert_element_type3A_501, %mul3A_521 : vector<16xi32>
          %add3A_523 = arith.addi %mul3A_519, %mul3A_522 : vector<16xi32>
          %add3A_524 = arith.addi %add3A_523, %convert_element_type3A_502 : vector<16xi32>
          %swap3A_525 = arith.constant 1 : i32
          %swap3A_526 = arith.index_cast %swap3A_525 : i32 to index
          %swap3A_527 = arith.index_cast %mul3A_460 : i32 to index
          %swap3A_528 = tpu.vector_load %arg21[%swap3A_526, %swap3A_527] {strides = array<i32>} : memref<4x384xi32, #tpu.memory_space<vmem>>, vector<16xi32>,
          tpu.vector_store %arg21[%swap3A_526, %swap3A_527], %add3A_524 {strides = array<i32>} : memref<4x384xi32, #tpu.memory_space<vmem>>, vector<16xi32>,
          %swap3A_529 = arith.constant 1 : i32
          %swap3A_530 = arith.constant 0 : i32
          %swap3A_531 = arith.index_cast %swap3A_529 : i32 to index
          %swap3A_532 = arith.index_cast %swap3A_530 : i32 to index
          %swap3A_533 = arith.index_cast %mul3A_460 : i32 to index
          %swap3A_534 = tpu.vector_load %arg19[%swap3A_531, %swap3A_532, %swap3A_533] {strides = array<i32>} : memref<4x2x384xi32, #tpu.memory_space<vmem>>, vector<16xi32>,
          tpu.vector_store %arg19[%swap3A_531, %swap3A_532, %swap3A_533], %convert_element_type3A_500 {strides = array<i32>} : memref<4x2x384xi32, #tpu.memory_space<vmem>>, vector<16xi32>,
          %swap3A_535 = arith.constant 1 : i32
          %swap3A_536 = arith.constant 1 : i32
          %swap3A_537 = arith.index_cast %swap3A_535 : i32 to index
          %swap3A_538 = arith.index_cast %swap3A_536 : i32 to index
          %swap3A_539 = arith.index_cast %mul3A_460 : i32 to index
          %swap3A_540 = tpu.vector_load %arg19[%swap3A_537, %swap3A_538, %swap3A_539] {strides = array<i32>} : memref<4x2x384xi32, #tpu.memory_space<vmem>>, vector<16xi32>,
          tpu.vector_store %arg19[%swap3A_537, %swap3A_538, %swap3A_539], %convert_element_type3A_501 {strides = array<i32>} : memref<4x2x384xi32, #tpu.memory_space<vmem>>, vector<16xi32>,
          %swap3A_541 = arith.constant 1 : i32
          %swap3A_542 = arith.constant 0 : i32
          %swap3A_543 = arith.index_cast %swap3A_541 : i32 to index
          %swap3A_544 = arith.index_cast %swap3A_542 : i32 to index
          %swap3A_545 = arith.index_cast %mul3A_460 : i32 to index
          %swap3A_546 = tpu.vector_load %arg20[%swap3A_543, %swap3A_544, %swap3A_545] {strides = array<i32>} : memref<4x2x384xf32, #tpu.memory_space<vmem>>, vector<16xf32>,
          tpu.vector_store %arg20[%swap3A_543, %swap3A_544, %swap3A_545], %sub3A_504 {strides = array<i32>} : memref<4x2x384xf32, #tpu.memory_space<vmem>>, vector<16xf32>,
          %swap3A_547 = arith.constant 1 : i32
          %swap3A_548 = arith.constant 1 : i32
          %swap3A_549 = arith.index_cast %swap3A_547 : i32 to index
          %swap3A_550 = arith.index_cast %swap3A_548 : i32 to index
          %swap3A_551 = arith.index_cast %mul3A_460 : i32 to index
          %swap3A_552 = tpu.vector_load %arg20[%swap3A_549, %swap3A_550, %swap3A_551] {strides = array<i32>} : memref<4x2x384xf32, #tpu.memory_space<vmem>>, vector<16xf32>,
          tpu.vector_store %arg20[%swap3A_549, %swap3A_550, %swap3A_551], %sub3A_506 {strides = array<i32>} : memref<4x2x384xf32, #tpu.memory_space<vmem>>, vector<16xf32>,
          %swap3A_553 = arith.constant 0 : i32
          %swap3A_554 = arith.constant 1 : i32
          %swap3A_555 = arith.index_cast %swap3A_553 : i32 to index
          %swap3A_556 = arith.index_cast %swap3A_554 : i32 to index
          %swap3A_557 = arith.index_cast %mul3A_460 : i32 to index
          %swap3A_558 = tpu.vector_load %arg22[%swap3A_555, %swap3A_556, %swap3A_557] {strides = array<i32>} : memref<3x4x384xi32, #tpu.memory_space<vmem>>, vector<16xi32>,
          tpu.vector_store %arg22[%swap3A_555, %swap3A_556, %swap3A_557], %convert_element_type3A_500 {strides = array<i32>} : memref<3x4x384xi32, #tpu.memory_space<vmem>>, vector<16xi32>,
          %swap3A_559 = arith.constant 1 : i32
          %swap3A_560 = arith.constant 1 : i32
          %swap3A_561 = arith.index_cast %swap3A_559 : i32 to index
          %swap3A_562 = arith.index_cast %swap3A_560 : i32 to index
          %swap3A_563 = arith.index_cast %mul3A_460 : i32 to index
          %swap3A_564 = tpu.vector_load %arg22[%swap3A_561, %swap3A_562, %swap3A_563] {strides = array<i32>} : memref<3x4x384xi32, #tpu.memory_space<vmem>>, vector<16xi32>,
          tpu.vector_store %arg22[%swap3A_561, %swap3A_562, %swap3A_563], %convert_element_type3A_501 {strides = array<i32>} : memref<3x4x384xi32, #tpu.memory_space<vmem>>, vector<16xi32>,
          %swap3A_565 = arith.constant 2 : i32
          %swap3A_566 = arith.constant 1 : i32
          %swap3A_567 = arith.index_cast %swap3A_565 : i32 to index
          %swap3A_568 = arith.index_cast %swap3A_566 : i32 to index
          %swap3A_569 = arith.index_cast %mul3A_460 : i32 to index
          %swap3A_570 = tpu.vector_load %arg22[%swap3A_567, %swap3A_568, %swap3A_569] {strides = array<i32>} : memref<3x4x384xi32, #tpu.memory_space<vmem>>, vector<16xi32>,
          tpu.vector_store %arg22[%swap3A_567, %swap3A_568, %swap3A_569], %convert_element_type3A_502 {strides = array<i32>} : memref<3x4x384xi32, #tpu.memory_space<vmem>>, vector<16xi32>,
          %swap3A_571 = arith.constant 1 : i32
          %swap3A_572 = arith.constant 0 : i32
          %swap3A_573 = arith.index_cast %swap3A_571 : i32 to index
          %swap3A_574 = arith.index_cast %swap3A_572 : i32 to index
          %swap3A_575 = arith.index_cast %mul3A_460 : i32 to index
          %swap3A_576 = tpu.vector_load %arg23[%swap3A_573, %swap3A_574, %swap3A_575] {strides = array<i32>} : memref<4x2x384xf32, #tpu.memory_space<vmem>>, vector<16xf32>,
          tpu.vector_store %arg23[%swap3A_573, %swap3A_574, %swap3A_575], %sub3A_504 {strides = array<i32>} : memref<4x2x384xf32, #tpu.memory_space<vmem>>, vector<16xf32>,
          %swap3A_577 = arith.constant 1 : i32
          %swap3A_578 = arith.constant 1 : i32
          %swap3A_579 = arith.index_cast %swap3A_577 : i32 to index
          %swap3A_580 = arith.index_cast %swap3A_578 : i32 to index
          %swap3A_581 = arith.index_cast %mul3A_460 : i32 to index
          %swap3A_582 = tpu.vector_load %arg23[%swap3A_579, %swap3A_580, %swap3A_581] {strides = array<i32>} : memref<4x2x384xf32, #tpu.memory_space<vmem>>, vector<16xf32>,
          tpu.vector_store %arg23[%swap3A_579, %swap3A_580, %swap3A_581], %sub3A_508 {strides = array<i32>} : memref<4x2x384xf32, #tpu.memory_space<vmem>>, vector<16xf32>,
          %convert_element_type3A_583 = arith.fptosi %mul3A_484 : vector<16xf32> to vector<16xi32>
          %convert_element_type3A_584 = arith.fptosi %mul3A_490 : vector<16xf32> to vector<16xi32>
          %convert_element_type3A_585 = arith.fptosi %mul3A_496 : vector<16xf32> to vector<16xi32>
          %convert_element_type3A_586 = arith.sitofp %convert_element_type3A_583 : vector<16xi32> to vector<16xf32>
          %sub3A_587 = arith.subf %mul3A_484, %convert_element_type3A_586 : vector<16xf32>
          %convert_element_type3A_588 = arith.sitofp %convert_element_type3A_584 : vector<16xi32> to vector<16xf32>
          %sub3A_589 = arith.subf %mul3A_490, %convert_element_type3A_588 : vector<16xf32>
          %convert_element_type3A_590 = arith.sitofp %convert_element_type3A_585 : vector<16xi32> to vector<16xf32>
          %sub3A_591 = arith.subf %mul3A_496, %convert_element_type3A_590 : vector<16xf32>
          %mul3A_592 = arith.constant 200 : i32
          %mul3A_593 = vector.broadcast %mul3A_592 : i32 to vector<16xi32>
          %mul3A_594 = arith.muli %convert_element_type3A_583, %mul3A_593 : vector<16xi32>
          %add3A_595 = arith.addi %mul3A_594, %convert_element_type3A_584 : vector<16xi32>
          %swap3A_596 = arith.constant 1 : i32
          %swap3A_597 = arith.index_cast %swap3A_596 : i32 to index
          %swap3A_598 = arith.index_cast %mul3A_460 : i32 to index
          %swap3A_599 = tpu.vector_load %arg24[%swap3A_597, %swap3A_598] {strides = array<i32>} : memref<4x384xi32, #tpu.memory_space<vmem>>, vector<16xi32>,
          tpu.vector_store %arg24[%swap3A_597, %swap3A_598], %add3A_595 {strides = array<i32>} : memref<4x384xi32, #tpu.memory_space<vmem>>, vector<16xi32>,
          %mul3A_600 = arith.constant 6000 : i32
          %mul3A_601 = vector.broadcast %mul3A_600 : i32 to vector<16xi32>
          %mul3A_602 = arith.muli %convert_element_type3A_583, %mul3A_601 : vector<16xi32>
          %mul3A_603 = arith.constant 30 : i32
          %mul3A_604 = vector.broadcast %mul3A_603 : i32 to vector<16xi32>
          %mul3A_605 = arith.muli %convert_element_type3A_584, %mul3A_604 : vector<16xi32>
          %add3A_606 = arith.addi %mul3A_602, %mul3A_605 : vector<16xi32>
          %add3A_607 = arith.addi %add3A_606, %convert_element_type3A_585 : vector<16xi32>
          %swap3A_608 = arith.constant 1 : i32
          %swap3A_609 = arith.index_cast %swap3A_608 : i32 to index
          %swap3A_610 = arith.index_cast %mul3A_460 : i32 to index
          %swap3A_611 = tpu.vector_load %arg27[%swap3A_609, %swap3A_610] {strides = array<i32>} : memref<4x384xi32, #tpu.memory_space<vmem>>, vector<16xi32>,
          tpu.vector_store %arg27[%swap3A_609, %swap3A_610], %add3A_607 {strides = array<i32>} : memref<4x384xi32, #tpu.memory_space<vmem>>, vector<16xi32>,
          %swap3A_612 = arith.constant 1 : i32
          %swap3A_613 = arith.constant 0 : i32
          %swap3A_614 = arith.index_cast %swap3A_612 : i32 to index
          %swap3A_615 = arith.index_cast %swap3A_613 : i32 to index
          %swap3A_616 = arith.index_cast %mul3A_460 : i32 to index
          %swap3A_617 = tpu.vector_load %arg25[%swap3A_614, %swap3A_615, %swap3A_616] {strides = array<i32>} : memref<4x2x384xi32, #tpu.memory_space<vmem>>, vector<16xi32>,
          tpu.vector_store %arg25[%swap3A_614, %swap3A_615, %swap3A_616], %convert_element_type3A_583 {strides = array<i32>} : memref<4x2x384xi32, #tpu.memory_space<vmem>>, vector<16xi32>,
          %swap3A_618 = arith.constant 1 : i32
          %swap3A_619 = arith.constant 1 : i32
          %swap3A_620 = arith.index_cast %swap3A_618 : i32 to index
          %swap3A_621 = arith.index_cast %swap3A_619 : i32 to index
          %swap3A_622 = arith.index_cast %mul3A_460 : i32 to index
          %swap3A_623 = tpu.vector_load %arg25[%swap3A_620, %swap3A_621, %swap3A_622] {strides = array<i32>} : memref<4x2x384xi32, #tpu.memory_space<vmem>>, vector<16xi32>,
          tpu.vector_store %arg25[%swap3A_620, %swap3A_621, %swap3A_622], %convert_element_type3A_584 {strides = array<i32>} : memref<4x2x384xi32, #tpu.memory_space<vmem>>, vector<16xi32>,
          %swap3A_624 = arith.constant 1 : i32
          %swap3A_625 = arith.constant 0 : i32
          %swap3A_626 = arith.index_cast %swap3A_624 : i32 to index
          %swap3A_627 = arith.index_cast %swap3A_625 : i32 to index
          %swap3A_628 = arith.index_cast %mul3A_460 : i32 to index
          %swap3A_629 = tpu.vector_load %arg26[%swap3A_626, %swap3A_627, %swap3A_628] {strides = array<i32>} : memref<4x2x384xf32, #tpu.memory_space<vmem>>, vector<16xf32>,
          tpu.vector_store %arg26[%swap3A_626, %swap3A_627, %swap3A_628], %sub3A_587 {strides = array<i32>} : memref<4x2x384xf32, #tpu.memory_space<vmem>>, vector<16xf32>,
          %swap3A_630 = arith.constant 1 : i32
          %swap3A_631 = arith.constant 1 : i32
          %swap3A_632 = arith.index_cast %swap3A_630 : i32 to index
          %swap3A_633 = arith.index_cast %swap3A_631 : i32 to index
          %swap3A_634 = arith.index_cast %mul3A_460 : i32 to index
          %swap3A_635 = tpu.vector_load %arg26[%swap3A_632, %swap3A_633, %swap3A_634] {strides = array<i32>} : memref<4x2x384xf32, #tpu.memory_space<vmem>>, vector<16xf32>,
          tpu.vector_store %arg26[%swap3A_632, %swap3A_633, %swap3A_634], %sub3A_589 {strides = array<i32>} : memref<4x2x384xf32, #tpu.memory_space<vmem>>, vector<16xf32>,
          %swap3A_636 = arith.constant 0 : i32
          %swap3A_637 = arith.constant 1 : i32
          %swap3A_638 = arith.index_cast %swap3A_636 : i32 to index
          %swap3A_639 = arith.index_cast %swap3A_637 : i32 to index
          %swap3A_640 = arith.index_cast %mul3A_460 : i32 to index
          %swap3A_641 = tpu.vector_load %arg28[%swap3A_638, %swap3A_639, %swap3A_640] {strides = array<i32>} : memref<3x4x384xi32, #tpu.memory_space<vmem>>, vector<16xi32>,
          tpu.vector_store %arg28[%swap3A_638, %swap3A_639, %swap3A_640], %convert_element_type3A_583 {strides = array<i32>} : memref<3x4x384xi32, #tpu.memory_space<vmem>>, vector<16xi32>,
          %swap3A_642 = arith.constant 1 : i32
          %swap3A_643 = arith.constant 1 : i32
          %swap3A_644 = arith.index_cast %swap3A_642 : i32 to index
          %swap3A_645 = arith.index_cast %swap3A_643 : i32 to index
          %swap3A_646 = arith.index_cast %mul3A_460 : i32 to index
          %swap3A_647 = tpu.vector_load %arg28[%swap3A_644, %swap3A_645, %swap3A_646] {strides = array<i32>} : memref<3x4x384xi32, #tpu.memory_space<vmem>>, vector<16xi32>,
          tpu.vector_store %arg28[%swap3A_644, %swap3A_645, %swap3A_646], %convert_element_type3A_584 {strides = array<i32>} : memref<3x4x384xi32, #tpu.memory_space<vmem>>, vector<16xi32>,
          %swap3A_648 = arith.constant 2 : i32
          %swap3A_649 = arith.constant 1 : i32
          %swap3A_650 = arith.index_cast %swap3A_648 : i32 to index
          %swap3A_651 = arith.index_cast %swap3A_649 : i32 to index
          %swap3A_652 = arith.index_cast %mul3A_460 : i32 to index
          %swap3A_653 = tpu.vector_load %arg28[%swap3A_650, %swap3A_651, %swap3A_652] {strides = array<i32>} : memref<3x4x384xi32, #tpu.memory_space<vmem>>, vector<16xi32>,
          tpu.vector_store %arg28[%swap3A_650, %swap3A_651, %swap3A_652], %convert_element_type3A_585 {strides = array<i32>} : memref<3x4x384xi32, #tpu.memory_space<vmem>>, vector<16xi32>,
          %swap3A_654 = arith.constant 1 : i32
          %swap3A_655 = arith.constant 0 : i32
          %swap3A_656 = arith.index_cast %swap3A_654 : i32 to index
          %swap3A_657 = arith.index_cast %swap3A_655 : i32 to index
          %swap3A_658 = arith.index_cast %mul3A_460 : i32 to index
          %swap3A_659 = tpu.vector_load %arg29[%swap3A_656, %swap3A_657, %swap3A_658] {strides = array<i32>} : memref<4x2x384xf32, #tpu.memory_space<vmem>>, vector<16xf32>,
          tpu.vector_store %arg29[%swap3A_656, %swap3A_657, %swap3A_658], %sub3A_587 {strides = array<i32>} : memref<4x2x384xf32, #tpu.memory_space<vmem>>, vector<16xf32>,
          %swap3A_660 = arith.constant 1 : i32
          %swap3A_661 = arith.constant 1 : i32
          %swap3A_662 = arith.index_cast %swap3A_660 : i32 to index
          %swap3A_663 = arith.index_cast %swap3A_661 : i32 to index
          %swap3A_664 = arith.index_cast %mul3A_460 : i32 to index
          %swap3A_665 = tpu.vector_load %arg29[%swap3A_662, %swap3A_663, %swap3A_664] {strides = array<i32>} : memref<4x2x384xf32, #tpu.memory_space<vmem>>, vector<16xf32>,
          tpu.vector_store %arg29[%swap3A_662, %swap3A_663, %swap3A_664], %sub3A_591 {strides = array<i32>} : memref<4x2x384xf32, #tpu.memory_space<vmem>>, vector<16xf32>,
          %mul3A_666 = arith.constant 16 : i32
          %mul3A_667 = arith.muli %scan3A_253, %mul3A_666 : i32
          %get3A_668 = arith.constant 2 : i32
          %get3A_669 = arith.constant 0 : i32
          %get3A_670 = arith.index_cast %get3A_668 : i32 to index
          %get3A_671 = arith.index_cast %get3A_669 : i32 to index
          %get3A_672 = arith.index_cast %mul3A_667 : i32 to index
          %get3A_673 = tpu.vector_load %arg16[%get3A_670, %get3A_671, %get3A_672] {strides = array<i32>} : memref<4x4x384xf32, #tpu.memory_space<vmem>>, vector<16xf32>,
          %get3A_674 = arith.constant 2 : i32
          %get3A_675 = arith.constant 1 : i32
          %get3A_676 = arith.index_cast %get3A_674 : i32 to index
          %get3A_677 = arith.index_cast %get3A_675 : i32 to index
          %get3A_678 = arith.index_cast %mul3A_667 : i32 to index
          %get3A_679 = tpu.vector_load %arg16[%get3A_676, %get3A_677, %get3A_678] {strides = array<i32>} : memref<4x4x384xf32, #tpu.memory_space<vmem>>, vector<16xf32>,
          %get3A_680 = arith.constant 2 : i32
          %get3A_681 = arith.constant 2 : i32
          %get3A_682 = arith.index_cast %get3A_680 : i32 to index
          %get3A_683 = arith.index_cast %get3A_681 : i32 to index
          %get3A_684 = arith.index_cast %mul3A_667 : i32 to index
          %get3A_685 = tpu.vector_load %arg16[%get3A_682, %get3A_683, %get3A_684] {strides = array<i32>} : memref<4x4x384xf32, #tpu.memory_space<vmem>>, vector<16xf32>,
          %add3A_686 = arith.constant 5.000000e+01 : f32
          %add3A_687 = vector.broadcast %add3A_686 : f32 to vector<16xf32>
          %add3A_688 = arith.addf %get3A_673, %add3A_687 : vector<16xf32>
          %mul3A_689 = arith.constant 2.000000e+00 : f32
          %mul3A_690 = vector.broadcast %mul3A_689 : f32 to vector<16xf32>
          %mul3A_691 = arith.mulf %add3A_688, %mul3A_690 : vector<16xf32>
          %add3A_692 = arith.constant 5.000000e+01 : f32
          %add3A_693 = vector.broadcast %add3A_692 : f32 to vector<16xf32>
          %add3A_694 = arith.addf %get3A_679, %add3A_693 : vector<16xf32>
          %mul3A_695 = arith.constant 2.000000e+00 : f32
          %mul3A_696 = vector.broadcast %mul3A_695 : f32 to vector<16xf32>
          %mul3A_697 = arith.mulf %add3A_694, %mul3A_696 : vector<16xf32>
          %add3A_698 = arith.constant 4.000000e+00 : f32
          %add3A_699 = vector.broadcast %add3A_698 : f32 to vector<16xf32>
          %add3A_700 = arith.addf %get3A_685, %add3A_699 : vector<16xf32>
          %mul3A_701 = arith.constant 5.000000e+00 : f32
          %mul3A_702 = vector.broadcast %mul3A_701 : f32 to vector<16xf32>
          %mul3A_703 = arith.mulf %add3A_700, %mul3A_702 : vector<16xf32>
          %add3A_704 = arith.addf %mul3A_691, %mul3A_691 : vector<16xf32>
          %add3A_705 = arith.addf %mul3A_697, %mul3A_697 : vector<16xf32>
          %add3A_706 = arith.addf %mul3A_703, %mul3A_703 : vector<16xf32>
          %convert_element_type3A_707 = arith.fptosi %add3A_704 : vector<16xf32> to vector<16xi32>
          %convert_element_type3A_708 = arith.fptosi %add3A_705 : vector<16xf32> to vector<16xi32>
          %convert_element_type3A_709 = arith.fptosi %add3A_706 : vector<16xf32> to vector<16xi32>
          %convert_element_type3A_710 = arith.sitofp %convert_element_type3A_707 : vector<16xi32> to vector<16xf32>
          %sub3A_711 = arith.subf %add3A_704, %convert_element_type3A_710 : vector<16xf32>
          %convert_element_type3A_712 = arith.sitofp %convert_element_type3A_708 : vector<16xi32> to vector<16xf32>
          %sub3A_713 = arith.subf %add3A_705, %convert_element_type3A_712 : vector<16xf32>
          %convert_element_type3A_714 = arith.sitofp %convert_element_type3A_709 : vector<16xi32> to vector<16xf32>
          %sub3A_715 = arith.subf %add3A_706, %convert_element_type3A_714 : vector<16xf32>
          %mul3A_716 = arith.constant 400 : i32
          %mul3A_717 = vector.broadcast %mul3A_716 : i32 to vector<16xi32>
          %mul3A_718 = arith.muli %convert_element_type3A_707, %mul3A_717 : vector<16xi32>
          %add3A_719 = arith.addi %mul3A_718, %convert_element_type3A_708 : vector<16xi32>
          %swap3A_720 = arith.constant 2 : i32
          %swap3A_721 = arith.index_cast %swap3A_720 : i32 to index
          %swap3A_722 = arith.index_cast %mul3A_667 : i32 to index
          %swap3A_723 = tpu.vector_load %arg18[%swap3A_721, %swap3A_722] {strides = array<i32>} : memref<4x384xi32, #tpu.memory_space<vmem>>, vector<16xi32>,
          tpu.vector_store %arg18[%swap3A_721, %swap3A_722], %add3A_719 {strides = array<i32>} : memref<4x384xi32, #tpu.memory_space<vmem>>, vector<16xi32>,
          %mul3A_724 = arith.constant 24000 : i32
          %mul3A_725 = vector.broadcast %mul3A_724 : i32 to vector<16xi32>
          %mul3A_726 = arith.muli %convert_element_type3A_707, %mul3A_725 : vector<16xi32>
          %mul3A_727 = arith.constant 60 : i32
          %mul3A_728 = vector.broadcast %mul3A_727 : i32 to vector<16xi32>
          %mul3A_729 = arith.muli %convert_element_type3A_708, %mul3A_728 : vector<16xi32>
          %add3A_730 = arith.addi %mul3A_726, %mul3A_729 : vector<16xi32>
          %add3A_731 = arith.addi %add3A_730, %convert_element_type3A_709 : vector<16xi32>
          %swap3A_732 = arith.constant 2 : i32
          %swap3A_733 = arith.index_cast %swap3A_732 : i32 to index
          %swap3A_734 = arith.index_cast %mul3A_667 : i32 to index
          %swap3A_735 = tpu.vector_load %arg21[%swap3A_733, %swap3A_734] {strides = array<i32>} : memref<4x384xi32, #tpu.memory_space<vmem>>, vector<16xi32>,
          tpu.vector_store %arg21[%swap3A_733, %swap3A_734], %add3A_731 {strides = array<i32>} : memref<4x384xi32, #tpu.memory_space<vmem>>, vector<16xi32>,
          %swap3A_736 = arith.constant 2 : i32
          %swap3A_737 = arith.constant 0 : i32
          %swap3A_738 = arith.index_cast %swap3A_736 : i32 to index
          %swap3A_739 = arith.index_cast %swap3A_737 : i32 to index
          %swap3A_740 = arith.index_cast %mul3A_667 : i32 to index
          %swap3A_741 = tpu.vector_load %arg19[%swap3A_738, %swap3A_739, %swap3A_740] {strides = array<i32>} : memref<4x2x384xi32, #tpu.memory_space<vmem>>, vector<16xi32>,
          tpu.vector_store %arg19[%swap3A_738, %swap3A_739, %swap3A_740], %convert_element_type3A_707 {strides = array<i32>} : memref<4x2x384xi32, #tpu.memory_space<vmem>>, vector<16xi32>,
          %swap3A_742 = arith.constant 2 : i32
          %swap3A_743 = arith.constant 1 : i32
          %swap3A_744 = arith.index_cast %swap3A_742 : i32 to index
          %swap3A_745 = arith.index_cast %swap3A_743 : i32 to index
          %swap3A_746 = arith.index_cast %mul3A_667 : i32 to index
          %swap3A_747 = tpu.vector_load %arg19[%swap3A_744, %swap3A_745, %swap3A_746] {strides = array<i32>} : memref<4x2x384xi32, #tpu.memory_space<vmem>>, vector<16xi32>,
          tpu.vector_store %arg19[%swap3A_744, %swap3A_745, %swap3A_746], %convert_element_type3A_708 {strides = array<i32>} : memref<4x2x384xi32, #tpu.memory_space<vmem>>, vector<16xi32>,
          %swap3A_748 = arith.constant 2 : i32
          %swap3A_749 = arith.constant 0 : i32
          %swap3A_750 = arith.index_cast %swap3A_748 : i32 to index
          %swap3A_751 = arith.index_cast %swap3A_749 : i32 to index
          %swap3A_752 = arith.index_cast %mul3A_667 : i32 to index
          %swap3A_753 = tpu.vector_load %arg20[%swap3A_750, %swap3A_751, %swap3A_752] {strides = array<i32>} : memref<4x2x384xf32, #tpu.memory_space<vmem>>, vector<16xf32>,
          tpu.vector_store %arg20[%swap3A_750, %swap3A_751, %swap3A_752], %sub3A_711 {strides = array<i32>} : memref<4x2x384xf32, #tpu.memory_space<vmem>>, vector<16xf32>,
          %swap3A_754 = arith.constant 2 : i32
          %swap3A_755 = arith.constant 1 : i32
          %swap3A_756 = arith.index_cast %swap3A_754 : i32 to index
          %swap3A_757 = arith.index_cast %swap3A_755 : i32 to index
          %swap3A_758 = arith.index_cast %mul3A_667 : i32 to index
          %swap3A_759 = tpu.vector_load %arg20[%swap3A_756, %swap3A_757, %swap3A_758] {strides = array<i32>} : memref<4x2x384xf32, #tpu.memory_space<vmem>>, vector<16xf32>,
          tpu.vector_store %arg20[%swap3A_756, %swap3A_757, %swap3A_758], %sub3A_713 {strides = array<i32>} : memref<4x2x384xf32, #tpu.memory_space<vmem>>, vector<16xf32>,
          %swap3A_760 = arith.constant 0 : i32
          %swap3A_761 = arith.constant 2 : i32
          %swap3A_762 = arith.index_cast %swap3A_760 : i32 to index
          %swap3A_763 = arith.index_cast %swap3A_761 : i32 to index
          %swap3A_764 = arith.index_cast %mul3A_667 : i32 to index
          %swap3A_765 = tpu.vector_load %arg22[%swap3A_762, %swap3A_763, %swap3A_764] {strides = array<i32>} : memref<3x4x384xi32, #tpu.memory_space<vmem>>, vector<16xi32>,
          tpu.vector_store %arg22[%swap3A_762, %swap3A_763, %swap3A_764], %convert_element_type3A_707 {strides = array<i32>} : memref<3x4x384xi32, #tpu.memory_space<vmem>>, vector<16xi32>,
          %swap3A_766 = arith.constant 1 : i32
          %swap3A_767 = arith.constant 2 : i32
          %swap3A_768 = arith.index_cast %swap3A_766 : i32 to index
          %swap3A_769 = arith.index_cast %swap3A_767 : i32 to index
          %swap3A_770 = arith.index_cast %mul3A_667 : i32 to index
          %swap3A_771 = tpu.vector_load %arg22[%swap3A_768, %swap3A_769, %swap3A_770] {strides = array<i32>} : memref<3x4x384xi32, #tpu.memory_space<vmem>>, vector<16xi32>,
          tpu.vector_store %arg22[%swap3A_768, %swap3A_769, %swap3A_770], %convert_element_type3A_708 {strides = array<i32>} : memref<3x4x384xi32, #tpu.memory_space<vmem>>, vector<16xi32>,
          %swap3A_772 = arith.constant 2 : i32
          %swap3A_773 = arith.constant 2 : i32
          %swap3A_774 = arith.index_cast %swap3A_772 : i32 to index
          %swap3A_775 = arith.index_cast %swap3A_773 : i32 to index
          %swap3A_776 = arith.index_cast %mul3A_667 : i32 to index
          %swap3A_777 = tpu.vector_load %arg22[%swap3A_774, %swap3A_775, %swap3A_776] {strides = array<i32>} : memref<3x4x384xi32, #tpu.memory_space<vmem>>, vector<16xi32>,
          tpu.vector_store %arg22[%swap3A_774, %swap3A_775, %swap3A_776], %convert_element_type3A_709 {strides = array<i32>} : memref<3x4x384xi32, #tpu.memory_space<vmem>>, vector<16xi32>,
          %swap3A_778 = arith.constant 2 : i32
          %swap3A_779 = arith.constant 0 : i32
          %swap3A_780 = arith.index_cast %swap3A_778 : i32 to index
          %swap3A_781 = arith.index_cast %swap3A_779 : i32 to index
          %swap3A_782 = arith.index_cast %mul3A_667 : i32 to index
          %swap3A_783 = tpu.vector_load %arg23[%swap3A_780, %swap3A_781, %swap3A_782] {strides = array<i32>} : memref<4x2x384xf32, #tpu.memory_space<vmem>>, vector<16xf32>,
          tpu.vector_store %arg23[%swap3A_780, %swap3A_781, %swap3A_782], %sub3A_711 {strides = array<i32>} : memref<4x2x384xf32, #tpu.memory_space<vmem>>, vector<16xf32>,
          %swap3A_784 = arith.constant 2 : i32
          %swap3A_785 = arith.constant 1 : i32
          %swap3A_786 = arith.index_cast %swap3A_784 : i32 to index
          %swap3A_787 = arith.index_cast %swap3A_785 : i32 to index
          %swap3A_788 = arith.index_cast %mul3A_667 : i32 to index
          %swap3A_789 = tpu.vector_load %arg23[%swap3A_786, %swap3A_787, %swap3A_788] {strides = array<i32>} : memref<4x2x384xf32, #tpu.memory_space<vmem>>, vector<16xf32>,
          tpu.vector_store %arg23[%swap3A_786, %swap3A_787, %swap3A_788], %sub3A_715 {strides = array<i32>} : memref<4x2x384xf32, #tpu.memory_space<vmem>>, vector<16xf32>,
          %convert_element_type3A_790 = arith.fptosi %mul3A_691 : vector<16xf32> to vector<16xi32>
          %convert_element_type3A_791 = arith.fptosi %mul3A_697 : vector<16xf32> to vector<16xi32>
          %convert_element_type3A_792 = arith.fptosi %mul3A_703 : vector<16xf32> to vector<16xi32>
          %convert_element_type3A_793 = arith.sitofp %convert_element_type3A_790 : vector<16xi32> to vector<16xf32>
          %sub3A_794 = arith.subf %mul3A_691, %convert_element_type3A_793 : vector<16xf32>
          %convert_element_type3A_795 = arith.sitofp %convert_element_type3A_791 : vector<16xi32> to vector<16xf32>
          %sub3A_796 = arith.subf %mul3A_697, %convert_element_type3A_795 : vector<16xf32>
          %convert_element_type3A_797 = arith.sitofp %convert_element_type3A_792 : vector<16xi32> to vector<16xf32>
          %sub3A_798 = arith.subf %mul3A_703, %convert_element_type3A_797 : vector<16xf32>
          %mul3A_799 = arith.constant 200 : i32
          %mul3A_800 = vector.broadcast %mul3A_799 : i32 to vector<16xi32>
          %mul3A_801 = arith.muli %convert_element_type3A_790, %mul3A_800 : vector<16xi32>
          %add3A_802 = arith.addi %mul3A_801, %convert_element_type3A_791 : vector<16xi32>
          %swap3A_803 = arith.constant 2 : i32
          %swap3A_804 = arith.index_cast %swap3A_803 : i32 to index
          %swap3A_805 = arith.index_cast %mul3A_667 : i32 to index
          %swap3A_806 = tpu.vector_load %arg24[%swap3A_804, %swap3A_805] {strides = array<i32>} : memref<4x384xi32, #tpu.memory_space<vmem>>, vector<16xi32>,
          tpu.vector_store %arg24[%swap3A_804, %swap3A_805], %add3A_802 {strides = array<i32>} : memref<4x384xi32, #tpu.memory_space<vmem>>, vector<16xi32>,
          %mul3A_807 = arith.constant 6000 : i32
          %mul3A_808 = vector.broadcast %mul3A_807 : i32 to vector<16xi32>
          %mul3A_809 = arith.muli %convert_element_type3A_790, %mul3A_808 : vector<16xi32>
          %mul3A_810 = arith.constant 30 : i32
          %mul3A_811 = vector.broadcast %mul3A_810 : i32 to vector<16xi32>
          %mul3A_812 = arith.muli %convert_element_type3A_791, %mul3A_811 : vector<16xi32>
          %add3A_813 = arith.addi %mul3A_809, %mul3A_812 : vector<16xi32>
          %add3A_814 = arith.addi %add3A_813, %convert_element_type3A_792 : vector<16xi32>
          %swap3A_815 = arith.constant 2 : i32
          %swap3A_816 = arith.index_cast %swap3A_815 : i32 to index
          %swap3A_817 = arith.index_cast %mul3A_667 : i32 to index
          %swap3A_818 = tpu.vector_load %arg27[%swap3A_816, %swap3A_817] {strides = array<i32>} : memref<4x384xi32, #tpu.memory_space<vmem>>, vector<16xi32>,
          tpu.vector_store %arg27[%swap3A_816, %swap3A_817], %add3A_814 {strides = array<i32>} : memref<4x384xi32, #tpu.memory_space<vmem>>, vector<16xi32>,
          %swap3A_819 = arith.constant 2 : i32
          %swap3A_820 = arith.constant 0 : i32
          %swap3A_821 = arith.index_cast %swap3A_819 : i32 to index
          %swap3A_822 = arith.index_cast %swap3A_820 : i32 to index
          %swap3A_823 = arith.index_cast %mul3A_667 : i32 to index
          %swap3A_824 = tpu.vector_load %arg25[%swap3A_821, %swap3A_822, %swap3A_823] {strides = array<i32>} : memref<4x2x384xi32, #tpu.memory_space<vmem>>, vector<16xi32>,
          tpu.vector_store %arg25[%swap3A_821, %swap3A_822, %swap3A_823], %convert_element_type3A_790 {strides = array<i32>} : memref<4x2x384xi32, #tpu.memory_space<vmem>>, vector<16xi32>,
          %swap3A_825 = arith.constant 2 : i32
          %swap3A_826 = arith.constant 1 : i32
          %swap3A_827 = arith.index_cast %swap3A_825 : i32 to index
          %swap3A_828 = arith.index_cast %swap3A_826 : i32 to index
          %swap3A_829 = arith.index_cast %mul3A_667 : i32 to index
          %swap3A_830 = tpu.vector_load %arg25[%swap3A_827, %swap3A_828, %swap3A_829] {strides = array<i32>} : memref<4x2x384xi32, #tpu.memory_space<vmem>>, vector<16xi32>,
          tpu.vector_store %arg25[%swap3A_827, %swap3A_828, %swap3A_829], %convert_element_type3A_791 {strides = array<i32>} : memref<4x2x384xi32, #tpu.memory_space<vmem>>, vector<16xi32>,
          %swap3A_831 = arith.constant 2 : i32
          %swap3A_832 = arith.constant 0 : i32
          %swap3A_833 = arith.index_cast %swap3A_831 : i32 to index
          %swap3A_834 = arith.index_cast %swap3A_832 : i32 to index
          %swap3A_835 = arith.index_cast %mul3A_667 : i32 to index
          %swap3A_836 = tpu.vector_load %arg26[%swap3A_833, %swap3A_834, %swap3A_835] {strides = array<i32>} : memref<4x2x384xf32, #tpu.memory_space<vmem>>, vector<16xf32>,
          tpu.vector_store %arg26[%swap3A_833, %swap3A_834, %swap3A_835], %sub3A_794 {strides = array<i32>} : memref<4x2x384xf32, #tpu.memory_space<vmem>>, vector<16xf32>,
          %swap3A_837 = arith.constant 2 : i32
          %swap3A_838 = arith.constant 1 : i32
          %swap3A_839 = arith.index_cast %swap3A_837 : i32 to index
          %swap3A_840 = arith.index_cast %swap3A_838 : i32 to index
          %swap3A_841 = arith.index_cast %mul3A_667 : i32 to index
          %swap3A_842 = tpu.vector_load %arg26[%swap3A_839, %swap3A_840, %swap3A_841] {strides = array<i32>} : memref<4x2x384xf32, #tpu.memory_space<vmem>>, vector<16xf32>,
          tpu.vector_store %arg26[%swap3A_839, %swap3A_840, %swap3A_841], %sub3A_796 {strides = array<i32>} : memref<4x2x384xf32, #tpu.memory_space<vmem>>, vector<16xf32>,
          %swap3A_843 = arith.constant 0 : i32
          %swap3A_844 = arith.constant 2 : i32
          %swap3A_845 = arith.index_cast %swap3A_843 : i32 to index
          %swap3A_846 = arith.index_cast %swap3A_844 : i32 to index
          %swap3A_847 = arith.index_cast %mul3A_667 : i32 to index
          %swap3A_848 = tpu.vector_load %arg28[%swap3A_845, %swap3A_846, %swap3A_847] {strides = array<i32>} : memref<3x4x384xi32, #tpu.memory_space<vmem>>, vector<16xi32>,
          tpu.vector_store %arg28[%swap3A_845, %swap3A_846, %swap3A_847], %convert_element_type3A_790 {strides = array<i32>} : memref<3x4x384xi32, #tpu.memory_space<vmem>>, vector<16xi32>,
          %swap3A_849 = arith.constant 1 : i32
          %swap3A_850 = arith.constant 2 : i32
          %swap3A_851 = arith.index_cast %swap3A_849 : i32 to index
          %swap3A_852 = arith.index_cast %swap3A_850 : i32 to index
          %swap3A_853 = arith.index_cast %mul3A_667 : i32 to index
          %swap3A_854 = tpu.vector_load %arg28[%swap3A_851, %swap3A_852, %swap3A_853] {strides = array<i32>} : memref<3x4x384xi32, #tpu.memory_space<vmem>>, vector<16xi32>,
          tpu.vector_store %arg28[%swap3A_851, %swap3A_852, %swap3A_853], %convert_element_type3A_791 {strides = array<i32>} : memref<3x4x384xi32, #tpu.memory_space<vmem>>, vector<16xi32>,
          %swap3A_855 = arith.constant 2 : i32
          %swap3A_856 = arith.constant 2 : i32
          %swap3A_857 = arith.index_cast %swap3A_855 : i32 to index
          %swap3A_858 = arith.index_cast %swap3A_856 : i32 to index
          %swap3A_859 = arith.index_cast %mul3A_667 : i32 to index
          %swap3A_860 = tpu.vector_load %arg28[%swap3A_857, %swap3A_858, %swap3A_859] {strides = array<i32>} : memref<3x4x384xi32, #tpu.memory_space<vmem>>, vector<16xi32>,
          tpu.vector_store %arg28[%swap3A_857, %swap3A_858, %swap3A_859], %convert_element_type3A_792 {strides = array<i32>} : memref<3x4x384xi32, #tpu.memory_space<vmem>>, vector<16xi32>,
          %swap3A_861 = arith.constant 2 : i32
          %swap3A_862 = arith.constant 0 : i32
          %swap3A_863 = arith.index_cast %swap3A_861 : i32 to index
          %swap3A_864 = arith.index_cast %swap3A_862 : i32 to index
          %swap3A_865 = arith.index_cast %mul3A_667 : i32 to index
          %swap3A_866 = tpu.vector_load %arg29[%swap3A_863, %swap3A_864, %swap3A_865] {strides = array<i32>} : memref<4x2x384xf32, #tpu.memory_space<vmem>>, vector<16xf32>,
          tpu.vector_store %arg29[%swap3A_863, %swap3A_864, %swap3A_865], %sub3A_794 {strides = array<i32>} : memref<4x2x384xf32, #tpu.memory_space<vmem>>, vector<16xf32>,
          %swap3A_867 = arith.constant 2 : i32
          %swap3A_868 = arith.constant 1 : i32
          %swap3A_869 = arith.index_cast %swap3A_867 : i32 to index
          %swap3A_870 = arith.index_cast %swap3A_868 : i32 to index
          %swap3A_871 = arith.index_cast %mul3A_667 : i32 to index
          %swap3A_872 = tpu.vector_load %arg29[%swap3A_869, %swap3A_870, %swap3A_871] {strides = array<i32>} : memref<4x2x384xf32, #tpu.memory_space<vmem>>, vector<16xf32>,
          tpu.vector_store %arg29[%swap3A_869, %swap3A_870, %swap3A_871], %sub3A_798 {strides = array<i32>} : memref<4x2x384xf32, #tpu.memory_space<vmem>>, vector<16xf32>,
          %mul3A_873 = arith.constant 16 : i32
          %mul3A_874 = arith.muli %scan3A_253, %mul3A_873 : i32
          %get3A_875 = arith.constant 3 : i32
          %get3A_876 = arith.constant 0 : i32
          %get3A_877 = arith.index_cast %get3A_875 : i32 to index
          %get3A_878 = arith.index_cast %get3A_876 : i32 to index
          %get3A_879 = arith.index_cast %mul3A_874 : i32 to index
          %get3A_880 = tpu.vector_load %arg16[%get3A_877, %get3A_878, %get3A_879] {strides = array<i32>} : memref<4x4x384xf32, #tpu.memory_space<vmem>>, vector<16xf32>,
          %get3A_881 = arith.constant 3 : i32
          %get3A_882 = arith.constant 1 : i32
          %get3A_883 = arith.index_cast %get3A_881 : i32 to index
          %get3A_884 = arith.index_cast %get3A_882 : i32 to index
          %get3A_885 = arith.index_cast %mul3A_874 : i32 to index
          %get3A_886 = tpu.vector_load %arg16[%get3A_883, %get3A_884, %get3A_885] {strides = array<i32>} : memref<4x4x384xf32, #tpu.memory_space<vmem>>, vector<16xf32>,
          %get3A_887 = arith.constant 3 : i32
          %get3A_888 = arith.constant 2 : i32
          %get3A_889 = arith.index_cast %get3A_887 : i32 to index
          %get3A_890 = arith.index_cast %get3A_888 : i32 to index
          %get3A_891 = arith.index_cast %mul3A_874 : i32 to index
          %get3A_892 = tpu.vector_load %arg16[%get3A_889, %get3A_890, %get3A_891] {strides = array<i32>} : memref<4x4x384xf32, #tpu.memory_space<vmem>>, vector<16xf32>,
          %add3A_893 = arith.constant 5.000000e+01 : f32
          %add3A_894 = vector.broadcast %add3A_893 : f32 to vector<16xf32>
          %add3A_895 = arith.addf %get3A_880, %add3A_894 : vector<16xf32>
          %mul3A_896 = arith.constant 2.000000e+00 : f32
          %mul3A_897 = vector.broadcast %mul3A_896 : f32 to vector<16xf32>
          %mul3A_898 = arith.mulf %add3A_895, %mul3A_897 : vector<16xf32>
          %add3A_899 = arith.constant 5.000000e+01 : f32
          %add3A_900 = vector.broadcast %add3A_899 : f32 to vector<16xf32>
          %add3A_901 = arith.addf %get3A_886, %add3A_900 : vector<16xf32>
          %mul3A_902 = arith.constant 2.000000e+00 : f32
          %mul3A_903 = vector.broadcast %mul3A_902 : f32 to vector<16xf32>
          %mul3A_904 = arith.mulf %add3A_901, %mul3A_903 : vector<16xf32>
          %add3A_905 = arith.constant 4.000000e+00 : f32
          %add3A_906 = vector.broadcast %add3A_905 : f32 to vector<16xf32>
          %add3A_907 = arith.addf %get3A_892, %add3A_906 : vector<16xf32>
          %mul3A_908 = arith.constant 5.000000e+00 : f32
          %mul3A_909 = vector.broadcast %mul3A_908 : f32 to vector<16xf32>
          %mul3A_910 = arith.mulf %add3A_907, %mul3A_909 : vector<16xf32>
          %add3A_911 = arith.addf %mul3A_898, %mul3A_898 : vector<16xf32>
          %add3A_912 = arith.addf %mul3A_904, %mul3A_904 : vector<16xf32>
          %add3A_913 = arith.addf %mul3A_910, %mul3A_910 : vector<16xf32>
          %convert_element_type3A_914 = arith.fptosi %add3A_911 : vector<16xf32> to vector<16xi32>
          %convert_element_type3A_915 = arith.fptosi %add3A_912 : vector<16xf32> to vector<16xi32>
          %convert_element_type3A_916 = arith.fptosi %add3A_913 : vector<16xf32> to vector<16xi32>
          %convert_element_type3A_917 = arith.sitofp %convert_element_type3A_914 : vector<16xi32> to vector<16xf32>
          %sub3A_918 = arith.subf %add3A_911, %convert_element_type3A_917 : vector<16xf32>
          %convert_element_type3A_919 = arith.sitofp %convert_element_type3A_915 : vector<16xi32> to vector<16xf32>
          %sub3A_920 = arith.subf %add3A_912, %convert_element_type3A_919 : vector<16xf32>
          %convert_element_type3A_921 = arith.sitofp %convert_element_type3A_916 : vector<16xi32> to vector<16xf32>
          %sub3A_922 = arith.subf %add3A_913, %convert_element_type3A_921 : vector<16xf32>
          %mul3A_923 = arith.constant 400 : i32
          %mul3A_924 = vector.broadcast %mul3A_923 : i32 to vector<16xi32>
          %mul3A_925 = arith.muli %convert_element_type3A_914, %mul3A_924 : vector<16xi32>
          %add3A_926 = arith.addi %mul3A_925, %convert_element_type3A_915 : vector<16xi32>
          %swap3A_927 = arith.constant 3 : i32
          %swap3A_928 = arith.index_cast %swap3A_927 : i32 to index
          %swap3A_929 = arith.index_cast %mul3A_874 : i32 to index
          %swap3A_930 = tpu.vector_load %arg18[%swap3A_928, %swap3A_929] {strides = array<i32>} : memref<4x384xi32, #tpu.memory_space<vmem>>, vector<16xi32>,
          tpu.vector_store %arg18[%swap3A_928, %swap3A_929], %add3A_926 {strides = array<i32>} : memref<4x384xi32, #tpu.memory_space<vmem>>, vector<16xi32>,
          %mul3A_931 = arith.constant 24000 : i32
          %mul3A_932 = vector.broadcast %mul3A_931 : i32 to vector<16xi32>
          %mul3A_933 = arith.muli %convert_element_type3A_914, %mul3A_932 : vector<16xi32>
          %mul3A_934 = arith.constant 60 : i32
          %mul3A_935 = vector.broadcast %mul3A_934 : i32 to vector<16xi32>
          %mul3A_936 = arith.muli %convert_element_type3A_915, %mul3A_935 : vector<16xi32>
          %add3A_937 = arith.addi %mul3A_933, %mul3A_936 : vector<16xi32>
          %add3A_938 = arith.addi %add3A_937, %convert_element_type3A_916 : vector<16xi32>
          %swap3A_939 = arith.constant 3 : i32
          %swap3A_940 = arith.index_cast %swap3A_939 : i32 to index
          %swap3A_941 = arith.index_cast %mul3A_874 : i32 to index
          %swap3A_942 = tpu.vector_load %arg21[%swap3A_940, %swap3A_941] {strides = array<i32>} : memref<4x384xi32, #tpu.memory_space<vmem>>, vector<16xi32>,
          tpu.vector_store %arg21[%swap3A_940, %swap3A_941], %add3A_938 {strides = array<i32>} : memref<4x384xi32, #tpu.memory_space<vmem>>, vector<16xi32>,
          %swap3A_943 = arith.constant 3 : i32
          %swap3A_944 = arith.constant 0 : i32
          %swap3A_945 = arith.index_cast %swap3A_943 : i32 to index
          %swap3A_946 = arith.index_cast %swap3A_944 : i32 to index
          %swap3A_947 = arith.index_cast %mul3A_874 : i32 to index
          %swap3A_948 = tpu.vector_load %arg19[%swap3A_945, %swap3A_946, %swap3A_947] {strides = array<i32>} : memref<4x2x384xi32, #tpu.memory_space<vmem>>, vector<16xi32>,
          tpu.vector_store %arg19[%swap3A_945, %swap3A_946, %swap3A_947], %convert_element_type3A_914 {strides = array<i32>} : memref<4x2x384xi32, #tpu.memory_space<vmem>>, vector<16xi32>,
          %swap3A_949 = arith.constant 3 : i32
          %swap3A_950 = arith.constant 1 : i32
          %swap3A_951 = arith.index_cast %swap3A_949 : i32 to index
          %swap3A_952 = arith.index_cast %swap3A_950 : i32 to index
          %swap3A_953 = arith.index_cast %mul3A_874 : i32 to index
          %swap3A_954 = tpu.vector_load %arg19[%swap3A_951, %swap3A_952, %swap3A_953] {strides = array<i32>} : memref<4x2x384xi32, #tpu.memory_space<vmem>>, vector<16xi32>,
          tpu.vector_store %arg19[%swap3A_951, %swap3A_952, %swap3A_953], %convert_element_type3A_915 {strides = array<i32>} : memref<4x2x384xi32, #tpu.memory_space<vmem>>, vector<16xi32>,
          %swap3A_955 = arith.constant 3 : i32
          %swap3A_956 = arith.constant 0 : i32
          %swap3A_957 = arith.index_cast %swap3A_955 : i32 to index
          %swap3A_958 = arith.index_cast %swap3A_956 : i32 to index
          %swap3A_959 = arith.index_cast %mul3A_874 : i32 to index
          %swap3A_960 = tpu.vector_load %arg20[%swap3A_957, %swap3A_958, %swap3A_959] {strides = array<i32>} : memref<4x2x384xf32, #tpu.memory_space<vmem>>, vector<16xf32>,
          tpu.vector_store %arg20[%swap3A_957, %swap3A_958, %swap3A_959], %sub3A_918 {strides = array<i32>} : memref<4x2x384xf32, #tpu.memory_space<vmem>>, vector<16xf32>,
          %swap3A_961 = arith.constant 3 : i32
          %swap3A_962 = arith.constant 1 : i32
          %swap3A_963 = arith.index_cast %swap3A_961 : i32 to index
          %swap3A_964 = arith.index_cast %swap3A_962 : i32 to index
          %swap3A_965 = arith.index_cast %mul3A_874 : i32 to index
          %swap3A_966 = tpu.vector_load %arg20[%swap3A_963, %swap3A_964, %swap3A_965] {strides = array<i32>} : memref<4x2x384xf32, #tpu.memory_space<vmem>>, vector<16xf32>,
          tpu.vector_store %arg20[%swap3A_963, %swap3A_964, %swap3A_965], %sub3A_920 {strides = array<i32>} : memref<4x2x384xf32, #tpu.memory_space<vmem>>, vector<16xf32>,
          %swap3A_967 = arith.constant 0 : i32
          %swap3A_968 = arith.constant 3 : i32
          %swap3A_969 = arith.index_cast %swap3A_967 : i32 to index
          %swap3A_970 = arith.index_cast %swap3A_968 : i32 to index
          %swap3A_971 = arith.index_cast %mul3A_874 : i32 to index
          %swap3A_972 = tpu.vector_load %arg22[%swap3A_969, %swap3A_970, %swap3A_971] {strides = array<i32>} : memref<3x4x384xi32, #tpu.memory_space<vmem>>, vector<16xi32>,
          tpu.vector_store %arg22[%swap3A_969, %swap3A_970, %swap3A_971], %convert_element_type3A_914 {strides = array<i32>} : memref<3x4x384xi32, #tpu.memory_space<vmem>>, vector<16xi32>,
          %swap3A_973 = arith.constant 1 : i32
          %swap3A_974 = arith.constant 3 : i32
          %swap3A_975 = arith.index_cast %swap3A_973 : i32 to index
          %swap3A_976 = arith.index_cast %swap3A_974 : i32 to index
          %swap3A_977 = arith.index_cast %mul3A_874 : i32 to index
          %swap3A_978 = tpu.vector_load %arg22[%swap3A_975, %swap3A_976, %swap3A_977] {strides = array<i32>} : memref<3x4x384xi32, #tpu.memory_space<vmem>>, vector<16xi32>,
          tpu.vector_store %arg22[%swap3A_975, %swap3A_976, %swap3A_977], %convert_element_type3A_915 {strides = array<i32>} : memref<3x4x384xi32, #tpu.memory_space<vmem>>, vector<16xi32>,
          %swap3A_979 = arith.constant 2 : i32
          %swap3A_980 = arith.constant 3 : i32
          %swap3A_981 = arith.index_cast %swap3A_979 : i32 to index
          %swap3A_982 = arith.index_cast %swap3A_980 : i32 to index
          %swap3A_983 = arith.index_cast %mul3A_874 : i32 to index
          %swap3A_984 = tpu.vector_load %arg22[%swap3A_981, %swap3A_982, %swap3A_983] {strides = array<i32>} : memref<3x4x384xi32, #tpu.memory_space<vmem>>, vector<16xi32>,
          tpu.vector_store %arg22[%swap3A_981, %swap3A_982, %swap3A_983], %convert_element_type3A_916 {strides = array<i32>} : memref<3x4x384xi32, #tpu.memory_space<vmem>>, vector<16xi32>,
          %swap3A_985 = arith.constant 3 : i32
          %swap3A_986 = arith.constant 0 : i32
          %swap3A_987 = arith.index_cast %swap3A_985 : i32 to index
          %swap3A_988 = arith.index_cast %swap3A_986 : i32 to index
          %swap3A_989 = arith.index_cast %mul3A_874 : i32 to index
          %swap3A_990 = tpu.vector_load %arg23[%swap3A_987, %swap3A_988, %swap3A_989] {strides = array<i32>} : memref<4x2x384xf32, #tpu.memory_space<vmem>>, vector<16xf32>,
          tpu.vector_store %arg23[%swap3A_987, %swap3A_988, %swap3A_989], %sub3A_918 {strides = array<i32>} : memref<4x2x384xf32, #tpu.memory_space<vmem>>, vector<16xf32>,
          %swap3A_991 = arith.constant 3 : i32
          %swap3A_992 = arith.constant 1 : i32
          %swap3A_993 = arith.index_cast %swap3A_991 : i32 to index
          %swap3A_994 = arith.index_cast %swap3A_992 : i32 to index
          %swap3A_995 = arith.index_cast %mul3A_874 : i32 to index
          %swap3A_996 = tpu.vector_load %arg23[%swap3A_993, %swap3A_994, %swap3A_995] {strides = array<i32>} : memref<4x2x384xf32, #tpu.memory_space<vmem>>, vector<16xf32>,
          tpu.vector_store %arg23[%swap3A_993, %swap3A_994, %swap3A_995], %sub3A_922 {strides = array<i32>} : memref<4x2x384xf32, #tpu.memory_space<vmem>>, vector<16xf32>,
          %convert_element_type3A_997 = arith.fptosi %mul3A_898 : vector<16xf32> to vector<16xi32>
          %convert_element_type3A_998 = arith.fptosi %mul3A_904 : vector<16xf32> to vector<16xi32>
          %convert_element_type3A_999 = arith.fptosi %mul3A_910 : vector<16xf32> to vector<16xi32>
          %convert_element_type3A_1000 = arith.sitofp %convert_element_type3A_997 : vector<16xi32> to vector<16xf32>
          %sub3A_1001 = arith.subf %mul3A_898, %convert_element_type3A_1000 : vector<16xf32>
          %convert_element_type3A_1002 = arith.sitofp %convert_element_type3A_998 : vector<16xi32> to vector<16xf32>
          %sub3A_1003 = arith.subf %mul3A_904, %convert_element_type3A_1002 : vector<16xf32>
          %convert_element_type3A_1004 = arith.sitofp %convert_element_type3A_999 : vector<16xi32> to vector<16xf32>
          %sub3A_1005 = arith.subf %mul3A_910, %convert_element_type3A_1004 : vector<16xf32>
          %mul3A_1006 = arith.constant 200 : i32
          %mul3A_1007 = vector.broadcast %mul3A_1006 : i32 to vector<16xi32>
          %mul3A_1008 = arith.muli %convert_element_type3A_997, %mul3A_1007 : vector<16xi32>
          %add3A_1009 = arith.addi %mul3A_1008, %convert_element_type3A_998 : vector<16xi32>
          %swap3A_1010 = arith.constant 3 : i32
          %swap3A_1011 = arith.index_cast %swap3A_1010 : i32 to index
          %swap3A_1012 = arith.index_cast %mul3A_874 : i32 to index
          %swap3A_1013 = tpu.vector_load %arg24[%swap3A_1011, %swap3A_1012] {strides = array<i32>} : memref<4x384xi32, #tpu.memory_space<vmem>>, vector<16xi32>,
          tpu.vector_store %arg24[%swap3A_1011, %swap3A_1012], %add3A_1009 {strides = array<i32>} : memref<4x384xi32, #tpu.memory_space<vmem>>, vector<16xi32>,
          %mul3A_1014 = arith.constant 6000 : i32
          %mul3A_1015 = vector.broadcast %mul3A_1014 : i32 to vector<16xi32>
          %mul3A_1016 = arith.muli %convert_element_type3A_997, %mul3A_1015 : vector<16xi32>
          %mul3A_1017 = arith.constant 30 : i32
          %mul3A_1018 = vector.broadcast %mul3A_1017 : i32 to vector<16xi32>
          %mul3A_1019 = arith.muli %convert_element_type3A_998, %mul3A_1018 : vector<16xi32>
          %add3A_1020 = arith.addi %mul3A_1016, %mul3A_1019 : vector<16xi32>
          %add3A_1021 = arith.addi %add3A_1020, %convert_element_type3A_999 : vector<16xi32>
          %swap3A_1022 = arith.constant 3 : i32
          %swap3A_1023 = arith.index_cast %swap3A_1022 : i32 to index
          %swap3A_1024 = arith.index_cast %mul3A_874 : i32 to index
          %swap3A_1025 = tpu.vector_load %arg27[%swap3A_1023, %swap3A_1024] {strides = array<i32>} : memref<4x384xi32, #tpu.memory_space<vmem>>, vector<16xi32>,
          tpu.vector_store %arg27[%swap3A_1023, %swap3A_1024], %add3A_1021 {strides = array<i32>} : memref<4x384xi32, #tpu.memory_space<vmem>>, vector<16xi32>,
          %swap3A_1026 = arith.constant 3 : i32
          %swap3A_1027 = arith.constant 0 : i32
          %swap3A_1028 = arith.index_cast %swap3A_1026 : i32 to index
          %swap3A_1029 = arith.index_cast %swap3A_1027 : i32 to index
          %swap3A_1030 = arith.index_cast %mul3A_874 : i32 to index
          %swap3A_1031 = tpu.vector_load %arg25[%swap3A_1028, %swap3A_1029, %swap3A_1030] {strides = array<i32>} : memref<4x2x384xi32, #tpu.memory_space<vmem>>, vector<16xi32>,
          tpu.vector_store %arg25[%swap3A_1028, %swap3A_1029, %swap3A_1030], %convert_element_type3A_997 {strides = array<i32>} : memref<4x2x384xi32, #tpu.memory_space<vmem>>, vector<16xi32>,
          %swap3A_1032 = arith.constant 3 : i32
          %swap3A_1033 = arith.constant 1 : i32
          %swap3A_1034 = arith.index_cast %swap3A_1032 : i32 to index
          %swap3A_1035 = arith.index_cast %swap3A_1033 : i32 to index
          %swap3A_1036 = arith.index_cast %mul3A_874 : i32 to index
          %swap3A_1037 = tpu.vector_load %arg25[%swap3A_1034, %swap3A_1035, %swap3A_1036] {strides = array<i32>} : memref<4x2x384xi32, #tpu.memory_space<vmem>>, vector<16xi32>,
          tpu.vector_store %arg25[%swap3A_1034, %swap3A_1035, %swap3A_1036], %convert_element_type3A_998 {strides = array<i32>} : memref<4x2x384xi32, #tpu.memory_space<vmem>>, vector<16xi32>,
          %swap3A_1038 = arith.constant 3 : i32
          %swap3A_1039 = arith.constant 0 : i32
          %swap3A_1040 = arith.index_cast %swap3A_1038 : i32 to index
          %swap3A_1041 = arith.index_cast %swap3A_1039 : i32 to index
          %swap3A_1042 = arith.index_cast %mul3A_874 : i32 to index
          %swap3A_1043 = tpu.vector_load %arg26[%swap3A_1040, %swap3A_1041, %swap3A_1042] {strides = array<i32>} : memref<4x2x384xf32, #tpu.memory_space<vmem>>, vector<16xf32>,
          tpu.vector_store %arg26[%swap3A_1040, %swap3A_1041, %swap3A_1042], %sub3A_1001 {strides = array<i32>} : memref<4x2x384xf32, #tpu.memory_space<vmem>>, vector<16xf32>,
          %swap3A_1044 = arith.constant 3 : i32
          %swap3A_1045 = arith.constant 1 : i32
          %swap3A_1046 = arith.index_cast %swap3A_1044 : i32 to index
          %swap3A_1047 = arith.index_cast %swap3A_1045 : i32 to index
          %swap3A_1048 = arith.index_cast %mul3A_874 : i32 to index
          %swap3A_1049 = tpu.vector_load %arg26[%swap3A_1046, %swap3A_1047, %swap3A_1048] {strides = array<i32>} : memref<4x2x384xf32, #tpu.memory_space<vmem>>, vector<16xf32>,
          tpu.vector_store %arg26[%swap3A_1046, %swap3A_1047, %swap3A_1048], %sub3A_1003 {strides = array<i32>} : memref<4x2x384xf32, #tpu.memory_space<vmem>>, vector<16xf32>,
          %swap3A_1050 = arith.constant 0 : i32
          %swap3A_1051 = arith.constant 3 : i32
          %swap3A_1052 = arith.index_cast %swap3A_1050 : i32 to index
          %swap3A_1053 = arith.index_cast %swap3A_1051 : i32 to index
          %swap3A_1054 = arith.index_cast %mul3A_874 : i32 to index
          %swap3A_1055 = tpu.vector_load %arg28[%swap3A_1052, %swap3A_1053, %swap3A_1054] {strides = array<i32>} : memref<3x4x384xi32, #tpu.memory_space<vmem>>, vector<16xi32>,
          tpu.vector_store %arg28[%swap3A_1052, %swap3A_1053, %swap3A_1054], %convert_element_type3A_997 {strides = array<i32>} : memref<3x4x384xi32, #tpu.memory_space<vmem>>, vector<16xi32>,
          %swap3A_1056 = arith.constant 1 : i32
          %swap3A_1057 = arith.constant 3 : i32
          %swap3A_1058 = arith.index_cast %swap3A_1056 : i32 to index
          %swap3A_1059 = arith.index_cast %swap3A_1057 : i32 to index
          %swap3A_1060 = arith.index_cast %mul3A_874 : i32 to index
          %swap3A_1061 = tpu.vector_load %arg28[%swap3A_1058, %swap3A_1059, %swap3A_1060] {strides = array<i32>} : memref<3x4x384xi32, #tpu.memory_space<vmem>>, vector<16xi32>,
          tpu.vector_store %arg28[%swap3A_1058, %swap3A_1059, %swap3A_1060], %convert_element_type3A_998 {strides = array<i32>} : memref<3x4x384xi32, #tpu.memory_space<vmem>>, vector<16xi32>,
          %swap3A_1062 = arith.constant 2 : i32
          %swap3A_1063 = arith.constant 3 : i32
          %swap3A_1064 = arith.index_cast %swap3A_1062 : i32 to index
          %swap3A_1065 = arith.index_cast %swap3A_1063 : i32 to index
          %swap3A_1066 = arith.index_cast %mul3A_874 : i32 to index
          %swap3A_1067 = tpu.vector_load %arg28[%swap3A_1064, %swap3A_1065, %swap3A_1066] {strides = array<i32>} : memref<3x4x384xi32, #tpu.memory_space<vmem>>, vector<16xi32>,
          tpu.vector_store %arg28[%swap3A_1064, %swap3A_1065, %swap3A_1066], %convert_element_type3A_999 {strides = array<i32>} : memref<3x4x384xi32, #tpu.memory_space<vmem>>, vector<16xi32>,
          %swap3A_1068 = arith.constant 3 : i32
          %swap3A_1069 = arith.constant 0 : i32
          %swap3A_1070 = arith.index_cast %swap3A_1068 : i32 to index
          %swap3A_1071 = arith.index_cast %swap3A_1069 : i32 to index
          %swap3A_1072 = arith.index_cast %mul3A_874 : i32 to index
          %swap3A_1073 = tpu.vector_load %arg29[%swap3A_1070, %swap3A_1071, %swap3A_1072] {strides = array<i32>} : memref<4x2x384xf32, #tpu.memory_space<vmem>>, vector<16xf32>,
          tpu.vector_store %arg29[%swap3A_1070, %swap3A_1071, %swap3A_1072], %sub3A_1001 {strides = array<i32>} : memref<4x2x384xf32, #tpu.memory_space<vmem>>, vector<16xf32>,
          %swap3A_1074 = arith.constant 3 : i32
          %swap3A_1075 = arith.constant 1 : i32
          %swap3A_1076 = arith.index_cast %swap3A_1074 : i32 to index
          %swap3A_1077 = arith.index_cast %swap3A_1075 : i32 to index
          %swap3A_1078 = arith.index_cast %mul3A_874 : i32 to index
          %swap3A_1079 = tpu.vector_load %arg29[%swap3A_1076, %swap3A_1077, %swap3A_1078] {strides = array<i32>} : memref<4x2x384xf32, #tpu.memory_space<vmem>>, vector<16xf32>,
          tpu.vector_store %arg29[%swap3A_1076, %swap3A_1077, %swap3A_1078], %sub3A_1005 {strides = array<i32>} : memref<4x2x384xf32, #tpu.memory_space<vmem>>, vector<16xf32>,
        }
        %scan3A_177 = arith.constant 24 : i32
        %mul3A_178 = arith.constant 32 : i32
        %mul3A_179 = arith.muli %add3A_142, %mul3A_178 : i32
        %add3A_180 = arith.addi %mul3A_179, %add3A : i32
        %mul3A_181 = arith.constant 384 : i32
        %mul3A_182 = arith.muli %add3A_180, %mul3A_181 : i32
        %dma_start3A_183 = arith.constant 0 : i32
        %dma_start3A_184 = arith.constant 0 : i32
        %dma_start3A_185 = tpu.memref_slice %arg3[%dma_start3A_183, %dma_start3A_184, %mul3A_182] : memref<4x4x120000xf32, #tpu.memory_space<hbm>> -> memref<4x4x384xf32, #tpu.memory_space<hbm>>
        %dma_start3A_186 = arith.constant 0 : i32
        %dma_start3A_187 = arith.constant 0 : i32
        %dma_start3A_188 = tpu.memref_slice %arg3[%dma_start3A_186, %dma_start3A_187, %mul3A_182] : memref<4x4x120000xf32, #tpu.memory_space<hbm>> -> memref<4x4x384xf32, #tpu.memory_space<hbm>>
        tpu.enqueue_dma source(%arg16 : memref<4x4x384xf32, #tpu.memory_space<vmem>>) target(%dma_start3A_188 : memref<4x4x384xf32, #tpu.memory_space<hbm>>) target_semaphore(%arg57 : memref<!tpu.dma_semaphore, #tpu.memory_space<semaphore_mem>>)
        %dma_start3A_189 = arith.constant 0 : i32
        %dma_start3A_190 = tpu.memref_slice %arg4[%dma_start3A_189, %mul3A_182] : memref<4x120000xi32, #tpu.memory_space<hbm>> -> memref<4x384xi32, #tpu.memory_space<hbm>>
        %dma_start3A_191 = arith.constant 0 : i32
        %dma_start3A_192 = tpu.memref_slice %arg4[%dma_start3A_191, %mul3A_182] : memref<4x120000xi32, #tpu.memory_space<hbm>> -> memref<4x384xi32, #tpu.memory_space<hbm>>
        tpu.enqueue_dma source(%arg18 : memref<4x384xi32, #tpu.memory_space<vmem>>) target(%dma_start3A_192 : memref<4x384xi32, #tpu.memory_space<hbm>>) target_semaphore(%arg57 : memref<!tpu.dma_semaphore, #tpu.memory_space<semaphore_mem>>)
        %dma_start3A_193 = arith.constant 0 : i32
        %dma_start3A_194 = arith.constant 0 : i32
        %dma_start3A_195 = tpu.memref_slice %arg5[%dma_start3A_193, %dma_start3A_194, %mul3A_182] : memref<4x2x120000xi32, #tpu.memory_space<hbm>> -> memref<4x2x384xi32, #tpu.memory_space<hbm>>
        %dma_start3A_196 = arith.constant 0 : i32
        %dma_start3A_197 = arith.constant 0 : i32
        %dma_start3A_198 = tpu.memref_slice %arg5[%dma_start3A_196, %dma_start3A_197, %mul3A_182] : memref<4x2x120000xi32, #tpu.memory_space<hbm>> -> memref<4x2x384xi32, #tpu.memory_space<hbm>>
        tpu.enqueue_dma source(%arg19 : memref<4x2x384xi32, #tpu.memory_space<vmem>>) target(%dma_start3A_198 : memref<4x2x384xi32, #tpu.memory_space<hbm>>) target_semaphore(%arg57 : memref<!tpu.dma_semaphore, #tpu.memory_space<semaphore_mem>>)
        %dma_start3A_199 = arith.constant 0 : i32
        %dma_start3A_200 = arith.constant 0 : i32
        %dma_start3A_201 = tpu.memref_slice %arg6[%dma_start3A_199, %dma_start3A_200, %mul3A_182] : memref<4x2x120000xf32, #tpu.memory_space<hbm>> -> memref<4x2x384xf32, #tpu.memory_space<hbm>>
        %dma_start3A_202 = arith.constant 0 : i32
        %dma_start3A_203 = arith.constant 0 : i32
        %dma_start3A_204 = tpu.memref_slice %arg6[%dma_start3A_202, %dma_start3A_203, %mul3A_182] : memref<4x2x120000xf32, #tpu.memory_space<hbm>> -> memref<4x2x384xf32, #tpu.memory_space<hbm>>
        tpu.enqueue_dma source(%arg20 : memref<4x2x384xf32, #tpu.memory_space<vmem>>) target(%dma_start3A_204 : memref<4x2x384xf32, #tpu.memory_space<hbm>>) target_semaphore(%arg57 : memref<!tpu.dma_semaphore, #tpu.memory_space<semaphore_mem>>)
        %dma_start3A_205 = arith.constant 0 : i32
        %dma_start3A_206 = tpu.memref_slice %arg7[%dma_start3A_205, %mul3A_182] : memref<4x120000xi32, #tpu.memory_space<hbm>> -> memref<4x384xi32, #tpu.memory_space<hbm>>
        %dma_start3A_207 = arith.constant 0 : i32
        %dma_start3A_208 = tpu.memref_slice %arg7[%dma_start3A_207, %mul3A_182] : memref<4x120000xi32, #tpu.memory_space<hbm>> -> memref<4x384xi32, #tpu.memory_space<hbm>>
        tpu.enqueue_dma source(%arg21 : memref<4x384xi32, #tpu.memory_space<vmem>>) target(%dma_start3A_208 : memref<4x384xi32, #tpu.memory_space<hbm>>) target_semaphore(%arg57 : memref<!tpu.dma_semaphore, #tpu.memory_space<semaphore_mem>>)
        %dma_start3A_209 = arith.constant 0 : i32
        %dma_start3A_210 = arith.constant 0 : i32
        %dma_start3A_211 = tpu.memref_slice %arg8[%dma_start3A_209, %dma_start3A_210, %mul3A_182] : memref<3x4x120000xi32, #tpu.memory_space<hbm>> -> memref<3x4x384xi32, #tpu.memory_space<hbm>>
        %dma_start3A_212 = arith.constant 0 : i32
        %dma_start3A_213 = arith.constant 0 : i32
        %dma_start3A_214 = tpu.memref_slice %arg8[%dma_start3A_212, %dma_start3A_213, %mul3A_182] : memref<3x4x120000xi32, #tpu.memory_space<hbm>> -> memref<3x4x384xi32, #tpu.memory_space<hbm>>
        tpu.enqueue_dma source(%arg22 : memref<3x4x384xi32, #tpu.memory_space<vmem>>) target(%dma_start3A_214 : memref<3x4x384xi32, #tpu.memory_space<hbm>>) target_semaphore(%arg57 : memref<!tpu.dma_semaphore, #tpu.memory_space<semaphore_mem>>)
        %dma_start3A_215 = arith.constant 0 : i32
        %dma_start3A_216 = arith.constant 0 : i32
        %dma_start3A_217 = tpu.memref_slice %arg9[%dma_start3A_215, %dma_start3A_216, %mul3A_182] : memref<4x2x120000xf32, #tpu.memory_space<hbm>> -> memref<4x2x384xf32, #tpu.memory_space<hbm>>
        %dma_start3A_218 = arith.constant 0 : i32
        %dma_start3A_219 = arith.constant 0 : i32
        %dma_start3A_220 = tpu.memref_slice %arg9[%dma_start3A_218, %dma_start3A_219, %mul3A_182] : memref<4x2x120000xf32, #tpu.memory_space<hbm>> -> memref<4x2x384xf32, #tpu.memory_space<hbm>>
        tpu.enqueue_dma source(%arg23 : memref<4x2x384xf32, #tpu.memory_space<vmem>>) target(%dma_start3A_220 : memref<4x2x384xf32, #tpu.memory_space<hbm>>) target_semaphore(%arg57 : memref<!tpu.dma_semaphore, #tpu.memory_space<semaphore_mem>>)
        %dma_start3A_221 = arith.constant 0 : i32
        %dma_start3A_222 = tpu.memref_slice %arg10[%dma_start3A_221, %mul3A_182] : memref<4x120000xi32, #tpu.memory_space<hbm>> -> memref<4x384xi32, #tpu.memory_space<hbm>>
        %dma_start3A_223 = arith.constant 0 : i32
        %dma_start3A_224 = tpu.memref_slice %arg10[%dma_start3A_223, %mul3A_182] : memref<4x120000xi32, #tpu.memory_space<hbm>> -> memref<4x384xi32, #tpu.memory_space<hbm>>
        tpu.enqueue_dma source(%arg24 : memref<4x384xi32, #tpu.memory_space<vmem>>) target(%dma_start3A_224 : memref<4x384xi32, #tpu.memory_space<hbm>>) target_semaphore(%arg57 : memref<!tpu.dma_semaphore, #tpu.memory_space<semaphore_mem>>)
        %dma_start3A_225 = arith.constant 0 : i32
        %dma_start3A_226 = arith.constant 0 : i32
        %dma_start3A_227 = tpu.memref_slice %arg11[%dma_start3A_225, %dma_start3A_226, %mul3A_182] : memref<4x2x120000xi32, #tpu.memory_space<hbm>> -> memref<4x2x384xi32, #tpu.memory_space<hbm>>
        %dma_start3A_228 = arith.constant 0 : i32
        %dma_start3A_229 = arith.constant 0 : i32
        %dma_start3A_230 = tpu.memref_slice %arg11[%dma_start3A_228, %dma_start3A_229, %mul3A_182] : memref<4x2x120000xi32, #tpu.memory_space<hbm>> -> memref<4x2x384xi32, #tpu.memory_space<hbm>>
        tpu.enqueue_dma source(%arg25 : memref<4x2x384xi32, #tpu.memory_space<vmem>>) target(%dma_start3A_230 : memref<4x2x384xi32, #tpu.memory_space<hbm>>) target_semaphore(%arg57 : memref<!tpu.dma_semaphore, #tpu.memory_space<semaphore_mem>>)
        %dma_start3A_231 = arith.constant 0 : i32
        %dma_start3A_232 = arith.constant 0 : i32
        %dma_start3A_233 = tpu.memref_slice %arg12[%dma_start3A_231, %dma_start3A_232, %mul3A_182] : memref<4x2x120000xf32, #tpu.memory_space<hbm>> -> memref<4x2x384xf32, #tpu.memory_space<hbm>>
        %dma_start3A_234 = arith.constant 0 : i32
        %dma_start3A_235 = arith.constant 0 : i32
        %dma_start3A_236 = tpu.memref_slice %arg12[%dma_start3A_234, %dma_start3A_235, %mul3A_182] : memref<4x2x120000xf32, #tpu.memory_space<hbm>> -> memref<4x2x384xf32, #tpu.memory_space<hbm>>
        tpu.enqueue_dma source(%arg26 : memref<4x2x384xf32, #tpu.memory_space<vmem>>) target(%dma_start3A_236 : memref<4x2x384xf32, #tpu.memory_space<hbm>>) target_semaphore(%arg57 : memref<!tpu.dma_semaphore, #tpu.memory_space<semaphore_mem>>)
        %dma_start3A_237 = arith.constant 0 : i32
        %dma_start3A_238 = tpu.memref_slice %arg13[%dma_start3A_237, %mul3A_182] : memref<4x120000xi32, #tpu.memory_space<hbm>> -> memref<4x384xi32, #tpu.memory_space<hbm>>
        %dma_start3A_239 = arith.constant 0 : i32
        %dma_start3A_240 = tpu.memref_slice %arg13[%dma_start3A_239, %mul3A_182] : memref<4x120000xi32, #tpu.memory_space<hbm>> -> memref<4x384xi32, #tpu.memory_space<hbm>>
        tpu.enqueue_dma source(%arg27 : memref<4x384xi32, #tpu.memory_space<vmem>>) target(%dma_start3A_240 : memref<4x384xi32, #tpu.memory_space<hbm>>) target_semaphore(%arg57 : memref<!tpu.dma_semaphore, #tpu.memory_space<semaphore_mem>>)
        %dma_start3A_241 = arith.constant 0 : i32
        %dma_start3A_242 = arith.constant 0 : i32
        %dma_start3A_243 = tpu.memref_slice %arg14[%dma_start3A_241, %dma_start3A_242, %mul3A_182] : memref<3x4x120000xi32, #tpu.memory_space<hbm>> -> memref<3x4x384xi32, #tpu.memory_space<hbm>>
        %dma_start3A_244 = arith.constant 0 : i32
        %dma_start3A_245 = arith.constant 0 : i32
        %dma_start3A_246 = tpu.memref_slice %arg14[%dma_start3A_244, %dma_start3A_245, %mul3A_182] : memref<3x4x120000xi32, #tpu.memory_space<hbm>> -> memref<3x4x384xi32, #tpu.memory_space<hbm>>
        tpu.enqueue_dma source(%arg28 : memref<3x4x384xi32, #tpu.memory_space<vmem>>) target(%dma_start3A_246 : memref<3x4x384xi32, #tpu.memory_space<hbm>>) target_semaphore(%arg57 : memref<!tpu.dma_semaphore, #tpu.memory_space<semaphore_mem>>)
        %dma_start3A_247 = arith.constant 0 : i32
        %dma_start3A_248 = arith.constant 0 : i32
        %dma_start3A_249 = tpu.memref_slice %arg15[%dma_start3A_247, %dma_start3A_248, %mul3A_182] : memref<4x2x120000xf32, #tpu.memory_space<hbm>> -> memref<4x2x384xf32, #tpu.memory_space<hbm>>
        %dma_start3A_250 = arith.constant 0 : i32
        %dma_start3A_251 = arith.constant 0 : i32
        %dma_start3A_252 = tpu.memref_slice %arg15[%dma_start3A_250, %dma_start3A_251, %mul3A_182] : memref<4x2x120000xf32, #tpu.memory_space<hbm>> -> memref<4x2x384xf32, #tpu.memory_space<hbm>>
        tpu.enqueue_dma source(%arg29 : memref<4x2x384xf32, #tpu.memory_space<vmem>>) target(%dma_start3A_252 : memref<4x2x384xf32, #tpu.memory_space<hbm>>) target_semaphore(%arg57 : memref<!tpu.dma_semaphore, #tpu.memory_space<semaphore_mem>>)
      } else {
      }
      %mul3A_147 = arith.constant 2 : i32
      %mul3A_148 = arith.muli %scan3A_138, %mul3A_147 : i32
      %add3A_149 = arith.constant 1 : i32
      %add3A_150 = arith.addi %mul3A_148, %add3A_149 : i32
      %lt3A_151 = arith.cmpi slt, %add3A_150, %add3A_20 : i32
      %convert_element_type3A_152 = arith.extui %lt3A_151 : i1 to i32
      %cond3A_153 = arith.constant 0 : i32
      %cond3A_154 = arith.cmpi ne, %convert_element_type3A_152, %cond3A_153 : i32
      scf.if %cond3A_154 {
        %add3A_155 = arith.constant 1 : i32
        %add3A_156 = arith.addi %add3A_150, %add3A_155 : i32
        %lt3A_157 = arith.cmpi slt, %add3A_156, %add3A_20 : i32
        %convert_element_type3A_158 = arith.extui %lt3A_157 : i1 to i32
        %cond3A_159 = arith.constant 0 : i32
        %cond3A_160 = arith.cmpi ne, %convert_element_type3A_158, %cond3A_159 : i32
        scf.if %cond3A_160 {
          %add3A_253 = arith.constant 1 : i32
          %add3A_254 = arith.addi %add3A_150, %add3A_253 : i32
          %mul3A_255 = arith.constant 32 : i32
          %mul3A_256 = arith.muli %add3A_254, %mul3A_255 : i32
          %add3A_257 = arith.addi %mul3A_256, %add3A : i32
          %mul3A_258 = arith.constant 384 : i32
          %mul3A_259 = arith.muli %add3A_257, %mul3A_258 : i32
          %dma_start3A_260 = arith.constant 0 : i32
          %dma_start3A_261 = arith.constant 0 : i32
          %dma_start3A_262 = tpu.memref_slice %arg2[%dma_start3A_260, %dma_start3A_261, %mul3A_259] : memref<4x4x120000xf32, #tpu.memory_space<hbm>> -> memref<4x4x384xf32, #tpu.memory_space<hbm>>
          %dma_start3A_263 = arith.constant 0 : i32
          %dma_start3A_264 = arith.constant 0 : i32
          %dma_start3A_265 = tpu.memref_slice %arg2[%dma_start3A_263, %dma_start3A_264, %mul3A_259] : memref<4x4x120000xf32, #tpu.memory_space<hbm>> -> memref<4x4x384xf32, #tpu.memory_space<hbm>>
          tpu.enqueue_dma source(%dma_start3A_265 : memref<4x4x384xf32, #tpu.memory_space<hbm>>) target(%arg16 : memref<4x4x384xf32, #tpu.memory_space<vmem>>) target_semaphore(%arg55 : memref<!tpu.dma_semaphore, #tpu.memory_space<semaphore_mem>>)
        } else {
        }
        %ge3A_161 = arith.constant 2 : i32
        %ge3A_162 = arith.cmpi sge, %add3A_150, %ge3A_161 : i32
        %convert_element_type3A_163 = arith.extui %ge3A_162 : i1 to i32
        %cond3A_164 = arith.constant 0 : i32
        %cond3A_165 = arith.cmpi ne, %convert_element_type3A_163, %cond3A_164 : i32
        scf.if %cond3A_165 {
          %sub3A_253 = arith.constant 2 : i32
          %sub3A_254 = arith.subi %add3A_150, %sub3A_253 : i32
          %mul3A_255 = arith.constant 32 : i32
          %mul3A_256 = arith.muli %sub3A_254, %mul3A_255 : i32
          %add3A_257 = arith.addi %mul3A_256, %add3A : i32
          %mul3A_258 = arith.constant 384 : i32
          %mul3A_259 = arith.muli %add3A_257, %mul3A_258 : i32
          %dma_wait3A_260 = arith.constant 0 : i32
          %dma_wait3A_261 = arith.constant 0 : i32
          %dma_wait3A_262 = tpu.memref_slice %arg3[%dma_wait3A_260, %dma_wait3A_261, %mul3A_259] : memref<4x4x120000xf32, #tpu.memory_space<hbm>> -> memref<4x4x384xf32, #tpu.memory_space<hbm>>
          %dma_wait3A_263 = arith.constant 0 : i32
          %dma_wait3A_264 = arith.constant 0 : i32
          %dma_wait3A_265 = tpu.memref_slice %arg3[%dma_wait3A_263, %dma_wait3A_264, %mul3A_259] : memref<4x4x120000xf32, #tpu.memory_space<hbm>> -> memref<4x4x384xf32, #tpu.memory_space<hbm>>
          tpu.wait_dma2 semaphore(%arg58 : memref<!tpu.dma_semaphore, #tpu.memory_space<semaphore_mem>>) src(%arg17 : memref<4x4x384xf32, #tpu.memory_space<vmem>>) dst(%dma_wait3A_265 : memref<4x4x384xf32, #tpu.memory_space<hbm>>)
          %dma_wait3A_266 = arith.constant 0 : i32
          %dma_wait3A_267 = tpu.memref_slice %arg4[%dma_wait3A_266, %mul3A_259] : memref<4x120000xi32, #tpu.memory_space<hbm>> -> memref<4x384xi32, #tpu.memory_space<hbm>>
          %dma_wait3A_268 = arith.constant 0 : i32
          %dma_wait3A_269 = tpu.memref_slice %arg4[%dma_wait3A_268, %mul3A_259] : memref<4x120000xi32, #tpu.memory_space<hbm>> -> memref<4x384xi32, #tpu.memory_space<hbm>>
          tpu.wait_dma2 semaphore(%arg58 : memref<!tpu.dma_semaphore, #tpu.memory_space<semaphore_mem>>) src(%arg30 : memref<4x384xi32, #tpu.memory_space<vmem>>) dst(%dma_wait3A_269 : memref<4x384xi32, #tpu.memory_space<hbm>>)
          %dma_wait3A_270 = arith.constant 0 : i32
          %dma_wait3A_271 = arith.constant 0 : i32
          %dma_wait3A_272 = tpu.memref_slice %arg5[%dma_wait3A_270, %dma_wait3A_271, %mul3A_259] : memref<4x2x120000xi32, #tpu.memory_space<hbm>> -> memref<4x2x384xi32, #tpu.memory_space<hbm>>
          %dma_wait3A_273 = arith.constant 0 : i32
          %dma_wait3A_274 = arith.constant 0 : i32
          %dma_wait3A_275 = tpu.memref_slice %arg5[%dma_wait3A_273, %dma_wait3A_274, %mul3A_259] : memref<4x2x120000xi32, #tpu.memory_space<hbm>> -> memref<4x2x384xi32, #tpu.memory_space<hbm>>
          tpu.wait_dma2 semaphore(%arg58 : memref<!tpu.dma_semaphore, #tpu.memory_space<semaphore_mem>>) src(%arg31 : memref<4x2x384xi32, #tpu.memory_space<vmem>>) dst(%dma_wait3A_275 : memref<4x2x384xi32, #tpu.memory_space<hbm>>)
          %dma_wait3A_276 = arith.constant 0 : i32
          %dma_wait3A_277 = arith.constant 0 : i32
          %dma_wait3A_278 = tpu.memref_slice %arg6[%dma_wait3A_276, %dma_wait3A_277, %mul3A_259] : memref<4x2x120000xf32, #tpu.memory_space<hbm>> -> memref<4x2x384xf32, #tpu.memory_space<hbm>>
          %dma_wait3A_279 = arith.constant 0 : i32
          %dma_wait3A_280 = arith.constant 0 : i32
          %dma_wait3A_281 = tpu.memref_slice %arg6[%dma_wait3A_279, %dma_wait3A_280, %mul3A_259] : memref<4x2x120000xf32, #tpu.memory_space<hbm>> -> memref<4x2x384xf32, #tpu.memory_space<hbm>>
          tpu.wait_dma2 semaphore(%arg58 : memref<!tpu.dma_semaphore, #tpu.memory_space<semaphore_mem>>) src(%arg32 : memref<4x2x384xf32, #tpu.memory_space<vmem>>) dst(%dma_wait3A_281 : memref<4x2x384xf32, #tpu.memory_space<hbm>>)
          %dma_wait3A_282 = arith.constant 0 : i32
          %dma_wait3A_283 = tpu.memref_slice %arg7[%dma_wait3A_282, %mul3A_259] : memref<4x120000xi32, #tpu.memory_space<hbm>> -> memref<4x384xi32, #tpu.memory_space<hbm>>
          %dma_wait3A_284 = arith.constant 0 : i32
          %dma_wait3A_285 = tpu.memref_slice %arg7[%dma_wait3A_284, %mul3A_259] : memref<4x120000xi32, #tpu.memory_space<hbm>> -> memref<4x384xi32, #tpu.memory_space<hbm>>
          tpu.wait_dma2 semaphore(%arg58 : memref<!tpu.dma_semaphore, #tpu.memory_space<semaphore_mem>>) src(%arg33 : memref<4x384xi32, #tpu.memory_space<vmem>>) dst(%dma_wait3A_285 : memref<4x384xi32, #tpu.memory_space<hbm>>)
          %dma_wait3A_286 = arith.constant 0 : i32
          %dma_wait3A_287 = arith.constant 0 : i32
          %dma_wait3A_288 = tpu.memref_slice %arg8[%dma_wait3A_286, %dma_wait3A_287, %mul3A_259] : memref<3x4x120000xi32, #tpu.memory_space<hbm>> -> memref<3x4x384xi32, #tpu.memory_space<hbm>>
          %dma_wait3A_289 = arith.constant 0 : i32
          %dma_wait3A_290 = arith.constant 0 : i32
          %dma_wait3A_291 = tpu.memref_slice %arg8[%dma_wait3A_289, %dma_wait3A_290, %mul3A_259] : memref<3x4x120000xi32, #tpu.memory_space<hbm>> -> memref<3x4x384xi32, #tpu.memory_space<hbm>>
          tpu.wait_dma2 semaphore(%arg58 : memref<!tpu.dma_semaphore, #tpu.memory_space<semaphore_mem>>) src(%arg34 : memref<3x4x384xi32, #tpu.memory_space<vmem>>) dst(%dma_wait3A_291 : memref<3x4x384xi32, #tpu.memory_space<hbm>>)
          %dma_wait3A_292 = arith.constant 0 : i32
          %dma_wait3A_293 = arith.constant 0 : i32
          %dma_wait3A_294 = tpu.memref_slice %arg9[%dma_wait3A_292, %dma_wait3A_293, %mul3A_259] : memref<4x2x120000xf32, #tpu.memory_space<hbm>> -> memref<4x2x384xf32, #tpu.memory_space<hbm>>
          %dma_wait3A_295 = arith.constant 0 : i32
          %dma_wait3A_296 = arith.constant 0 : i32
          %dma_wait3A_297 = tpu.memref_slice %arg9[%dma_wait3A_295, %dma_wait3A_296, %mul3A_259] : memref<4x2x120000xf32, #tpu.memory_space<hbm>> -> memref<4x2x384xf32, #tpu.memory_space<hbm>>
          tpu.wait_dma2 semaphore(%arg58 : memref<!tpu.dma_semaphore, #tpu.memory_space<semaphore_mem>>) src(%arg35 : memref<4x2x384xf32, #tpu.memory_space<vmem>>) dst(%dma_wait3A_297 : memref<4x2x384xf32, #tpu.memory_space<hbm>>)
          %dma_wait3A_298 = arith.constant 0 : i32
          %dma_wait3A_299 = tpu.memref_slice %arg10[%dma_wait3A_298, %mul3A_259] : memref<4x120000xi32, #tpu.memory_space<hbm>> -> memref<4x384xi32, #tpu.memory_space<hbm>>
          %dma_wait3A_300 = arith.constant 0 : i32
          %dma_wait3A_301 = tpu.memref_slice %arg10[%dma_wait3A_300, %mul3A_259] : memref<4x120000xi32, #tpu.memory_space<hbm>> -> memref<4x384xi32, #tpu.memory_space<hbm>>
          tpu.wait_dma2 semaphore(%arg58 : memref<!tpu.dma_semaphore, #tpu.memory_space<semaphore_mem>>) src(%arg36 : memref<4x384xi32, #tpu.memory_space<vmem>>) dst(%dma_wait3A_301 : memref<4x384xi32, #tpu.memory_space<hbm>>)
          %dma_wait3A_302 = arith.constant 0 : i32
          %dma_wait3A_303 = arith.constant 0 : i32
          %dma_wait3A_304 = tpu.memref_slice %arg11[%dma_wait3A_302, %dma_wait3A_303, %mul3A_259] : memref<4x2x120000xi32, #tpu.memory_space<hbm>> -> memref<4x2x384xi32, #tpu.memory_space<hbm>>
          %dma_wait3A_305 = arith.constant 0 : i32
          %dma_wait3A_306 = arith.constant 0 : i32
          %dma_wait3A_307 = tpu.memref_slice %arg11[%dma_wait3A_305, %dma_wait3A_306, %mul3A_259] : memref<4x2x120000xi32, #tpu.memory_space<hbm>> -> memref<4x2x384xi32, #tpu.memory_space<hbm>>
          tpu.wait_dma2 semaphore(%arg58 : memref<!tpu.dma_semaphore, #tpu.memory_space<semaphore_mem>>) src(%arg37 : memref<4x2x384xi32, #tpu.memory_space<vmem>>) dst(%dma_wait3A_307 : memref<4x2x384xi32, #tpu.memory_space<hbm>>)
          %dma_wait3A_308 = arith.constant 0 : i32
          %dma_wait3A_309 = arith.constant 0 : i32
          %dma_wait3A_310 = tpu.memref_slice %arg12[%dma_wait3A_308, %dma_wait3A_309, %mul3A_259] : memref<4x2x120000xf32, #tpu.memory_space<hbm>> -> memref<4x2x384xf32, #tpu.memory_space<hbm>>
          %dma_wait3A_311 = arith.constant 0 : i32
          %dma_wait3A_312 = arith.constant 0 : i32
          %dma_wait3A_313 = tpu.memref_slice %arg12[%dma_wait3A_311, %dma_wait3A_312, %mul3A_259] : memref<4x2x120000xf32, #tpu.memory_space<hbm>> -> memref<4x2x384xf32, #tpu.memory_space<hbm>>
          tpu.wait_dma2 semaphore(%arg58 : memref<!tpu.dma_semaphore, #tpu.memory_space<semaphore_mem>>) src(%arg38 : memref<4x2x384xf32, #tpu.memory_space<vmem>>) dst(%dma_wait3A_313 : memref<4x2x384xf32, #tpu.memory_space<hbm>>)
          %dma_wait3A_314 = arith.constant 0 : i32
          %dma_wait3A_315 = tpu.memref_slice %arg13[%dma_wait3A_314, %mul3A_259] : memref<4x120000xi32, #tpu.memory_space<hbm>> -> memref<4x384xi32, #tpu.memory_space<hbm>>
          %dma_wait3A_316 = arith.constant 0 : i32
          %dma_wait3A_317 = tpu.memref_slice %arg13[%dma_wait3A_316, %mul3A_259] : memref<4x120000xi32, #tpu.memory_space<hbm>> -> memref<4x384xi32, #tpu.memory_space<hbm>>
          tpu.wait_dma2 semaphore(%arg58 : memref<!tpu.dma_semaphore, #tpu.memory_space<semaphore_mem>>) src(%arg39 : memref<4x384xi32, #tpu.memory_space<vmem>>) dst(%dma_wait3A_317 : memref<4x384xi32, #tpu.memory_space<hbm>>)
          %dma_wait3A_318 = arith.constant 0 : i32
          %dma_wait3A_319 = arith.constant 0 : i32
          %dma_wait3A_320 = tpu.memref_slice %arg14[%dma_wait3A_318, %dma_wait3A_319, %mul3A_259] : memref<3x4x120000xi32, #tpu.memory_space<hbm>> -> memref<3x4x384xi32, #tpu.memory_space<hbm>>
          %dma_wait3A_321 = arith.constant 0 : i32
          %dma_wait3A_322 = arith.constant 0 : i32
          %dma_wait3A_323 = tpu.memref_slice %arg14[%dma_wait3A_321, %dma_wait3A_322, %mul3A_259] : memref<3x4x120000xi32, #tpu.memory_space<hbm>> -> memref<3x4x384xi32, #tpu.memory_space<hbm>>
          tpu.wait_dma2 semaphore(%arg58 : memref<!tpu.dma_semaphore, #tpu.memory_space<semaphore_mem>>) src(%arg40 : memref<3x4x384xi32, #tpu.memory_space<vmem>>) dst(%dma_wait3A_323 : memref<3x4x384xi32, #tpu.memory_space<hbm>>)
          %dma_wait3A_324 = arith.constant 0 : i32
          %dma_wait3A_325 = arith.constant 0 : i32
          %dma_wait3A_326 = tpu.memref_slice %arg15[%dma_wait3A_324, %dma_wait3A_325, %mul3A_259] : memref<4x2x120000xf32, #tpu.memory_space<hbm>> -> memref<4x2x384xf32, #tpu.memory_space<hbm>>
          %dma_wait3A_327 = arith.constant 0 : i32
          %dma_wait3A_328 = arith.constant 0 : i32
          %dma_wait3A_329 = tpu.memref_slice %arg15[%dma_wait3A_327, %dma_wait3A_328, %mul3A_259] : memref<4x2x120000xf32, #tpu.memory_space<hbm>> -> memref<4x2x384xf32, #tpu.memory_space<hbm>>
          tpu.wait_dma2 semaphore(%arg58 : memref<!tpu.dma_semaphore, #tpu.memory_space<semaphore_mem>>) src(%arg41 : memref<4x2x384xf32, #tpu.memory_space<vmem>>) dst(%dma_wait3A_329 : memref<4x2x384xf32, #tpu.memory_space<hbm>>)
        } else {
        }
        %dma_wait3A = arith.constant 0 : i32
        %dma_wait3A_166 = arith.constant 0 : i32
        %dma_wait3A_167 = arith.constant 0 : i32
        %dma_wait3A_168 = tpu.memref_slice %arg2[%dma_wait3A, %dma_wait3A_166, %dma_wait3A_167] : memref<4x4x120000xf32, #tpu.memory_space<hbm>> -> memref<4x4x384xf32, #tpu.memory_space<hbm>>
        %dma_wait3A_169 = arith.constant 0 : i32
        %dma_wait3A_170 = arith.constant 0 : i32
        %dma_wait3A_171 = arith.constant 0 : i32
        %dma_wait3A_172 = tpu.memref_slice %arg2[%dma_wait3A_169, %dma_wait3A_170, %dma_wait3A_171] : memref<4x4x120000xf32, #tpu.memory_space<hbm>> -> memref<4x4x384xf32, #tpu.memory_space<hbm>>
        tpu.wait_dma2 semaphore(%arg56 : memref<!tpu.dma_semaphore, #tpu.memory_space<semaphore_mem>>) src(%dma_wait3A_172 : memref<4x4x384xf32, #tpu.memory_space<hbm>>) dst(%arg17 : memref<4x4x384xf32, #tpu.memory_space<vmem>>)
        %scan3A_173 = arith.constant 0 : i32
        %scan3A_174 = arith.constant 24 : i32
        %scan3A_175 = arith.addi %scan3A_173, %scan3A_174 : i32
        %scan3A_176 = arith.constant 1 : i32
        scf.for %scan3A_253 = %scan3A_173 to %scan3A_175 step %scan3A_176  : i32 {
          %mul3A_254 = arith.constant 16 : i32
          %mul3A_255 = arith.muli %scan3A_253, %mul3A_254 : i32
          %get3A = arith.constant 0 : i32
          %get3A_256 = arith.constant 0 : i32
          %get3A_257 = arith.index_cast %get3A : i32 to index
          %get3A_258 = arith.index_cast %get3A_256 : i32 to index
          %get3A_259 = arith.index_cast %mul3A_255 : i32 to index
          %get3A_260 = tpu.vector_load %arg17[%get3A_257, %get3A_258, %get3A_259] {strides = array<i32>} : memref<4x4x384xf32, #tpu.memory_space<vmem>>, vector<16xf32>,
          %get3A_261 = arith.constant 0 : i32
          %get3A_262 = arith.constant 1 : i32
          %get3A_263 = arith.index_cast %get3A_261 : i32 to index
          %get3A_264 = arith.index_cast %get3A_262 : i32 to index
          %get3A_265 = arith.index_cast %mul3A_255 : i32 to index
          %get3A_266 = tpu.vector_load %arg17[%get3A_263, %get3A_264, %get3A_265] {strides = array<i32>} : memref<4x4x384xf32, #tpu.memory_space<vmem>>, vector<16xf32>,
          %get3A_267 = arith.constant 0 : i32
          %get3A_268 = arith.constant 2 : i32
          %get3A_269 = arith.index_cast %get3A_267 : i32 to index
          %get3A_270 = arith.index_cast %get3A_268 : i32 to index
          %get3A_271 = arith.index_cast %mul3A_255 : i32 to index
          %get3A_272 = tpu.vector_load %arg17[%get3A_269, %get3A_270, %get3A_271] {strides = array<i32>} : memref<4x4x384xf32, #tpu.memory_space<vmem>>, vector<16xf32>,
          %add3A_273 = arith.constant 5.000000e+01 : f32
          %add3A_274 = vector.broadcast %add3A_273 : f32 to vector<16xf32>
          %add3A_275 = arith.addf %get3A_260, %add3A_274 : vector<16xf32>
          %mul3A_276 = arith.constant 2.000000e+00 : f32
          %mul3A_277 = vector.broadcast %mul3A_276 : f32 to vector<16xf32>
          %mul3A_278 = arith.mulf %add3A_275, %mul3A_277 : vector<16xf32>
          %add3A_279 = arith.constant 5.000000e+01 : f32
          %add3A_280 = vector.broadcast %add3A_279 : f32 to vector<16xf32>
          %add3A_281 = arith.addf %get3A_266, %add3A_280 : vector<16xf32>
          %mul3A_282 = arith.constant 2.000000e+00 : f32
          %mul3A_283 = vector.broadcast %mul3A_282 : f32 to vector<16xf32>
          %mul3A_284 = arith.mulf %add3A_281, %mul3A_283 : vector<16xf32>
          %add3A_285 = arith.constant 4.000000e+00 : f32
          %add3A_286 = vector.broadcast %add3A_285 : f32 to vector<16xf32>
          %add3A_287 = arith.addf %get3A_272, %add3A_286 : vector<16xf32>
          %mul3A_288 = arith.constant 5.000000e+00 : f32
          %mul3A_289 = vector.broadcast %mul3A_288 : f32 to vector<16xf32>
          %mul3A_290 = arith.mulf %add3A_287, %mul3A_289 : vector<16xf32>
          %add3A_291 = arith.addf %mul3A_278, %mul3A_278 : vector<16xf32>
          %add3A_292 = arith.addf %mul3A_284, %mul3A_284 : vector<16xf32>
          %add3A_293 = arith.addf %mul3A_290, %mul3A_290 : vector<16xf32>
          %convert_element_type3A_294 = arith.fptosi %add3A_291 : vector<16xf32> to vector<16xi32>
          %convert_element_type3A_295 = arith.fptosi %add3A_292 : vector<16xf32> to vector<16xi32>
          %convert_element_type3A_296 = arith.fptosi %add3A_293 : vector<16xf32> to vector<16xi32>
          %convert_element_type3A_297 = arith.sitofp %convert_element_type3A_294 : vector<16xi32> to vector<16xf32>
          %sub3A_298 = arith.subf %add3A_291, %convert_element_type3A_297 : vector<16xf32>
          %convert_element_type3A_299 = arith.sitofp %convert_element_type3A_295 : vector<16xi32> to vector<16xf32>
          %sub3A_300 = arith.subf %add3A_292, %convert_element_type3A_299 : vector<16xf32>
          %convert_element_type3A_301 = arith.sitofp %convert_element_type3A_296 : vector<16xi32> to vector<16xf32>
          %sub3A_302 = arith.subf %add3A_293, %convert_element_type3A_301 : vector<16xf32>
          %mul3A_303 = arith.constant 400 : i32
          %mul3A_304 = vector.broadcast %mul3A_303 : i32 to vector<16xi32>
          %mul3A_305 = arith.muli %convert_element_type3A_294, %mul3A_304 : vector<16xi32>
          %add3A_306 = arith.addi %mul3A_305, %convert_element_type3A_295 : vector<16xi32>
          %swap3A = arith.constant 0 : i32
          %swap3A_307 = arith.index_cast %swap3A : i32 to index
          %swap3A_308 = arith.index_cast %mul3A_255 : i32 to index
          %swap3A_309 = tpu.vector_load %arg30[%swap3A_307, %swap3A_308] {strides = array<i32>} : memref<4x384xi32, #tpu.memory_space<vmem>>, vector<16xi32>,
          tpu.vector_store %arg30[%swap3A_307, %swap3A_308], %add3A_306 {strides = array<i32>} : memref<4x384xi32, #tpu.memory_space<vmem>>, vector<16xi32>,
          %mul3A_310 = arith.constant 24000 : i32
          %mul3A_311 = vector.broadcast %mul3A_310 : i32 to vector<16xi32>
          %mul3A_312 = arith.muli %convert_element_type3A_294, %mul3A_311 : vector<16xi32>
          %mul3A_313 = arith.constant 60 : i32
          %mul3A_314 = vector.broadcast %mul3A_313 : i32 to vector<16xi32>
          %mul3A_315 = arith.muli %convert_element_type3A_295, %mul3A_314 : vector<16xi32>
          %add3A_316 = arith.addi %mul3A_312, %mul3A_315 : vector<16xi32>
          %add3A_317 = arith.addi %add3A_316, %convert_element_type3A_296 : vector<16xi32>
          %swap3A_318 = arith.constant 0 : i32
          %swap3A_319 = arith.index_cast %swap3A_318 : i32 to index
          %swap3A_320 = arith.index_cast %mul3A_255 : i32 to index
          %swap3A_321 = tpu.vector_load %arg33[%swap3A_319, %swap3A_320] {strides = array<i32>} : memref<4x384xi32, #tpu.memory_space<vmem>>, vector<16xi32>,
          tpu.vector_store %arg33[%swap3A_319, %swap3A_320], %add3A_317 {strides = array<i32>} : memref<4x384xi32, #tpu.memory_space<vmem>>, vector<16xi32>,
          %swap3A_322 = arith.constant 0 : i32
          %swap3A_323 = arith.constant 0 : i32
          %swap3A_324 = arith.index_cast %swap3A_322 : i32 to index
          %swap3A_325 = arith.index_cast %swap3A_323 : i32 to index
          %swap3A_326 = arith.index_cast %mul3A_255 : i32 to index
          %swap3A_327 = tpu.vector_load %arg31[%swap3A_324, %swap3A_325, %swap3A_326] {strides = array<i32>} : memref<4x2x384xi32, #tpu.memory_space<vmem>>, vector<16xi32>,
          tpu.vector_store %arg31[%swap3A_324, %swap3A_325, %swap3A_326], %convert_element_type3A_294 {strides = array<i32>} : memref<4x2x384xi32, #tpu.memory_space<vmem>>, vector<16xi32>,
          %swap3A_328 = arith.constant 0 : i32
          %swap3A_329 = arith.constant 1 : i32
          %swap3A_330 = arith.index_cast %swap3A_328 : i32 to index
          %swap3A_331 = arith.index_cast %swap3A_329 : i32 to index
          %swap3A_332 = arith.index_cast %mul3A_255 : i32 to index
          %swap3A_333 = tpu.vector_load %arg31[%swap3A_330, %swap3A_331, %swap3A_332] {strides = array<i32>} : memref<4x2x384xi32, #tpu.memory_space<vmem>>, vector<16xi32>,
          tpu.vector_store %arg31[%swap3A_330, %swap3A_331, %swap3A_332], %convert_element_type3A_295 {strides = array<i32>} : memref<4x2x384xi32, #tpu.memory_space<vmem>>, vector<16xi32>,
          %swap3A_334 = arith.constant 0 : i32
          %swap3A_335 = arith.constant 0 : i32
          %swap3A_336 = arith.index_cast %swap3A_334 : i32 to index
          %swap3A_337 = arith.index_cast %swap3A_335 : i32 to index
          %swap3A_338 = arith.index_cast %mul3A_255 : i32 to index
          %swap3A_339 = tpu.vector_load %arg32[%swap3A_336, %swap3A_337, %swap3A_338] {strides = array<i32>} : memref<4x2x384xf32, #tpu.memory_space<vmem>>, vector<16xf32>,
          tpu.vector_store %arg32[%swap3A_336, %swap3A_337, %swap3A_338], %sub3A_298 {strides = array<i32>} : memref<4x2x384xf32, #tpu.memory_space<vmem>>, vector<16xf32>,
          %swap3A_340 = arith.constant 0 : i32
          %swap3A_341 = arith.constant 1 : i32
          %swap3A_342 = arith.index_cast %swap3A_340 : i32 to index
          %swap3A_343 = arith.index_cast %swap3A_341 : i32 to index
          %swap3A_344 = arith.index_cast %mul3A_255 : i32 to index
          %swap3A_345 = tpu.vector_load %arg32[%swap3A_342, %swap3A_343, %swap3A_344] {strides = array<i32>} : memref<4x2x384xf32, #tpu.memory_space<vmem>>, vector<16xf32>,
          tpu.vector_store %arg32[%swap3A_342, %swap3A_343, %swap3A_344], %sub3A_300 {strides = array<i32>} : memref<4x2x384xf32, #tpu.memory_space<vmem>>, vector<16xf32>,
          %swap3A_346 = arith.constant 0 : i32
          %swap3A_347 = arith.constant 0 : i32
          %swap3A_348 = arith.index_cast %swap3A_346 : i32 to index
          %swap3A_349 = arith.index_cast %swap3A_347 : i32 to index
          %swap3A_350 = arith.index_cast %mul3A_255 : i32 to index
          %swap3A_351 = tpu.vector_load %arg34[%swap3A_348, %swap3A_349, %swap3A_350] {strides = array<i32>} : memref<3x4x384xi32, #tpu.memory_space<vmem>>, vector<16xi32>,
          tpu.vector_store %arg34[%swap3A_348, %swap3A_349, %swap3A_350], %convert_element_type3A_294 {strides = array<i32>} : memref<3x4x384xi32, #tpu.memory_space<vmem>>, vector<16xi32>,
          %swap3A_352 = arith.constant 1 : i32
          %swap3A_353 = arith.constant 0 : i32
          %swap3A_354 = arith.index_cast %swap3A_352 : i32 to index
          %swap3A_355 = arith.index_cast %swap3A_353 : i32 to index
          %swap3A_356 = arith.index_cast %mul3A_255 : i32 to index
          %swap3A_357 = tpu.vector_load %arg34[%swap3A_354, %swap3A_355, %swap3A_356] {strides = array<i32>} : memref<3x4x384xi32, #tpu.memory_space<vmem>>, vector<16xi32>,
          tpu.vector_store %arg34[%swap3A_354, %swap3A_355, %swap3A_356], %convert_element_type3A_295 {strides = array<i32>} : memref<3x4x384xi32, #tpu.memory_space<vmem>>, vector<16xi32>,
          %swap3A_358 = arith.constant 2 : i32
          %swap3A_359 = arith.constant 0 : i32
          %swap3A_360 = arith.index_cast %swap3A_358 : i32 to index
          %swap3A_361 = arith.index_cast %swap3A_359 : i32 to index
          %swap3A_362 = arith.index_cast %mul3A_255 : i32 to index
          %swap3A_363 = tpu.vector_load %arg34[%swap3A_360, %swap3A_361, %swap3A_362] {strides = array<i32>} : memref<3x4x384xi32, #tpu.memory_space<vmem>>, vector<16xi32>,
          tpu.vector_store %arg34[%swap3A_360, %swap3A_361, %swap3A_362], %convert_element_type3A_296 {strides = array<i32>} : memref<3x4x384xi32, #tpu.memory_space<vmem>>, vector<16xi32>,
          %swap3A_364 = arith.constant 0 : i32
          %swap3A_365 = arith.constant 0 : i32
          %swap3A_366 = arith.index_cast %swap3A_364 : i32 to index
          %swap3A_367 = arith.index_cast %swap3A_365 : i32 to index
          %swap3A_368 = arith.index_cast %mul3A_255 : i32 to index
          %swap3A_369 = tpu.vector_load %arg35[%swap3A_366, %swap3A_367, %swap3A_368] {strides = array<i32>} : memref<4x2x384xf32, #tpu.memory_space<vmem>>, vector<16xf32>,
          tpu.vector_store %arg35[%swap3A_366, %swap3A_367, %swap3A_368], %sub3A_298 {strides = array<i32>} : memref<4x2x384xf32, #tpu.memory_space<vmem>>, vector<16xf32>,
          %swap3A_370 = arith.constant 0 : i32
          %swap3A_371 = arith.constant 1 : i32
          %swap3A_372 = arith.index_cast %swap3A_370 : i32 to index
          %swap3A_373 = arith.index_cast %swap3A_371 : i32 to index
          %swap3A_374 = arith.index_cast %mul3A_255 : i32 to index
          %swap3A_375 = tpu.vector_load %arg35[%swap3A_372, %swap3A_373, %swap3A_374] {strides = array<i32>} : memref<4x2x384xf32, #tpu.memory_space<vmem>>, vector<16xf32>,
          tpu.vector_store %arg35[%swap3A_372, %swap3A_373, %swap3A_374], %sub3A_302 {strides = array<i32>} : memref<4x2x384xf32, #tpu.memory_space<vmem>>, vector<16xf32>,
          %convert_element_type3A_376 = arith.fptosi %mul3A_278 : vector<16xf32> to vector<16xi32>
          %convert_element_type3A_377 = arith.fptosi %mul3A_284 : vector<16xf32> to vector<16xi32>
          %convert_element_type3A_378 = arith.fptosi %mul3A_290 : vector<16xf32> to vector<16xi32>
          %convert_element_type3A_379 = arith.sitofp %convert_element_type3A_376 : vector<16xi32> to vector<16xf32>
          %sub3A_380 = arith.subf %mul3A_278, %convert_element_type3A_379 : vector<16xf32>
          %convert_element_type3A_381 = arith.sitofp %convert_element_type3A_377 : vector<16xi32> to vector<16xf32>
          %sub3A_382 = arith.subf %mul3A_284, %convert_element_type3A_381 : vector<16xf32>
          %convert_element_type3A_383 = arith.sitofp %convert_element_type3A_378 : vector<16xi32> to vector<16xf32>
          %sub3A_384 = arith.subf %mul3A_290, %convert_element_type3A_383 : vector<16xf32>
          %mul3A_385 = arith.constant 200 : i32
          %mul3A_386 = vector.broadcast %mul3A_385 : i32 to vector<16xi32>
          %mul3A_387 = arith.muli %convert_element_type3A_376, %mul3A_386 : vector<16xi32>
          %add3A_388 = arith.addi %mul3A_387, %convert_element_type3A_377 : vector<16xi32>
          %swap3A_389 = arith.constant 0 : i32
          %swap3A_390 = arith.index_cast %swap3A_389 : i32 to index
          %swap3A_391 = arith.index_cast %mul3A_255 : i32 to index
          %swap3A_392 = tpu.vector_load %arg36[%swap3A_390, %swap3A_391] {strides = array<i32>} : memref<4x384xi32, #tpu.memory_space<vmem>>, vector<16xi32>,
          tpu.vector_store %arg36[%swap3A_390, %swap3A_391], %add3A_388 {strides = array<i32>} : memref<4x384xi32, #tpu.memory_space<vmem>>, vector<16xi32>,
          %mul3A_393 = arith.constant 6000 : i32
          %mul3A_394 = vector.broadcast %mul3A_393 : i32 to vector<16xi32>
          %mul3A_395 = arith.muli %convert_element_type3A_376, %mul3A_394 : vector<16xi32>
          %mul3A_396 = arith.constant 30 : i32
          %mul3A_397 = vector.broadcast %mul3A_396 : i32 to vector<16xi32>
          %mul3A_398 = arith.muli %convert_element_type3A_377, %mul3A_397 : vector<16xi32>
          %add3A_399 = arith.addi %mul3A_395, %mul3A_398 : vector<16xi32>
          %add3A_400 = arith.addi %add3A_399, %convert_element_type3A_378 : vector<16xi32>
          %swap3A_401 = arith.constant 0 : i32
          %swap3A_402 = arith.index_cast %swap3A_401 : i32 to index
          %swap3A_403 = arith.index_cast %mul3A_255 : i32 to index
          %swap3A_404 = tpu.vector_load %arg39[%swap3A_402, %swap3A_403] {strides = array<i32>} : memref<4x384xi32, #tpu.memory_space<vmem>>, vector<16xi32>,
          tpu.vector_store %arg39[%swap3A_402, %swap3A_403], %add3A_400 {strides = array<i32>} : memref<4x384xi32, #tpu.memory_space<vmem>>, vector<16xi32>,
          %swap3A_405 = arith.constant 0 : i32
          %swap3A_406 = arith.constant 0 : i32
          %swap3A_407 = arith.index_cast %swap3A_405 : i32 to index
          %swap3A_408 = arith.index_cast %swap3A_406 : i32 to index
          %swap3A_409 = arith.index_cast %mul3A_255 : i32 to index
          %swap3A_410 = tpu.vector_load %arg37[%swap3A_407, %swap3A_408, %swap3A_409] {strides = array<i32>} : memref<4x2x384xi32, #tpu.memory_space<vmem>>, vector<16xi32>,
          tpu.vector_store %arg37[%swap3A_407, %swap3A_408, %swap3A_409], %convert_element_type3A_376 {strides = array<i32>} : memref<4x2x384xi32, #tpu.memory_space<vmem>>, vector<16xi32>,
          %swap3A_411 = arith.constant 0 : i32
          %swap3A_412 = arith.constant 1 : i32
          %swap3A_413 = arith.index_cast %swap3A_411 : i32 to index
          %swap3A_414 = arith.index_cast %swap3A_412 : i32 to index
          %swap3A_415 = arith.index_cast %mul3A_255 : i32 to index
          %swap3A_416 = tpu.vector_load %arg37[%swap3A_413, %swap3A_414, %swap3A_415] {strides = array<i32>} : memref<4x2x384xi32, #tpu.memory_space<vmem>>, vector<16xi32>,
          tpu.vector_store %arg37[%swap3A_413, %swap3A_414, %swap3A_415], %convert_element_type3A_377 {strides = array<i32>} : memref<4x2x384xi32, #tpu.memory_space<vmem>>, vector<16xi32>,
          %swap3A_417 = arith.constant 0 : i32
          %swap3A_418 = arith.constant 0 : i32
          %swap3A_419 = arith.index_cast %swap3A_417 : i32 to index
          %swap3A_420 = arith.index_cast %swap3A_418 : i32 to index
          %swap3A_421 = arith.index_cast %mul3A_255 : i32 to index
          %swap3A_422 = tpu.vector_load %arg38[%swap3A_419, %swap3A_420, %swap3A_421] {strides = array<i32>} : memref<4x2x384xf32, #tpu.memory_space<vmem>>, vector<16xf32>,
          tpu.vector_store %arg38[%swap3A_419, %swap3A_420, %swap3A_421], %sub3A_380 {strides = array<i32>} : memref<4x2x384xf32, #tpu.memory_space<vmem>>, vector<16xf32>,
          %swap3A_423 = arith.constant 0 : i32
          %swap3A_424 = arith.constant 1 : i32
          %swap3A_425 = arith.index_cast %swap3A_423 : i32 to index
          %swap3A_426 = arith.index_cast %swap3A_424 : i32 to index
          %swap3A_427 = arith.index_cast %mul3A_255 : i32 to index
          %swap3A_428 = tpu.vector_load %arg38[%swap3A_425, %swap3A_426, %swap3A_427] {strides = array<i32>} : memref<4x2x384xf32, #tpu.memory_space<vmem>>, vector<16xf32>,
          tpu.vector_store %arg38[%swap3A_425, %swap3A_426, %swap3A_427], %sub3A_382 {strides = array<i32>} : memref<4x2x384xf32, #tpu.memory_space<vmem>>, vector<16xf32>,
          %swap3A_429 = arith.constant 0 : i32
          %swap3A_430 = arith.constant 0 : i32
          %swap3A_431 = arith.index_cast %swap3A_429 : i32 to index
          %swap3A_432 = arith.index_cast %swap3A_430 : i32 to index
          %swap3A_433 = arith.index_cast %mul3A_255 : i32 to index
          %swap3A_434 = tpu.vector_load %arg40[%swap3A_431, %swap3A_432, %swap3A_433] {strides = array<i32>} : memref<3x4x384xi32, #tpu.memory_space<vmem>>, vector<16xi32>,
          tpu.vector_store %arg40[%swap3A_431, %swap3A_432, %swap3A_433], %convert_element_type3A_376 {strides = array<i32>} : memref<3x4x384xi32, #tpu.memory_space<vmem>>, vector<16xi32>,
          %swap3A_435 = arith.constant 1 : i32
          %swap3A_436 = arith.constant 0 : i32
          %swap3A_437 = arith.index_cast %swap3A_435 : i32 to index
          %swap3A_438 = arith.index_cast %swap3A_436 : i32 to index
          %swap3A_439 = arith.index_cast %mul3A_255 : i32 to index
          %swap3A_440 = tpu.vector_load %arg40[%swap3A_437, %swap3A_438, %swap3A_439] {strides = array<i32>} : memref<3x4x384xi32, #tpu.memory_space<vmem>>, vector<16xi32>,
          tpu.vector_store %arg40[%swap3A_437, %swap3A_438, %swap3A_439], %convert_element_type3A_377 {strides = array<i32>} : memref<3x4x384xi32, #tpu.memory_space<vmem>>, vector<16xi32>,
          %swap3A_441 = arith.constant 2 : i32
          %swap3A_442 = arith.constant 0 : i32
          %swap3A_443 = arith.index_cast %swap3A_441 : i32 to index
          %swap3A_444 = arith.index_cast %swap3A_442 : i32 to index
          %swap3A_445 = arith.index_cast %mul3A_255 : i32 to index
          %swap3A_446 = tpu.vector_load %arg40[%swap3A_443, %swap3A_444, %swap3A_445] {strides = array<i32>} : memref<3x4x384xi32, #tpu.memory_space<vmem>>, vector<16xi32>,
          tpu.vector_store %arg40[%swap3A_443, %swap3A_444, %swap3A_445], %convert_element_type3A_378 {strides = array<i32>} : memref<3x4x384xi32, #tpu.memory_space<vmem>>, vector<16xi32>,
          %swap3A_447 = arith.constant 0 : i32
          %swap3A_448 = arith.constant 0 : i32
          %swap3A_449 = arith.index_cast %swap3A_447 : i32 to index
          %swap3A_450 = arith.index_cast %swap3A_448 : i32 to index
          %swap3A_451 = arith.index_cast %mul3A_255 : i32 to index
          %swap3A_452 = tpu.vector_load %arg41[%swap3A_449, %swap3A_450, %swap3A_451] {strides = array<i32>} : memref<4x2x384xf32, #tpu.memory_space<vmem>>, vector<16xf32>,
          tpu.vector_store %arg41[%swap3A_449, %swap3A_450, %swap3A_451], %sub3A_380 {strides = array<i32>} : memref<4x2x384xf32, #tpu.memory_space<vmem>>, vector<16xf32>,
          %swap3A_453 = arith.constant 0 : i32
          %swap3A_454 = arith.constant 1 : i32
          %swap3A_455 = arith.index_cast %swap3A_453 : i32 to index
          %swap3A_456 = arith.index_cast %swap3A_454 : i32 to index
          %swap3A_457 = arith.index_cast %mul3A_255 : i32 to index
          %swap3A_458 = tpu.vector_load %arg41[%swap3A_455, %swap3A_456, %swap3A_457] {strides = array<i32>} : memref<4x2x384xf32, #tpu.memory_space<vmem>>, vector<16xf32>,
          tpu.vector_store %arg41[%swap3A_455, %swap3A_456, %swap3A_457], %sub3A_384 {strides = array<i32>} : memref<4x2x384xf32, #tpu.memory_space<vmem>>, vector<16xf32>,
          %mul3A_459 = arith.constant 16 : i32
          %mul3A_460 = arith.muli %scan3A_253, %mul3A_459 : i32
          %get3A_461 = arith.constant 1 : i32
          %get3A_462 = arith.constant 0 : i32
          %get3A_463 = arith.index_cast %get3A_461 : i32 to index
          %get3A_464 = arith.index_cast %get3A_462 : i32 to index
          %get3A_465 = arith.index_cast %mul3A_460 : i32 to index
          %get3A_466 = tpu.vector_load %arg17[%get3A_463, %get3A_464, %get3A_465] {strides = array<i32>} : memref<4x4x384xf32, #tpu.memory_space<vmem>>, vector<16xf32>,
          %get3A_467 = arith.constant 1 : i32
          %get3A_468 = arith.constant 1 : i32
          %get3A_469 = arith.index_cast %get3A_467 : i32 to index
          %get3A_470 = arith.index_cast %get3A_468 : i32 to index
          %get3A_471 = arith.index_cast %mul3A_460 : i32 to index
          %get3A_472 = tpu.vector_load %arg17[%get3A_469, %get3A_470, %get3A_471] {strides = array<i32>} : memref<4x4x384xf32, #tpu.memory_space<vmem>>, vector<16xf32>,
          %get3A_473 = arith.constant 1 : i32
          %get3A_474 = arith.constant 2 : i32
          %get3A_475 = arith.index_cast %get3A_473 : i32 to index
          %get3A_476 = arith.index_cast %get3A_474 : i32 to index
          %get3A_477 = arith.index_cast %mul3A_460 : i32 to index
          %get3A_478 = tpu.vector_load %arg17[%get3A_475, %get3A_476, %get3A_477] {strides = array<i32>} : memref<4x4x384xf32, #tpu.memory_space<vmem>>, vector<16xf32>,
          %add3A_479 = arith.constant 5.000000e+01 : f32
          %add3A_480 = vector.broadcast %add3A_479 : f32 to vector<16xf32>
          %add3A_481 = arith.addf %get3A_466, %add3A_480 : vector<16xf32>
          %mul3A_482 = arith.constant 2.000000e+00 : f32
          %mul3A_483 = vector.broadcast %mul3A_482 : f32 to vector<16xf32>
          %mul3A_484 = arith.mulf %add3A_481, %mul3A_483 : vector<16xf32>
          %add3A_485 = arith.constant 5.000000e+01 : f32
          %add3A_486 = vector.broadcast %add3A_485 : f32 to vector<16xf32>
          %add3A_487 = arith.addf %get3A_472, %add3A_486 : vector<16xf32>
          %mul3A_488 = arith.constant 2.000000e+00 : f32
          %mul3A_489 = vector.broadcast %mul3A_488 : f32 to vector<16xf32>
          %mul3A_490 = arith.mulf %add3A_487, %mul3A_489 : vector<16xf32>
          %add3A_491 = arith.constant 4.000000e+00 : f32
          %add3A_492 = vector.broadcast %add3A_491 : f32 to vector<16xf32>
          %add3A_493 = arith.addf %get3A_478, %add3A_492 : vector<16xf32>
          %mul3A_494 = arith.constant 5.000000e+00 : f32
          %mul3A_495 = vector.broadcast %mul3A_494 : f32 to vector<16xf32>
          %mul3A_496 = arith.mulf %add3A_493, %mul3A_495 : vector<16xf32>
          %add3A_497 = arith.addf %mul3A_484, %mul3A_484 : vector<16xf32>
          %add3A_498 = arith.addf %mul3A_490, %mul3A_490 : vector<16xf32>
          %add3A_499 = arith.addf %mul3A_496, %mul3A_496 : vector<16xf32>
          %convert_element_type3A_500 = arith.fptosi %add3A_497 : vector<16xf32> to vector<16xi32>
          %convert_element_type3A_501 = arith.fptosi %add3A_498 : vector<16xf32> to vector<16xi32>
          %convert_element_type3A_502 = arith.fptosi %add3A_499 : vector<16xf32> to vector<16xi32>
          %convert_element_type3A_503 = arith.sitofp %convert_element_type3A_500 : vector<16xi32> to vector<16xf32>
          %sub3A_504 = arith.subf %add3A_497, %convert_element_type3A_503 : vector<16xf32>
          %convert_element_type3A_505 = arith.sitofp %convert_element_type3A_501 : vector<16xi32> to vector<16xf32>
          %sub3A_506 = arith.subf %add3A_498, %convert_element_type3A_505 : vector<16xf32>
          %convert_element_type3A_507 = arith.sitofp %convert_element_type3A_502 : vector<16xi32> to vector<16xf32>
          %sub3A_508 = arith.subf %add3A_499, %convert_element_type3A_507 : vector<16xf32>
          %mul3A_509 = arith.constant 400 : i32
          %mul3A_510 = vector.broadcast %mul3A_509 : i32 to vector<16xi32>
          %mul3A_511 = arith.muli %convert_element_type3A_500, %mul3A_510 : vector<16xi32>
          %add3A_512 = arith.addi %mul3A_511, %convert_element_type3A_501 : vector<16xi32>
          %swap3A_513 = arith.constant 1 : i32
          %swap3A_514 = arith.index_cast %swap3A_513 : i32 to index
          %swap3A_515 = arith.index_cast %mul3A_460 : i32 to index
          %swap3A_516 = tpu.vector_load %arg30[%swap3A_514, %swap3A_515] {strides = array<i32>} : memref<4x384xi32, #tpu.memory_space<vmem>>, vector<16xi32>,
          tpu.vector_store %arg30[%swap3A_514, %swap3A_515], %add3A_512 {strides = array<i32>} : memref<4x384xi32, #tpu.memory_space<vmem>>, vector<16xi32>,
          %mul3A_517 = arith.constant 24000 : i32
          %mul3A_518 = vector.broadcast %mul3A_517 : i32 to vector<16xi32>
          %mul3A_519 = arith.muli %convert_element_type3A_500, %mul3A_518 : vector<16xi32>
          %mul3A_520 = arith.constant 60 : i32
          %mul3A_521 = vector.broadcast %mul3A_520 : i32 to vector<16xi32>
          %mul3A_522 = arith.muli %convert_element_type3A_501, %mul3A_521 : vector<16xi32>
          %add3A_523 = arith.addi %mul3A_519, %mul3A_522 : vector<16xi32>
          %add3A_524 = arith.addi %add3A_523, %convert_element_type3A_502 : vector<16xi32>
          %swap3A_525 = arith.constant 1 : i32
          %swap3A_526 = arith.index_cast %swap3A_525 : i32 to index
          %swap3A_527 = arith.index_cast %mul3A_460 : i32 to index
          %swap3A_528 = tpu.vector_load %arg33[%swap3A_526, %swap3A_527] {strides = array<i32>} : memref<4x384xi32, #tpu.memory_space<vmem>>, vector<16xi32>,
          tpu.vector_store %arg33[%swap3A_526, %swap3A_527], %add3A_524 {strides = array<i32>} : memref<4x384xi32, #tpu.memory_space<vmem>>, vector<16xi32>,
          %swap3A_529 = arith.constant 1 : i32
          %swap3A_530 = arith.constant 0 : i32
          %swap3A_531 = arith.index_cast %swap3A_529 : i32 to index
          %swap3A_532 = arith.index_cast %swap3A_530 : i32 to index
          %swap3A_533 = arith.index_cast %mul3A_460 : i32 to index
          %swap3A_534 = tpu.vector_load %arg31[%swap3A_531, %swap3A_532, %swap3A_533] {strides = array<i32>} : memref<4x2x384xi32, #tpu.memory_space<vmem>>, vector<16xi32>,
          tpu.vector_store %arg31[%swap3A_531, %swap3A_532, %swap3A_533], %convert_element_type3A_500 {strides = array<i32>} : memref<4x2x384xi32, #tpu.memory_space<vmem>>, vector<16xi32>,
          %swap3A_535 = arith.constant 1 : i32
          %swap3A_536 = arith.constant 1 : i32
          %swap3A_537 = arith.index_cast %swap3A_535 : i32 to index
          %swap3A_538 = arith.index_cast %swap3A_536 : i32 to index
          %swap3A_539 = arith.index_cast %mul3A_460 : i32 to index
          %swap3A_540 = tpu.vector_load %arg31[%swap3A_537, %swap3A_538, %swap3A_539] {strides = array<i32>} : memref<4x2x384xi32, #tpu.memory_space<vmem>>, vector<16xi32>,
          tpu.vector_store %arg31[%swap3A_537, %swap3A_538, %swap3A_539], %convert_element_type3A_501 {strides = array<i32>} : memref<4x2x384xi32, #tpu.memory_space<vmem>>, vector<16xi32>,
          %swap3A_541 = arith.constant 1 : i32
          %swap3A_542 = arith.constant 0 : i32
          %swap3A_543 = arith.index_cast %swap3A_541 : i32 to index
          %swap3A_544 = arith.index_cast %swap3A_542 : i32 to index
          %swap3A_545 = arith.index_cast %mul3A_460 : i32 to index
          %swap3A_546 = tpu.vector_load %arg32[%swap3A_543, %swap3A_544, %swap3A_545] {strides = array<i32>} : memref<4x2x384xf32, #tpu.memory_space<vmem>>, vector<16xf32>,
          tpu.vector_store %arg32[%swap3A_543, %swap3A_544, %swap3A_545], %sub3A_504 {strides = array<i32>} : memref<4x2x384xf32, #tpu.memory_space<vmem>>, vector<16xf32>,
          %swap3A_547 = arith.constant 1 : i32
          %swap3A_548 = arith.constant 1 : i32
          %swap3A_549 = arith.index_cast %swap3A_547 : i32 to index
          %swap3A_550 = arith.index_cast %swap3A_548 : i32 to index
          %swap3A_551 = arith.index_cast %mul3A_460 : i32 to index
          %swap3A_552 = tpu.vector_load %arg32[%swap3A_549, %swap3A_550, %swap3A_551] {strides = array<i32>} : memref<4x2x384xf32, #tpu.memory_space<vmem>>, vector<16xf32>,
          tpu.vector_store %arg32[%swap3A_549, %swap3A_550, %swap3A_551], %sub3A_506 {strides = array<i32>} : memref<4x2x384xf32, #tpu.memory_space<vmem>>, vector<16xf32>,
          %swap3A_553 = arith.constant 0 : i32
          %swap3A_554 = arith.constant 1 : i32
          %swap3A_555 = arith.index_cast %swap3A_553 : i32 to index
          %swap3A_556 = arith.index_cast %swap3A_554 : i32 to index
          %swap3A_557 = arith.index_cast %mul3A_460 : i32 to index
          %swap3A_558 = tpu.vector_load %arg34[%swap3A_555, %swap3A_556, %swap3A_557] {strides = array<i32>} : memref<3x4x384xi32, #tpu.memory_space<vmem>>, vector<16xi32>,
          tpu.vector_store %arg34[%swap3A_555, %swap3A_556, %swap3A_557], %convert_element_type3A_500 {strides = array<i32>} : memref<3x4x384xi32, #tpu.memory_space<vmem>>, vector<16xi32>,
          %swap3A_559 = arith.constant 1 : i32
          %swap3A_560 = arith.constant 1 : i32
          %swap3A_561 = arith.index_cast %swap3A_559 : i32 to index
          %swap3A_562 = arith.index_cast %swap3A_560 : i32 to index
          %swap3A_563 = arith.index_cast %mul3A_460 : i32 to index
          %swap3A_564 = tpu.vector_load %arg34[%swap3A_561, %swap3A_562, %swap3A_563] {strides = array<i32>} : memref<3x4x384xi32, #tpu.memory_space<vmem>>, vector<16xi32>,
          tpu.vector_store %arg34[%swap3A_561, %swap3A_562, %swap3A_563], %convert_element_type3A_501 {strides = array<i32>} : memref<3x4x384xi32, #tpu.memory_space<vmem>>, vector<16xi32>,
          %swap3A_565 = arith.constant 2 : i32
          %swap3A_566 = arith.constant 1 : i32
          %swap3A_567 = arith.index_cast %swap3A_565 : i32 to index
          %swap3A_568 = arith.index_cast %swap3A_566 : i32 to index
          %swap3A_569 = arith.index_cast %mul3A_460 : i32 to index
          %swap3A_570 = tpu.vector_load %arg34[%swap3A_567, %swap3A_568, %swap3A_569] {strides = array<i32>} : memref<3x4x384xi32, #tpu.memory_space<vmem>>, vector<16xi32>,
          tpu.vector_store %arg34[%swap3A_567, %swap3A_568, %swap3A_569], %convert_element_type3A_502 {strides = array<i32>} : memref<3x4x384xi32, #tpu.memory_space<vmem>>, vector<16xi32>,
          %swap3A_571 = arith.constant 1 : i32
          %swap3A_572 = arith.constant 0 : i32
          %swap3A_573 = arith.index_cast %swap3A_571 : i32 to index
          %swap3A_574 = arith.index_cast %swap3A_572 : i32 to index
          %swap3A_575 = arith.index_cast %mul3A_460 : i32 to index
          %swap3A_576 = tpu.vector_load %arg35[%swap3A_573, %swap3A_574, %swap3A_575] {strides = array<i32>} : memref<4x2x384xf32, #tpu.memory_space<vmem>>, vector<16xf32>,
          tpu.vector_store %arg35[%swap3A_573, %swap3A_574, %swap3A_575], %sub3A_504 {strides = array<i32>} : memref<4x2x384xf32, #tpu.memory_space<vmem>>, vector<16xf32>,
          %swap3A_577 = arith.constant 1 : i32
          %swap3A_578 = arith.constant 1 : i32
          %swap3A_579 = arith.index_cast %swap3A_577 : i32 to index
          %swap3A_580 = arith.index_cast %swap3A_578 : i32 to index
          %swap3A_581 = arith.index_cast %mul3A_460 : i32 to index
          %swap3A_582 = tpu.vector_load %arg35[%swap3A_579, %swap3A_580, %swap3A_581] {strides = array<i32>} : memref<4x2x384xf32, #tpu.memory_space<vmem>>, vector<16xf32>,
          tpu.vector_store %arg35[%swap3A_579, %swap3A_580, %swap3A_581], %sub3A_508 {strides = array<i32>} : memref<4x2x384xf32, #tpu.memory_space<vmem>>, vector<16xf32>,
          %convert_element_type3A_583 = arith.fptosi %mul3A_484 : vector<16xf32> to vector<16xi32>
          %convert_element_type3A_584 = arith.fptosi %mul3A_490 : vector<16xf32> to vector<16xi32>
          %convert_element_type3A_585 = arith.fptosi %mul3A_496 : vector<16xf32> to vector<16xi32>
          %convert_element_type3A_586 = arith.sitofp %convert_element_type3A_583 : vector<16xi32> to vector<16xf32>
          %sub3A_587 = arith.subf %mul3A_484, %convert_element_type3A_586 : vector<16xf32>
          %convert_element_type3A_588 = arith.sitofp %convert_element_type3A_584 : vector<16xi32> to vector<16xf32>
          %sub3A_589 = arith.subf %mul3A_490, %convert_element_type3A_588 : vector<16xf32>
          %convert_element_type3A_590 = arith.sitofp %convert_element_type3A_585 : vector<16xi32> to vector<16xf32>
          %sub3A_591 = arith.subf %mul3A_496, %convert_element_type3A_590 : vector<16xf32>
          %mul3A_592 = arith.constant 200 : i32
          %mul3A_593 = vector.broadcast %mul3A_592 : i32 to vector<16xi32>
          %mul3A_594 = arith.muli %convert_element_type3A_583, %mul3A_593 : vector<16xi32>
          %add3A_595 = arith.addi %mul3A_594, %convert_element_type3A_584 : vector<16xi32>
          %swap3A_596 = arith.constant 1 : i32
          %swap3A_597 = arith.index_cast %swap3A_596 : i32 to index
          %swap3A_598 = arith.index_cast %mul3A_460 : i32 to index
          %swap3A_599 = tpu.vector_load %arg36[%swap3A_597, %swap3A_598] {strides = array<i32>} : memref<4x384xi32, #tpu.memory_space<vmem>>, vector<16xi32>,
          tpu.vector_store %arg36[%swap3A_597, %swap3A_598], %add3A_595 {strides = array<i32>} : memref<4x384xi32, #tpu.memory_space<vmem>>, vector<16xi32>,
          %mul3A_600 = arith.constant 6000 : i32
          %mul3A_601 = vector.broadcast %mul3A_600 : i32 to vector<16xi32>
          %mul3A_602 = arith.muli %convert_element_type3A_583, %mul3A_601 : vector<16xi32>
          %mul3A_603 = arith.constant 30 : i32
          %mul3A_604 = vector.broadcast %mul3A_603 : i32 to vector<16xi32>
          %mul3A_605 = arith.muli %convert_element_type3A_584, %mul3A_604 : vector<16xi32>
          %add3A_606 = arith.addi %mul3A_602, %mul3A_605 : vector<16xi32>
          %add3A_607 = arith.addi %add3A_606, %convert_element_type3A_585 : vector<16xi32>
          %swap3A_608 = arith.constant 1 : i32
          %swap3A_609 = arith.index_cast %swap3A_608 : i32 to index
          %swap3A_610 = arith.index_cast %mul3A_460 : i32 to index
          %swap3A_611 = tpu.vector_load %arg39[%swap3A_609, %swap3A_610] {strides = array<i32>} : memref<4x384xi32, #tpu.memory_space<vmem>>, vector<16xi32>,
          tpu.vector_store %arg39[%swap3A_609, %swap3A_610], %add3A_607 {strides = array<i32>} : memref<4x384xi32, #tpu.memory_space<vmem>>, vector<16xi32>,
          %swap3A_612 = arith.constant 1 : i32
          %swap3A_613 = arith.constant 0 : i32
          %swap3A_614 = arith.index_cast %swap3A_612 : i32 to index
          %swap3A_615 = arith.index_cast %swap3A_613 : i32 to index
          %swap3A_616 = arith.index_cast %mul3A_460 : i32 to index
          %swap3A_617 = tpu.vector_load %arg37[%swap3A_614, %swap3A_615, %swap3A_616] {strides = array<i32>} : memref<4x2x384xi32, #tpu.memory_space<vmem>>, vector<16xi32>,
          tpu.vector_store %arg37[%swap3A_614, %swap3A_615, %swap3A_616], %convert_element_type3A_583 {strides = array<i32>} : memref<4x2x384xi32, #tpu.memory_space<vmem>>, vector<16xi32>,
          %swap3A_618 = arith.constant 1 : i32
          %swap3A_619 = arith.constant 1 : i32
          %swap3A_620 = arith.index_cast %swap3A_618 : i32 to index
          %swap3A_621 = arith.index_cast %swap3A_619 : i32 to index
          %swap3A_622 = arith.index_cast %mul3A_460 : i32 to index
          %swap3A_623 = tpu.vector_load %arg37[%swap3A_620, %swap3A_621, %swap3A_622] {strides = array<i32>} : memref<4x2x384xi32, #tpu.memory_space<vmem>>, vector<16xi32>,
          tpu.vector_store %arg37[%swap3A_620, %swap3A_621, %swap3A_622], %convert_element_type3A_584 {strides = array<i32>} : memref<4x2x384xi32, #tpu.memory_space<vmem>>, vector<16xi32>,
          %swap3A_624 = arith.constant 1 : i32
          %swap3A_625 = arith.constant 0 : i32
          %swap3A_626 = arith.index_cast %swap3A_624 : i32 to index
          %swap3A_627 = arith.index_cast %swap3A_625 : i32 to index
          %swap3A_628 = arith.index_cast %mul3A_460 : i32 to index
          %swap3A_629 = tpu.vector_load %arg38[%swap3A_626, %swap3A_627, %swap3A_628] {strides = array<i32>} : memref<4x2x384xf32, #tpu.memory_space<vmem>>, vector<16xf32>,
          tpu.vector_store %arg38[%swap3A_626, %swap3A_627, %swap3A_628], %sub3A_587 {strides = array<i32>} : memref<4x2x384xf32, #tpu.memory_space<vmem>>, vector<16xf32>,
          %swap3A_630 = arith.constant 1 : i32
          %swap3A_631 = arith.constant 1 : i32
          %swap3A_632 = arith.index_cast %swap3A_630 : i32 to index
          %swap3A_633 = arith.index_cast %swap3A_631 : i32 to index
          %swap3A_634 = arith.index_cast %mul3A_460 : i32 to index
          %swap3A_635 = tpu.vector_load %arg38[%swap3A_632, %swap3A_633, %swap3A_634] {strides = array<i32>} : memref<4x2x384xf32, #tpu.memory_space<vmem>>, vector<16xf32>,
          tpu.vector_store %arg38[%swap3A_632, %swap3A_633, %swap3A_634], %sub3A_589 {strides = array<i32>} : memref<4x2x384xf32, #tpu.memory_space<vmem>>, vector<16xf32>,
          %swap3A_636 = arith.constant 0 : i32
          %swap3A_637 = arith.constant 1 : i32
          %swap3A_638 = arith.index_cast %swap3A_636 : i32 to index
          %swap3A_639 = arith.index_cast %swap3A_637 : i32 to index
          %swap3A_640 = arith.index_cast %mul3A_460 : i32 to index
          %swap3A_641 = tpu.vector_load %arg40[%swap3A_638, %swap3A_639, %swap3A_640] {strides = array<i32>} : memref<3x4x384xi32, #tpu.memory_space<vmem>>, vector<16xi32>,
          tpu.vector_store %arg40[%swap3A_638, %swap3A_639, %swap3A_640], %convert_element_type3A_583 {strides = array<i32>} : memref<3x4x384xi32, #tpu.memory_space<vmem>>, vector<16xi32>,
          %swap3A_642 = arith.constant 1 : i32
          %swap3A_643 = arith.constant 1 : i32
          %swap3A_644 = arith.index_cast %swap3A_642 : i32 to index
          %swap3A_645 = arith.index_cast %swap3A_643 : i32 to index
          %swap3A_646 = arith.index_cast %mul3A_460 : i32 to index
          %swap3A_647 = tpu.vector_load %arg40[%swap3A_644, %swap3A_645, %swap3A_646] {strides = array<i32>} : memref<3x4x384xi32, #tpu.memory_space<vmem>>, vector<16xi32>,
          tpu.vector_store %arg40[%swap3A_644, %swap3A_645, %swap3A_646], %convert_element_type3A_584 {strides = array<i32>} : memref<3x4x384xi32, #tpu.memory_space<vmem>>, vector<16xi32>,
          %swap3A_648 = arith.constant 2 : i32
          %swap3A_649 = arith.constant 1 : i32
          %swap3A_650 = arith.index_cast %swap3A_648 : i32 to index
          %swap3A_651 = arith.index_cast %swap3A_649 : i32 to index
          %swap3A_652 = arith.index_cast %mul3A_460 : i32 to index
          %swap3A_653 = tpu.vector_load %arg40[%swap3A_650, %swap3A_651, %swap3A_652] {strides = array<i32>} : memref<3x4x384xi32, #tpu.memory_space<vmem>>, vector<16xi32>,
          tpu.vector_store %arg40[%swap3A_650, %swap3A_651, %swap3A_652], %convert_element_type3A_585 {strides = array<i32>} : memref<3x4x384xi32, #tpu.memory_space<vmem>>, vector<16xi32>,
          %swap3A_654 = arith.constant 1 : i32
          %swap3A_655 = arith.constant 0 : i32
          %swap3A_656 = arith.index_cast %swap3A_654 : i32 to index
          %swap3A_657 = arith.index_cast %swap3A_655 : i32 to index
          %swap3A_658 = arith.index_cast %mul3A_460 : i32 to index
          %swap3A_659 = tpu.vector_load %arg41[%swap3A_656, %swap3A_657, %swap3A_658] {strides = array<i32>} : memref<4x2x384xf32, #tpu.memory_space<vmem>>, vector<16xf32>,
          tpu.vector_store %arg41[%swap3A_656, %swap3A_657, %swap3A_658], %sub3A_587 {strides = array<i32>} : memref<4x2x384xf32, #tpu.memory_space<vmem>>, vector<16xf32>,
          %swap3A_660 = arith.constant 1 : i32
          %swap3A_661 = arith.constant 1 : i32
          %swap3A_662 = arith.index_cast %swap3A_660 : i32 to index
          %swap3A_663 = arith.index_cast %swap3A_661 : i32 to index
          %swap3A_664 = arith.index_cast %mul3A_460 : i32 to index
          %swap3A_665 = tpu.vector_load %arg41[%swap3A_662, %swap3A_663, %swap3A_664] {strides = array<i32>} : memref<4x2x384xf32, #tpu.memory_space<vmem>>, vector<16xf32>,
          tpu.vector_store %arg41[%swap3A_662, %swap3A_663, %swap3A_664], %sub3A_591 {strides = array<i32>} : memref<4x2x384xf32, #tpu.memory_space<vmem>>, vector<16xf32>,
          %mul3A_666 = arith.constant 16 : i32
          %mul3A_667 = arith.muli %scan3A_253, %mul3A_666 : i32
          %get3A_668 = arith.constant 2 : i32
          %get3A_669 = arith.constant 0 : i32
          %get3A_670 = arith.index_cast %get3A_668 : i32 to index
          %get3A_671 = arith.index_cast %get3A_669 : i32 to index
          %get3A_672 = arith.index_cast %mul3A_667 : i32 to index
          %get3A_673 = tpu.vector_load %arg17[%get3A_670, %get3A_671, %get3A_672] {strides = array<i32>} : memref<4x4x384xf32, #tpu.memory_space<vmem>>, vector<16xf32>,
          %get3A_674 = arith.constant 2 : i32
          %get3A_675 = arith.constant 1 : i32
          %get3A_676 = arith.index_cast %get3A_674 : i32 to index
          %get3A_677 = arith.index_cast %get3A_675 : i32 to index
          %get3A_678 = arith.index_cast %mul3A_667 : i32 to index
          %get3A_679 = tpu.vector_load %arg17[%get3A_676, %get3A_677, %get3A_678] {strides = array<i32>} : memref<4x4x384xf32, #tpu.memory_space<vmem>>, vector<16xf32>,
          %get3A_680 = arith.constant 2 : i32
          %get3A_681 = arith.constant 2 : i32
          %get3A_682 = arith.index_cast %get3A_680 : i32 to index
          %get3A_683 = arith.index_cast %get3A_681 : i32 to index
          %get3A_684 = arith.index_cast %mul3A_667 : i32 to index
          %get3A_685 = tpu.vector_load %arg17[%get3A_682, %get3A_683, %get3A_684] {strides = array<i32>} : memref<4x4x384xf32, #tpu.memory_space<vmem>>, vector<16xf32>,
          %add3A_686 = arith.constant 5.000000e+01 : f32
          %add3A_687 = vector.broadcast %add3A_686 : f32 to vector<16xf32>
          %add3A_688 = arith.addf %get3A_673, %add3A_687 : vector<16xf32>
          %mul3A_689 = arith.constant 2.000000e+00 : f32
          %mul3A_690 = vector.broadcast %mul3A_689 : f32 to vector<16xf32>
          %mul3A_691 = arith.mulf %add3A_688, %mul3A_690 : vector<16xf32>
          %add3A_692 = arith.constant 5.000000e+01 : f32
          %add3A_693 = vector.broadcast %add3A_692 : f32 to vector<16xf32>
          %add3A_694 = arith.addf %get3A_679, %add3A_693 : vector<16xf32>
          %mul3A_695 = arith.constant 2.000000e+00 : f32
          %mul3A_696 = vector.broadcast %mul3A_695 : f32 to vector<16xf32>
          %mul3A_697 = arith.mulf %add3A_694, %mul3A_696 : vector<16xf32>
          %add3A_698 = arith.constant 4.000000e+00 : f32
          %add3A_699 = vector.broadcast %add3A_698 : f32 to vector<16xf32>
          %add3A_700 = arith.addf %get3A_685, %add3A_699 : vector<16xf32>
          %mul3A_701 = arith.constant 5.000000e+00 : f32
          %mul3A_702 = vector.broadcast %mul3A_701 : f32 to vector<16xf32>
          %mul3A_703 = arith.mulf %add3A_700, %mul3A_702 : vector<16xf32>
          %add3A_704 = arith.addf %mul3A_691, %mul3A_691 : vector<16xf32>
          %add3A_705 = arith.addf %mul3A_697, %mul3A_697 : vector<16xf32>
          %add3A_706 = arith.addf %mul3A_703, %mul3A_703 : vector<16xf32>
          %convert_element_type3A_707 = arith.fptosi %add3A_704 : vector<16xf32> to vector<16xi32>
          %convert_element_type3A_708 = arith.fptosi %add3A_705 : vector<16xf32> to vector<16xi32>
          %convert_element_type3A_709 = arith.fptosi %add3A_706 : vector<16xf32> to vector<16xi32>
          %convert_element_type3A_710 = arith.sitofp %convert_element_type3A_707 : vector<16xi32> to vector<16xf32>
          %sub3A_711 = arith.subf %add3A_704, %convert_element_type3A_710 : vector<16xf32>
          %convert_element_type3A_712 = arith.sitofp %convert_element_type3A_708 : vector<16xi32> to vector<16xf32>
          %sub3A_713 = arith.subf %add3A_705, %convert_element_type3A_712 : vector<16xf32>
          %convert_element_type3A_714 = arith.sitofp %convert_element_type3A_709 : vector<16xi32> to vector<16xf32>
          %sub3A_715 = arith.subf %add3A_706, %convert_element_type3A_714 : vector<16xf32>
          %mul3A_716 = arith.constant 400 : i32
          %mul3A_717 = vector.broadcast %mul3A_716 : i32 to vector<16xi32>
          %mul3A_718 = arith.muli %convert_element_type3A_707, %mul3A_717 : vector<16xi32>
          %add3A_719 = arith.addi %mul3A_718, %convert_element_type3A_708 : vector<16xi32>
          %swap3A_720 = arith.constant 2 : i32
          %swap3A_721 = arith.index_cast %swap3A_720 : i32 to index
          %swap3A_722 = arith.index_cast %mul3A_667 : i32 to index
          %swap3A_723 = tpu.vector_load %arg30[%swap3A_721, %swap3A_722] {strides = array<i32>} : memref<4x384xi32, #tpu.memory_space<vmem>>, vector<16xi32>,
          tpu.vector_store %arg30[%swap3A_721, %swap3A_722], %add3A_719 {strides = array<i32>} : memref<4x384xi32, #tpu.memory_space<vmem>>, vector<16xi32>,
          %mul3A_724 = arith.constant 24000 : i32
          %mul3A_725 = vector.broadcast %mul3A_724 : i32 to vector<16xi32>
          %mul3A_726 = arith.muli %convert_element_type3A_707, %mul3A_725 : vector<16xi32>
          %mul3A_727 = arith.constant 60 : i32
          %mul3A_728 = vector.broadcast %mul3A_727 : i32 to vector<16xi32>
          %mul3A_729 = arith.muli %convert_element_type3A_708, %mul3A_728 : vector<16xi32>
          %add3A_730 = arith.addi %mul3A_726, %mul3A_729 : vector<16xi32>
          %add3A_731 = arith.addi %add3A_730, %convert_element_type3A_709 : vector<16xi32>
          %swap3A_732 = arith.constant 2 : i32
          %swap3A_733 = arith.index_cast %swap3A_732 : i32 to index
          %swap3A_734 = arith.index_cast %mul3A_667 : i32 to index
          %swap3A_735 = tpu.vector_load %arg33[%swap3A_733, %swap3A_734] {strides = array<i32>} : memref<4x384xi32, #tpu.memory_space<vmem>>, vector<16xi32>,
          tpu.vector_store %arg33[%swap3A_733, %swap3A_734], %add3A_731 {strides = array<i32>} : memref<4x384xi32, #tpu.memory_space<vmem>>, vector<16xi32>,
          %swap3A_736 = arith.constant 2 : i32
          %swap3A_737 = arith.constant 0 : i32
          %swap3A_738 = arith.index_cast %swap3A_736 : i32 to index
          %swap3A_739 = arith.index_cast %swap3A_737 : i32 to index
          %swap3A_740 = arith.index_cast %mul3A_667 : i32 to index
          %swap3A_741 = tpu.vector_load %arg31[%swap3A_738, %swap3A_739, %swap3A_740] {strides = array<i32>} : memref<4x2x384xi32, #tpu.memory_space<vmem>>, vector<16xi32>,
          tpu.vector_store %arg31[%swap3A_738, %swap3A_739, %swap3A_740], %convert_element_type3A_707 {strides = array<i32>} : memref<4x2x384xi32, #tpu.memory_space<vmem>>, vector<16xi32>,
          %swap3A_742 = arith.constant 2 : i32
          %swap3A_743 = arith.constant 1 : i32
          %swap3A_744 = arith.index_cast %swap3A_742 : i32 to index
          %swap3A_745 = arith.index_cast %swap3A_743 : i32 to index
          %swap3A_746 = arith.index_cast %mul3A_667 : i32 to index
          %swap3A_747 = tpu.vector_load %arg31[%swap3A_744, %swap3A_745, %swap3A_746] {strides = array<i32>} : memref<4x2x384xi32, #tpu.memory_space<vmem>>, vector<16xi32>,
          tpu.vector_store %arg31[%swap3A_744, %swap3A_745, %swap3A_746], %convert_element_type3A_708 {strides = array<i32>} : memref<4x2x384xi32, #tpu.memory_space<vmem>>, vector<16xi32>,
          %swap3A_748 = arith.constant 2 : i32
          %swap3A_749 = arith.constant 0 : i32
          %swap3A_750 = arith.index_cast %swap3A_748 : i32 to index
          %swap3A_751 = arith.index_cast %swap3A_749 : i32 to index
          %swap3A_752 = arith.index_cast %mul3A_667 : i32 to index
          %swap3A_753 = tpu.vector_load %arg32[%swap3A_750, %swap3A_751, %swap3A_752] {strides = array<i32>} : memref<4x2x384xf32, #tpu.memory_space<vmem>>, vector<16xf32>,
          tpu.vector_store %arg32[%swap3A_750, %swap3A_751, %swap3A_752], %sub3A_711 {strides = array<i32>} : memref<4x2x384xf32, #tpu.memory_space<vmem>>, vector<16xf32>,
          %swap3A_754 = arith.constant 2 : i32
          %swap3A_755 = arith.constant 1 : i32
          %swap3A_756 = arith.index_cast %swap3A_754 : i32 to index
          %swap3A_757 = arith.index_cast %swap3A_755 : i32 to index
          %swap3A_758 = arith.index_cast %mul3A_667 : i32 to index
          %swap3A_759 = tpu.vector_load %arg32[%swap3A_756, %swap3A_757, %swap3A_758] {strides = array<i32>} : memref<4x2x384xf32, #tpu.memory_space<vmem>>, vector<16xf32>,
          tpu.vector_store %arg32[%swap3A_756, %swap3A_757, %swap3A_758], %sub3A_713 {strides = array<i32>} : memref<4x2x384xf32, #tpu.memory_space<vmem>>, vector<16xf32>,
          %swap3A_760 = arith.constant 0 : i32
          %swap3A_761 = arith.constant 2 : i32
          %swap3A_762 = arith.index_cast %swap3A_760 : i32 to index
          %swap3A_763 = arith.index_cast %swap3A_761 : i32 to index
          %swap3A_764 = arith.index_cast %mul3A_667 : i32 to index
          %swap3A_765 = tpu.vector_load %arg34[%swap3A_762, %swap3A_763, %swap3A_764] {strides = array<i32>} : memref<3x4x384xi32, #tpu.memory_space<vmem>>, vector<16xi32>,
          tpu.vector_store %arg34[%swap3A_762, %swap3A_763, %swap3A_764], %convert_element_type3A_707 {strides = array<i32>} : memref<3x4x384xi32, #tpu.memory_space<vmem>>, vector<16xi32>,
          %swap3A_766 = arith.constant 1 : i32
          %swap3A_767 = arith.constant 2 : i32
          %swap3A_768 = arith.index_cast %swap3A_766 : i32 to index
          %swap3A_769 = arith.index_cast %swap3A_767 : i32 to index
          %swap3A_770 = arith.index_cast %mul3A_667 : i32 to index
          %swap3A_771 = tpu.vector_load %arg34[%swap3A_768, %swap3A_769, %swap3A_770] {strides = array<i32>} : memref<3x4x384xi32, #tpu.memory_space<vmem>>, vector<16xi32>,
          tpu.vector_store %arg34[%swap3A_768, %swap3A_769, %swap3A_770], %convert_element_type3A_708 {strides = array<i32>} : memref<3x4x384xi32, #tpu.memory_space<vmem>>, vector<16xi32>,
          %swap3A_772 = arith.constant 2 : i32
          %swap3A_773 = arith.constant 2 : i32
          %swap3A_774 = arith.index_cast %swap3A_772 : i32 to index
          %swap3A_775 = arith.index_cast %swap3A_773 : i32 to index
          %swap3A_776 = arith.index_cast %mul3A_667 : i32 to index
          %swap3A_777 = tpu.vector_load %arg34[%swap3A_774, %swap3A_775, %swap3A_776] {strides = array<i32>} : memref<3x4x384xi32, #tpu.memory_space<vmem>>, vector<16xi32>,
          tpu.vector_store %arg34[%swap3A_774, %swap3A_775, %swap3A_776], %convert_element_type3A_709 {strides = array<i32>} : memref<3x4x384xi32, #tpu.memory_space<vmem>>, vector<16xi32>,
          %swap3A_778 = arith.constant 2 : i32
          %swap3A_779 = arith.constant 0 : i32
          %swap3A_780 = arith.index_cast %swap3A_778 : i32 to index
          %swap3A_781 = arith.index_cast %swap3A_779 : i32 to index
          %swap3A_782 = arith.index_cast %mul3A_667 : i32 to index
          %swap3A_783 = tpu.vector_load %arg35[%swap3A_780, %swap3A_781, %swap3A_782] {strides = array<i32>} : memref<4x2x384xf32, #tpu.memory_space<vmem>>, vector<16xf32>,
          tpu.vector_store %arg35[%swap3A_780, %swap3A_781, %swap3A_782], %sub3A_711 {strides = array<i32>} : memref<4x2x384xf32, #tpu.memory_space<vmem>>, vector<16xf32>,
          %swap3A_784 = arith.constant 2 : i32
          %swap3A_785 = arith.constant 1 : i32
          %swap3A_786 = arith.index_cast %swap3A_784 : i32 to index
          %swap3A_787 = arith.index_cast %swap3A_785 : i32 to index
          %swap3A_788 = arith.index_cast %mul3A_667 : i32 to index
          %swap3A_789 = tpu.vector_load %arg35[%swap3A_786, %swap3A_787, %swap3A_788] {strides = array<i32>} : memref<4x2x384xf32, #tpu.memory_space<vmem>>, vector<16xf32>,
          tpu.vector_store %arg35[%swap3A_786, %swap3A_787, %swap3A_788], %sub3A_715 {strides = array<i32>} : memref<4x2x384xf32, #tpu.memory_space<vmem>>, vector<16xf32>,
          %convert_element_type3A_790 = arith.fptosi %mul3A_691 : vector<16xf32> to vector<16xi32>
          %convert_element_type3A_791 = arith.fptosi %mul3A_697 : vector<16xf32> to vector<16xi32>
          %convert_element_type3A_792 = arith.fptosi %mul3A_703 : vector<16xf32> to vector<16xi32>
          %convert_element_type3A_793 = arith.sitofp %convert_element_type3A_790 : vector<16xi32> to vector<16xf32>
          %sub3A_794 = arith.subf %mul3A_691, %convert_element_type3A_793 : vector<16xf32>
          %convert_element_type3A_795 = arith.sitofp %convert_element_type3A_791 : vector<16xi32> to vector<16xf32>
          %sub3A_796 = arith.subf %mul3A_697, %convert_element_type3A_795 : vector<16xf32>
          %convert_element_type3A_797 = arith.sitofp %convert_element_type3A_792 : vector<16xi32> to vector<16xf32>
          %sub3A_798 = arith.subf %mul3A_703, %convert_element_type3A_797 : vector<16xf32>
          %mul3A_799 = arith.constant 200 : i32
          %mul3A_800 = vector.broadcast %mul3A_799 : i32 to vector<16xi32>
          %mul3A_801 = arith.muli %convert_element_type3A_790, %mul3A_800 : vector<16xi32>
          %add3A_802 = arith.addi %mul3A_801, %convert_element_type3A_791 : vector<16xi32>
          %swap3A_803 = arith.constant 2 : i32
          %swap3A_804 = arith.index_cast %swap3A_803 : i32 to index
          %swap3A_805 = arith.index_cast %mul3A_667 : i32 to index
          %swap3A_806 = tpu.vector_load %arg36[%swap3A_804, %swap3A_805] {strides = array<i32>} : memref<4x384xi32, #tpu.memory_space<vmem>>, vector<16xi32>,
          tpu.vector_store %arg36[%swap3A_804, %swap3A_805], %add3A_802 {strides = array<i32>} : memref<4x384xi32, #tpu.memory_space<vmem>>, vector<16xi32>,
          %mul3A_807 = arith.constant 6000 : i32
          %mul3A_808 = vector.broadcast %mul3A_807 : i32 to vector<16xi32>
          %mul3A_809 = arith.muli %convert_element_type3A_790, %mul3A_808 : vector<16xi32>
          %mul3A_810 = arith.constant 30 : i32
          %mul3A_811 = vector.broadcast %mul3A_810 : i32 to vector<16xi32>
          %mul3A_812 = arith.muli %convert_element_type3A_791, %mul3A_811 : vector<16xi32>
          %add3A_813 = arith.addi %mul3A_809, %mul3A_812 : vector<16xi32>
          %add3A_814 = arith.addi %add3A_813, %convert_element_type3A_792 : vector<16xi32>
          %swap3A_815 = arith.constant 2 : i32
          %swap3A_816 = arith.index_cast %swap3A_815 : i32 to index
          %swap3A_817 = arith.index_cast %mul3A_667 : i32 to index
          %swap3A_818 = tpu.vector_load %arg39[%swap3A_816, %swap3A_817] {strides = array<i32>} : memref<4x384xi32, #tpu.memory_space<vmem>>, vector<16xi32>,
          tpu.vector_store %arg39[%swap3A_816, %swap3A_817], %add3A_814 {strides = array<i32>} : memref<4x384xi32, #tpu.memory_space<vmem>>, vector<16xi32>,
          %swap3A_819 = arith.constant 2 : i32
          %swap3A_820 = arith.constant 0 : i32
          %swap3A_821 = arith.index_cast %swap3A_819 : i32 to index
          %swap3A_822 = arith.index_cast %swap3A_820 : i32 to index
          %swap3A_823 = arith.index_cast %mul3A_667 : i32 to index
          %swap3A_824 = tpu.vector_load %arg37[%swap3A_821, %swap3A_822, %swap3A_823] {strides = array<i32>} : memref<4x2x384xi32, #tpu.memory_space<vmem>>, vector<16xi32>,
          tpu.vector_store %arg37[%swap3A_821, %swap3A_822, %swap3A_823], %convert_element_type3A_790 {strides = array<i32>} : memref<4x2x384xi32, #tpu.memory_space<vmem>>, vector<16xi32>,
          %swap3A_825 = arith.constant 2 : i32
          %swap3A_826 = arith.constant 1 : i32
          %swap3A_827 = arith.index_cast %swap3A_825 : i32 to index
          %swap3A_828 = arith.index_cast %swap3A_826 : i32 to index
          %swap3A_829 = arith.index_cast %mul3A_667 : i32 to index
          %swap3A_830 = tpu.vector_load %arg37[%swap3A_827, %swap3A_828, %swap3A_829] {strides = array<i32>} : memref<4x2x384xi32, #tpu.memory_space<vmem>>, vector<16xi32>,
          tpu.vector_store %arg37[%swap3A_827, %swap3A_828, %swap3A_829], %convert_element_type3A_791 {strides = array<i32>} : memref<4x2x384xi32, #tpu.memory_space<vmem>>, vector<16xi32>,
          %swap3A_831 = arith.constant 2 : i32
          %swap3A_832 = arith.constant 0 : i32
          %swap3A_833 = arith.index_cast %swap3A_831 : i32 to index
          %swap3A_834 = arith.index_cast %swap3A_832 : i32 to index
          %swap3A_835 = arith.index_cast %mul3A_667 : i32 to index
          %swap3A_836 = tpu.vector_load %arg38[%swap3A_833, %swap3A_834, %swap3A_835] {strides = array<i32>} : memref<4x2x384xf32, #tpu.memory_space<vmem>>, vector<16xf32>,
          tpu.vector_store %arg38[%swap3A_833, %swap3A_834, %swap3A_835], %sub3A_794 {strides = array<i32>} : memref<4x2x384xf32, #tpu.memory_space<vmem>>, vector<16xf32>,
          %swap3A_837 = arith.constant 2 : i32
          %swap3A_838 = arith.constant 1 : i32
          %swap3A_839 = arith.index_cast %swap3A_837 : i32 to index
          %swap3A_840 = arith.index_cast %swap3A_838 : i32 to index
          %swap3A_841 = arith.index_cast %mul3A_667 : i32 to index
          %swap3A_842 = tpu.vector_load %arg38[%swap3A_839, %swap3A_840, %swap3A_841] {strides = array<i32>} : memref<4x2x384xf32, #tpu.memory_space<vmem>>, vector<16xf32>,
          tpu.vector_store %arg38[%swap3A_839, %swap3A_840, %swap3A_841], %sub3A_796 {strides = array<i32>} : memref<4x2x384xf32, #tpu.memory_space<vmem>>, vector<16xf32>,
          %swap3A_843 = arith.constant 0 : i32
          %swap3A_844 = arith.constant 2 : i32
          %swap3A_845 = arith.index_cast %swap3A_843 : i32 to index
          %swap3A_846 = arith.index_cast %swap3A_844 : i32 to index
          %swap3A_847 = arith.index_cast %mul3A_667 : i32 to index
          %swap3A_848 = tpu.vector_load %arg40[%swap3A_845, %swap3A_846, %swap3A_847] {strides = array<i32>} : memref<3x4x384xi32, #tpu.memory_space<vmem>>, vector<16xi32>,
          tpu.vector_store %arg40[%swap3A_845, %swap3A_846, %swap3A_847], %convert_element_type3A_790 {strides = array<i32>} : memref<3x4x384xi32, #tpu.memory_space<vmem>>, vector<16xi32>,
          %swap3A_849 = arith.constant 1 : i32
          %swap3A_850 = arith.constant 2 : i32
          %swap3A_851 = arith.index_cast %swap3A_849 : i32 to index
          %swap3A_852 = arith.index_cast %swap3A_850 : i32 to index
          %swap3A_853 = arith.index_cast %mul3A_667 : i32 to index
          %swap3A_854 = tpu.vector_load %arg40[%swap3A_851, %swap3A_852, %swap3A_853] {strides = array<i32>} : memref<3x4x384xi32, #tpu.memory_space<vmem>>, vector<16xi32>,
          tpu.vector_store %arg40[%swap3A_851, %swap3A_852, %swap3A_853], %convert_element_type3A_791 {strides = array<i32>} : memref<3x4x384xi32, #tpu.memory_space<vmem>>, vector<16xi32>,
          %swap3A_855 = arith.constant 2 : i32
          %swap3A_856 = arith.constant 2 : i32
          %swap3A_857 = arith.index_cast %swap3A_855 : i32 to index
          %swap3A_858 = arith.index_cast %swap3A_856 : i32 to index
          %swap3A_859 = arith.index_cast %mul3A_667 : i32 to index
          %swap3A_860 = tpu.vector_load %arg40[%swap3A_857, %swap3A_858, %swap3A_859] {strides = array<i32>} : memref<3x4x384xi32, #tpu.memory_space<vmem>>, vector<16xi32>,
          tpu.vector_store %arg40[%swap3A_857, %swap3A_858, %swap3A_859], %convert_element_type3A_792 {strides = array<i32>} : memref<3x4x384xi32, #tpu.memory_space<vmem>>, vector<16xi32>,
          %swap3A_861 = arith.constant 2 : i32
          %swap3A_862 = arith.constant 0 : i32
          %swap3A_863 = arith.index_cast %swap3A_861 : i32 to index
          %swap3A_864 = arith.index_cast %swap3A_862 : i32 to index
          %swap3A_865 = arith.index_cast %mul3A_667 : i32 to index
          %swap3A_866 = tpu.vector_load %arg41[%swap3A_863, %swap3A_864, %swap3A_865] {strides = array<i32>} : memref<4x2x384xf32, #tpu.memory_space<vmem>>, vector<16xf32>,
          tpu.vector_store %arg41[%swap3A_863, %swap3A_864, %swap3A_865], %sub3A_794 {strides = array<i32>} : memref<4x2x384xf32, #tpu.memory_space<vmem>>, vector<16xf32>,
          %swap3A_867 = arith.constant 2 : i32
          %swap3A_868 = arith.constant 1 : i32
          %swap3A_869 = arith.index_cast %swap3A_867 : i32 to index
          %swap3A_870 = arith.index_cast %swap3A_868 : i32 to index
          %swap3A_871 = arith.index_cast %mul3A_667 : i32 to index
          %swap3A_872 = tpu.vector_load %arg41[%swap3A_869, %swap3A_870, %swap3A_871] {strides = array<i32>} : memref<4x2x384xf32, #tpu.memory_space<vmem>>, vector<16xf32>,
          tpu.vector_store %arg41[%swap3A_869, %swap3A_870, %swap3A_871], %sub3A_798 {strides = array<i32>} : memref<4x2x384xf32, #tpu.memory_space<vmem>>, vector<16xf32>,
          %mul3A_873 = arith.constant 16 : i32
          %mul3A_874 = arith.muli %scan3A_253, %mul3A_873 : i32
          %get3A_875 = arith.constant 3 : i32
          %get3A_876 = arith.constant 0 : i32
          %get3A_877 = arith.index_cast %get3A_875 : i32 to index
          %get3A_878 = arith.index_cast %get3A_876 : i32 to index
          %get3A_879 = arith.index_cast %mul3A_874 : i32 to index
          %get3A_880 = tpu.vector_load %arg17[%get3A_877, %get3A_878, %get3A_879] {strides = array<i32>} : memref<4x4x384xf32, #tpu.memory_space<vmem>>, vector<16xf32>,
          %get3A_881 = arith.constant 3 : i32
          %get3A_882 = arith.constant 1 : i32
          %get3A_883 = arith.index_cast %get3A_881 : i32 to index
          %get3A_884 = arith.index_cast %get3A_882 : i32 to index
          %get3A_885 = arith.index_cast %mul3A_874 : i32 to index
          %get3A_886 = tpu.vector_load %arg17[%get3A_883, %get3A_884, %get3A_885] {strides = array<i32>} : memref<4x4x384xf32, #tpu.memory_space<vmem>>, vector<16xf32>,
          %get3A_887 = arith.constant 3 : i32
          %get3A_888 = arith.constant 2 : i32
          %get3A_889 = arith.index_cast %get3A_887 : i32 to index
          %get3A_890 = arith.index_cast %get3A_888 : i32 to index
          %get3A_891 = arith.index_cast %mul3A_874 : i32 to index
          %get3A_892 = tpu.vector_load %arg17[%get3A_889, %get3A_890, %get3A_891] {strides = array<i32>} : memref<4x4x384xf32, #tpu.memory_space<vmem>>, vector<16xf32>,
          %add3A_893 = arith.constant 5.000000e+01 : f32
          %add3A_894 = vector.broadcast %add3A_893 : f32 to vector<16xf32>
          %add3A_895 = arith.addf %get3A_880, %add3A_894 : vector<16xf32>
          %mul3A_896 = arith.constant 2.000000e+00 : f32
          %mul3A_897 = vector.broadcast %mul3A_896 : f32 to vector<16xf32>
          %mul3A_898 = arith.mulf %add3A_895, %mul3A_897 : vector<16xf32>
          %add3A_899 = arith.constant 5.000000e+01 : f32
          %add3A_900 = vector.broadcast %add3A_899 : f32 to vector<16xf32>
          %add3A_901 = arith.addf %get3A_886, %add3A_900 : vector<16xf32>
          %mul3A_902 = arith.constant 2.000000e+00 : f32
          %mul3A_903 = vector.broadcast %mul3A_902 : f32 to vector<16xf32>
          %mul3A_904 = arith.mulf %add3A_901, %mul3A_903 : vector<16xf32>
          %add3A_905 = arith.constant 4.000000e+00 : f32
          %add3A_906 = vector.broadcast %add3A_905 : f32 to vector<16xf32>
          %add3A_907 = arith.addf %get3A_892, %add3A_906 : vector<16xf32>
          %mul3A_908 = arith.constant 5.000000e+00 : f32
          %mul3A_909 = vector.broadcast %mul3A_908 : f32 to vector<16xf32>
          %mul3A_910 = arith.mulf %add3A_907, %mul3A_909 : vector<16xf32>
          %add3A_911 = arith.addf %mul3A_898, %mul3A_898 : vector<16xf32>
          %add3A_912 = arith.addf %mul3A_904, %mul3A_904 : vector<16xf32>
          %add3A_913 = arith.addf %mul3A_910, %mul3A_910 : vector<16xf32>
          %convert_element_type3A_914 = arith.fptosi %add3A_911 : vector<16xf32> to vector<16xi32>
          %convert_element_type3A_915 = arith.fptosi %add3A_912 : vector<16xf32> to vector<16xi32>
          %convert_element_type3A_916 = arith.fptosi %add3A_913 : vector<16xf32> to vector<16xi32>
          %convert_element_type3A_917 = arith.sitofp %convert_element_type3A_914 : vector<16xi32> to vector<16xf32>
          %sub3A_918 = arith.subf %add3A_911, %convert_element_type3A_917 : vector<16xf32>
          %convert_element_type3A_919 = arith.sitofp %convert_element_type3A_915 : vector<16xi32> to vector<16xf32>
          %sub3A_920 = arith.subf %add3A_912, %convert_element_type3A_919 : vector<16xf32>
          %convert_element_type3A_921 = arith.sitofp %convert_element_type3A_916 : vector<16xi32> to vector<16xf32>
          %sub3A_922 = arith.subf %add3A_913, %convert_element_type3A_921 : vector<16xf32>
          %mul3A_923 = arith.constant 400 : i32
          %mul3A_924 = vector.broadcast %mul3A_923 : i32 to vector<16xi32>
          %mul3A_925 = arith.muli %convert_element_type3A_914, %mul3A_924 : vector<16xi32>
          %add3A_926 = arith.addi %mul3A_925, %convert_element_type3A_915 : vector<16xi32>
          %swap3A_927 = arith.constant 3 : i32
          %swap3A_928 = arith.index_cast %swap3A_927 : i32 to index
          %swap3A_929 = arith.index_cast %mul3A_874 : i32 to index
          %swap3A_930 = tpu.vector_load %arg30[%swap3A_928, %swap3A_929] {strides = array<i32>} : memref<4x384xi32, #tpu.memory_space<vmem>>, vector<16xi32>,
          tpu.vector_store %arg30[%swap3A_928, %swap3A_929], %add3A_926 {strides = array<i32>} : memref<4x384xi32, #tpu.memory_space<vmem>>, vector<16xi32>,
          %mul3A_931 = arith.constant 24000 : i32
          %mul3A_932 = vector.broadcast %mul3A_931 : i32 to vector<16xi32>
          %mul3A_933 = arith.muli %convert_element_type3A_914, %mul3A_932 : vector<16xi32>
          %mul3A_934 = arith.constant 60 : i32
          %mul3A_935 = vector.broadcast %mul3A_934 : i32 to vector<16xi32>
          %mul3A_936 = arith.muli %convert_element_type3A_915, %mul3A_935 : vector<16xi32>
          %add3A_937 = arith.addi %mul3A_933, %mul3A_936 : vector<16xi32>
          %add3A_938 = arith.addi %add3A_937, %convert_element_type3A_916 : vector<16xi32>
          %swap3A_939 = arith.constant 3 : i32
          %swap3A_940 = arith.index_cast %swap3A_939 : i32 to index
          %swap3A_941 = arith.index_cast %mul3A_874 : i32 to index
          %swap3A_942 = tpu.vector_load %arg33[%swap3A_940, %swap3A_941] {strides = array<i32>} : memref<4x384xi32, #tpu.memory_space<vmem>>, vector<16xi32>,
          tpu.vector_store %arg33[%swap3A_940, %swap3A_941], %add3A_938 {strides = array<i32>} : memref<4x384xi32, #tpu.memory_space<vmem>>, vector<16xi32>,
          %swap3A_943 = arith.constant 3 : i32
          %swap3A_944 = arith.constant 0 : i32
          %swap3A_945 = arith.index_cast %swap3A_943 : i32 to index
          %swap3A_946 = arith.index_cast %swap3A_944 : i32 to index
          %swap3A_947 = arith.index_cast %mul3A_874 : i32 to index
          %swap3A_948 = tpu.vector_load %arg31[%swap3A_945, %swap3A_946, %swap3A_947] {strides = array<i32>} : memref<4x2x384xi32, #tpu.memory_space<vmem>>, vector<16xi32>,
          tpu.vector_store %arg31[%swap3A_945, %swap3A_946, %swap3A_947], %convert_element_type3A_914 {strides = array<i32>} : memref<4x2x384xi32, #tpu.memory_space<vmem>>, vector<16xi32>,
          %swap3A_949 = arith.constant 3 : i32
          %swap3A_950 = arith.constant 1 : i32
          %swap3A_951 = arith.index_cast %swap3A_949 : i32 to index
          %swap3A_952 = arith.index_cast %swap3A_950 : i32 to index
          %swap3A_953 = arith.index_cast %mul3A_874 : i32 to index
          %swap3A_954 = tpu.vector_load %arg31[%swap3A_951, %swap3A_952, %swap3A_953] {strides = array<i32>} : memref<4x2x384xi32, #tpu.memory_space<vmem>>, vector<16xi32>,
          tpu.vector_store %arg31[%swap3A_951, %swap3A_952, %swap3A_953], %convert_element_type3A_915 {strides = array<i32>} : memref<4x2x384xi32, #tpu.memory_space<vmem>>, vector<16xi32>,
          %swap3A_955 = arith.constant 3 : i32
          %swap3A_956 = arith.constant 0 : i32
          %swap3A_957 = arith.index_cast %swap3A_955 : i32 to index
          %swap3A_958 = arith.index_cast %swap3A_956 : i32 to index
          %swap3A_959 = arith.index_cast %mul3A_874 : i32 to index
          %swap3A_960 = tpu.vector_load %arg32[%swap3A_957, %swap3A_958, %swap3A_959] {strides = array<i32>} : memref<4x2x384xf32, #tpu.memory_space<vmem>>, vector<16xf32>,
          tpu.vector_store %arg32[%swap3A_957, %swap3A_958, %swap3A_959], %sub3A_918 {strides = array<i32>} : memref<4x2x384xf32, #tpu.memory_space<vmem>>, vector<16xf32>,
          %swap3A_961 = arith.constant 3 : i32
          %swap3A_962 = arith.constant 1 : i32
          %swap3A_963 = arith.index_cast %swap3A_961 : i32 to index
          %swap3A_964 = arith.index_cast %swap3A_962 : i32 to index
          %swap3A_965 = arith.index_cast %mul3A_874 : i32 to index
          %swap3A_966 = tpu.vector_load %arg32[%swap3A_963, %swap3A_964, %swap3A_965] {strides = array<i32>} : memref<4x2x384xf32, #tpu.memory_space<vmem>>, vector<16xf32>,
          tpu.vector_store %arg32[%swap3A_963, %swap3A_964, %swap3A_965], %sub3A_920 {strides = array<i32>} : memref<4x2x384xf32, #tpu.memory_space<vmem>>, vector<16xf32>,
          %swap3A_967 = arith.constant 0 : i32
          %swap3A_968 = arith.constant 3 : i32
          %swap3A_969 = arith.index_cast %swap3A_967 : i32 to index
          %swap3A_970 = arith.index_cast %swap3A_968 : i32 to index
          %swap3A_971 = arith.index_cast %mul3A_874 : i32 to index
          %swap3A_972 = tpu.vector_load %arg34[%swap3A_969, %swap3A_970, %swap3A_971] {strides = array<i32>} : memref<3x4x384xi32, #tpu.memory_space<vmem>>, vector<16xi32>,
          tpu.vector_store %arg34[%swap3A_969, %swap3A_970, %swap3A_971], %convert_element_type3A_914 {strides = array<i32>} : memref<3x4x384xi32, #tpu.memory_space<vmem>>, vector<16xi32>,
          %swap3A_973 = arith.constant 1 : i32
          %swap3A_974 = arith.constant 3 : i32
          %swap3A_975 = arith.index_cast %swap3A_973 : i32 to index
          %swap3A_976 = arith.index_cast %swap3A_974 : i32 to index
          %swap3A_977 = arith.index_cast %mul3A_874 : i32 to index
          %swap3A_978 = tpu.vector_load %arg34[%swap3A_975, %swap3A_976, %swap3A_977] {strides = array<i32>} : memref<3x4x384xi32, #tpu.memory_space<vmem>>, vector<16xi32>,
          tpu.vector_store %arg34[%swap3A_975, %swap3A_976, %swap3A_977], %convert_element_type3A_915 {strides = array<i32>} : memref<3x4x384xi32, #tpu.memory_space<vmem>>, vector<16xi32>,
          %swap3A_979 = arith.constant 2 : i32
          %swap3A_980 = arith.constant 3 : i32
          %swap3A_981 = arith.index_cast %swap3A_979 : i32 to index
          %swap3A_982 = arith.index_cast %swap3A_980 : i32 to index
          %swap3A_983 = arith.index_cast %mul3A_874 : i32 to index
          %swap3A_984 = tpu.vector_load %arg34[%swap3A_981, %swap3A_982, %swap3A_983] {strides = array<i32>} : memref<3x4x384xi32, #tpu.memory_space<vmem>>, vector<16xi32>,
          tpu.vector_store %arg34[%swap3A_981, %swap3A_982, %swap3A_983], %convert_element_type3A_916 {strides = array<i32>} : memref<3x4x384xi32, #tpu.memory_space<vmem>>, vector<16xi32>,
          %swap3A_985 = arith.constant 3 : i32
          %swap3A_986 = arith.constant 0 : i32
          %swap3A_987 = arith.index_cast %swap3A_985 : i32 to index
          %swap3A_988 = arith.index_cast %swap3A_986 : i32 to index
          %swap3A_989 = arith.index_cast %mul3A_874 : i32 to index
          %swap3A_990 = tpu.vector_load %arg35[%swap3A_987, %swap3A_988, %swap3A_989] {strides = array<i32>} : memref<4x2x384xf32, #tpu.memory_space<vmem>>, vector<16xf32>,
          tpu.vector_store %arg35[%swap3A_987, %swap3A_988, %swap3A_989], %sub3A_918 {strides = array<i32>} : memref<4x2x384xf32, #tpu.memory_space<vmem>>, vector<16xf32>,
          %swap3A_991 = arith.constant 3 : i32
          %swap3A_992 = arith.constant 1 : i32
          %swap3A_993 = arith.index_cast %swap3A_991 : i32 to index
          %swap3A_994 = arith.index_cast %swap3A_992 : i32 to index
          %swap3A_995 = arith.index_cast %mul3A_874 : i32 to index
          %swap3A_996 = tpu.vector_load %arg35[%swap3A_993, %swap3A_994, %swap3A_995] {strides = array<i32>} : memref<4x2x384xf32, #tpu.memory_space<vmem>>, vector<16xf32>,
          tpu.vector_store %arg35[%swap3A_993, %swap3A_994, %swap3A_995], %sub3A_922 {strides = array<i32>} : memref<4x2x384xf32, #tpu.memory_space<vmem>>, vector<16xf32>,
          %convert_element_type3A_997 = arith.fptosi %mul3A_898 : vector<16xf32> to vector<16xi32>
          %convert_element_type3A_998 = arith.fptosi %mul3A_904 : vector<16xf32> to vector<16xi32>
          %convert_element_type3A_999 = arith.fptosi %mul3A_910 : vector<16xf32> to vector<16xi32>
          %convert_element_type3A_1000 = arith.sitofp %convert_element_type3A_997 : vector<16xi32> to vector<16xf32>
          %sub3A_1001 = arith.subf %mul3A_898, %convert_element_type3A_1000 : vector<16xf32>
          %convert_element_type3A_1002 = arith.sitofp %convert_element_type3A_998 : vector<16xi32> to vector<16xf32>
          %sub3A_1003 = arith.subf %mul3A_904, %convert_element_type3A_1002 : vector<16xf32>
          %convert_element_type3A_1004 = arith.sitofp %convert_element_type3A_999 : vector<16xi32> to vector<16xf32>
          %sub3A_1005 = arith.subf %mul3A_910, %convert_element_type3A_1004 : vector<16xf32>
          %mul3A_1006 = arith.constant 200 : i32
          %mul3A_1007 = vector.broadcast %mul3A_1006 : i32 to vector<16xi32>
          %mul3A_1008 = arith.muli %convert_element_type3A_997, %mul3A_1007 : vector<16xi32>
          %add3A_1009 = arith.addi %mul3A_1008, %convert_element_type3A_998 : vector<16xi32>
          %swap3A_1010 = arith.constant 3 : i32
          %swap3A_1011 = arith.index_cast %swap3A_1010 : i32 to index
          %swap3A_1012 = arith.index_cast %mul3A_874 : i32 to index
          %swap3A_1013 = tpu.vector_load %arg36[%swap3A_1011, %swap3A_1012] {strides = array<i32>} : memref<4x384xi32, #tpu.memory_space<vmem>>, vector<16xi32>,
          tpu.vector_store %arg36[%swap3A_1011, %swap3A_1012], %add3A_1009 {strides = array<i32>} : memref<4x384xi32, #tpu.memory_space<vmem>>, vector<16xi32>,
          %mul3A_1014 = arith.constant 6000 : i32
          %mul3A_1015 = vector.broadcast %mul3A_1014 : i32 to vector<16xi32>
          %mul3A_1016 = arith.muli %convert_element_type3A_997, %mul3A_1015 : vector<16xi32>
          %mul3A_1017 = arith.constant 30 : i32
          %mul3A_1018 = vector.broadcast %mul3A_1017 : i32 to vector<16xi32>
          %mul3A_1019 = arith.muli %convert_element_type3A_998, %mul3A_1018 : vector<16xi32>
          %add3A_1020 = arith.addi %mul3A_1016, %mul3A_1019 : vector<16xi32>
          %add3A_1021 = arith.addi %add3A_1020, %convert_element_type3A_999 : vector<16xi32>
          %swap3A_1022 = arith.constant 3 : i32
          %swap3A_1023 = arith.index_cast %swap3A_1022 : i32 to index
          %swap3A_1024 = arith.index_cast %mul3A_874 : i32 to index
          %swap3A_1025 = tpu.vector_load %arg39[%swap3A_1023, %swap3A_1024] {strides = array<i32>} : memref<4x384xi32, #tpu.memory_space<vmem>>, vector<16xi32>,
          tpu.vector_store %arg39[%swap3A_1023, %swap3A_1024], %add3A_1021 {strides = array<i32>} : memref<4x384xi32, #tpu.memory_space<vmem>>, vector<16xi32>,
          %swap3A_1026 = arith.constant 3 : i32
          %swap3A_1027 = arith.constant 0 : i32
          %swap3A_1028 = arith.index_cast %swap3A_1026 : i32 to index
          %swap3A_1029 = arith.index_cast %swap3A_1027 : i32 to index
          %swap3A_1030 = arith.index_cast %mul3A_874 : i32 to index
          %swap3A_1031 = tpu.vector_load %arg37[%swap3A_1028, %swap3A_1029, %swap3A_1030] {strides = array<i32>} : memref<4x2x384xi32, #tpu.memory_space<vmem>>, vector<16xi32>,
          tpu.vector_store %arg37[%swap3A_1028, %swap3A_1029, %swap3A_1030], %convert_element_type3A_997 {strides = array<i32>} : memref<4x2x384xi32, #tpu.memory_space<vmem>>, vector<16xi32>,
          %swap3A_1032 = arith.constant 3 : i32
          %swap3A_1033 = arith.constant 1 : i32
          %swap3A_1034 = arith.index_cast %swap3A_1032 : i32 to index
          %swap3A_1035 = arith.index_cast %swap3A_1033 : i32 to index
          %swap3A_1036 = arith.index_cast %mul3A_874 : i32 to index
          %swap3A_1037 = tpu.vector_load %arg37[%swap3A_1034, %swap3A_1035, %swap3A_1036] {strides = array<i32>} : memref<4x2x384xi32, #tpu.memory_space<vmem>>, vector<16xi32>,
          tpu.vector_store %arg37[%swap3A_1034, %swap3A_1035, %swap3A_1036], %convert_element_type3A_998 {strides = array<i32>} : memref<4x2x384xi32, #tpu.memory_space<vmem>>, vector<16xi32>,
          %swap3A_1038 = arith.constant 3 : i32
          %swap3A_1039 = arith.constant 0 : i32
          %swap3A_1040 = arith.index_cast %swap3A_1038 : i32 to index
          %swap3A_1041 = arith.index_cast %swap3A_1039 : i32 to index
          %swap3A_1042 = arith.index_cast %mul3A_874 : i32 to index
          %swap3A_1043 = tpu.vector_load %arg38[%swap3A_1040, %swap3A_1041, %swap3A_1042] {strides = array<i32>} : memref<4x2x384xf32, #tpu.memory_space<vmem>>, vector<16xf32>,
          tpu.vector_store %arg38[%swap3A_1040, %swap3A_1041, %swap3A_1042], %sub3A_1001 {strides = array<i32>} : memref<4x2x384xf32, #tpu.memory_space<vmem>>, vector<16xf32>,
          %swap3A_1044 = arith.constant 3 : i32
          %swap3A_1045 = arith.constant 1 : i32
          %swap3A_1046 = arith.index_cast %swap3A_1044 : i32 to index
          %swap3A_1047 = arith.index_cast %swap3A_1045 : i32 to index
          %swap3A_1048 = arith.index_cast %mul3A_874 : i32 to index
          %swap3A_1049 = tpu.vector_load %arg38[%swap3A_1046, %swap3A_1047, %swap3A_1048] {strides = array<i32>} : memref<4x2x384xf32, #tpu.memory_space<vmem>>, vector<16xf32>,
          tpu.vector_store %arg38[%swap3A_1046, %swap3A_1047, %swap3A_1048], %sub3A_1003 {strides = array<i32>} : memref<4x2x384xf32, #tpu.memory_space<vmem>>, vector<16xf32>,
          %swap3A_1050 = arith.constant 0 : i32
          %swap3A_1051 = arith.constant 3 : i32
          %swap3A_1052 = arith.index_cast %swap3A_1050 : i32 to index
          %swap3A_1053 = arith.index_cast %swap3A_1051 : i32 to index
          %swap3A_1054 = arith.index_cast %mul3A_874 : i32 to index
          %swap3A_1055 = tpu.vector_load %arg40[%swap3A_1052, %swap3A_1053, %swap3A_1054] {strides = array<i32>} : memref<3x4x384xi32, #tpu.memory_space<vmem>>, vector<16xi32>,
          tpu.vector_store %arg40[%swap3A_1052, %swap3A_1053, %swap3A_1054], %convert_element_type3A_997 {strides = array<i32>} : memref<3x4x384xi32, #tpu.memory_space<vmem>>, vector<16xi32>,
          %swap3A_1056 = arith.constant 1 : i32
          %swap3A_1057 = arith.constant 3 : i32
          %swap3A_1058 = arith.index_cast %swap3A_1056 : i32 to index
          %swap3A_1059 = arith.index_cast %swap3A_1057 : i32 to index
          %swap3A_1060 = arith.index_cast %mul3A_874 : i32 to index
          %swap3A_1061 = tpu.vector_load %arg40[%swap3A_1058, %swap3A_1059, %swap3A_1060] {strides = array<i32>} : memref<3x4x384xi32, #tpu.memory_space<vmem>>, vector<16xi32>,
          tpu.vector_store %arg40[%swap3A_1058, %swap3A_1059, %swap3A_1060], %convert_element_type3A_998 {strides = array<i32>} : memref<3x4x384xi32, #tpu.memory_space<vmem>>, vector<16xi32>,
          %swap3A_1062 = arith.constant 2 : i32
          %swap3A_1063 = arith.constant 3 : i32
          %swap3A_1064 = arith.index_cast %swap3A_1062 : i32 to index
          %swap3A_1065 = arith.index_cast %swap3A_1063 : i32 to index
          %swap3A_1066 = arith.index_cast %mul3A_874 : i32 to index
          %swap3A_1067 = tpu.vector_load %arg40[%swap3A_1064, %swap3A_1065, %swap3A_1066] {strides = array<i32>} : memref<3x4x384xi32, #tpu.memory_space<vmem>>, vector<16xi32>,
          tpu.vector_store %arg40[%swap3A_1064, %swap3A_1065, %swap3A_1066], %convert_element_type3A_999 {strides = array<i32>} : memref<3x4x384xi32, #tpu.memory_space<vmem>>, vector<16xi32>,
          %swap3A_1068 = arith.constant 3 : i32
          %swap3A_1069 = arith.constant 0 : i32
          %swap3A_1070 = arith.index_cast %swap3A_1068 : i32 to index
          %swap3A_1071 = arith.index_cast %swap3A_1069 : i32 to index
          %swap3A_1072 = arith.index_cast %mul3A_874 : i32 to index
          %swap3A_1073 = tpu.vector_load %arg41[%swap3A_1070, %swap3A_1071, %swap3A_1072] {strides = array<i32>} : memref<4x2x384xf32, #tpu.memory_space<vmem>>, vector<16xf32>,
          tpu.vector_store %arg41[%swap3A_1070, %swap3A_1071, %swap3A_1072], %sub3A_1001 {strides = array<i32>} : memref<4x2x384xf32, #tpu.memory_space<vmem>>, vector<16xf32>,
          %swap3A_1074 = arith.constant 3 : i32
          %swap3A_1075 = arith.constant 1 : i32
          %swap3A_1076 = arith.index_cast %swap3A_1074 : i32 to index
          %swap3A_1077 = arith.index_cast %swap3A_1075 : i32 to index
          %swap3A_1078 = arith.index_cast %mul3A_874 : i32 to index
          %swap3A_1079 = tpu.vector_load %arg41[%swap3A_1076, %swap3A_1077, %swap3A_1078] {strides = array<i32>} : memref<4x2x384xf32, #tpu.memory_space<vmem>>, vector<16xf32>,
          tpu.vector_store %arg41[%swap3A_1076, %swap3A_1077, %swap3A_1078], %sub3A_1005 {strides = array<i32>} : memref<4x2x384xf32, #tpu.memory_space<vmem>>, vector<16xf32>,
        }
        %scan3A_177 = arith.constant 24 : i32
        %mul3A_178 = arith.constant 32 : i32
        %mul3A_179 = arith.muli %add3A_150, %mul3A_178 : i32
        %add3A_180 = arith.addi %mul3A_179, %add3A : i32
        %mul3A_181 = arith.constant 384 : i32
        %mul3A_182 = arith.muli %add3A_180, %mul3A_181 : i32
        %dma_start3A_183 = arith.constant 0 : i32
        %dma_start3A_184 = arith.constant 0 : i32
        %dma_start3A_185 = tpu.memref_slice %arg3[%dma_start3A_183, %dma_start3A_184, %mul3A_182] : memref<4x4x120000xf32, #tpu.memory_space<hbm>> -> memref<4x4x384xf32, #tpu.memory_space<hbm>>
        %dma_start3A_186 = arith.constant 0 : i32
        %dma_start3A_187 = arith.constant 0 : i32
        %dma_start3A_188 = tpu.memref_slice %arg3[%dma_start3A_186, %dma_start3A_187, %mul3A_182] : memref<4x4x120000xf32, #tpu.memory_space<hbm>> -> memref<4x4x384xf32, #tpu.memory_space<hbm>>
        tpu.enqueue_dma source(%arg17 : memref<4x4x384xf32, #tpu.memory_space<vmem>>) target(%dma_start3A_188 : memref<4x4x384xf32, #tpu.memory_space<hbm>>) target_semaphore(%arg58 : memref<!tpu.dma_semaphore, #tpu.memory_space<semaphore_mem>>)
        %dma_start3A_189 = arith.constant 0 : i32
        %dma_start3A_190 = tpu.memref_slice %arg4[%dma_start3A_189, %mul3A_182] : memref<4x120000xi32, #tpu.memory_space<hbm>> -> memref<4x384xi32, #tpu.memory_space<hbm>>
        %dma_start3A_191 = arith.constant 0 : i32
        %dma_start3A_192 = tpu.memref_slice %arg4[%dma_start3A_191, %mul3A_182] : memref<4x120000xi32, #tpu.memory_space<hbm>> -> memref<4x384xi32, #tpu.memory_space<hbm>>
        tpu.enqueue_dma source(%arg30 : memref<4x384xi32, #tpu.memory_space<vmem>>) target(%dma_start3A_192 : memref<4x384xi32, #tpu.memory_space<hbm>>) target_semaphore(%arg58 : memref<!tpu.dma_semaphore, #tpu.memory_space<semaphore_mem>>)
        %dma_start3A_193 = arith.constant 0 : i32
        %dma_start3A_194 = arith.constant 0 : i32
        %dma_start3A_195 = tpu.memref_slice %arg5[%dma_start3A_193, %dma_start3A_194, %mul3A_182] : memref<4x2x120000xi32, #tpu.memory_space<hbm>> -> memref<4x2x384xi32, #tpu.memory_space<hbm>>
        %dma_start3A_196 = arith.constant 0 : i32
        %dma_start3A_197 = arith.constant 0 : i32
        %dma_start3A_198 = tpu.memref_slice %arg5[%dma_start3A_196, %dma_start3A_197, %mul3A_182] : memref<4x2x120000xi32, #tpu.memory_space<hbm>> -> memref<4x2x384xi32, #tpu.memory_space<hbm>>
        tpu.enqueue_dma source(%arg31 : memref<4x2x384xi32, #tpu.memory_space<vmem>>) target(%dma_start3A_198 : memref<4x2x384xi32, #tpu.memory_space<hbm>>) target_semaphore(%arg58 : memref<!tpu.dma_semaphore, #tpu.memory_space<semaphore_mem>>)
        %dma_start3A_199 = arith.constant 0 : i32
        %dma_start3A_200 = arith.constant 0 : i32
        %dma_start3A_201 = tpu.memref_slice %arg6[%dma_start3A_199, %dma_start3A_200, %mul3A_182] : memref<4x2x120000xf32, #tpu.memory_space<hbm>> -> memref<4x2x384xf32, #tpu.memory_space<hbm>>
        %dma_start3A_202 = arith.constant 0 : i32
        %dma_start3A_203 = arith.constant 0 : i32
        %dma_start3A_204 = tpu.memref_slice %arg6[%dma_start3A_202, %dma_start3A_203, %mul3A_182] : memref<4x2x120000xf32, #tpu.memory_space<hbm>> -> memref<4x2x384xf32, #tpu.memory_space<hbm>>
        tpu.enqueue_dma source(%arg32 : memref<4x2x384xf32, #tpu.memory_space<vmem>>) target(%dma_start3A_204 : memref<4x2x384xf32, #tpu.memory_space<hbm>>) target_semaphore(%arg58 : memref<!tpu.dma_semaphore, #tpu.memory_space<semaphore_mem>>)
        %dma_start3A_205 = arith.constant 0 : i32
        %dma_start3A_206 = tpu.memref_slice %arg7[%dma_start3A_205, %mul3A_182] : memref<4x120000xi32, #tpu.memory_space<hbm>> -> memref<4x384xi32, #tpu.memory_space<hbm>>
        %dma_start3A_207 = arith.constant 0 : i32
        %dma_start3A_208 = tpu.memref_slice %arg7[%dma_start3A_207, %mul3A_182] : memref<4x120000xi32, #tpu.memory_space<hbm>> -> memref<4x384xi32, #tpu.memory_space<hbm>>
        tpu.enqueue_dma source(%arg33 : memref<4x384xi32, #tpu.memory_space<vmem>>) target(%dma_start3A_208 : memref<4x384xi32, #tpu.memory_space<hbm>>) target_semaphore(%arg58 : memref<!tpu.dma_semaphore, #tpu.memory_space<semaphore_mem>>)
        %dma_start3A_209 = arith.constant 0 : i32
        %dma_start3A_210 = arith.constant 0 : i32
        %dma_start3A_211 = tpu.memref_slice %arg8[%dma_start3A_209, %dma_start3A_210, %mul3A_182] : memref<3x4x120000xi32, #tpu.memory_space<hbm>> -> memref<3x4x384xi32, #tpu.memory_space<hbm>>
        %dma_start3A_212 = arith.constant 0 : i32
        %dma_start3A_213 = arith.constant 0 : i32
        %dma_start3A_214 = tpu.memref_slice %arg8[%dma_start3A_212, %dma_start3A_213, %mul3A_182] : memref<3x4x120000xi32, #tpu.memory_space<hbm>> -> memref<3x4x384xi32, #tpu.memory_space<hbm>>
        tpu.enqueue_dma source(%arg34 : memref<3x4x384xi32, #tpu.memory_space<vmem>>) target(%dma_start3A_214 : memref<3x4x384xi32, #tpu.memory_space<hbm>>) target_semaphore(%arg58 : memref<!tpu.dma_semaphore, #tpu.memory_space<semaphore_mem>>)
        %dma_start3A_215 = arith.constant 0 : i32
        %dma_start3A_216 = arith.constant 0 : i32
        %dma_start3A_217 = tpu.memref_slice %arg9[%dma_start3A_215, %dma_start3A_216, %mul3A_182] : memref<4x2x120000xf32, #tpu.memory_space<hbm>> -> memref<4x2x384xf32, #tpu.memory_space<hbm>>
        %dma_start3A_218 = arith.constant 0 : i32
        %dma_start3A_219 = arith.constant 0 : i32
        %dma_start3A_220 = tpu.memref_slice %arg9[%dma_start3A_218, %dma_start3A_219, %mul3A_182] : memref<4x2x120000xf32, #tpu.memory_space<hbm>> -> memref<4x2x384xf32, #tpu.memory_space<hbm>>
        tpu.enqueue_dma source(%arg35 : memref<4x2x384xf32, #tpu.memory_space<vmem>>) target(%dma_start3A_220 : memref<4x2x384xf32, #tpu.memory_space<hbm>>) target_semaphore(%arg58 : memref<!tpu.dma_semaphore, #tpu.memory_space<semaphore_mem>>)
        %dma_start3A_221 = arith.constant 0 : i32
        %dma_start3A_222 = tpu.memref_slice %arg10[%dma_start3A_221, %mul3A_182] : memref<4x120000xi32, #tpu.memory_space<hbm>> -> memref<4x384xi32, #tpu.memory_space<hbm>>
        %dma_start3A_223 = arith.constant 0 : i32
        %dma_start3A_224 = tpu.memref_slice %arg10[%dma_start3A_223, %mul3A_182] : memref<4x120000xi32, #tpu.memory_space<hbm>> -> memref<4x384xi32, #tpu.memory_space<hbm>>
        tpu.enqueue_dma source(%arg36 : memref<4x384xi32, #tpu.memory_space<vmem>>) target(%dma_start3A_224 : memref<4x384xi32, #tpu.memory_space<hbm>>) target_semaphore(%arg58 : memref<!tpu.dma_semaphore, #tpu.memory_space<semaphore_mem>>)
        %dma_start3A_225 = arith.constant 0 : i32
        %dma_start3A_226 = arith.constant 0 : i32
        %dma_start3A_227 = tpu.memref_slice %arg11[%dma_start3A_225, %dma_start3A_226, %mul3A_182] : memref<4x2x120000xi32, #tpu.memory_space<hbm>> -> memref<4x2x384xi32, #tpu.memory_space<hbm>>
        %dma_start3A_228 = arith.constant 0 : i32
        %dma_start3A_229 = arith.constant 0 : i32
        %dma_start3A_230 = tpu.memref_slice %arg11[%dma_start3A_228, %dma_start3A_229, %mul3A_182] : memref<4x2x120000xi32, #tpu.memory_space<hbm>> -> memref<4x2x384xi32, #tpu.memory_space<hbm>>
        tpu.enqueue_dma source(%arg37 : memref<4x2x384xi32, #tpu.memory_space<vmem>>) target(%dma_start3A_230 : memref<4x2x384xi32, #tpu.memory_space<hbm>>) target_semaphore(%arg58 : memref<!tpu.dma_semaphore, #tpu.memory_space<semaphore_mem>>)
        %dma_start3A_231 = arith.constant 0 : i32
        %dma_start3A_232 = arith.constant 0 : i32
        %dma_start3A_233 = tpu.memref_slice %arg12[%dma_start3A_231, %dma_start3A_232, %mul3A_182] : memref<4x2x120000xf32, #tpu.memory_space<hbm>> -> memref<4x2x384xf32, #tpu.memory_space<hbm>>
        %dma_start3A_234 = arith.constant 0 : i32
        %dma_start3A_235 = arith.constant 0 : i32
        %dma_start3A_236 = tpu.memref_slice %arg12[%dma_start3A_234, %dma_start3A_235, %mul3A_182] : memref<4x2x120000xf32, #tpu.memory_space<hbm>> -> memref<4x2x384xf32, #tpu.memory_space<hbm>>
        tpu.enqueue_dma source(%arg38 : memref<4x2x384xf32, #tpu.memory_space<vmem>>) target(%dma_start3A_236 : memref<4x2x384xf32, #tpu.memory_space<hbm>>) target_semaphore(%arg58 : memref<!tpu.dma_semaphore, #tpu.memory_space<semaphore_mem>>)
        %dma_start3A_237 = arith.constant 0 : i32
        %dma_start3A_238 = tpu.memref_slice %arg13[%dma_start3A_237, %mul3A_182] : memref<4x120000xi32, #tpu.memory_space<hbm>> -> memref<4x384xi32, #tpu.memory_space<hbm>>
        %dma_start3A_239 = arith.constant 0 : i32
        %dma_start3A_240 = tpu.memref_slice %arg13[%dma_start3A_239, %mul3A_182] : memref<4x120000xi32, #tpu.memory_space<hbm>> -> memref<4x384xi32, #tpu.memory_space<hbm>>
        tpu.enqueue_dma source(%arg39 : memref<4x384xi32, #tpu.memory_space<vmem>>) target(%dma_start3A_240 : memref<4x384xi32, #tpu.memory_space<hbm>>) target_semaphore(%arg58 : memref<!tpu.dma_semaphore, #tpu.memory_space<semaphore_mem>>)
        %dma_start3A_241 = arith.constant 0 : i32
        %dma_start3A_242 = arith.constant 0 : i32
        %dma_start3A_243 = tpu.memref_slice %arg14[%dma_start3A_241, %dma_start3A_242, %mul3A_182] : memref<3x4x120000xi32, #tpu.memory_space<hbm>> -> memref<3x4x384xi32, #tpu.memory_space<hbm>>
        %dma_start3A_244 = arith.constant 0 : i32
        %dma_start3A_245 = arith.constant 0 : i32
        %dma_start3A_246 = tpu.memref_slice %arg14[%dma_start3A_244, %dma_start3A_245, %mul3A_182] : memref<3x4x120000xi32, #tpu.memory_space<hbm>> -> memref<3x4x384xi32, #tpu.memory_space<hbm>>
        tpu.enqueue_dma source(%arg40 : memref<3x4x384xi32, #tpu.memory_space<vmem>>) target(%dma_start3A_246 : memref<3x4x384xi32, #tpu.memory_space<hbm>>) target_semaphore(%arg58 : memref<!tpu.dma_semaphore, #tpu.memory_space<semaphore_mem>>)
        %dma_start3A_247 = arith.constant 0 : i32
        %dma_start3A_248 = arith.constant 0 : i32
        %dma_start3A_249 = tpu.memref_slice %arg15[%dma_start3A_247, %dma_start3A_248, %mul3A_182] : memref<4x2x120000xf32, #tpu.memory_space<hbm>> -> memref<4x2x384xf32, #tpu.memory_space<hbm>>
        %dma_start3A_250 = arith.constant 0 : i32
        %dma_start3A_251 = arith.constant 0 : i32
        %dma_start3A_252 = tpu.memref_slice %arg15[%dma_start3A_250, %dma_start3A_251, %mul3A_182] : memref<4x2x120000xf32, #tpu.memory_space<hbm>> -> memref<4x2x384xf32, #tpu.memory_space<hbm>>
        tpu.enqueue_dma source(%arg41 : memref<4x2x384xf32, #tpu.memory_space<vmem>>) target(%dma_start3A_252 : memref<4x2x384xf32, #tpu.memory_space<hbm>>) target_semaphore(%arg58 : memref<!tpu.dma_semaphore, #tpu.memory_space<semaphore_mem>>)
      } else {
      }
    }
    %scan3A_33 = arith.constant 5 : i32
    %ge3A = arith.constant 1 : i32
    %ge3A_34 = arith.cmpi sge, %add3A_20, %ge3A : i32
    %sub3A_35 = arith.constant 1 : i32
    %sub3A_36 = arith.subi %add3A_20, %sub3A_35 : i32
    %jit3A_37 = arith.constant 2 : i32
    %eq3A = arith.constant 0 : i32
    %eq3A_38 = arith.cmpi eq, %jit3A_37, %eq3A : i32
    %jit3A_39 = arith.constant 1 : i32
    %select_n3A_40 = arith.select %eq3A_38, %jit3A_39, %jit3A_37 : i32
    %rem3A_41 = arith.remsi %sub3A_36, %select_n3A_40 : i32
    %ne3A_42 = arith.constant 0 : i32
    %ne3A_43 = arith.cmpi ne, %rem3A_41, %ne3A_42 : i32
    %lt3A = arith.constant 0 : i32
    %lt3A_44 = arith.cmpi slt, %rem3A_41, %lt3A : i32
    %lt3A_45 = arith.constant 0 : i32
    %lt3A_46 = arith.cmpi slt, %select_n3A_40, %lt3A_45 : i32
    %ne3A_47 = arith.xori %lt3A_44, %lt3A_46 : i1
    %and3A_48 = arith.andi %ne3A_47, %ne3A_43 : i1
    %add3A_49 = arith.addi %rem3A_41, %select_n3A_40 : i32
    %select_n3A_50 = arith.select %and3A_48, %add3A_49, %rem3A_41 : i32
    %eq3A_51 = arith.constant 0 : i32
    %eq3A_52 = arith.cmpi eq, %select_n3A_50, %eq3A_51 : i32
    %and3A_53 = arith.andi %ge3A_34, %eq3A_52 : i1
    %convert_element_type3A = arith.extui %and3A_53 : i1 to i32
    %cond3A = arith.constant 0 : i32
    %cond3A_54 = arith.cmpi ne, %convert_element_type3A, %cond3A : i32
    scf.if %cond3A_54 {
      %sub3A_138 = arith.constant 1 : i32
      %sub3A_139 = arith.subi %add3A_20, %sub3A_138 : i32
      %mul3A_140 = arith.constant 32 : i32
      %mul3A_141 = arith.muli %sub3A_139, %mul3A_140 : i32
      %add3A_142 = arith.addi %mul3A_141, %add3A : i32
      %mul3A_143 = arith.constant 384 : i32
      %mul3A_144 = arith.muli %add3A_142, %mul3A_143 : i32
      %dma_wait3A = arith.constant 0 : i32
      %dma_wait3A_145 = arith.constant 0 : i32
      %dma_wait3A_146 = tpu.memref_slice %arg3[%dma_wait3A, %dma_wait3A_145, %mul3A_144] : memref<4x4x120000xf32, #tpu.memory_space<hbm>> -> memref<4x4x384xf32, #tpu.memory_space<hbm>>
      %dma_wait3A_147 = arith.constant 0 : i32
      %dma_wait3A_148 = arith.constant 0 : i32
      %dma_wait3A_149 = tpu.memref_slice %arg3[%dma_wait3A_147, %dma_wait3A_148, %mul3A_144] : memref<4x4x120000xf32, #tpu.memory_space<hbm>> -> memref<4x4x384xf32, #tpu.memory_space<hbm>>
      tpu.wait_dma2 semaphore(%arg57 : memref<!tpu.dma_semaphore, #tpu.memory_space<semaphore_mem>>) src(%arg16 : memref<4x4x384xf32, #tpu.memory_space<vmem>>) dst(%dma_wait3A_149 : memref<4x4x384xf32, #tpu.memory_space<hbm>>)
      %dma_wait3A_150 = arith.constant 0 : i32
      %dma_wait3A_151 = tpu.memref_slice %arg4[%dma_wait3A_150, %mul3A_144] : memref<4x120000xi32, #tpu.memory_space<hbm>> -> memref<4x384xi32, #tpu.memory_space<hbm>>
      %dma_wait3A_152 = arith.constant 0 : i32
      %dma_wait3A_153 = tpu.memref_slice %arg4[%dma_wait3A_152, %mul3A_144] : memref<4x120000xi32, #tpu.memory_space<hbm>> -> memref<4x384xi32, #tpu.memory_space<hbm>>
      tpu.wait_dma2 semaphore(%arg57 : memref<!tpu.dma_semaphore, #tpu.memory_space<semaphore_mem>>) src(%arg18 : memref<4x384xi32, #tpu.memory_space<vmem>>) dst(%dma_wait3A_153 : memref<4x384xi32, #tpu.memory_space<hbm>>)
      %dma_wait3A_154 = arith.constant 0 : i32
      %dma_wait3A_155 = arith.constant 0 : i32
      %dma_wait3A_156 = tpu.memref_slice %arg5[%dma_wait3A_154, %dma_wait3A_155, %mul3A_144] : memref<4x2x120000xi32, #tpu.memory_space<hbm>> -> memref<4x2x384xi32, #tpu.memory_space<hbm>>
      %dma_wait3A_157 = arith.constant 0 : i32
      %dma_wait3A_158 = arith.constant 0 : i32
      %dma_wait3A_159 = tpu.memref_slice %arg5[%dma_wait3A_157, %dma_wait3A_158, %mul3A_144] : memref<4x2x120000xi32, #tpu.memory_space<hbm>> -> memref<4x2x384xi32, #tpu.memory_space<hbm>>
      tpu.wait_dma2 semaphore(%arg57 : memref<!tpu.dma_semaphore, #tpu.memory_space<semaphore_mem>>) src(%arg19 : memref<4x2x384xi32, #tpu.memory_space<vmem>>) dst(%dma_wait3A_159 : memref<4x2x384xi32, #tpu.memory_space<hbm>>)
      %dma_wait3A_160 = arith.constant 0 : i32
      %dma_wait3A_161 = arith.constant 0 : i32
      %dma_wait3A_162 = tpu.memref_slice %arg6[%dma_wait3A_160, %dma_wait3A_161, %mul3A_144] : memref<4x2x120000xf32, #tpu.memory_space<hbm>> -> memref<4x2x384xf32, #tpu.memory_space<hbm>>
      %dma_wait3A_163 = arith.constant 0 : i32
      %dma_wait3A_164 = arith.constant 0 : i32
      %dma_wait3A_165 = tpu.memref_slice %arg6[%dma_wait3A_163, %dma_wait3A_164, %mul3A_144] : memref<4x2x120000xf32, #tpu.memory_space<hbm>> -> memref<4x2x384xf32, #tpu.memory_space<hbm>>
      tpu.wait_dma2 semaphore(%arg57 : memref<!tpu.dma_semaphore, #tpu.memory_space<semaphore_mem>>) src(%arg20 : memref<4x2x384xf32, #tpu.memory_space<vmem>>) dst(%dma_wait3A_165 : memref<4x2x384xf32, #tpu.memory_space<hbm>>)
      %dma_wait3A_166 = arith.constant 0 : i32
      %dma_wait3A_167 = tpu.memref_slice %arg7[%dma_wait3A_166, %mul3A_144] : memref<4x120000xi32, #tpu.memory_space<hbm>> -> memref<4x384xi32, #tpu.memory_space<hbm>>
      %dma_wait3A_168 = arith.constant 0 : i32
      %dma_wait3A_169 = tpu.memref_slice %arg7[%dma_wait3A_168, %mul3A_144] : memref<4x120000xi32, #tpu.memory_space<hbm>> -> memref<4x384xi32, #tpu.memory_space<hbm>>
      tpu.wait_dma2 semaphore(%arg57 : memref<!tpu.dma_semaphore, #tpu.memory_space<semaphore_mem>>) src(%arg21 : memref<4x384xi32, #tpu.memory_space<vmem>>) dst(%dma_wait3A_169 : memref<4x384xi32, #tpu.memory_space<hbm>>)
      %dma_wait3A_170 = arith.constant 0 : i32
      %dma_wait3A_171 = arith.constant 0 : i32
      %dma_wait3A_172 = tpu.memref_slice %arg8[%dma_wait3A_170, %dma_wait3A_171, %mul3A_144] : memref<3x4x120000xi32, #tpu.memory_space<hbm>> -> memref<3x4x384xi32, #tpu.memory_space<hbm>>
      %dma_wait3A_173 = arith.constant 0 : i32
      %dma_wait3A_174 = arith.constant 0 : i32
      %dma_wait3A_175 = tpu.memref_slice %arg8[%dma_wait3A_173, %dma_wait3A_174, %mul3A_144] : memref<3x4x120000xi32, #tpu.memory_space<hbm>> -> memref<3x4x384xi32, #tpu.memory_space<hbm>>
      tpu.wait_dma2 semaphore(%arg57 : memref<!tpu.dma_semaphore, #tpu.memory_space<semaphore_mem>>) src(%arg22 : memref<3x4x384xi32, #tpu.memory_space<vmem>>) dst(%dma_wait3A_175 : memref<3x4x384xi32, #tpu.memory_space<hbm>>)
      %dma_wait3A_176 = arith.constant 0 : i32
      %dma_wait3A_177 = arith.constant 0 : i32
      %dma_wait3A_178 = tpu.memref_slice %arg9[%dma_wait3A_176, %dma_wait3A_177, %mul3A_144] : memref<4x2x120000xf32, #tpu.memory_space<hbm>> -> memref<4x2x384xf32, #tpu.memory_space<hbm>>
      %dma_wait3A_179 = arith.constant 0 : i32
      %dma_wait3A_180 = arith.constant 0 : i32
      %dma_wait3A_181 = tpu.memref_slice %arg9[%dma_wait3A_179, %dma_wait3A_180, %mul3A_144] : memref<4x2x120000xf32, #tpu.memory_space<hbm>> -> memref<4x2x384xf32, #tpu.memory_space<hbm>>
      tpu.wait_dma2 semaphore(%arg57 : memref<!tpu.dma_semaphore, #tpu.memory_space<semaphore_mem>>) src(%arg23 : memref<4x2x384xf32, #tpu.memory_space<vmem>>) dst(%dma_wait3A_181 : memref<4x2x384xf32, #tpu.memory_space<hbm>>)
      %dma_wait3A_182 = arith.constant 0 : i32
      %dma_wait3A_183 = tpu.memref_slice %arg10[%dma_wait3A_182, %mul3A_144] : memref<4x120000xi32, #tpu.memory_space<hbm>> -> memref<4x384xi32, #tpu.memory_space<hbm>>
      %dma_wait3A_184 = arith.constant 0 : i32
      %dma_wait3A_185 = tpu.memref_slice %arg10[%dma_wait3A_184, %mul3A_144] : memref<4x120000xi32, #tpu.memory_space<hbm>> -> memref<4x384xi32, #tpu.memory_space<hbm>>
      tpu.wait_dma2 semaphore(%arg57 : memref<!tpu.dma_semaphore, #tpu.memory_space<semaphore_mem>>) src(%arg24 : memref<4x384xi32, #tpu.memory_space<vmem>>) dst(%dma_wait3A_185 : memref<4x384xi32, #tpu.memory_space<hbm>>)
      %dma_wait3A_186 = arith.constant 0 : i32
      %dma_wait3A_187 = arith.constant 0 : i32
      %dma_wait3A_188 = tpu.memref_slice %arg11[%dma_wait3A_186, %dma_wait3A_187, %mul3A_144] : memref<4x2x120000xi32, #tpu.memory_space<hbm>> -> memref<4x2x384xi32, #tpu.memory_space<hbm>>
      %dma_wait3A_189 = arith.constant 0 : i32
      %dma_wait3A_190 = arith.constant 0 : i32
      %dma_wait3A_191 = tpu.memref_slice %arg11[%dma_wait3A_189, %dma_wait3A_190, %mul3A_144] : memref<4x2x120000xi32, #tpu.memory_space<hbm>> -> memref<4x2x384xi32, #tpu.memory_space<hbm>>
      tpu.wait_dma2 semaphore(%arg57 : memref<!tpu.dma_semaphore, #tpu.memory_space<semaphore_mem>>) src(%arg25 : memref<4x2x384xi32, #tpu.memory_space<vmem>>) dst(%dma_wait3A_191 : memref<4x2x384xi32, #tpu.memory_space<hbm>>)
      %dma_wait3A_192 = arith.constant 0 : i32
      %dma_wait3A_193 = arith.constant 0 : i32
      %dma_wait3A_194 = tpu.memref_slice %arg12[%dma_wait3A_192, %dma_wait3A_193, %mul3A_144] : memref<4x2x120000xf32, #tpu.memory_space<hbm>> -> memref<4x2x384xf32, #tpu.memory_space<hbm>>
      %dma_wait3A_195 = arith.constant 0 : i32
      %dma_wait3A_196 = arith.constant 0 : i32
      %dma_wait3A_197 = tpu.memref_slice %arg12[%dma_wait3A_195, %dma_wait3A_196, %mul3A_144] : memref<4x2x120000xf32, #tpu.memory_space<hbm>> -> memref<4x2x384xf32, #tpu.memory_space<hbm>>
      tpu.wait_dma2 semaphore(%arg57 : memref<!tpu.dma_semaphore, #tpu.memory_space<semaphore_mem>>) src(%arg26 : memref<4x2x384xf32, #tpu.memory_space<vmem>>) dst(%dma_wait3A_197 : memref<4x2x384xf32, #tpu.memory_space<hbm>>)
      %dma_wait3A_198 = arith.constant 0 : i32
      %dma_wait3A_199 = tpu.memref_slice %arg13[%dma_wait3A_198, %mul3A_144] : memref<4x120000xi32, #tpu.memory_space<hbm>> -> memref<4x384xi32, #tpu.memory_space<hbm>>
      %dma_wait3A_200 = arith.constant 0 : i32
      %dma_wait3A_201 = tpu.memref_slice %arg13[%dma_wait3A_200, %mul3A_144] : memref<4x120000xi32, #tpu.memory_space<hbm>> -> memref<4x384xi32, #tpu.memory_space<hbm>>
      tpu.wait_dma2 semaphore(%arg57 : memref<!tpu.dma_semaphore, #tpu.memory_space<semaphore_mem>>) src(%arg27 : memref<4x384xi32, #tpu.memory_space<vmem>>) dst(%dma_wait3A_201 : memref<4x384xi32, #tpu.memory_space<hbm>>)
      %dma_wait3A_202 = arith.constant 0 : i32
      %dma_wait3A_203 = arith.constant 0 : i32
      %dma_wait3A_204 = tpu.memref_slice %arg14[%dma_wait3A_202, %dma_wait3A_203, %mul3A_144] : memref<3x4x120000xi32, #tpu.memory_space<hbm>> -> memref<3x4x384xi32, #tpu.memory_space<hbm>>
      %dma_wait3A_205 = arith.constant 0 : i32
      %dma_wait3A_206 = arith.constant 0 : i32
      %dma_wait3A_207 = tpu.memref_slice %arg14[%dma_wait3A_205, %dma_wait3A_206, %mul3A_144] : memref<3x4x120000xi32, #tpu.memory_space<hbm>> -> memref<3x4x384xi32, #tpu.memory_space<hbm>>
      tpu.wait_dma2 semaphore(%arg57 : memref<!tpu.dma_semaphore, #tpu.memory_space<semaphore_mem>>) src(%arg28 : memref<3x4x384xi32, #tpu.memory_space<vmem>>) dst(%dma_wait3A_207 : memref<3x4x384xi32, #tpu.memory_space<hbm>>)
      %dma_wait3A_208 = arith.constant 0 : i32
      %dma_wait3A_209 = arith.constant 0 : i32
      %dma_wait3A_210 = tpu.memref_slice %arg15[%dma_wait3A_208, %dma_wait3A_209, %mul3A_144] : memref<4x2x120000xf32, #tpu.memory_space<hbm>> -> memref<4x2x384xf32, #tpu.memory_space<hbm>>
      %dma_wait3A_211 = arith.constant 0 : i32
      %dma_wait3A_212 = arith.constant 0 : i32
      %dma_wait3A_213 = tpu.memref_slice %arg15[%dma_wait3A_211, %dma_wait3A_212, %mul3A_144] : memref<4x2x120000xf32, #tpu.memory_space<hbm>> -> memref<4x2x384xf32, #tpu.memory_space<hbm>>
      tpu.wait_dma2 semaphore(%arg57 : memref<!tpu.dma_semaphore, #tpu.memory_space<semaphore_mem>>) src(%arg29 : memref<4x2x384xf32, #tpu.memory_space<vmem>>) dst(%dma_wait3A_213 : memref<4x2x384xf32, #tpu.memory_space<hbm>>)
    } else {
    }
    %ge3A_55 = arith.constant 2 : i32
    %ge3A_56 = arith.cmpi sge, %add3A_20, %ge3A_55 : i32
    %sub3A_57 = arith.constant 2 : i32
    %sub3A_58 = arith.subi %add3A_20, %sub3A_57 : i32
    %jit3A_59 = arith.constant 2 : i32
    %eq3A_60 = arith.constant 0 : i32
    %eq3A_61 = arith.cmpi eq, %jit3A_59, %eq3A_60 : i32
    %jit3A_62 = arith.constant 1 : i32
    %select_n3A_63 = arith.select %eq3A_61, %jit3A_62, %jit3A_59 : i32
    %rem3A_64 = arith.remsi %sub3A_58, %select_n3A_63 : i32
    %ne3A_65 = arith.constant 0 : i32
    %ne3A_66 = arith.cmpi ne, %rem3A_64, %ne3A_65 : i32
    %lt3A_67 = arith.constant 0 : i32
    %lt3A_68 = arith.cmpi slt, %rem3A_64, %lt3A_67 : i32
    %lt3A_69 = arith.constant 0 : i32
    %lt3A_70 = arith.cmpi slt, %select_n3A_63, %lt3A_69 : i32
    %ne3A_71 = arith.xori %lt3A_68, %lt3A_70 : i1
    %and3A_72 = arith.andi %ne3A_71, %ne3A_66 : i1
    %add3A_73 = arith.addi %rem3A_64, %select_n3A_63 : i32
    %select_n3A_74 = arith.select %and3A_72, %add3A_73, %rem3A_64 : i32
    %eq3A_75 = arith.constant 0 : i32
    %eq3A_76 = arith.cmpi eq, %select_n3A_74, %eq3A_75 : i32
    %and3A_77 = arith.andi %ge3A_56, %eq3A_76 : i1
    %convert_element_type3A_78 = arith.extui %and3A_77 : i1 to i32
    %cond3A_79 = arith.constant 0 : i32
    %cond3A_80 = arith.cmpi ne, %convert_element_type3A_78, %cond3A_79 : i32
    scf.if %cond3A_80 {
      %sub3A_138 = arith.constant 2 : i32
      %sub3A_139 = arith.subi %add3A_20, %sub3A_138 : i32
      %mul3A_140 = arith.constant 32 : i32
      %mul3A_141 = arith.muli %sub3A_139, %mul3A_140 : i32
      %add3A_142 = arith.addi %mul3A_141, %add3A : i32
      %mul3A_143 = arith.constant 384 : i32
      %mul3A_144 = arith.muli %add3A_142, %mul3A_143 : i32
      %dma_wait3A = arith.constant 0 : i32
      %dma_wait3A_145 = arith.constant 0 : i32
      %dma_wait3A_146 = tpu.memref_slice %arg3[%dma_wait3A, %dma_wait3A_145, %mul3A_144] : memref<4x4x120000xf32, #tpu.memory_space<hbm>> -> memref<4x4x384xf32, #tpu.memory_space<hbm>>
      %dma_wait3A_147 = arith.constant 0 : i32
      %dma_wait3A_148 = arith.constant 0 : i32
      %dma_wait3A_149 = tpu.memref_slice %arg3[%dma_wait3A_147, %dma_wait3A_148, %mul3A_144] : memref<4x4x120000xf32, #tpu.memory_space<hbm>> -> memref<4x4x384xf32, #tpu.memory_space<hbm>>
      tpu.wait_dma2 semaphore(%arg57 : memref<!tpu.dma_semaphore, #tpu.memory_space<semaphore_mem>>) src(%arg16 : memref<4x4x384xf32, #tpu.memory_space<vmem>>) dst(%dma_wait3A_149 : memref<4x4x384xf32, #tpu.memory_space<hbm>>)
      %dma_wait3A_150 = arith.constant 0 : i32
      %dma_wait3A_151 = tpu.memref_slice %arg4[%dma_wait3A_150, %mul3A_144] : memref<4x120000xi32, #tpu.memory_space<hbm>> -> memref<4x384xi32, #tpu.memory_space<hbm>>
      %dma_wait3A_152 = arith.constant 0 : i32
      %dma_wait3A_153 = tpu.memref_slice %arg4[%dma_wait3A_152, %mul3A_144] : memref<4x120000xi32, #tpu.memory_space<hbm>> -> memref<4x384xi32, #tpu.memory_space<hbm>>
      tpu.wait_dma2 semaphore(%arg57 : memref<!tpu.dma_semaphore, #tpu.memory_space<semaphore_mem>>) src(%arg18 : memref<4x384xi32, #tpu.memory_space<vmem>>) dst(%dma_wait3A_153 : memref<4x384xi32, #tpu.memory_space<hbm>>)
      %dma_wait3A_154 = arith.constant 0 : i32
      %dma_wait3A_155 = arith.constant 0 : i32
      %dma_wait3A_156 = tpu.memref_slice %arg5[%dma_wait3A_154, %dma_wait3A_155, %mul3A_144] : memref<4x2x120000xi32, #tpu.memory_space<hbm>> -> memref<4x2x384xi32, #tpu.memory_space<hbm>>
      %dma_wait3A_157 = arith.constant 0 : i32
      %dma_wait3A_158 = arith.constant 0 : i32
      %dma_wait3A_159 = tpu.memref_slice %arg5[%dma_wait3A_157, %dma_wait3A_158, %mul3A_144] : memref<4x2x120000xi32, #tpu.memory_space<hbm>> -> memref<4x2x384xi32, #tpu.memory_space<hbm>>
      tpu.wait_dma2 semaphore(%arg57 : memref<!tpu.dma_semaphore, #tpu.memory_space<semaphore_mem>>) src(%arg19 : memref<4x2x384xi32, #tpu.memory_space<vmem>>) dst(%dma_wait3A_159 : memref<4x2x384xi32, #tpu.memory_space<hbm>>)
      %dma_wait3A_160 = arith.constant 0 : i32
      %dma_wait3A_161 = arith.constant 0 : i32
      %dma_wait3A_162 = tpu.memref_slice %arg6[%dma_wait3A_160, %dma_wait3A_161, %mul3A_144] : memref<4x2x120000xf32, #tpu.memory_space<hbm>> -> memref<4x2x384xf32, #tpu.memory_space<hbm>>
      %dma_wait3A_163 = arith.constant 0 : i32
      %dma_wait3A_164 = arith.constant 0 : i32
      %dma_wait3A_165 = tpu.memref_slice %arg6[%dma_wait3A_163, %dma_wait3A_164, %mul3A_144] : memref<4x2x120000xf32, #tpu.memory_space<hbm>> -> memref<4x2x384xf32, #tpu.memory_space<hbm>>
      tpu.wait_dma2 semaphore(%arg57 : memref<!tpu.dma_semaphore, #tpu.memory_space<semaphore_mem>>) src(%arg20 : memref<4x2x384xf32, #tpu.memory_space<vmem>>) dst(%dma_wait3A_165 : memref<4x2x384xf32, #tpu.memory_space<hbm>>)
      %dma_wait3A_166 = arith.constant 0 : i32
      %dma_wait3A_167 = tpu.memref_slice %arg7[%dma_wait3A_166, %mul3A_144] : memref<4x120000xi32, #tpu.memory_space<hbm>> -> memref<4x384xi32, #tpu.memory_space<hbm>>
      %dma_wait3A_168 = arith.constant 0 : i32
      %dma_wait3A_169 = tpu.memref_slice %arg7[%dma_wait3A_168, %mul3A_144] : memref<4x120000xi32, #tpu.memory_space<hbm>> -> memref<4x384xi32, #tpu.memory_space<hbm>>
      tpu.wait_dma2 semaphore(%arg57 : memref<!tpu.dma_semaphore, #tpu.memory_space<semaphore_mem>>) src(%arg21 : memref<4x384xi32, #tpu.memory_space<vmem>>) dst(%dma_wait3A_169 : memref<4x384xi32, #tpu.memory_space<hbm>>)
      %dma_wait3A_170 = arith.constant 0 : i32
      %dma_wait3A_171 = arith.constant 0 : i32
      %dma_wait3A_172 = tpu.memref_slice %arg8[%dma_wait3A_170, %dma_wait3A_171, %mul3A_144] : memref<3x4x120000xi32, #tpu.memory_space<hbm>> -> memref<3x4x384xi32, #tpu.memory_space<hbm>>
      %dma_wait3A_173 = arith.constant 0 : i32
      %dma_wait3A_174 = arith.constant 0 : i32
      %dma_wait3A_175 = tpu.memref_slice %arg8[%dma_wait3A_173, %dma_wait3A_174, %mul3A_144] : memref<3x4x120000xi32, #tpu.memory_space<hbm>> -> memref<3x4x384xi32, #tpu.memory_space<hbm>>
      tpu.wait_dma2 semaphore(%arg57 : memref<!tpu.dma_semaphore, #tpu.memory_space<semaphore_mem>>) src(%arg22 : memref<3x4x384xi32, #tpu.memory_space<vmem>>) dst(%dma_wait3A_175 : memref<3x4x384xi32, #tpu.memory_space<hbm>>)
      %dma_wait3A_176 = arith.constant 0 : i32
      %dma_wait3A_177 = arith.constant 0 : i32
      %dma_wait3A_178 = tpu.memref_slice %arg9[%dma_wait3A_176, %dma_wait3A_177, %mul3A_144] : memref<4x2x120000xf32, #tpu.memory_space<hbm>> -> memref<4x2x384xf32, #tpu.memory_space<hbm>>
      %dma_wait3A_179 = arith.constant 0 : i32
      %dma_wait3A_180 = arith.constant 0 : i32
      %dma_wait3A_181 = tpu.memref_slice %arg9[%dma_wait3A_179, %dma_wait3A_180, %mul3A_144] : memref<4x2x120000xf32, #tpu.memory_space<hbm>> -> memref<4x2x384xf32, #tpu.memory_space<hbm>>
      tpu.wait_dma2 semaphore(%arg57 : memref<!tpu.dma_semaphore, #tpu.memory_space<semaphore_mem>>) src(%arg23 : memref<4x2x384xf32, #tpu.memory_space<vmem>>) dst(%dma_wait3A_181 : memref<4x2x384xf32, #tpu.memory_space<hbm>>)
      %dma_wait3A_182 = arith.constant 0 : i32
      %dma_wait3A_183 = tpu.memref_slice %arg10[%dma_wait3A_182, %mul3A_144] : memref<4x120000xi32, #tpu.memory_space<hbm>> -> memref<4x384xi32, #tpu.memory_space<hbm>>
      %dma_wait3A_184 = arith.constant 0 : i32
      %dma_wait3A_185 = tpu.memref_slice %arg10[%dma_wait3A_184, %mul3A_144] : memref<4x120000xi32, #tpu.memory_space<hbm>> -> memref<4x384xi32, #tpu.memory_space<hbm>>
      tpu.wait_dma2 semaphore(%arg57 : memref<!tpu.dma_semaphore, #tpu.memory_space<semaphore_mem>>) src(%arg24 : memref<4x384xi32, #tpu.memory_space<vmem>>) dst(%dma_wait3A_185 : memref<4x384xi32, #tpu.memory_space<hbm>>)
      %dma_wait3A_186 = arith.constant 0 : i32
      %dma_wait3A_187 = arith.constant 0 : i32
      %dma_wait3A_188 = tpu.memref_slice %arg11[%dma_wait3A_186, %dma_wait3A_187, %mul3A_144] : memref<4x2x120000xi32, #tpu.memory_space<hbm>> -> memref<4x2x384xi32, #tpu.memory_space<hbm>>
      %dma_wait3A_189 = arith.constant 0 : i32
      %dma_wait3A_190 = arith.constant 0 : i32
      %dma_wait3A_191 = tpu.memref_slice %arg11[%dma_wait3A_189, %dma_wait3A_190, %mul3A_144] : memref<4x2x120000xi32, #tpu.memory_space<hbm>> -> memref<4x2x384xi32, #tpu.memory_space<hbm>>
      tpu.wait_dma2 semaphore(%arg57 : memref<!tpu.dma_semaphore, #tpu.memory_space<semaphore_mem>>) src(%arg25 : memref<4x2x384xi32, #tpu.memory_space<vmem>>) dst(%dma_wait3A_191 : memref<4x2x384xi32, #tpu.memory_space<hbm>>)
      %dma_wait3A_192 = arith.constant 0 : i32
      %dma_wait3A_193 = arith.constant 0 : i32
      %dma_wait3A_194 = tpu.memref_slice %arg12[%dma_wait3A_192, %dma_wait3A_193, %mul3A_144] : memref<4x2x120000xf32, #tpu.memory_space<hbm>> -> memref<4x2x384xf32, #tpu.memory_space<hbm>>
      %dma_wait3A_195 = arith.constant 0 : i32
      %dma_wait3A_196 = arith.constant 0 : i32
      %dma_wait3A_197 = tpu.memref_slice %arg12[%dma_wait3A_195, %dma_wait3A_196, %mul3A_144] : memref<4x2x120000xf32, #tpu.memory_space<hbm>> -> memref<4x2x384xf32, #tpu.memory_space<hbm>>
      tpu.wait_dma2 semaphore(%arg57 : memref<!tpu.dma_semaphore, #tpu.memory_space<semaphore_mem>>) src(%arg26 : memref<4x2x384xf32, #tpu.memory_space<vmem>>) dst(%dma_wait3A_197 : memref<4x2x384xf32, #tpu.memory_space<hbm>>)
      %dma_wait3A_198 = arith.constant 0 : i32
      %dma_wait3A_199 = tpu.memref_slice %arg13[%dma_wait3A_198, %mul3A_144] : memref<4x120000xi32, #tpu.memory_space<hbm>> -> memref<4x384xi32, #tpu.memory_space<hbm>>
      %dma_wait3A_200 = arith.constant 0 : i32
      %dma_wait3A_201 = tpu.memref_slice %arg13[%dma_wait3A_200, %mul3A_144] : memref<4x120000xi32, #tpu.memory_space<hbm>> -> memref<4x384xi32, #tpu.memory_space<hbm>>
      tpu.wait_dma2 semaphore(%arg57 : memref<!tpu.dma_semaphore, #tpu.memory_space<semaphore_mem>>) src(%arg27 : memref<4x384xi32, #tpu.memory_space<vmem>>) dst(%dma_wait3A_201 : memref<4x384xi32, #tpu.memory_space<hbm>>)
      %dma_wait3A_202 = arith.constant 0 : i32
      %dma_wait3A_203 = arith.constant 0 : i32
      %dma_wait3A_204 = tpu.memref_slice %arg14[%dma_wait3A_202, %dma_wait3A_203, %mul3A_144] : memref<3x4x120000xi32, #tpu.memory_space<hbm>> -> memref<3x4x384xi32, #tpu.memory_space<hbm>>
      %dma_wait3A_205 = arith.constant 0 : i32
      %dma_wait3A_206 = arith.constant 0 : i32
      %dma_wait3A_207 = tpu.memref_slice %arg14[%dma_wait3A_205, %dma_wait3A_206, %mul3A_144] : memref<3x4x120000xi32, #tpu.memory_space<hbm>> -> memref<3x4x384xi32, #tpu.memory_space<hbm>>
      tpu.wait_dma2 semaphore(%arg57 : memref<!tpu.dma_semaphore, #tpu.memory_space<semaphore_mem>>) src(%arg28 : memref<3x4x384xi32, #tpu.memory_space<vmem>>) dst(%dma_wait3A_207 : memref<3x4x384xi32, #tpu.memory_space<hbm>>)
      %dma_wait3A_208 = arith.constant 0 : i32
      %dma_wait3A_209 = arith.constant 0 : i32
      %dma_wait3A_210 = tpu.memref_slice %arg15[%dma_wait3A_208, %dma_wait3A_209, %mul3A_144] : memref<4x2x120000xf32, #tpu.memory_space<hbm>> -> memref<4x2x384xf32, #tpu.memory_space<hbm>>
      %dma_wait3A_211 = arith.constant 0 : i32
      %dma_wait3A_212 = arith.constant 0 : i32
      %dma_wait3A_213 = tpu.memref_slice %arg15[%dma_wait3A_211, %dma_wait3A_212, %mul3A_144] : memref<4x2x120000xf32, #tpu.memory_space<hbm>> -> memref<4x2x384xf32, #tpu.memory_space<hbm>>
      tpu.wait_dma2 semaphore(%arg57 : memref<!tpu.dma_semaphore, #tpu.memory_space<semaphore_mem>>) src(%arg29 : memref<4x2x384xf32, #tpu.memory_space<vmem>>) dst(%dma_wait3A_213 : memref<4x2x384xf32, #tpu.memory_space<hbm>>)
    } else {
    }
    %ge3A_81 = arith.constant 1 : i32
    %ge3A_82 = arith.cmpi sge, %add3A_20, %ge3A_81 : i32
    %sub3A_83 = arith.constant 1 : i32
    %sub3A_84 = arith.subi %add3A_20, %sub3A_83 : i32
    %jit3A_85 = arith.constant 2 : i32
    %eq3A_86 = arith.constant 0 : i32
    %eq3A_87 = arith.cmpi eq, %jit3A_85, %eq3A_86 : i32
    %jit3A_88 = arith.constant 1 : i32
    %select_n3A_89 = arith.select %eq3A_87, %jit3A_88, %jit3A_85 : i32
    %rem3A_90 = arith.remsi %sub3A_84, %select_n3A_89 : i32
    %ne3A_91 = arith.constant 0 : i32
    %ne3A_92 = arith.cmpi ne, %rem3A_90, %ne3A_91 : i32
    %lt3A_93 = arith.constant 0 : i32
    %lt3A_94 = arith.cmpi slt, %rem3A_90, %lt3A_93 : i32
    %lt3A_95 = arith.constant 0 : i32
    %lt3A_96 = arith.cmpi slt, %select_n3A_89, %lt3A_95 : i32
    %ne3A_97 = arith.xori %lt3A_94, %lt3A_96 : i1
    %and3A_98 = arith.andi %ne3A_97, %ne3A_92 : i1
    %add3A_99 = arith.addi %rem3A_90, %select_n3A_89 : i32
    %select_n3A_100 = arith.select %and3A_98, %add3A_99, %rem3A_90 : i32
    %eq3A_101 = arith.constant 1 : i32
    %eq3A_102 = arith.cmpi eq, %select_n3A_100, %eq3A_101 : i32
    %and3A_103 = arith.andi %ge3A_82, %eq3A_102 : i1
    %convert_element_type3A_104 = arith.extui %and3A_103 : i1 to i32
    %cond3A_105 = arith.constant 0 : i32
    %cond3A_106 = arith.cmpi ne, %convert_element_type3A_104, %cond3A_105 : i32
    scf.if %cond3A_106 {
      %sub3A_138 = arith.constant 1 : i32
      %sub3A_139 = arith.subi %add3A_20, %sub3A_138 : i32
      %mul3A_140 = arith.constant 32 : i32
      %mul3A_141 = arith.muli %sub3A_139, %mul3A_140 : i32
      %add3A_142 = arith.addi %mul3A_141, %add3A : i32
      %mul3A_143 = arith.constant 384 : i32
      %mul3A_144 = arith.muli %add3A_142, %mul3A_143 : i32
      %dma_wait3A = arith.constant 0 : i32
      %dma_wait3A_145 = arith.constant 0 : i32
      %dma_wait3A_146 = tpu.memref_slice %arg3[%dma_wait3A, %dma_wait3A_145, %mul3A_144] : memref<4x4x120000xf32, #tpu.memory_space<hbm>> -> memref<4x4x384xf32, #tpu.memory_space<hbm>>
      %dma_wait3A_147 = arith.constant 0 : i32
      %dma_wait3A_148 = arith.constant 0 : i32
      %dma_wait3A_149 = tpu.memref_slice %arg3[%dma_wait3A_147, %dma_wait3A_148, %mul3A_144] : memref<4x4x120000xf32, #tpu.memory_space<hbm>> -> memref<4x4x384xf32, #tpu.memory_space<hbm>>
      tpu.wait_dma2 semaphore(%arg58 : memref<!tpu.dma_semaphore, #tpu.memory_space<semaphore_mem>>) src(%arg17 : memref<4x4x384xf32, #tpu.memory_space<vmem>>) dst(%dma_wait3A_149 : memref<4x4x384xf32, #tpu.memory_space<hbm>>)
      %dma_wait3A_150 = arith.constant 0 : i32
      %dma_wait3A_151 = tpu.memref_slice %arg4[%dma_wait3A_150, %mul3A_144] : memref<4x120000xi32, #tpu.memory_space<hbm>> -> memref<4x384xi32, #tpu.memory_space<hbm>>
      %dma_wait3A_152 = arith.constant 0 : i32
      %dma_wait3A_153 = tpu.memref_slice %arg4[%dma_wait3A_152, %mul3A_144] : memref<4x120000xi32, #tpu.memory_space<hbm>> -> memref<4x384xi32, #tpu.memory_space<hbm>>
      tpu.wait_dma2 semaphore(%arg58 : memref<!tpu.dma_semaphore, #tpu.memory_space<semaphore_mem>>) src(%arg30 : memref<4x384xi32, #tpu.memory_space<vmem>>) dst(%dma_wait3A_153 : memref<4x384xi32, #tpu.memory_space<hbm>>)
      %dma_wait3A_154 = arith.constant 0 : i32
      %dma_wait3A_155 = arith.constant 0 : i32
      %dma_wait3A_156 = tpu.memref_slice %arg5[%dma_wait3A_154, %dma_wait3A_155, %mul3A_144] : memref<4x2x120000xi32, #tpu.memory_space<hbm>> -> memref<4x2x384xi32, #tpu.memory_space<hbm>>
      %dma_wait3A_157 = arith.constant 0 : i32
      %dma_wait3A_158 = arith.constant 0 : i32
      %dma_wait3A_159 = tpu.memref_slice %arg5[%dma_wait3A_157, %dma_wait3A_158, %mul3A_144] : memref<4x2x120000xi32, #tpu.memory_space<hbm>> -> memref<4x2x384xi32, #tpu.memory_space<hbm>>
      tpu.wait_dma2 semaphore(%arg58 : memref<!tpu.dma_semaphore, #tpu.memory_space<semaphore_mem>>) src(%arg31 : memref<4x2x384xi32, #tpu.memory_space<vmem>>) dst(%dma_wait3A_159 : memref<4x2x384xi32, #tpu.memory_space<hbm>>)
      %dma_wait3A_160 = arith.constant 0 : i32
      %dma_wait3A_161 = arith.constant 0 : i32
      %dma_wait3A_162 = tpu.memref_slice %arg6[%dma_wait3A_160, %dma_wait3A_161, %mul3A_144] : memref<4x2x120000xf32, #tpu.memory_space<hbm>> -> memref<4x2x384xf32, #tpu.memory_space<hbm>>
      %dma_wait3A_163 = arith.constant 0 : i32
      %dma_wait3A_164 = arith.constant 0 : i32
      %dma_wait3A_165 = tpu.memref_slice %arg6[%dma_wait3A_163, %dma_wait3A_164, %mul3A_144] : memref<4x2x120000xf32, #tpu.memory_space<hbm>> -> memref<4x2x384xf32, #tpu.memory_space<hbm>>
      tpu.wait_dma2 semaphore(%arg58 : memref<!tpu.dma_semaphore, #tpu.memory_space<semaphore_mem>>) src(%arg32 : memref<4x2x384xf32, #tpu.memory_space<vmem>>) dst(%dma_wait3A_165 : memref<4x2x384xf32, #tpu.memory_space<hbm>>)
      %dma_wait3A_166 = arith.constant 0 : i32
      %dma_wait3A_167 = tpu.memref_slice %arg7[%dma_wait3A_166, %mul3A_144] : memref<4x120000xi32, #tpu.memory_space<hbm>> -> memref<4x384xi32, #tpu.memory_space<hbm>>
      %dma_wait3A_168 = arith.constant 0 : i32
      %dma_wait3A_169 = tpu.memref_slice %arg7[%dma_wait3A_168, %mul3A_144] : memref<4x120000xi32, #tpu.memory_space<hbm>> -> memref<4x384xi32, #tpu.memory_space<hbm>>
      tpu.wait_dma2 semaphore(%arg58 : memref<!tpu.dma_semaphore, #tpu.memory_space<semaphore_mem>>) src(%arg33 : memref<4x384xi32, #tpu.memory_space<vmem>>) dst(%dma_wait3A_169 : memref<4x384xi32, #tpu.memory_space<hbm>>)
      %dma_wait3A_170 = arith.constant 0 : i32
      %dma_wait3A_171 = arith.constant 0 : i32
      %dma_wait3A_172 = tpu.memref_slice %arg8[%dma_wait3A_170, %dma_wait3A_171, %mul3A_144] : memref<3x4x120000xi32, #tpu.memory_space<hbm>> -> memref<3x4x384xi32, #tpu.memory_space<hbm>>
      %dma_wait3A_173 = arith.constant 0 : i32
      %dma_wait3A_174 = arith.constant 0 : i32
      %dma_wait3A_175 = tpu.memref_slice %arg8[%dma_wait3A_173, %dma_wait3A_174, %mul3A_144] : memref<3x4x120000xi32, #tpu.memory_space<hbm>> -> memref<3x4x384xi32, #tpu.memory_space<hbm>>
      tpu.wait_dma2 semaphore(%arg58 : memref<!tpu.dma_semaphore, #tpu.memory_space<semaphore_mem>>) src(%arg34 : memref<3x4x384xi32, #tpu.memory_space<vmem>>) dst(%dma_wait3A_175 : memref<3x4x384xi32, #tpu.memory_space<hbm>>)
      %dma_wait3A_176 = arith.constant 0 : i32
      %dma_wait3A_177 = arith.constant 0 : i32
      %dma_wait3A_178 = tpu.memref_slice %arg9[%dma_wait3A_176, %dma_wait3A_177, %mul3A_144] : memref<4x2x120000xf32, #tpu.memory_space<hbm>> -> memref<4x2x384xf32, #tpu.memory_space<hbm>>
      %dma_wait3A_179 = arith.constant 0 : i32
      %dma_wait3A_180 = arith.constant 0 : i32
      %dma_wait3A_181 = tpu.memref_slice %arg9[%dma_wait3A_179, %dma_wait3A_180, %mul3A_144] : memref<4x2x120000xf32, #tpu.memory_space<hbm>> -> memref<4x2x384xf32, #tpu.memory_space<hbm>>
      tpu.wait_dma2 semaphore(%arg58 : memref<!tpu.dma_semaphore, #tpu.memory_space<semaphore_mem>>) src(%arg35 : memref<4x2x384xf32, #tpu.memory_space<vmem>>) dst(%dma_wait3A_181 : memref<4x2x384xf32, #tpu.memory_space<hbm>>)
      %dma_wait3A_182 = arith.constant 0 : i32
      %dma_wait3A_183 = tpu.memref_slice %arg10[%dma_wait3A_182, %mul3A_144] : memref<4x120000xi32, #tpu.memory_space<hbm>> -> memref<4x384xi32, #tpu.memory_space<hbm>>
      %dma_wait3A_184 = arith.constant 0 : i32
      %dma_wait3A_185 = tpu.memref_slice %arg10[%dma_wait3A_184, %mul3A_144] : memref<4x120000xi32, #tpu.memory_space<hbm>> -> memref<4x384xi32, #tpu.memory_space<hbm>>
      tpu.wait_dma2 semaphore(%arg58 : memref<!tpu.dma_semaphore, #tpu.memory_space<semaphore_mem>>) src(%arg36 : memref<4x384xi32, #tpu.memory_space<vmem>>) dst(%dma_wait3A_185 : memref<4x384xi32, #tpu.memory_space<hbm>>)
      %dma_wait3A_186 = arith.constant 0 : i32
      %dma_wait3A_187 = arith.constant 0 : i32
      %dma_wait3A_188 = tpu.memref_slice %arg11[%dma_wait3A_186, %dma_wait3A_187, %mul3A_144] : memref<4x2x120000xi32, #tpu.memory_space<hbm>> -> memref<4x2x384xi32, #tpu.memory_space<hbm>>
      %dma_wait3A_189 = arith.constant 0 : i32
      %dma_wait3A_190 = arith.constant 0 : i32
      %dma_wait3A_191 = tpu.memref_slice %arg11[%dma_wait3A_189, %dma_wait3A_190, %mul3A_144] : memref<4x2x120000xi32, #tpu.memory_space<hbm>> -> memref<4x2x384xi32, #tpu.memory_space<hbm>>
      tpu.wait_dma2 semaphore(%arg58 : memref<!tpu.dma_semaphore, #tpu.memory_space<semaphore_mem>>) src(%arg37 : memref<4x2x384xi32, #tpu.memory_space<vmem>>) dst(%dma_wait3A_191 : memref<4x2x384xi32, #tpu.memory_space<hbm>>)
      %dma_wait3A_192 = arith.constant 0 : i32
      %dma_wait3A_193 = arith.constant 0 : i32
      %dma_wait3A_194 = tpu.memref_slice %arg12[%dma_wait3A_192, %dma_wait3A_193, %mul3A_144] : memref<4x2x120000xf32, #tpu.memory_space<hbm>> -> memref<4x2x384xf32, #tpu.memory_space<hbm>>
      %dma_wait3A_195 = arith.constant 0 : i32
      %dma_wait3A_196 = arith.constant 0 : i32
      %dma_wait3A_197 = tpu.memref_slice %arg12[%dma_wait3A_195, %dma_wait3A_196, %mul3A_144] : memref<4x2x120000xf32, #tpu.memory_space<hbm>> -> memref<4x2x384xf32, #tpu.memory_space<hbm>>
      tpu.wait_dma2 semaphore(%arg58 : memref<!tpu.dma_semaphore, #tpu.memory_space<semaphore_mem>>) src(%arg38 : memref<4x2x384xf32, #tpu.memory_space<vmem>>) dst(%dma_wait3A_197 : memref<4x2x384xf32, #tpu.memory_space<hbm>>)
      %dma_wait3A_198 = arith.constant 0 : i32
      %dma_wait3A_199 = tpu.memref_slice %arg13[%dma_wait3A_198, %mul3A_144] : memref<4x120000xi32, #tpu.memory_space<hbm>> -> memref<4x384xi32, #tpu.memory_space<hbm>>
      %dma_wait3A_200 = arith.constant 0 : i32
      %dma_wait3A_201 = tpu.memref_slice %arg13[%dma_wait3A_200, %mul3A_144] : memref<4x120000xi32, #tpu.memory_space<hbm>> -> memref<4x384xi32, #tpu.memory_space<hbm>>
      tpu.wait_dma2 semaphore(%arg58 : memref<!tpu.dma_semaphore, #tpu.memory_space<semaphore_mem>>) src(%arg39 : memref<4x384xi32, #tpu.memory_space<vmem>>) dst(%dma_wait3A_201 : memref<4x384xi32, #tpu.memory_space<hbm>>)
      %dma_wait3A_202 = arith.constant 0 : i32
      %dma_wait3A_203 = arith.constant 0 : i32
      %dma_wait3A_204 = tpu.memref_slice %arg14[%dma_wait3A_202, %dma_wait3A_203, %mul3A_144] : memref<3x4x120000xi32, #tpu.memory_space<hbm>> -> memref<3x4x384xi32, #tpu.memory_space<hbm>>
      %dma_wait3A_205 = arith.constant 0 : i32
      %dma_wait3A_206 = arith.constant 0 : i32
      %dma_wait3A_207 = tpu.memref_slice %arg14[%dma_wait3A_205, %dma_wait3A_206, %mul3A_144] : memref<3x4x120000xi32, #tpu.memory_space<hbm>> -> memref<3x4x384xi32, #tpu.memory_space<hbm>>
      tpu.wait_dma2 semaphore(%arg58 : memref<!tpu.dma_semaphore, #tpu.memory_space<semaphore_mem>>) src(%arg40 : memref<3x4x384xi32, #tpu.memory_space<vmem>>) dst(%dma_wait3A_207 : memref<3x4x384xi32, #tpu.memory_space<hbm>>)
      %dma_wait3A_208 = arith.constant 0 : i32
      %dma_wait3A_209 = arith.constant 0 : i32
      %dma_wait3A_210 = tpu.memref_slice %arg15[%dma_wait3A_208, %dma_wait3A_209, %mul3A_144] : memref<4x2x120000xf32, #tpu.memory_space<hbm>> -> memref<4x2x384xf32, #tpu.memory_space<hbm>>
      %dma_wait3A_211 = arith.constant 0 : i32
      %dma_wait3A_212 = arith.constant 0 : i32
      %dma_wait3A_213 = tpu.memref_slice %arg15[%dma_wait3A_211, %dma_wait3A_212, %mul3A_144] : memref<4x2x120000xf32, #tpu.memory_space<hbm>> -> memref<4x2x384xf32, #tpu.memory_space<hbm>>
      tpu.wait_dma2 semaphore(%arg58 : memref<!tpu.dma_semaphore, #tpu.memory_space<semaphore_mem>>) src(%arg41 : memref<4x2x384xf32, #tpu.memory_space<vmem>>) dst(%dma_wait3A_213 : memref<4x2x384xf32, #tpu.memory_space<hbm>>)
    } else {
    }
    %ge3A_107 = arith.constant 2 : i32
    %ge3A_108 = arith.cmpi sge, %add3A_20, %ge3A_107 : i32
    %sub3A_109 = arith.constant 2 : i32
    %sub3A_110 = arith.subi %add3A_20, %sub3A_109 : i32
    %jit3A_111 = arith.constant 2 : i32
    %eq3A_112 = arith.constant 0 : i32
    %eq3A_113 = arith.cmpi eq, %jit3A_111, %eq3A_112 : i32
    %jit3A_114 = arith.constant 1 : i32
    %select_n3A_115 = arith.select %eq3A_113, %jit3A_114, %jit3A_111 : i32
    %rem3A_116 = arith.remsi %sub3A_110, %select_n3A_115 : i32
    %ne3A_117 = arith.constant 0 : i32
    %ne3A_118 = arith.cmpi ne, %rem3A_116, %ne3A_117 : i32
    %lt3A_119 = arith.constant 0 : i32
    %lt3A_120 = arith.cmpi slt, %rem3A_116, %lt3A_119 : i32
    %lt3A_121 = arith.constant 0 : i32
    %lt3A_122 = arith.cmpi slt, %select_n3A_115, %lt3A_121 : i32
    %ne3A_123 = arith.xori %lt3A_120, %lt3A_122 : i1
    %and3A_124 = arith.andi %ne3A_123, %ne3A_118 : i1
    %add3A_125 = arith.addi %rem3A_116, %select_n3A_115 : i32
    %select_n3A_126 = arith.select %and3A_124, %add3A_125, %rem3A_116 : i32
    %eq3A_127 = arith.constant 1 : i32
    %eq3A_128 = arith.cmpi eq, %select_n3A_126, %eq3A_127 : i32
    %and3A_129 = arith.andi %ge3A_108, %eq3A_128 : i1
    %convert_element_type3A_130 = arith.extui %and3A_129 : i1 to i32
    %cond3A_131 = arith.constant 0 : i32
    %cond3A_132 = arith.cmpi ne, %convert_element_type3A_130, %cond3A_131 : i32
    scf.if %cond3A_132 {
      %sub3A_138 = arith.constant 2 : i32
      %sub3A_139 = arith.subi %add3A_20, %sub3A_138 : i32
      %mul3A_140 = arith.constant 32 : i32
      %mul3A_141 = arith.muli %sub3A_139, %mul3A_140 : i32
      %add3A_142 = arith.addi %mul3A_141, %add3A : i32
      %mul3A_143 = arith.constant 384 : i32
      %mul3A_144 = arith.muli %add3A_142, %mul3A_143 : i32
      %dma_wait3A = arith.constant 0 : i32
      %dma_wait3A_145 = arith.constant 0 : i32
      %dma_wait3A_146 = tpu.memref_slice %arg3[%dma_wait3A, %dma_wait3A_145, %mul3A_144] : memref<4x4x120000xf32, #tpu.memory_space<hbm>> -> memref<4x4x384xf32, #tpu.memory_space<hbm>>
      %dma_wait3A_147 = arith.constant 0 : i32
      %dma_wait3A_148 = arith.constant 0 : i32
      %dma_wait3A_149 = tpu.memref_slice %arg3[%dma_wait3A_147, %dma_wait3A_148, %mul3A_144] : memref<4x4x120000xf32, #tpu.memory_space<hbm>> -> memref<4x4x384xf32, #tpu.memory_space<hbm>>
      tpu.wait_dma2 semaphore(%arg58 : memref<!tpu.dma_semaphore, #tpu.memory_space<semaphore_mem>>) src(%arg17 : memref<4x4x384xf32, #tpu.memory_space<vmem>>) dst(%dma_wait3A_149 : memref<4x4x384xf32, #tpu.memory_space<hbm>>)
      %dma_wait3A_150 = arith.constant 0 : i32
      %dma_wait3A_151 = tpu.memref_slice %arg4[%dma_wait3A_150, %mul3A_144] : memref<4x120000xi32, #tpu.memory_space<hbm>> -> memref<4x384xi32, #tpu.memory_space<hbm>>
      %dma_wait3A_152 = arith.constant 0 : i32
      %dma_wait3A_153 = tpu.memref_slice %arg4[%dma_wait3A_152, %mul3A_144] : memref<4x120000xi32, #tpu.memory_space<hbm>> -> memref<4x384xi32, #tpu.memory_space<hbm>>
      tpu.wait_dma2 semaphore(%arg58 : memref<!tpu.dma_semaphore, #tpu.memory_space<semaphore_mem>>) src(%arg30 : memref<4x384xi32, #tpu.memory_space<vmem>>) dst(%dma_wait3A_153 : memref<4x384xi32, #tpu.memory_space<hbm>>)
      %dma_wait3A_154 = arith.constant 0 : i32
      %dma_wait3A_155 = arith.constant 0 : i32
      %dma_wait3A_156 = tpu.memref_slice %arg5[%dma_wait3A_154, %dma_wait3A_155, %mul3A_144] : memref<4x2x120000xi32, #tpu.memory_space<hbm>> -> memref<4x2x384xi32, #tpu.memory_space<hbm>>
      %dma_wait3A_157 = arith.constant 0 : i32
      %dma_wait3A_158 = arith.constant 0 : i32
      %dma_wait3A_159 = tpu.memref_slice %arg5[%dma_wait3A_157, %dma_wait3A_158, %mul3A_144] : memref<4x2x120000xi32, #tpu.memory_space<hbm>> -> memref<4x2x384xi32, #tpu.memory_space<hbm>>
      tpu.wait_dma2 semaphore(%arg58 : memref<!tpu.dma_semaphore, #tpu.memory_space<semaphore_mem>>) src(%arg31 : memref<4x2x384xi32, #tpu.memory_space<vmem>>) dst(%dma_wait3A_159 : memref<4x2x384xi32, #tpu.memory_space<hbm>>)
      %dma_wait3A_160 = arith.constant 0 : i32
      %dma_wait3A_161 = arith.constant 0 : i32
      %dma_wait3A_162 = tpu.memref_slice %arg6[%dma_wait3A_160, %dma_wait3A_161, %mul3A_144] : memref<4x2x120000xf32, #tpu.memory_space<hbm>> -> memref<4x2x384xf32, #tpu.memory_space<hbm>>
      %dma_wait3A_163 = arith.constant 0 : i32
      %dma_wait3A_164 = arith.constant 0 : i32
      %dma_wait3A_165 = tpu.memref_slice %arg6[%dma_wait3A_163, %dma_wait3A_164, %mul3A_144] : memref<4x2x120000xf32, #tpu.memory_space<hbm>> -> memref<4x2x384xf32, #tpu.memory_space<hbm>>
      tpu.wait_dma2 semaphore(%arg58 : memref<!tpu.dma_semaphore, #tpu.memory_space<semaphore_mem>>) src(%arg32 : memref<4x2x384xf32, #tpu.memory_space<vmem>>) dst(%dma_wait3A_165 : memref<4x2x384xf32, #tpu.memory_space<hbm>>)
      %dma_wait3A_166 = arith.constant 0 : i32
      %dma_wait3A_167 = tpu.memref_slice %arg7[%dma_wait3A_166, %mul3A_144] : memref<4x120000xi32, #tpu.memory_space<hbm>> -> memref<4x384xi32, #tpu.memory_space<hbm>>
      %dma_wait3A_168 = arith.constant 0 : i32
      %dma_wait3A_169 = tpu.memref_slice %arg7[%dma_wait3A_168, %mul3A_144] : memref<4x120000xi32, #tpu.memory_space<hbm>> -> memref<4x384xi32, #tpu.memory_space<hbm>>
      tpu.wait_dma2 semaphore(%arg58 : memref<!tpu.dma_semaphore, #tpu.memory_space<semaphore_mem>>) src(%arg33 : memref<4x384xi32, #tpu.memory_space<vmem>>) dst(%dma_wait3A_169 : memref<4x384xi32, #tpu.memory_space<hbm>>)
      %dma_wait3A_170 = arith.constant 0 : i32
      %dma_wait3A_171 = arith.constant 0 : i32
      %dma_wait3A_172 = tpu.memref_slice %arg8[%dma_wait3A_170, %dma_wait3A_171, %mul3A_144] : memref<3x4x120000xi32, #tpu.memory_space<hbm>> -> memref<3x4x384xi32, #tpu.memory_space<hbm>>
      %dma_wait3A_173 = arith.constant 0 : i32
      %dma_wait3A_174 = arith.constant 0 : i32
      %dma_wait3A_175 = tpu.memref_slice %arg8[%dma_wait3A_173, %dma_wait3A_174, %mul3A_144] : memref<3x4x120000xi32, #tpu.memory_space<hbm>> -> memref<3x4x384xi32, #tpu.memory_space<hbm>>
      tpu.wait_dma2 semaphore(%arg58 : memref<!tpu.dma_semaphore, #tpu.memory_space<semaphore_mem>>) src(%arg34 : memref<3x4x384xi32, #tpu.memory_space<vmem>>) dst(%dma_wait3A_175 : memref<3x4x384xi32, #tpu.memory_space<hbm>>)
      %dma_wait3A_176 = arith.constant 0 : i32
      %dma_wait3A_177 = arith.constant 0 : i32
      %dma_wait3A_178 = tpu.memref_slice %arg9[%dma_wait3A_176, %dma_wait3A_177, %mul3A_144] : memref<4x2x120000xf32, #tpu.memory_space<hbm>> -> memref<4x2x384xf32, #tpu.memory_space<hbm>>
      %dma_wait3A_179 = arith.constant 0 : i32
      %dma_wait3A_180 = arith.constant 0 : i32
      %dma_wait3A_181 = tpu.memref_slice %arg9[%dma_wait3A_179, %dma_wait3A_180, %mul3A_144] : memref<4x2x120000xf32, #tpu.memory_space<hbm>> -> memref<4x2x384xf32, #tpu.memory_space<hbm>>
      tpu.wait_dma2 semaphore(%arg58 : memref<!tpu.dma_semaphore, #tpu.memory_space<semaphore_mem>>) src(%arg35 : memref<4x2x384xf32, #tpu.memory_space<vmem>>) dst(%dma_wait3A_181 : memref<4x2x384xf32, #tpu.memory_space<hbm>>)
      %dma_wait3A_182 = arith.constant 0 : i32
      %dma_wait3A_183 = tpu.memref_slice %arg10[%dma_wait3A_182, %mul3A_144] : memref<4x120000xi32, #tpu.memory_space<hbm>> -> memref<4x384xi32, #tpu.memory_space<hbm>>
      %dma_wait3A_184 = arith.constant 0 : i32
      %dma_wait3A_185 = tpu.memref_slice %arg10[%dma_wait3A_184, %mul3A_144] : memref<4x120000xi32, #tpu.memory_space<hbm>> -> memref<4x384xi32, #tpu.memory_space<hbm>>
      tpu.wait_dma2 semaphore(%arg58 : memref<!tpu.dma_semaphore, #tpu.memory_space<semaphore_mem>>) src(%arg36 : memref<4x384xi32, #tpu.memory_space<vmem>>) dst(%dma_wait3A_185 : memref<4x384xi32, #tpu.memory_space<hbm>>)
      %dma_wait3A_186 = arith.constant 0 : i32
      %dma_wait3A_187 = arith.constant 0 : i32
      %dma_wait3A_188 = tpu.memref_slice %arg11[%dma_wait3A_186, %dma_wait3A_187, %mul3A_144] : memref<4x2x120000xi32, #tpu.memory_space<hbm>> -> memref<4x2x384xi32, #tpu.memory_space<hbm>>
      %dma_wait3A_189 = arith.constant 0 : i32
      %dma_wait3A_190 = arith.constant 0 : i32
      %dma_wait3A_191 = tpu.memref_slice %arg11[%dma_wait3A_189, %dma_wait3A_190, %mul3A_144] : memref<4x2x120000xi32, #tpu.memory_space<hbm>> -> memref<4x2x384xi32, #tpu.memory_space<hbm>>
      tpu.wait_dma2 semaphore(%arg58 : memref<!tpu.dma_semaphore, #tpu.memory_space<semaphore_mem>>) src(%arg37 : memref<4x2x384xi32, #tpu.memory_space<vmem>>) dst(%dma_wait3A_191 : memref<4x2x384xi32, #tpu.memory_space<hbm>>)
      %dma_wait3A_192 = arith.constant 0 : i32
      %dma_wait3A_193 = arith.constant 0 : i32
      %dma_wait3A_194 = tpu.memref_slice %arg12[%dma_wait3A_192, %dma_wait3A_193, %mul3A_144] : memref<4x2x120000xf32, #tpu.memory_space<hbm>> -> memref<4x2x384xf32, #tpu.memory_space<hbm>>
      %dma_wait3A_195 = arith.constant 0 : i32
      %dma_wait3A_196 = arith.constant 0 : i32
      %dma_wait3A_197 = tpu.memref_slice %arg12[%dma_wait3A_195, %dma_wait3A_196, %mul3A_144] : memref<4x2x120000xf32, #tpu.memory_space<hbm>> -> memref<4x2x384xf32, #tpu.memory_space<hbm>>
      tpu.wait_dma2 semaphore(%arg58 : memref<!tpu.dma_semaphore, #tpu.memory_space<semaphore_mem>>) src(%arg38 : memref<4x2x384xf32, #tpu.memory_space<vmem>>) dst(%dma_wait3A_197 : memref<4x2x384xf32, #tpu.memory_space<hbm>>)
      %dma_wait3A_198 = arith.constant 0 : i32
      %dma_wait3A_199 = tpu.memref_slice %arg13[%dma_wait3A_198, %mul3A_144] : memref<4x120000xi32, #tpu.memory_space<hbm>> -> memref<4x384xi32, #tpu.memory_space<hbm>>
      %dma_wait3A_200 = arith.constant 0 : i32
      %dma_wait3A_201 = tpu.memref_slice %arg13[%dma_wait3A_200, %mul3A_144] : memref<4x120000xi32, #tpu.memory_space<hbm>> -> memref<4x384xi32, #tpu.memory_space<hbm>>
      tpu.wait_dma2 semaphore(%arg58 : memref<!tpu.dma_semaphore, #tpu.memory_space<semaphore_mem>>) src(%arg39 : memref<4x384xi32, #tpu.memory_space<vmem>>) dst(%dma_wait3A_201 : memref<4x384xi32, #tpu.memory_space<hbm>>)
      %dma_wait3A_202 = arith.constant 0 : i32
      %dma_wait3A_203 = arith.constant 0 : i32
      %dma_wait3A_204 = tpu.memref_slice %arg14[%dma_wait3A_202, %dma_wait3A_203, %mul3A_144] : memref<3x4x120000xi32, #tpu.memory_space<hbm>> -> memref<3x4x384xi32, #tpu.memory_space<hbm>>
      %dma_wait3A_205 = arith.constant 0 : i32
      %dma_wait3A_206 = arith.constant 0 : i32
      %dma_wait3A_207 = tpu.memref_slice %arg14[%dma_wait3A_205, %dma_wait3A_206, %mul3A_144] : memref<3x4x120000xi32, #tpu.memory_space<hbm>> -> memref<3x4x384xi32, #tpu.memory_space<hbm>>
      tpu.wait_dma2 semaphore(%arg58 : memref<!tpu.dma_semaphore, #tpu.memory_space<semaphore_mem>>) src(%arg40 : memref<3x4x384xi32, #tpu.memory_space<vmem>>) dst(%dma_wait3A_207 : memref<3x4x384xi32, #tpu.memory_space<hbm>>)
      %dma_wait3A_208 = arith.constant 0 : i32
      %dma_wait3A_209 = arith.constant 0 : i32
      %dma_wait3A_210 = tpu.memref_slice %arg15[%dma_wait3A_208, %dma_wait3A_209, %mul3A_144] : memref<4x2x120000xf32, #tpu.memory_space<hbm>> -> memref<4x2x384xf32, #tpu.memory_space<hbm>>
      %dma_wait3A_211 = arith.constant 0 : i32
      %dma_wait3A_212 = arith.constant 0 : i32
      %dma_wait3A_213 = tpu.memref_slice %arg15[%dma_wait3A_211, %dma_wait3A_212, %mul3A_144] : memref<4x2x120000xf32, #tpu.memory_space<hbm>> -> memref<4x2x384xf32, #tpu.memory_space<hbm>>
      tpu.wait_dma2 semaphore(%arg58 : memref<!tpu.dma_semaphore, #tpu.memory_space<semaphore_mem>>) src(%arg41 : memref<4x2x384xf32, #tpu.memory_space<vmem>>) dst(%dma_wait3A_213 : memref<4x2x384xf32, #tpu.memory_space<hbm>>)
    } else {
    }
    %eq3A_133 = arith.constant 31 : i32
    %eq3A_134 = arith.cmpi eq, %add3A, %eq3A_133 : i32
    %convert_element_type3A_135 = arith.extui %eq3A_134 : i1 to i32
    %cond3A_136 = arith.constant 0 : i32
    %cond3A_137 = arith.cmpi ne, %convert_element_type3A_135, %cond3A_136 : i32
    scf.if %cond3A_137 {
      %dma_start3A_138 = arith.constant 0 : i32
      %dma_start3A_139 = arith.constant 0 : i32
      %dma_start3A_140 = arith.constant 119808 : i32
      %dma_start3A_141 = tpu.memref_slice %arg2[%dma_start3A_138, %dma_start3A_139, %dma_start3A_140] : memref<4x4x120000xf32, #tpu.memory_space<hbm>> -> memref<4x4x192xf32, #tpu.memory_space<hbm>>
      %dma_start3A_142 = arith.constant 0 : i32
      %dma_start3A_143 = arith.constant 0 : i32
      %dma_start3A_144 = arith.constant 119808 : i32
      %dma_start3A_145 = tpu.memref_slice %arg2[%dma_start3A_142, %dma_start3A_143, %dma_start3A_144] : memref<4x4x120000xf32, #tpu.memory_space<hbm>> -> memref<4x4x192xf32, #tpu.memory_space<hbm>>
      tpu.enqueue_dma source(%dma_start3A_145 : memref<4x4x192xf32, #tpu.memory_space<hbm>>) target(%arg42 : memref<4x4x192xf32, #tpu.memory_space<vmem>>) target_semaphore(%arg55 : memref<!tpu.dma_semaphore, #tpu.memory_space<semaphore_mem>>)
      %dma_wait3A = arith.constant 0 : i32
      %dma_wait3A_146 = arith.constant 0 : i32
      %dma_wait3A_147 = arith.constant 119808 : i32
      %dma_wait3A_148 = tpu.memref_slice %arg2[%dma_wait3A, %dma_wait3A_146, %dma_wait3A_147] : memref<4x4x120000xf32, #tpu.memory_space<hbm>> -> memref<4x4x192xf32, #tpu.memory_space<hbm>>
      %dma_wait3A_149 = arith.constant 0 : i32
      %dma_wait3A_150 = arith.constant 0 : i32
      %dma_wait3A_151 = arith.constant 119808 : i32
      %dma_wait3A_152 = tpu.memref_slice %arg2[%dma_wait3A_149, %dma_wait3A_150, %dma_wait3A_151] : memref<4x4x120000xf32, #tpu.memory_space<hbm>> -> memref<4x4x192xf32, #tpu.memory_space<hbm>>
      tpu.wait_dma2 semaphore(%arg55 : memref<!tpu.dma_semaphore, #tpu.memory_space<semaphore_mem>>) src(%dma_wait3A_152 : memref<4x4x192xf32, #tpu.memory_space<hbm>>) dst(%arg42 : memref<4x4x192xf32, #tpu.memory_space<vmem>>)
      %scan3A_153 = arith.constant 0 : i32
      %scan3A_154 = arith.constant 12 : i32
      %scan3A_155 = arith.addi %scan3A_153, %scan3A_154 : i32
      %scan3A_156 = arith.constant 1 : i32
      scf.for %scan3A_350 = %scan3A_153 to %scan3A_155 step %scan3A_156  : i32 {
        %mul3A_351 = arith.constant 16 : i32
        %mul3A_352 = arith.muli %scan3A_350, %mul3A_351 : i32
        %get3A = arith.constant 0 : i32
        %get3A_353 = arith.constant 0 : i32
        %get3A_354 = arith.index_cast %get3A : i32 to index
        %get3A_355 = arith.index_cast %get3A_353 : i32 to index
        %get3A_356 = arith.index_cast %mul3A_352 : i32 to index
        %get3A_357 = tpu.vector_load %arg42[%get3A_354, %get3A_355, %get3A_356] {strides = array<i32>} : memref<4x4x192xf32, #tpu.memory_space<vmem>>, vector<16xf32>,
        %get3A_358 = arith.constant 0 : i32
        %get3A_359 = arith.constant 1 : i32
        %get3A_360 = arith.index_cast %get3A_358 : i32 to index
        %get3A_361 = arith.index_cast %get3A_359 : i32 to index
        %get3A_362 = arith.index_cast %mul3A_352 : i32 to index
        %get3A_363 = tpu.vector_load %arg42[%get3A_360, %get3A_361, %get3A_362] {strides = array<i32>} : memref<4x4x192xf32, #tpu.memory_space<vmem>>, vector<16xf32>,
        %get3A_364 = arith.constant 0 : i32
        %get3A_365 = arith.constant 2 : i32
        %get3A_366 = arith.index_cast %get3A_364 : i32 to index
        %get3A_367 = arith.index_cast %get3A_365 : i32 to index
        %get3A_368 = arith.index_cast %mul3A_352 : i32 to index
        %get3A_369 = tpu.vector_load %arg42[%get3A_366, %get3A_367, %get3A_368] {strides = array<i32>} : memref<4x4x192xf32, #tpu.memory_space<vmem>>, vector<16xf32>,
        %add3A_370 = arith.constant 5.000000e+01 : f32
        %add3A_371 = vector.broadcast %add3A_370 : f32 to vector<16xf32>
        %add3A_372 = arith.addf %get3A_357, %add3A_371 : vector<16xf32>
        %mul3A_373 = arith.constant 2.000000e+00 : f32
        %mul3A_374 = vector.broadcast %mul3A_373 : f32 to vector<16xf32>
        %mul3A_375 = arith.mulf %add3A_372, %mul3A_374 : vector<16xf32>
        %add3A_376 = arith.constant 5.000000e+01 : f32
        %add3A_377 = vector.broadcast %add3A_376 : f32 to vector<16xf32>
        %add3A_378 = arith.addf %get3A_363, %add3A_377 : vector<16xf32>
        %mul3A_379 = arith.constant 2.000000e+00 : f32
        %mul3A_380 = vector.broadcast %mul3A_379 : f32 to vector<16xf32>
        %mul3A_381 = arith.mulf %add3A_378, %mul3A_380 : vector<16xf32>
        %add3A_382 = arith.constant 4.000000e+00 : f32
        %add3A_383 = vector.broadcast %add3A_382 : f32 to vector<16xf32>
        %add3A_384 = arith.addf %get3A_369, %add3A_383 : vector<16xf32>
        %mul3A_385 = arith.constant 5.000000e+00 : f32
        %mul3A_386 = vector.broadcast %mul3A_385 : f32 to vector<16xf32>
        %mul3A_387 = arith.mulf %add3A_384, %mul3A_386 : vector<16xf32>
        %add3A_388 = arith.addf %mul3A_375, %mul3A_375 : vector<16xf32>
        %add3A_389 = arith.addf %mul3A_381, %mul3A_381 : vector<16xf32>
        %add3A_390 = arith.addf %mul3A_387, %mul3A_387 : vector<16xf32>
        %convert_element_type3A_391 = arith.fptosi %add3A_388 : vector<16xf32> to vector<16xi32>
        %convert_element_type3A_392 = arith.fptosi %add3A_389 : vector<16xf32> to vector<16xi32>
        %convert_element_type3A_393 = arith.fptosi %add3A_390 : vector<16xf32> to vector<16xi32>
        %convert_element_type3A_394 = arith.sitofp %convert_element_type3A_391 : vector<16xi32> to vector<16xf32>
        %sub3A_395 = arith.subf %add3A_388, %convert_element_type3A_394 : vector<16xf32>
        %convert_element_type3A_396 = arith.sitofp %convert_element_type3A_392 : vector<16xi32> to vector<16xf32>
        %sub3A_397 = arith.subf %add3A_389, %convert_element_type3A_396 : vector<16xf32>
        %convert_element_type3A_398 = arith.sitofp %convert_element_type3A_393 : vector<16xi32> to vector<16xf32>
        %sub3A_399 = arith.subf %add3A_390, %convert_element_type3A_398 : vector<16xf32>
        %mul3A_400 = arith.constant 400 : i32
        %mul3A_401 = vector.broadcast %mul3A_400 : i32 to vector<16xi32>
        %mul3A_402 = arith.muli %convert_element_type3A_391, %mul3A_401 : vector<16xi32>
        %add3A_403 = arith.addi %mul3A_402, %convert_element_type3A_392 : vector<16xi32>
        %swap3A = arith.constant 0 : i32
        %swap3A_404 = arith.index_cast %swap3A : i32 to index
        %swap3A_405 = arith.index_cast %mul3A_352 : i32 to index
        %swap3A_406 = tpu.vector_load %arg43[%swap3A_404, %swap3A_405] {strides = array<i32>} : memref<4x192xi32, #tpu.memory_space<vmem>>, vector<16xi32>,
        tpu.vector_store %arg43[%swap3A_404, %swap3A_405], %add3A_403 {strides = array<i32>} : memref<4x192xi32, #tpu.memory_space<vmem>>, vector<16xi32>,
        %mul3A_407 = arith.constant 24000 : i32
        %mul3A_408 = vector.broadcast %mul3A_407 : i32 to vector<16xi32>
        %mul3A_409 = arith.muli %convert_element_type3A_391, %mul3A_408 : vector<16xi32>
        %mul3A_410 = arith.constant 60 : i32
        %mul3A_411 = vector.broadcast %mul3A_410 : i32 to vector<16xi32>
        %mul3A_412 = arith.muli %convert_element_type3A_392, %mul3A_411 : vector<16xi32>
        %add3A_413 = arith.addi %mul3A_409, %mul3A_412 : vector<16xi32>
        %add3A_414 = arith.addi %add3A_413, %convert_element_type3A_393 : vector<16xi32>
        %swap3A_415 = arith.constant 0 : i32
        %swap3A_416 = arith.index_cast %swap3A_415 : i32 to index
        %swap3A_417 = arith.index_cast %mul3A_352 : i32 to index
        %swap3A_418 = tpu.vector_load %arg46[%swap3A_416, %swap3A_417] {strides = array<i32>} : memref<4x192xi32, #tpu.memory_space<vmem>>, vector<16xi32>,
        tpu.vector_store %arg46[%swap3A_416, %swap3A_417], %add3A_414 {strides = array<i32>} : memref<4x192xi32, #tpu.memory_space<vmem>>, vector<16xi32>,
        %swap3A_419 = arith.constant 0 : i32
        %swap3A_420 = arith.constant 0 : i32
        %swap3A_421 = arith.index_cast %swap3A_419 : i32 to index
        %swap3A_422 = arith.index_cast %swap3A_420 : i32 to index
        %swap3A_423 = arith.index_cast %mul3A_352 : i32 to index
        %swap3A_424 = tpu.vector_load %arg44[%swap3A_421, %swap3A_422, %swap3A_423] {strides = array<i32>} : memref<4x2x192xi32, #tpu.memory_space<vmem>>, vector<16xi32>,
        tpu.vector_store %arg44[%swap3A_421, %swap3A_422, %swap3A_423], %convert_element_type3A_391 {strides = array<i32>} : memref<4x2x192xi32, #tpu.memory_space<vmem>>, vector<16xi32>,
        %swap3A_425 = arith.constant 0 : i32
        %swap3A_426 = arith.constant 1 : i32
        %swap3A_427 = arith.index_cast %swap3A_425 : i32 to index
        %swap3A_428 = arith.index_cast %swap3A_426 : i32 to index
        %swap3A_429 = arith.index_cast %mul3A_352 : i32 to index
        %swap3A_430 = tpu.vector_load %arg44[%swap3A_427, %swap3A_428, %swap3A_429] {strides = array<i32>} : memref<4x2x192xi32, #tpu.memory_space<vmem>>, vector<16xi32>,
        tpu.vector_store %arg44[%swap3A_427, %swap3A_428, %swap3A_429], %convert_element_type3A_392 {strides = array<i32>} : memref<4x2x192xi32, #tpu.memory_space<vmem>>, vector<16xi32>,
        %swap3A_431 = arith.constant 0 : i32
        %swap3A_432 = arith.constant 0 : i32
        %swap3A_433 = arith.index_cast %swap3A_431 : i32 to index
        %swap3A_434 = arith.index_cast %swap3A_432 : i32 to index
        %swap3A_435 = arith.index_cast %mul3A_352 : i32 to index
        %swap3A_436 = tpu.vector_load %arg45[%swap3A_433, %swap3A_434, %swap3A_435] {strides = array<i32>} : memref<4x2x192xf32, #tpu.memory_space<vmem>>, vector<16xf32>,
        tpu.vector_store %arg45[%swap3A_433, %swap3A_434, %swap3A_435], %sub3A_395 {strides = array<i32>} : memref<4x2x192xf32, #tpu.memory_space<vmem>>, vector<16xf32>,
        %swap3A_437 = arith.constant 0 : i32
        %swap3A_438 = arith.constant 1 : i32
        %swap3A_439 = arith.index_cast %swap3A_437 : i32 to index
        %swap3A_440 = arith.index_cast %swap3A_438 : i32 to index
        %swap3A_441 = arith.index_cast %mul3A_352 : i32 to index
        %swap3A_442 = tpu.vector_load %arg45[%swap3A_439, %swap3A_440, %swap3A_441] {strides = array<i32>} : memref<4x2x192xf32, #tpu.memory_space<vmem>>, vector<16xf32>,
        tpu.vector_store %arg45[%swap3A_439, %swap3A_440, %swap3A_441], %sub3A_397 {strides = array<i32>} : memref<4x2x192xf32, #tpu.memory_space<vmem>>, vector<16xf32>,
        %swap3A_443 = arith.constant 0 : i32
        %swap3A_444 = arith.constant 0 : i32
        %swap3A_445 = arith.index_cast %swap3A_443 : i32 to index
        %swap3A_446 = arith.index_cast %swap3A_444 : i32 to index
        %swap3A_447 = arith.index_cast %mul3A_352 : i32 to index
        %swap3A_448 = tpu.vector_load %arg47[%swap3A_445, %swap3A_446, %swap3A_447] {strides = array<i32>} : memref<3x4x192xi32, #tpu.memory_space<vmem>>, vector<16xi32>,
        tpu.vector_store %arg47[%swap3A_445, %swap3A_446, %swap3A_447], %convert_element_type3A_391 {strides = array<i32>} : memref<3x4x192xi32, #tpu.memory_space<vmem>>, vector<16xi32>,
        %swap3A_449 = arith.constant 1 : i32
        %swap3A_450 = arith.constant 0 : i32
        %swap3A_451 = arith.index_cast %swap3A_449 : i32 to index
        %swap3A_452 = arith.index_cast %swap3A_450 : i32 to index
        %swap3A_453 = arith.index_cast %mul3A_352 : i32 to index
        %swap3A_454 = tpu.vector_load %arg47[%swap3A_451, %swap3A_452, %swap3A_453] {strides = array<i32>} : memref<3x4x192xi32, #tpu.memory_space<vmem>>, vector<16xi32>,
        tpu.vector_store %arg47[%swap3A_451, %swap3A_452, %swap3A_453], %convert_element_type3A_392 {strides = array<i32>} : memref<3x4x192xi32, #tpu.memory_space<vmem>>, vector<16xi32>,
        %swap3A_455 = arith.constant 2 : i32
        %swap3A_456 = arith.constant 0 : i32
        %swap3A_457 = arith.index_cast %swap3A_455 : i32 to index
        %swap3A_458 = arith.index_cast %swap3A_456 : i32 to index
        %swap3A_459 = arith.index_cast %mul3A_352 : i32 to index
        %swap3A_460 = tpu.vector_load %arg47[%swap3A_457, %swap3A_458, %swap3A_459] {strides = array<i32>} : memref<3x4x192xi32, #tpu.memory_space<vmem>>, vector<16xi32>,
        tpu.vector_store %arg47[%swap3A_457, %swap3A_458, %swap3A_459], %convert_element_type3A_393 {strides = array<i32>} : memref<3x4x192xi32, #tpu.memory_space<vmem>>, vector<16xi32>,
        %swap3A_461 = arith.constant 0 : i32
        %swap3A_462 = arith.constant 0 : i32
        %swap3A_463 = arith.index_cast %swap3A_461 : i32 to index
        %swap3A_464 = arith.index_cast %swap3A_462 : i32 to index
        %swap3A_465 = arith.index_cast %mul3A_352 : i32 to index
        %swap3A_466 = tpu.vector_load %arg48[%swap3A_463, %swap3A_464, %swap3A_465] {strides = array<i32>} : memref<4x2x192xf32, #tpu.memory_space<vmem>>, vector<16xf32>,
        tpu.vector_store %arg48[%swap3A_463, %swap3A_464, %swap3A_465], %sub3A_395 {strides = array<i32>} : memref<4x2x192xf32, #tpu.memory_space<vmem>>, vector<16xf32>,
        %swap3A_467 = arith.constant 0 : i32
        %swap3A_468 = arith.constant 1 : i32
        %swap3A_469 = arith.index_cast %swap3A_467 : i32 to index
        %swap3A_470 = arith.index_cast %swap3A_468 : i32 to index
        %swap3A_471 = arith.index_cast %mul3A_352 : i32 to index
        %swap3A_472 = tpu.vector_load %arg48[%swap3A_469, %swap3A_470, %swap3A_471] {strides = array<i32>} : memref<4x2x192xf32, #tpu.memory_space<vmem>>, vector<16xf32>,
        tpu.vector_store %arg48[%swap3A_469, %swap3A_470, %swap3A_471], %sub3A_399 {strides = array<i32>} : memref<4x2x192xf32, #tpu.memory_space<vmem>>, vector<16xf32>,
        %convert_element_type3A_473 = arith.fptosi %mul3A_375 : vector<16xf32> to vector<16xi32>
        %convert_element_type3A_474 = arith.fptosi %mul3A_381 : vector<16xf32> to vector<16xi32>
        %convert_element_type3A_475 = arith.fptosi %mul3A_387 : vector<16xf32> to vector<16xi32>
        %convert_element_type3A_476 = arith.sitofp %convert_element_type3A_473 : vector<16xi32> to vector<16xf32>
        %sub3A_477 = arith.subf %mul3A_375, %convert_element_type3A_476 : vector<16xf32>
        %convert_element_type3A_478 = arith.sitofp %convert_element_type3A_474 : vector<16xi32> to vector<16xf32>
        %sub3A_479 = arith.subf %mul3A_381, %convert_element_type3A_478 : vector<16xf32>
        %convert_element_type3A_480 = arith.sitofp %convert_element_type3A_475 : vector<16xi32> to vector<16xf32>
        %sub3A_481 = arith.subf %mul3A_387, %convert_element_type3A_480 : vector<16xf32>
        %mul3A_482 = arith.constant 200 : i32
        %mul3A_483 = vector.broadcast %mul3A_482 : i32 to vector<16xi32>
        %mul3A_484 = arith.muli %convert_element_type3A_473, %mul3A_483 : vector<16xi32>
        %add3A_485 = arith.addi %mul3A_484, %convert_element_type3A_474 : vector<16xi32>
        %swap3A_486 = arith.constant 0 : i32
        %swap3A_487 = arith.index_cast %swap3A_486 : i32 to index
        %swap3A_488 = arith.index_cast %mul3A_352 : i32 to index
        %swap3A_489 = tpu.vector_load %arg49[%swap3A_487, %swap3A_488] {strides = array<i32>} : memref<4x192xi32, #tpu.memory_space<vmem>>, vector<16xi32>,
        tpu.vector_store %arg49[%swap3A_487, %swap3A_488], %add3A_485 {strides = array<i32>} : memref<4x192xi32, #tpu.memory_space<vmem>>, vector<16xi32>,
        %mul3A_490 = arith.constant 6000 : i32
        %mul3A_491 = vector.broadcast %mul3A_490 : i32 to vector<16xi32>
        %mul3A_492 = arith.muli %convert_element_type3A_473, %mul3A_491 : vector<16xi32>
        %mul3A_493 = arith.constant 30 : i32
        %mul3A_494 = vector.broadcast %mul3A_493 : i32 to vector<16xi32>
        %mul3A_495 = arith.muli %convert_element_type3A_474, %mul3A_494 : vector<16xi32>
        %add3A_496 = arith.addi %mul3A_492, %mul3A_495 : vector<16xi32>
        %add3A_497 = arith.addi %add3A_496, %convert_element_type3A_475 : vector<16xi32>
        %swap3A_498 = arith.constant 0 : i32
        %swap3A_499 = arith.index_cast %swap3A_498 : i32 to index
        %swap3A_500 = arith.index_cast %mul3A_352 : i32 to index
        %swap3A_501 = tpu.vector_load %arg52[%swap3A_499, %swap3A_500] {strides = array<i32>} : memref<4x192xi32, #tpu.memory_space<vmem>>, vector<16xi32>,
        tpu.vector_store %arg52[%swap3A_499, %swap3A_500], %add3A_497 {strides = array<i32>} : memref<4x192xi32, #tpu.memory_space<vmem>>, vector<16xi32>,
        %swap3A_502 = arith.constant 0 : i32
        %swap3A_503 = arith.constant 0 : i32
        %swap3A_504 = arith.index_cast %swap3A_502 : i32 to index
        %swap3A_505 = arith.index_cast %swap3A_503 : i32 to index
        %swap3A_506 = arith.index_cast %mul3A_352 : i32 to index
        %swap3A_507 = tpu.vector_load %arg50[%swap3A_504, %swap3A_505, %swap3A_506] {strides = array<i32>} : memref<4x2x192xi32, #tpu.memory_space<vmem>>, vector<16xi32>,
        tpu.vector_store %arg50[%swap3A_504, %swap3A_505, %swap3A_506], %convert_element_type3A_473 {strides = array<i32>} : memref<4x2x192xi32, #tpu.memory_space<vmem>>, vector<16xi32>,
        %swap3A_508 = arith.constant 0 : i32
        %swap3A_509 = arith.constant 1 : i32
        %swap3A_510 = arith.index_cast %swap3A_508 : i32 to index
        %swap3A_511 = arith.index_cast %swap3A_509 : i32 to index
        %swap3A_512 = arith.index_cast %mul3A_352 : i32 to index
        %swap3A_513 = tpu.vector_load %arg50[%swap3A_510, %swap3A_511, %swap3A_512] {strides = array<i32>} : memref<4x2x192xi32, #tpu.memory_space<vmem>>, vector<16xi32>,
        tpu.vector_store %arg50[%swap3A_510, %swap3A_511, %swap3A_512], %convert_element_type3A_474 {strides = array<i32>} : memref<4x2x192xi32, #tpu.memory_space<vmem>>, vector<16xi32>,
        %swap3A_514 = arith.constant 0 : i32
        %swap3A_515 = arith.constant 0 : i32
        %swap3A_516 = arith.index_cast %swap3A_514 : i32 to index
        %swap3A_517 = arith.index_cast %swap3A_515 : i32 to index
        %swap3A_518 = arith.index_cast %mul3A_352 : i32 to index
        %swap3A_519 = tpu.vector_load %arg51[%swap3A_516, %swap3A_517, %swap3A_518] {strides = array<i32>} : memref<4x2x192xf32, #tpu.memory_space<vmem>>, vector<16xf32>,
        tpu.vector_store %arg51[%swap3A_516, %swap3A_517, %swap3A_518], %sub3A_477 {strides = array<i32>} : memref<4x2x192xf32, #tpu.memory_space<vmem>>, vector<16xf32>,
        %swap3A_520 = arith.constant 0 : i32
        %swap3A_521 = arith.constant 1 : i32
        %swap3A_522 = arith.index_cast %swap3A_520 : i32 to index
        %swap3A_523 = arith.index_cast %swap3A_521 : i32 to index
        %swap3A_524 = arith.index_cast %mul3A_352 : i32 to index
        %swap3A_525 = tpu.vector_load %arg51[%swap3A_522, %swap3A_523, %swap3A_524] {strides = array<i32>} : memref<4x2x192xf32, #tpu.memory_space<vmem>>, vector<16xf32>,
        tpu.vector_store %arg51[%swap3A_522, %swap3A_523, %swap3A_524], %sub3A_479 {strides = array<i32>} : memref<4x2x192xf32, #tpu.memory_space<vmem>>, vector<16xf32>,
        %swap3A_526 = arith.constant 0 : i32
        %swap3A_527 = arith.constant 0 : i32
        %swap3A_528 = arith.index_cast %swap3A_526 : i32 to index
        %swap3A_529 = arith.index_cast %swap3A_527 : i32 to index
        %swap3A_530 = arith.index_cast %mul3A_352 : i32 to index
        %swap3A_531 = tpu.vector_load %arg53[%swap3A_528, %swap3A_529, %swap3A_530] {strides = array<i32>} : memref<3x4x192xi32, #tpu.memory_space<vmem>>, vector<16xi32>,
        tpu.vector_store %arg53[%swap3A_528, %swap3A_529, %swap3A_530], %convert_element_type3A_473 {strides = array<i32>} : memref<3x4x192xi32, #tpu.memory_space<vmem>>, vector<16xi32>,
        %swap3A_532 = arith.constant 1 : i32
        %swap3A_533 = arith.constant 0 : i32
        %swap3A_534 = arith.index_cast %swap3A_532 : i32 to index
        %swap3A_535 = arith.index_cast %swap3A_533 : i32 to index
        %swap3A_536 = arith.index_cast %mul3A_352 : i32 to index
        %swap3A_537 = tpu.vector_load %arg53[%swap3A_534, %swap3A_535, %swap3A_536] {strides = array<i32>} : memref<3x4x192xi32, #tpu.memory_space<vmem>>, vector<16xi32>,
        tpu.vector_store %arg53[%swap3A_534, %swap3A_535, %swap3A_536], %convert_element_type3A_474 {strides = array<i32>} : memref<3x4x192xi32, #tpu.memory_space<vmem>>, vector<16xi32>,
        %swap3A_538 = arith.constant 2 : i32
        %swap3A_539 = arith.constant 0 : i32
        %swap3A_540 = arith.index_cast %swap3A_538 : i32 to index
        %swap3A_541 = arith.index_cast %swap3A_539 : i32 to index
        %swap3A_542 = arith.index_cast %mul3A_352 : i32 to index
        %swap3A_543 = tpu.vector_load %arg53[%swap3A_540, %swap3A_541, %swap3A_542] {strides = array<i32>} : memref<3x4x192xi32, #tpu.memory_space<vmem>>, vector<16xi32>,
        tpu.vector_store %arg53[%swap3A_540, %swap3A_541, %swap3A_542], %convert_element_type3A_475 {strides = array<i32>} : memref<3x4x192xi32, #tpu.memory_space<vmem>>, vector<16xi32>,
        %swap3A_544 = arith.constant 0 : i32
        %swap3A_545 = arith.constant 0 : i32
        %swap3A_546 = arith.index_cast %swap3A_544 : i32 to index
        %swap3A_547 = arith.index_cast %swap3A_545 : i32 to index
        %swap3A_548 = arith.index_cast %mul3A_352 : i32 to index
        %swap3A_549 = tpu.vector_load %arg54[%swap3A_546, %swap3A_547, %swap3A_548] {strides = array<i32>} : memref<4x2x192xf32, #tpu.memory_space<vmem>>, vector<16xf32>,
        tpu.vector_store %arg54[%swap3A_546, %swap3A_547, %swap3A_548], %sub3A_477 {strides = array<i32>} : memref<4x2x192xf32, #tpu.memory_space<vmem>>, vector<16xf32>,
        %swap3A_550 = arith.constant 0 : i32
        %swap3A_551 = arith.constant 1 : i32
        %swap3A_552 = arith.index_cast %swap3A_550 : i32 to index
        %swap3A_553 = arith.index_cast %swap3A_551 : i32 to index
        %swap3A_554 = arith.index_cast %mul3A_352 : i32 to index
        %swap3A_555 = tpu.vector_load %arg54[%swap3A_552, %swap3A_553, %swap3A_554] {strides = array<i32>} : memref<4x2x192xf32, #tpu.memory_space<vmem>>, vector<16xf32>,
        tpu.vector_store %arg54[%swap3A_552, %swap3A_553, %swap3A_554], %sub3A_481 {strides = array<i32>} : memref<4x2x192xf32, #tpu.memory_space<vmem>>, vector<16xf32>,
        %mul3A_556 = arith.constant 16 : i32
        %mul3A_557 = arith.muli %scan3A_350, %mul3A_556 : i32
        %get3A_558 = arith.constant 1 : i32
        %get3A_559 = arith.constant 0 : i32
        %get3A_560 = arith.index_cast %get3A_558 : i32 to index
        %get3A_561 = arith.index_cast %get3A_559 : i32 to index
        %get3A_562 = arith.index_cast %mul3A_557 : i32 to index
        %get3A_563 = tpu.vector_load %arg42[%get3A_560, %get3A_561, %get3A_562] {strides = array<i32>} : memref<4x4x192xf32, #tpu.memory_space<vmem>>, vector<16xf32>,
        %get3A_564 = arith.constant 1 : i32
        %get3A_565 = arith.constant 1 : i32
        %get3A_566 = arith.index_cast %get3A_564 : i32 to index
        %get3A_567 = arith.index_cast %get3A_565 : i32 to index
        %get3A_568 = arith.index_cast %mul3A_557 : i32 to index
        %get3A_569 = tpu.vector_load %arg42[%get3A_566, %get3A_567, %get3A_568] {strides = array<i32>} : memref<4x4x192xf32, #tpu.memory_space<vmem>>, vector<16xf32>,
        %get3A_570 = arith.constant 1 : i32
        %get3A_571 = arith.constant 2 : i32
        %get3A_572 = arith.index_cast %get3A_570 : i32 to index
        %get3A_573 = arith.index_cast %get3A_571 : i32 to index
        %get3A_574 = arith.index_cast %mul3A_557 : i32 to index
        %get3A_575 = tpu.vector_load %arg42[%get3A_572, %get3A_573, %get3A_574] {strides = array<i32>} : memref<4x4x192xf32, #tpu.memory_space<vmem>>, vector<16xf32>,
        %add3A_576 = arith.constant 5.000000e+01 : f32
        %add3A_577 = vector.broadcast %add3A_576 : f32 to vector<16xf32>
        %add3A_578 = arith.addf %get3A_563, %add3A_577 : vector<16xf32>
        %mul3A_579 = arith.constant 2.000000e+00 : f32
        %mul3A_580 = vector.broadcast %mul3A_579 : f32 to vector<16xf32>
        %mul3A_581 = arith.mulf %add3A_578, %mul3A_580 : vector<16xf32>
        %add3A_582 = arith.constant 5.000000e+01 : f32
        %add3A_583 = vector.broadcast %add3A_582 : f32 to vector<16xf32>
        %add3A_584 = arith.addf %get3A_569, %add3A_583 : vector<16xf32>
        %mul3A_585 = arith.constant 2.000000e+00 : f32
        %mul3A_586 = vector.broadcast %mul3A_585 : f32 to vector<16xf32>
        %mul3A_587 = arith.mulf %add3A_584, %mul3A_586 : vector<16xf32>
        %add3A_588 = arith.constant 4.000000e+00 : f32
        %add3A_589 = vector.broadcast %add3A_588 : f32 to vector<16xf32>
        %add3A_590 = arith.addf %get3A_575, %add3A_589 : vector<16xf32>
        %mul3A_591 = arith.constant 5.000000e+00 : f32
        %mul3A_592 = vector.broadcast %mul3A_591 : f32 to vector<16xf32>
        %mul3A_593 = arith.mulf %add3A_590, %mul3A_592 : vector<16xf32>
        %add3A_594 = arith.addf %mul3A_581, %mul3A_581 : vector<16xf32>
        %add3A_595 = arith.addf %mul3A_587, %mul3A_587 : vector<16xf32>
        %add3A_596 = arith.addf %mul3A_593, %mul3A_593 : vector<16xf32>
        %convert_element_type3A_597 = arith.fptosi %add3A_594 : vector<16xf32> to vector<16xi32>
        %convert_element_type3A_598 = arith.fptosi %add3A_595 : vector<16xf32> to vector<16xi32>
        %convert_element_type3A_599 = arith.fptosi %add3A_596 : vector<16xf32> to vector<16xi32>
        %convert_element_type3A_600 = arith.sitofp %convert_element_type3A_597 : vector<16xi32> to vector<16xf32>
        %sub3A_601 = arith.subf %add3A_594, %convert_element_type3A_600 : vector<16xf32>
        %convert_element_type3A_602 = arith.sitofp %convert_element_type3A_598 : vector<16xi32> to vector<16xf32>
        %sub3A_603 = arith.subf %add3A_595, %convert_element_type3A_602 : vector<16xf32>
        %convert_element_type3A_604 = arith.sitofp %convert_element_type3A_599 : vector<16xi32> to vector<16xf32>
        %sub3A_605 = arith.subf %add3A_596, %convert_element_type3A_604 : vector<16xf32>
        %mul3A_606 = arith.constant 400 : i32
        %mul3A_607 = vector.broadcast %mul3A_606 : i32 to vector<16xi32>
        %mul3A_608 = arith.muli %convert_element_type3A_597, %mul3A_607 : vector<16xi32>
        %add3A_609 = arith.addi %mul3A_608, %convert_element_type3A_598 : vector<16xi32>
        %swap3A_610 = arith.constant 1 : i32
        %swap3A_611 = arith.index_cast %swap3A_610 : i32 to index
        %swap3A_612 = arith.index_cast %mul3A_557 : i32 to index
        %swap3A_613 = tpu.vector_load %arg43[%swap3A_611, %swap3A_612] {strides = array<i32>} : memref<4x192xi32, #tpu.memory_space<vmem>>, vector<16xi32>,
        tpu.vector_store %arg43[%swap3A_611, %swap3A_612], %add3A_609 {strides = array<i32>} : memref<4x192xi32, #tpu.memory_space<vmem>>, vector<16xi32>,
        %mul3A_614 = arith.constant 24000 : i32
        %mul3A_615 = vector.broadcast %mul3A_614 : i32 to vector<16xi32>
        %mul3A_616 = arith.muli %convert_element_type3A_597, %mul3A_615 : vector<16xi32>
        %mul3A_617 = arith.constant 60 : i32
        %mul3A_618 = vector.broadcast %mul3A_617 : i32 to vector<16xi32>
        %mul3A_619 = arith.muli %convert_element_type3A_598, %mul3A_618 : vector<16xi32>
        %add3A_620 = arith.addi %mul3A_616, %mul3A_619 : vector<16xi32>
        %add3A_621 = arith.addi %add3A_620, %convert_element_type3A_599 : vector<16xi32>
        %swap3A_622 = arith.constant 1 : i32
        %swap3A_623 = arith.index_cast %swap3A_622 : i32 to index
        %swap3A_624 = arith.index_cast %mul3A_557 : i32 to index
        %swap3A_625 = tpu.vector_load %arg46[%swap3A_623, %swap3A_624] {strides = array<i32>} : memref<4x192xi32, #tpu.memory_space<vmem>>, vector<16xi32>,
        tpu.vector_store %arg46[%swap3A_623, %swap3A_624], %add3A_621 {strides = array<i32>} : memref<4x192xi32, #tpu.memory_space<vmem>>, vector<16xi32>,
        %swap3A_626 = arith.constant 1 : i32
        %swap3A_627 = arith.constant 0 : i32
        %swap3A_628 = arith.index_cast %swap3A_626 : i32 to index
        %swap3A_629 = arith.index_cast %swap3A_627 : i32 to index
        %swap3A_630 = arith.index_cast %mul3A_557 : i32 to index
        %swap3A_631 = tpu.vector_load %arg44[%swap3A_628, %swap3A_629, %swap3A_630] {strides = array<i32>} : memref<4x2x192xi32, #tpu.memory_space<vmem>>, vector<16xi32>,
        tpu.vector_store %arg44[%swap3A_628, %swap3A_629, %swap3A_630], %convert_element_type3A_597 {strides = array<i32>} : memref<4x2x192xi32, #tpu.memory_space<vmem>>, vector<16xi32>,
        %swap3A_632 = arith.constant 1 : i32
        %swap3A_633 = arith.constant 1 : i32
        %swap3A_634 = arith.index_cast %swap3A_632 : i32 to index
        %swap3A_635 = arith.index_cast %swap3A_633 : i32 to index
        %swap3A_636 = arith.index_cast %mul3A_557 : i32 to index
        %swap3A_637 = tpu.vector_load %arg44[%swap3A_634, %swap3A_635, %swap3A_636] {strides = array<i32>} : memref<4x2x192xi32, #tpu.memory_space<vmem>>, vector<16xi32>,
        tpu.vector_store %arg44[%swap3A_634, %swap3A_635, %swap3A_636], %convert_element_type3A_598 {strides = array<i32>} : memref<4x2x192xi32, #tpu.memory_space<vmem>>, vector<16xi32>,
        %swap3A_638 = arith.constant 1 : i32
        %swap3A_639 = arith.constant 0 : i32
        %swap3A_640 = arith.index_cast %swap3A_638 : i32 to index
        %swap3A_641 = arith.index_cast %swap3A_639 : i32 to index
        %swap3A_642 = arith.index_cast %mul3A_557 : i32 to index
        %swap3A_643 = tpu.vector_load %arg45[%swap3A_640, %swap3A_641, %swap3A_642] {strides = array<i32>} : memref<4x2x192xf32, #tpu.memory_space<vmem>>, vector<16xf32>,
        tpu.vector_store %arg45[%swap3A_640, %swap3A_641, %swap3A_642], %sub3A_601 {strides = array<i32>} : memref<4x2x192xf32, #tpu.memory_space<vmem>>, vector<16xf32>,
        %swap3A_644 = arith.constant 1 : i32
        %swap3A_645 = arith.constant 1 : i32
        %swap3A_646 = arith.index_cast %swap3A_644 : i32 to index
        %swap3A_647 = arith.index_cast %swap3A_645 : i32 to index
        %swap3A_648 = arith.index_cast %mul3A_557 : i32 to index
        %swap3A_649 = tpu.vector_load %arg45[%swap3A_646, %swap3A_647, %swap3A_648] {strides = array<i32>} : memref<4x2x192xf32, #tpu.memory_space<vmem>>, vector<16xf32>,
        tpu.vector_store %arg45[%swap3A_646, %swap3A_647, %swap3A_648], %sub3A_603 {strides = array<i32>} : memref<4x2x192xf32, #tpu.memory_space<vmem>>, vector<16xf32>,
        %swap3A_650 = arith.constant 0 : i32
        %swap3A_651 = arith.constant 1 : i32
        %swap3A_652 = arith.index_cast %swap3A_650 : i32 to index
        %swap3A_653 = arith.index_cast %swap3A_651 : i32 to index
        %swap3A_654 = arith.index_cast %mul3A_557 : i32 to index
        %swap3A_655 = tpu.vector_load %arg47[%swap3A_652, %swap3A_653, %swap3A_654] {strides = array<i32>} : memref<3x4x192xi32, #tpu.memory_space<vmem>>, vector<16xi32>,
        tpu.vector_store %arg47[%swap3A_652, %swap3A_653, %swap3A_654], %convert_element_type3A_597 {strides = array<i32>} : memref<3x4x192xi32, #tpu.memory_space<vmem>>, vector<16xi32>,
        %swap3A_656 = arith.constant 1 : i32
        %swap3A_657 = arith.constant 1 : i32
        %swap3A_658 = arith.index_cast %swap3A_656 : i32 to index
        %swap3A_659 = arith.index_cast %swap3A_657 : i32 to index
        %swap3A_660 = arith.index_cast %mul3A_557 : i32 to index
        %swap3A_661 = tpu.vector_load %arg47[%swap3A_658, %swap3A_659, %swap3A_660] {strides = array<i32>} : memref<3x4x192xi32, #tpu.memory_space<vmem>>, vector<16xi32>,
        tpu.vector_store %arg47[%swap3A_658, %swap3A_659, %swap3A_660], %convert_element_type3A_598 {strides = array<i32>} : memref<3x4x192xi32, #tpu.memory_space<vmem>>, vector<16xi32>,
        %swap3A_662 = arith.constant 2 : i32
        %swap3A_663 = arith.constant 1 : i32
        %swap3A_664 = arith.index_cast %swap3A_662 : i32 to index
        %swap3A_665 = arith.index_cast %swap3A_663 : i32 to index
        %swap3A_666 = arith.index_cast %mul3A_557 : i32 to index
        %swap3A_667 = tpu.vector_load %arg47[%swap3A_664, %swap3A_665, %swap3A_666] {strides = array<i32>} : memref<3x4x192xi32, #tpu.memory_space<vmem>>, vector<16xi32>,
        tpu.vector_store %arg47[%swap3A_664, %swap3A_665, %swap3A_666], %convert_element_type3A_599 {strides = array<i32>} : memref<3x4x192xi32, #tpu.memory_space<vmem>>, vector<16xi32>,
        %swap3A_668 = arith.constant 1 : i32
        %swap3A_669 = arith.constant 0 : i32
        %swap3A_670 = arith.index_cast %swap3A_668 : i32 to index
        %swap3A_671 = arith.index_cast %swap3A_669 : i32 to index
        %swap3A_672 = arith.index_cast %mul3A_557 : i32 to index
        %swap3A_673 = tpu.vector_load %arg48[%swap3A_670, %swap3A_671, %swap3A_672] {strides = array<i32>} : memref<4x2x192xf32, #tpu.memory_space<vmem>>, vector<16xf32>,
        tpu.vector_store %arg48[%swap3A_670, %swap3A_671, %swap3A_672], %sub3A_601 {strides = array<i32>} : memref<4x2x192xf32, #tpu.memory_space<vmem>>, vector<16xf32>,
        %swap3A_674 = arith.constant 1 : i32
        %swap3A_675 = arith.constant 1 : i32
        %swap3A_676 = arith.index_cast %swap3A_674 : i32 to index
        %swap3A_677 = arith.index_cast %swap3A_675 : i32 to index
        %swap3A_678 = arith.index_cast %mul3A_557 : i32 to index
        %swap3A_679 = tpu.vector_load %arg48[%swap3A_676, %swap3A_677, %swap3A_678] {strides = array<i32>} : memref<4x2x192xf32, #tpu.memory_space<vmem>>, vector<16xf32>,
        tpu.vector_store %arg48[%swap3A_676, %swap3A_677, %swap3A_678], %sub3A_605 {strides = array<i32>} : memref<4x2x192xf32, #tpu.memory_space<vmem>>, vector<16xf32>,
        %convert_element_type3A_680 = arith.fptosi %mul3A_581 : vector<16xf32> to vector<16xi32>
        %convert_element_type3A_681 = arith.fptosi %mul3A_587 : vector<16xf32> to vector<16xi32>
        %convert_element_type3A_682 = arith.fptosi %mul3A_593 : vector<16xf32> to vector<16xi32>
        %convert_element_type3A_683 = arith.sitofp %convert_element_type3A_680 : vector<16xi32> to vector<16xf32>
        %sub3A_684 = arith.subf %mul3A_581, %convert_element_type3A_683 : vector<16xf32>
        %convert_element_type3A_685 = arith.sitofp %convert_element_type3A_681 : vector<16xi32> to vector<16xf32>
        %sub3A_686 = arith.subf %mul3A_587, %convert_element_type3A_685 : vector<16xf32>
        %convert_element_type3A_687 = arith.sitofp %convert_element_type3A_682 : vector<16xi32> to vector<16xf32>
        %sub3A_688 = arith.subf %mul3A_593, %convert_element_type3A_687 : vector<16xf32>
        %mul3A_689 = arith.constant 200 : i32
        %mul3A_690 = vector.broadcast %mul3A_689 : i32 to vector<16xi32>
        %mul3A_691 = arith.muli %convert_element_type3A_680, %mul3A_690 : vector<16xi32>
        %add3A_692 = arith.addi %mul3A_691, %convert_element_type3A_681 : vector<16xi32>
        %swap3A_693 = arith.constant 1 : i32
        %swap3A_694 = arith.index_cast %swap3A_693 : i32 to index
        %swap3A_695 = arith.index_cast %mul3A_557 : i32 to index
        %swap3A_696 = tpu.vector_load %arg49[%swap3A_694, %swap3A_695] {strides = array<i32>} : memref<4x192xi32, #tpu.memory_space<vmem>>, vector<16xi32>,
        tpu.vector_store %arg49[%swap3A_694, %swap3A_695], %add3A_692 {strides = array<i32>} : memref<4x192xi32, #tpu.memory_space<vmem>>, vector<16xi32>,
        %mul3A_697 = arith.constant 6000 : i32
        %mul3A_698 = vector.broadcast %mul3A_697 : i32 to vector<16xi32>
        %mul3A_699 = arith.muli %convert_element_type3A_680, %mul3A_698 : vector<16xi32>
        %mul3A_700 = arith.constant 30 : i32
        %mul3A_701 = vector.broadcast %mul3A_700 : i32 to vector<16xi32>
        %mul3A_702 = arith.muli %convert_element_type3A_681, %mul3A_701 : vector<16xi32>
        %add3A_703 = arith.addi %mul3A_699, %mul3A_702 : vector<16xi32>
        %add3A_704 = arith.addi %add3A_703, %convert_element_type3A_682 : vector<16xi32>
        %swap3A_705 = arith.constant 1 : i32
        %swap3A_706 = arith.index_cast %swap3A_705 : i32 to index
        %swap3A_707 = arith.index_cast %mul3A_557 : i32 to index
        %swap3A_708 = tpu.vector_load %arg52[%swap3A_706, %swap3A_707] {strides = array<i32>} : memref<4x192xi32, #tpu.memory_space<vmem>>, vector<16xi32>,
        tpu.vector_store %arg52[%swap3A_706, %swap3A_707], %add3A_704 {strides = array<i32>} : memref<4x192xi32, #tpu.memory_space<vmem>>, vector<16xi32>,
        %swap3A_709 = arith.constant 1 : i32
        %swap3A_710 = arith.constant 0 : i32
        %swap3A_711 = arith.index_cast %swap3A_709 : i32 to index
        %swap3A_712 = arith.index_cast %swap3A_710 : i32 to index
        %swap3A_713 = arith.index_cast %mul3A_557 : i32 to index
        %swap3A_714 = tpu.vector_load %arg50[%swap3A_711, %swap3A_712, %swap3A_713] {strides = array<i32>} : memref<4x2x192xi32, #tpu.memory_space<vmem>>, vector<16xi32>,
        tpu.vector_store %arg50[%swap3A_711, %swap3A_712, %swap3A_713], %convert_element_type3A_680 {strides = array<i32>} : memref<4x2x192xi32, #tpu.memory_space<vmem>>, vector<16xi32>,
        %swap3A_715 = arith.constant 1 : i32
        %swap3A_716 = arith.constant 1 : i32
        %swap3A_717 = arith.index_cast %swap3A_715 : i32 to index
        %swap3A_718 = arith.index_cast %swap3A_716 : i32 to index
        %swap3A_719 = arith.index_cast %mul3A_557 : i32 to index
        %swap3A_720 = tpu.vector_load %arg50[%swap3A_717, %swap3A_718, %swap3A_719] {strides = array<i32>} : memref<4x2x192xi32, #tpu.memory_space<vmem>>, vector<16xi32>,
        tpu.vector_store %arg50[%swap3A_717, %swap3A_718, %swap3A_719], %convert_element_type3A_681 {strides = array<i32>} : memref<4x2x192xi32, #tpu.memory_space<vmem>>, vector<16xi32>,
        %swap3A_721 = arith.constant 1 : i32
        %swap3A_722 = arith.constant 0 : i32
        %swap3A_723 = arith.index_cast %swap3A_721 : i32 to index
        %swap3A_724 = arith.index_cast %swap3A_722 : i32 to index
        %swap3A_725 = arith.index_cast %mul3A_557 : i32 to index
        %swap3A_726 = tpu.vector_load %arg51[%swap3A_723, %swap3A_724, %swap3A_725] {strides = array<i32>} : memref<4x2x192xf32, #tpu.memory_space<vmem>>, vector<16xf32>,
        tpu.vector_store %arg51[%swap3A_723, %swap3A_724, %swap3A_725], %sub3A_684 {strides = array<i32>} : memref<4x2x192xf32, #tpu.memory_space<vmem>>, vector<16xf32>,
        %swap3A_727 = arith.constant 1 : i32
        %swap3A_728 = arith.constant 1 : i32
        %swap3A_729 = arith.index_cast %swap3A_727 : i32 to index
        %swap3A_730 = arith.index_cast %swap3A_728 : i32 to index
        %swap3A_731 = arith.index_cast %mul3A_557 : i32 to index
        %swap3A_732 = tpu.vector_load %arg51[%swap3A_729, %swap3A_730, %swap3A_731] {strides = array<i32>} : memref<4x2x192xf32, #tpu.memory_space<vmem>>, vector<16xf32>,
        tpu.vector_store %arg51[%swap3A_729, %swap3A_730, %swap3A_731], %sub3A_686 {strides = array<i32>} : memref<4x2x192xf32, #tpu.memory_space<vmem>>, vector<16xf32>,
        %swap3A_733 = arith.constant 0 : i32
        %swap3A_734 = arith.constant 1 : i32
        %swap3A_735 = arith.index_cast %swap3A_733 : i32 to index
        %swap3A_736 = arith.index_cast %swap3A_734 : i32 to index
        %swap3A_737 = arith.index_cast %mul3A_557 : i32 to index
        %swap3A_738 = tpu.vector_load %arg53[%swap3A_735, %swap3A_736, %swap3A_737] {strides = array<i32>} : memref<3x4x192xi32, #tpu.memory_space<vmem>>, vector<16xi32>,
        tpu.vector_store %arg53[%swap3A_735, %swap3A_736, %swap3A_737], %convert_element_type3A_680 {strides = array<i32>} : memref<3x4x192xi32, #tpu.memory_space<vmem>>, vector<16xi32>,
        %swap3A_739 = arith.constant 1 : i32
        %swap3A_740 = arith.constant 1 : i32
        %swap3A_741 = arith.index_cast %swap3A_739 : i32 to index
        %swap3A_742 = arith.index_cast %swap3A_740 : i32 to index
        %swap3A_743 = arith.index_cast %mul3A_557 : i32 to index
        %swap3A_744 = tpu.vector_load %arg53[%swap3A_741, %swap3A_742, %swap3A_743] {strides = array<i32>} : memref<3x4x192xi32, #tpu.memory_space<vmem>>, vector<16xi32>,
        tpu.vector_store %arg53[%swap3A_741, %swap3A_742, %swap3A_743], %convert_element_type3A_681 {strides = array<i32>} : memref<3x4x192xi32, #tpu.memory_space<vmem>>, vector<16xi32>,
        %swap3A_745 = arith.constant 2 : i32
        %swap3A_746 = arith.constant 1 : i32
        %swap3A_747 = arith.index_cast %swap3A_745 : i32 to index
        %swap3A_748 = arith.index_cast %swap3A_746 : i32 to index
        %swap3A_749 = arith.index_cast %mul3A_557 : i32 to index
        %swap3A_750 = tpu.vector_load %arg53[%swap3A_747, %swap3A_748, %swap3A_749] {strides = array<i32>} : memref<3x4x192xi32, #tpu.memory_space<vmem>>, vector<16xi32>,
        tpu.vector_store %arg53[%swap3A_747, %swap3A_748, %swap3A_749], %convert_element_type3A_682 {strides = array<i32>} : memref<3x4x192xi32, #tpu.memory_space<vmem>>, vector<16xi32>,
        %swap3A_751 = arith.constant 1 : i32
        %swap3A_752 = arith.constant 0 : i32
        %swap3A_753 = arith.index_cast %swap3A_751 : i32 to index
        %swap3A_754 = arith.index_cast %swap3A_752 : i32 to index
        %swap3A_755 = arith.index_cast %mul3A_557 : i32 to index
        %swap3A_756 = tpu.vector_load %arg54[%swap3A_753, %swap3A_754, %swap3A_755] {strides = array<i32>} : memref<4x2x192xf32, #tpu.memory_space<vmem>>, vector<16xf32>,
        tpu.vector_store %arg54[%swap3A_753, %swap3A_754, %swap3A_755], %sub3A_684 {strides = array<i32>} : memref<4x2x192xf32, #tpu.memory_space<vmem>>, vector<16xf32>,
        %swap3A_757 = arith.constant 1 : i32
        %swap3A_758 = arith.constant 1 : i32
        %swap3A_759 = arith.index_cast %swap3A_757 : i32 to index
        %swap3A_760 = arith.index_cast %swap3A_758 : i32 to index
        %swap3A_761 = arith.index_cast %mul3A_557 : i32 to index
        %swap3A_762 = tpu.vector_load %arg54[%swap3A_759, %swap3A_760, %swap3A_761] {strides = array<i32>} : memref<4x2x192xf32, #tpu.memory_space<vmem>>, vector<16xf32>,
        tpu.vector_store %arg54[%swap3A_759, %swap3A_760, %swap3A_761], %sub3A_688 {strides = array<i32>} : memref<4x2x192xf32, #tpu.memory_space<vmem>>, vector<16xf32>,
        %mul3A_763 = arith.constant 16 : i32
        %mul3A_764 = arith.muli %scan3A_350, %mul3A_763 : i32
        %get3A_765 = arith.constant 2 : i32
        %get3A_766 = arith.constant 0 : i32
        %get3A_767 = arith.index_cast %get3A_765 : i32 to index
        %get3A_768 = arith.index_cast %get3A_766 : i32 to index
        %get3A_769 = arith.index_cast %mul3A_764 : i32 to index
        %get3A_770 = tpu.vector_load %arg42[%get3A_767, %get3A_768, %get3A_769] {strides = array<i32>} : memref<4x4x192xf32, #tpu.memory_space<vmem>>, vector<16xf32>,
        %get3A_771 = arith.constant 2 : i32
        %get3A_772 = arith.constant 1 : i32
        %get3A_773 = arith.index_cast %get3A_771 : i32 to index
        %get3A_774 = arith.index_cast %get3A_772 : i32 to index
        %get3A_775 = arith.index_cast %mul3A_764 : i32 to index
        %get3A_776 = tpu.vector_load %arg42[%get3A_773, %get3A_774, %get3A_775] {strides = array<i32>} : memref<4x4x192xf32, #tpu.memory_space<vmem>>, vector<16xf32>,
        %get3A_777 = arith.constant 2 : i32
        %get3A_778 = arith.constant 2 : i32
        %get3A_779 = arith.index_cast %get3A_777 : i32 to index
        %get3A_780 = arith.index_cast %get3A_778 : i32 to index
        %get3A_781 = arith.index_cast %mul3A_764 : i32 to index
        %get3A_782 = tpu.vector_load %arg42[%get3A_779, %get3A_780, %get3A_781] {strides = array<i32>} : memref<4x4x192xf32, #tpu.memory_space<vmem>>, vector<16xf32>,
        %add3A_783 = arith.constant 5.000000e+01 : f32
        %add3A_784 = vector.broadcast %add3A_783 : f32 to vector<16xf32>
        %add3A_785 = arith.addf %get3A_770, %add3A_784 : vector<16xf32>
        %mul3A_786 = arith.constant 2.000000e+00 : f32
        %mul3A_787 = vector.broadcast %mul3A_786 : f32 to vector<16xf32>
        %mul3A_788 = arith.mulf %add3A_785, %mul3A_787 : vector<16xf32>
        %add3A_789 = arith.constant 5.000000e+01 : f32
        %add3A_790 = vector.broadcast %add3A_789 : f32 to vector<16xf32>
        %add3A_791 = arith.addf %get3A_776, %add3A_790 : vector<16xf32>
        %mul3A_792 = arith.constant 2.000000e+00 : f32
        %mul3A_793 = vector.broadcast %mul3A_792 : f32 to vector<16xf32>
        %mul3A_794 = arith.mulf %add3A_791, %mul3A_793 : vector<16xf32>
        %add3A_795 = arith.constant 4.000000e+00 : f32
        %add3A_796 = vector.broadcast %add3A_795 : f32 to vector<16xf32>
        %add3A_797 = arith.addf %get3A_782, %add3A_796 : vector<16xf32>
        %mul3A_798 = arith.constant 5.000000e+00 : f32
        %mul3A_799 = vector.broadcast %mul3A_798 : f32 to vector<16xf32>
        %mul3A_800 = arith.mulf %add3A_797, %mul3A_799 : vector<16xf32>
        %add3A_801 = arith.addf %mul3A_788, %mul3A_788 : vector<16xf32>
        %add3A_802 = arith.addf %mul3A_794, %mul3A_794 : vector<16xf32>
        %add3A_803 = arith.addf %mul3A_800, %mul3A_800 : vector<16xf32>
        %convert_element_type3A_804 = arith.fptosi %add3A_801 : vector<16xf32> to vector<16xi32>
        %convert_element_type3A_805 = arith.fptosi %add3A_802 : vector<16xf32> to vector<16xi32>
        %convert_element_type3A_806 = arith.fptosi %add3A_803 : vector<16xf32> to vector<16xi32>
        %convert_element_type3A_807 = arith.sitofp %convert_element_type3A_804 : vector<16xi32> to vector<16xf32>
        %sub3A_808 = arith.subf %add3A_801, %convert_element_type3A_807 : vector<16xf32>
        %convert_element_type3A_809 = arith.sitofp %convert_element_type3A_805 : vector<16xi32> to vector<16xf32>
        %sub3A_810 = arith.subf %add3A_802, %convert_element_type3A_809 : vector<16xf32>
        %convert_element_type3A_811 = arith.sitofp %convert_element_type3A_806 : vector<16xi32> to vector<16xf32>
        %sub3A_812 = arith.subf %add3A_803, %convert_element_type3A_811 : vector<16xf32>
        %mul3A_813 = arith.constant 400 : i32
        %mul3A_814 = vector.broadcast %mul3A_813 : i32 to vector<16xi32>
        %mul3A_815 = arith.muli %convert_element_type3A_804, %mul3A_814 : vector<16xi32>
        %add3A_816 = arith.addi %mul3A_815, %convert_element_type3A_805 : vector<16xi32>
        %swap3A_817 = arith.constant 2 : i32
        %swap3A_818 = arith.index_cast %swap3A_817 : i32 to index
        %swap3A_819 = arith.index_cast %mul3A_764 : i32 to index
        %swap3A_820 = tpu.vector_load %arg43[%swap3A_818, %swap3A_819] {strides = array<i32>} : memref<4x192xi32, #tpu.memory_space<vmem>>, vector<16xi32>,
        tpu.vector_store %arg43[%swap3A_818, %swap3A_819], %add3A_816 {strides = array<i32>} : memref<4x192xi32, #tpu.memory_space<vmem>>, vector<16xi32>,
        %mul3A_821 = arith.constant 24000 : i32
        %mul3A_822 = vector.broadcast %mul3A_821 : i32 to vector<16xi32>
        %mul3A_823 = arith.muli %convert_element_type3A_804, %mul3A_822 : vector<16xi32>
        %mul3A_824 = arith.constant 60 : i32
        %mul3A_825 = vector.broadcast %mul3A_824 : i32 to vector<16xi32>
        %mul3A_826 = arith.muli %convert_element_type3A_805, %mul3A_825 : vector<16xi32>
        %add3A_827 = arith.addi %mul3A_823, %mul3A_826 : vector<16xi32>
        %add3A_828 = arith.addi %add3A_827, %convert_element_type3A_806 : vector<16xi32>
        %swap3A_829 = arith.constant 2 : i32
        %swap3A_830 = arith.index_cast %swap3A_829 : i32 to index
        %swap3A_831 = arith.index_cast %mul3A_764 : i32 to index
        %swap3A_832 = tpu.vector_load %arg46[%swap3A_830, %swap3A_831] {strides = array<i32>} : memref<4x192xi32, #tpu.memory_space<vmem>>, vector<16xi32>,
        tpu.vector_store %arg46[%swap3A_830, %swap3A_831], %add3A_828 {strides = array<i32>} : memref<4x192xi32, #tpu.memory_space<vmem>>, vector<16xi32>,
        %swap3A_833 = arith.constant 2 : i32
        %swap3A_834 = arith.constant 0 : i32
        %swap3A_835 = arith.index_cast %swap3A_833 : i32 to index
        %swap3A_836 = arith.index_cast %swap3A_834 : i32 to index
        %swap3A_837 = arith.index_cast %mul3A_764 : i32 to index
        %swap3A_838 = tpu.vector_load %arg44[%swap3A_835, %swap3A_836, %swap3A_837] {strides = array<i32>} : memref<4x2x192xi32, #tpu.memory_space<vmem>>, vector<16xi32>,
        tpu.vector_store %arg44[%swap3A_835, %swap3A_836, %swap3A_837], %convert_element_type3A_804 {strides = array<i32>} : memref<4x2x192xi32, #tpu.memory_space<vmem>>, vector<16xi32>,
        %swap3A_839 = arith.constant 2 : i32
        %swap3A_840 = arith.constant 1 : i32
        %swap3A_841 = arith.index_cast %swap3A_839 : i32 to index
        %swap3A_842 = arith.index_cast %swap3A_840 : i32 to index
        %swap3A_843 = arith.index_cast %mul3A_764 : i32 to index
        %swap3A_844 = tpu.vector_load %arg44[%swap3A_841, %swap3A_842, %swap3A_843] {strides = array<i32>} : memref<4x2x192xi32, #tpu.memory_space<vmem>>, vector<16xi32>,
        tpu.vector_store %arg44[%swap3A_841, %swap3A_842, %swap3A_843], %convert_element_type3A_805 {strides = array<i32>} : memref<4x2x192xi32, #tpu.memory_space<vmem>>, vector<16xi32>,
        %swap3A_845 = arith.constant 2 : i32
        %swap3A_846 = arith.constant 0 : i32
        %swap3A_847 = arith.index_cast %swap3A_845 : i32 to index
        %swap3A_848 = arith.index_cast %swap3A_846 : i32 to index
        %swap3A_849 = arith.index_cast %mul3A_764 : i32 to index
        %swap3A_850 = tpu.vector_load %arg45[%swap3A_847, %swap3A_848, %swap3A_849] {strides = array<i32>} : memref<4x2x192xf32, #tpu.memory_space<vmem>>, vector<16xf32>,
        tpu.vector_store %arg45[%swap3A_847, %swap3A_848, %swap3A_849], %sub3A_808 {strides = array<i32>} : memref<4x2x192xf32, #tpu.memory_space<vmem>>, vector<16xf32>,
        %swap3A_851 = arith.constant 2 : i32
        %swap3A_852 = arith.constant 1 : i32
        %swap3A_853 = arith.index_cast %swap3A_851 : i32 to index
        %swap3A_854 = arith.index_cast %swap3A_852 : i32 to index
        %swap3A_855 = arith.index_cast %mul3A_764 : i32 to index
        %swap3A_856 = tpu.vector_load %arg45[%swap3A_853, %swap3A_854, %swap3A_855] {strides = array<i32>} : memref<4x2x192xf32, #tpu.memory_space<vmem>>, vector<16xf32>,
        tpu.vector_store %arg45[%swap3A_853, %swap3A_854, %swap3A_855], %sub3A_810 {strides = array<i32>} : memref<4x2x192xf32, #tpu.memory_space<vmem>>, vector<16xf32>,
        %swap3A_857 = arith.constant 0 : i32
        %swap3A_858 = arith.constant 2 : i32
        %swap3A_859 = arith.index_cast %swap3A_857 : i32 to index
        %swap3A_860 = arith.index_cast %swap3A_858 : i32 to index
        %swap3A_861 = arith.index_cast %mul3A_764 : i32 to index
        %swap3A_862 = tpu.vector_load %arg47[%swap3A_859, %swap3A_860, %swap3A_861] {strides = array<i32>} : memref<3x4x192xi32, #tpu.memory_space<vmem>>, vector<16xi32>,
        tpu.vector_store %arg47[%swap3A_859, %swap3A_860, %swap3A_861], %convert_element_type3A_804 {strides = array<i32>} : memref<3x4x192xi32, #tpu.memory_space<vmem>>, vector<16xi32>,
        %swap3A_863 = arith.constant 1 : i32
        %swap3A_864 = arith.constant 2 : i32
        %swap3A_865 = arith.index_cast %swap3A_863 : i32 to index
        %swap3A_866 = arith.index_cast %swap3A_864 : i32 to index
        %swap3A_867 = arith.index_cast %mul3A_764 : i32 to index
        %swap3A_868 = tpu.vector_load %arg47[%swap3A_865, %swap3A_866, %swap3A_867] {strides = array<i32>} : memref<3x4x192xi32, #tpu.memory_space<vmem>>, vector<16xi32>,
        tpu.vector_store %arg47[%swap3A_865, %swap3A_866, %swap3A_867], %convert_element_type3A_805 {strides = array<i32>} : memref<3x4x192xi32, #tpu.memory_space<vmem>>, vector<16xi32>,
        %swap3A_869 = arith.constant 2 : i32
        %swap3A_870 = arith.constant 2 : i32
        %swap3A_871 = arith.index_cast %swap3A_869 : i32 to index
        %swap3A_872 = arith.index_cast %swap3A_870 : i32 to index
        %swap3A_873 = arith.index_cast %mul3A_764 : i32 to index
        %swap3A_874 = tpu.vector_load %arg47[%swap3A_871, %swap3A_872, %swap3A_873] {strides = array<i32>} : memref<3x4x192xi32, #tpu.memory_space<vmem>>, vector<16xi32>,
        tpu.vector_store %arg47[%swap3A_871, %swap3A_872, %swap3A_873], %convert_element_type3A_806 {strides = array<i32>} : memref<3x4x192xi32, #tpu.memory_space<vmem>>, vector<16xi32>,
        %swap3A_875 = arith.constant 2 : i32
        %swap3A_876 = arith.constant 0 : i32
        %swap3A_877 = arith.index_cast %swap3A_875 : i32 to index
        %swap3A_878 = arith.index_cast %swap3A_876 : i32 to index
        %swap3A_879 = arith.index_cast %mul3A_764 : i32 to index
        %swap3A_880 = tpu.vector_load %arg48[%swap3A_877, %swap3A_878, %swap3A_879] {strides = array<i32>} : memref<4x2x192xf32, #tpu.memory_space<vmem>>, vector<16xf32>,
        tpu.vector_store %arg48[%swap3A_877, %swap3A_878, %swap3A_879], %sub3A_808 {strides = array<i32>} : memref<4x2x192xf32, #tpu.memory_space<vmem>>, vector<16xf32>,
        %swap3A_881 = arith.constant 2 : i32
        %swap3A_882 = arith.constant 1 : i32
        %swap3A_883 = arith.index_cast %swap3A_881 : i32 to index
        %swap3A_884 = arith.index_cast %swap3A_882 : i32 to index
        %swap3A_885 = arith.index_cast %mul3A_764 : i32 to index
        %swap3A_886 = tpu.vector_load %arg48[%swap3A_883, %swap3A_884, %swap3A_885] {strides = array<i32>} : memref<4x2x192xf32, #tpu.memory_space<vmem>>, vector<16xf32>,
        tpu.vector_store %arg48[%swap3A_883, %swap3A_884, %swap3A_885], %sub3A_812 {strides = array<i32>} : memref<4x2x192xf32, #tpu.memory_space<vmem>>, vector<16xf32>,
        %convert_element_type3A_887 = arith.fptosi %mul3A_788 : vector<16xf32> to vector<16xi32>
        %convert_element_type3A_888 = arith.fptosi %mul3A_794 : vector<16xf32> to vector<16xi32>
        %convert_element_type3A_889 = arith.fptosi %mul3A_800 : vector<16xf32> to vector<16xi32>
        %convert_element_type3A_890 = arith.sitofp %convert_element_type3A_887 : vector<16xi32> to vector<16xf32>
        %sub3A_891 = arith.subf %mul3A_788, %convert_element_type3A_890 : vector<16xf32>
        %convert_element_type3A_892 = arith.sitofp %convert_element_type3A_888 : vector<16xi32> to vector<16xf32>
        %sub3A_893 = arith.subf %mul3A_794, %convert_element_type3A_892 : vector<16xf32>
        %convert_element_type3A_894 = arith.sitofp %convert_element_type3A_889 : vector<16xi32> to vector<16xf32>
        %sub3A_895 = arith.subf %mul3A_800, %convert_element_type3A_894 : vector<16xf32>
        %mul3A_896 = arith.constant 200 : i32
        %mul3A_897 = vector.broadcast %mul3A_896 : i32 to vector<16xi32>
        %mul3A_898 = arith.muli %convert_element_type3A_887, %mul3A_897 : vector<16xi32>
        %add3A_899 = arith.addi %mul3A_898, %convert_element_type3A_888 : vector<16xi32>
        %swap3A_900 = arith.constant 2 : i32
        %swap3A_901 = arith.index_cast %swap3A_900 : i32 to index
        %swap3A_902 = arith.index_cast %mul3A_764 : i32 to index
        %swap3A_903 = tpu.vector_load %arg49[%swap3A_901, %swap3A_902] {strides = array<i32>} : memref<4x192xi32, #tpu.memory_space<vmem>>, vector<16xi32>,
        tpu.vector_store %arg49[%swap3A_901, %swap3A_902], %add3A_899 {strides = array<i32>} : memref<4x192xi32, #tpu.memory_space<vmem>>, vector<16xi32>,
        %mul3A_904 = arith.constant 6000 : i32
        %mul3A_905 = vector.broadcast %mul3A_904 : i32 to vector<16xi32>
        %mul3A_906 = arith.muli %convert_element_type3A_887, %mul3A_905 : vector<16xi32>
        %mul3A_907 = arith.constant 30 : i32
        %mul3A_908 = vector.broadcast %mul3A_907 : i32 to vector<16xi32>
        %mul3A_909 = arith.muli %convert_element_type3A_888, %mul3A_908 : vector<16xi32>
        %add3A_910 = arith.addi %mul3A_906, %mul3A_909 : vector<16xi32>
        %add3A_911 = arith.addi %add3A_910, %convert_element_type3A_889 : vector<16xi32>
        %swap3A_912 = arith.constant 2 : i32
        %swap3A_913 = arith.index_cast %swap3A_912 : i32 to index
        %swap3A_914 = arith.index_cast %mul3A_764 : i32 to index
        %swap3A_915 = tpu.vector_load %arg52[%swap3A_913, %swap3A_914] {strides = array<i32>} : memref<4x192xi32, #tpu.memory_space<vmem>>, vector<16xi32>,
        tpu.vector_store %arg52[%swap3A_913, %swap3A_914], %add3A_911 {strides = array<i32>} : memref<4x192xi32, #tpu.memory_space<vmem>>, vector<16xi32>,
        %swap3A_916 = arith.constant 2 : i32
        %swap3A_917 = arith.constant 0 : i32
        %swap3A_918 = arith.index_cast %swap3A_916 : i32 to index
        %swap3A_919 = arith.index_cast %swap3A_917 : i32 to index
        %swap3A_920 = arith.index_cast %mul3A_764 : i32 to index
        %swap3A_921 = tpu.vector_load %arg50[%swap3A_918, %swap3A_919, %swap3A_920] {strides = array<i32>} : memref<4x2x192xi32, #tpu.memory_space<vmem>>, vector<16xi32>,
        tpu.vector_store %arg50[%swap3A_918, %swap3A_919, %swap3A_920], %convert_element_type3A_887 {strides = array<i32>} : memref<4x2x192xi32, #tpu.memory_space<vmem>>, vector<16xi32>,
        %swap3A_922 = arith.constant 2 : i32
        %swap3A_923 = arith.constant 1 : i32
        %swap3A_924 = arith.index_cast %swap3A_922 : i32 to index
        %swap3A_925 = arith.index_cast %swap3A_923 : i32 to index
        %swap3A_926 = arith.index_cast %mul3A_764 : i32 to index
        %swap3A_927 = tpu.vector_load %arg50[%swap3A_924, %swap3A_925, %swap3A_926] {strides = array<i32>} : memref<4x2x192xi32, #tpu.memory_space<vmem>>, vector<16xi32>,
        tpu.vector_store %arg50[%swap3A_924, %swap3A_925, %swap3A_926], %convert_element_type3A_888 {strides = array<i32>} : memref<4x2x192xi32, #tpu.memory_space<vmem>>, vector<16xi32>,
        %swap3A_928 = arith.constant 2 : i32
        %swap3A_929 = arith.constant 0 : i32
        %swap3A_930 = arith.index_cast %swap3A_928 : i32 to index
        %swap3A_931 = arith.index_cast %swap3A_929 : i32 to index
        %swap3A_932 = arith.index_cast %mul3A_764 : i32 to index
        %swap3A_933 = tpu.vector_load %arg51[%swap3A_930, %swap3A_931, %swap3A_932] {strides = array<i32>} : memref<4x2x192xf32, #tpu.memory_space<vmem>>, vector<16xf32>,
        tpu.vector_store %arg51[%swap3A_930, %swap3A_931, %swap3A_932], %sub3A_891 {strides = array<i32>} : memref<4x2x192xf32, #tpu.memory_space<vmem>>, vector<16xf32>,
        %swap3A_934 = arith.constant 2 : i32
        %swap3A_935 = arith.constant 1 : i32
        %swap3A_936 = arith.index_cast %swap3A_934 : i32 to index
        %swap3A_937 = arith.index_cast %swap3A_935 : i32 to index
        %swap3A_938 = arith.index_cast %mul3A_764 : i32 to index
        %swap3A_939 = tpu.vector_load %arg51[%swap3A_936, %swap3A_937, %swap3A_938] {strides = array<i32>} : memref<4x2x192xf32, #tpu.memory_space<vmem>>, vector<16xf32>,
        tpu.vector_store %arg51[%swap3A_936, %swap3A_937, %swap3A_938], %sub3A_893 {strides = array<i32>} : memref<4x2x192xf32, #tpu.memory_space<vmem>>, vector<16xf32>,
        %swap3A_940 = arith.constant 0 : i32
        %swap3A_941 = arith.constant 2 : i32
        %swap3A_942 = arith.index_cast %swap3A_940 : i32 to index
        %swap3A_943 = arith.index_cast %swap3A_941 : i32 to index
        %swap3A_944 = arith.index_cast %mul3A_764 : i32 to index
        %swap3A_945 = tpu.vector_load %arg53[%swap3A_942, %swap3A_943, %swap3A_944] {strides = array<i32>} : memref<3x4x192xi32, #tpu.memory_space<vmem>>, vector<16xi32>,
        tpu.vector_store %arg53[%swap3A_942, %swap3A_943, %swap3A_944], %convert_element_type3A_887 {strides = array<i32>} : memref<3x4x192xi32, #tpu.memory_space<vmem>>, vector<16xi32>,
        %swap3A_946 = arith.constant 1 : i32
        %swap3A_947 = arith.constant 2 : i32
        %swap3A_948 = arith.index_cast %swap3A_946 : i32 to index
        %swap3A_949 = arith.index_cast %swap3A_947 : i32 to index
        %swap3A_950 = arith.index_cast %mul3A_764 : i32 to index
        %swap3A_951 = tpu.vector_load %arg53[%swap3A_948, %swap3A_949, %swap3A_950] {strides = array<i32>} : memref<3x4x192xi32, #tpu.memory_space<vmem>>, vector<16xi32>,
        tpu.vector_store %arg53[%swap3A_948, %swap3A_949, %swap3A_950], %convert_element_type3A_888 {strides = array<i32>} : memref<3x4x192xi32, #tpu.memory_space<vmem>>, vector<16xi32>,
        %swap3A_952 = arith.constant 2 : i32
        %swap3A_953 = arith.constant 2 : i32
        %swap3A_954 = arith.index_cast %swap3A_952 : i32 to index
        %swap3A_955 = arith.index_cast %swap3A_953 : i32 to index
        %swap3A_956 = arith.index_cast %mul3A_764 : i32 to index
        %swap3A_957 = tpu.vector_load %arg53[%swap3A_954, %swap3A_955, %swap3A_956] {strides = array<i32>} : memref<3x4x192xi32, #tpu.memory_space<vmem>>, vector<16xi32>,
        tpu.vector_store %arg53[%swap3A_954, %swap3A_955, %swap3A_956], %convert_element_type3A_889 {strides = array<i32>} : memref<3x4x192xi32, #tpu.memory_space<vmem>>, vector<16xi32>,
        %swap3A_958 = arith.constant 2 : i32
        %swap3A_959 = arith.constant 0 : i32
        %swap3A_960 = arith.index_cast %swap3A_958 : i32 to index
        %swap3A_961 = arith.index_cast %swap3A_959 : i32 to index
        %swap3A_962 = arith.index_cast %mul3A_764 : i32 to index
        %swap3A_963 = tpu.vector_load %arg54[%swap3A_960, %swap3A_961, %swap3A_962] {strides = array<i32>} : memref<4x2x192xf32, #tpu.memory_space<vmem>>, vector<16xf32>,
        tpu.vector_store %arg54[%swap3A_960, %swap3A_961, %swap3A_962], %sub3A_891 {strides = array<i32>} : memref<4x2x192xf32, #tpu.memory_space<vmem>>, vector<16xf32>,
        %swap3A_964 = arith.constant 2 : i32
        %swap3A_965 = arith.constant 1 : i32
        %swap3A_966 = arith.index_cast %swap3A_964 : i32 to index
        %swap3A_967 = arith.index_cast %swap3A_965 : i32 to index
        %swap3A_968 = arith.index_cast %mul3A_764 : i32 to index
        %swap3A_969 = tpu.vector_load %arg54[%swap3A_966, %swap3A_967, %swap3A_968] {strides = array<i32>} : memref<4x2x192xf32, #tpu.memory_space<vmem>>, vector<16xf32>,
        tpu.vector_store %arg54[%swap3A_966, %swap3A_967, %swap3A_968], %sub3A_895 {strides = array<i32>} : memref<4x2x192xf32, #tpu.memory_space<vmem>>, vector<16xf32>,
        %mul3A_970 = arith.constant 16 : i32
        %mul3A_971 = arith.muli %scan3A_350, %mul3A_970 : i32
        %get3A_972 = arith.constant 3 : i32
        %get3A_973 = arith.constant 0 : i32
        %get3A_974 = arith.index_cast %get3A_972 : i32 to index
        %get3A_975 = arith.index_cast %get3A_973 : i32 to index
        %get3A_976 = arith.index_cast %mul3A_971 : i32 to index
        %get3A_977 = tpu.vector_load %arg42[%get3A_974, %get3A_975, %get3A_976] {strides = array<i32>} : memref<4x4x192xf32, #tpu.memory_space<vmem>>, vector<16xf32>,
        %get3A_978 = arith.constant 3 : i32
        %get3A_979 = arith.constant 1 : i32
        %get3A_980 = arith.index_cast %get3A_978 : i32 to index
        %get3A_981 = arith.index_cast %get3A_979 : i32 to index
        %get3A_982 = arith.index_cast %mul3A_971 : i32 to index
        %get3A_983 = tpu.vector_load %arg42[%get3A_980, %get3A_981, %get3A_982] {strides = array<i32>} : memref<4x4x192xf32, #tpu.memory_space<vmem>>, vector<16xf32>,
        %get3A_984 = arith.constant 3 : i32
        %get3A_985 = arith.constant 2 : i32
        %get3A_986 = arith.index_cast %get3A_984 : i32 to index
        %get3A_987 = arith.index_cast %get3A_985 : i32 to index
        %get3A_988 = arith.index_cast %mul3A_971 : i32 to index
        %get3A_989 = tpu.vector_load %arg42[%get3A_986, %get3A_987, %get3A_988] {strides = array<i32>} : memref<4x4x192xf32, #tpu.memory_space<vmem>>, vector<16xf32>,
        %add3A_990 = arith.constant 5.000000e+01 : f32
        %add3A_991 = vector.broadcast %add3A_990 : f32 to vector<16xf32>
        %add3A_992 = arith.addf %get3A_977, %add3A_991 : vector<16xf32>
        %mul3A_993 = arith.constant 2.000000e+00 : f32
        %mul3A_994 = vector.broadcast %mul3A_993 : f32 to vector<16xf32>
        %mul3A_995 = arith.mulf %add3A_992, %mul3A_994 : vector<16xf32>
        %add3A_996 = arith.constant 5.000000e+01 : f32
        %add3A_997 = vector.broadcast %add3A_996 : f32 to vector<16xf32>
        %add3A_998 = arith.addf %get3A_983, %add3A_997 : vector<16xf32>
        %mul3A_999 = arith.constant 2.000000e+00 : f32
        %mul3A_1000 = vector.broadcast %mul3A_999 : f32 to vector<16xf32>
        %mul3A_1001 = arith.mulf %add3A_998, %mul3A_1000 : vector<16xf32>
        %add3A_1002 = arith.constant 4.000000e+00 : f32
        %add3A_1003 = vector.broadcast %add3A_1002 : f32 to vector<16xf32>
        %add3A_1004 = arith.addf %get3A_989, %add3A_1003 : vector<16xf32>
        %mul3A_1005 = arith.constant 5.000000e+00 : f32
        %mul3A_1006 = vector.broadcast %mul3A_1005 : f32 to vector<16xf32>
        %mul3A_1007 = arith.mulf %add3A_1004, %mul3A_1006 : vector<16xf32>
        %add3A_1008 = arith.addf %mul3A_995, %mul3A_995 : vector<16xf32>
        %add3A_1009 = arith.addf %mul3A_1001, %mul3A_1001 : vector<16xf32>
        %add3A_1010 = arith.addf %mul3A_1007, %mul3A_1007 : vector<16xf32>
        %convert_element_type3A_1011 = arith.fptosi %add3A_1008 : vector<16xf32> to vector<16xi32>
        %convert_element_type3A_1012 = arith.fptosi %add3A_1009 : vector<16xf32> to vector<16xi32>
        %convert_element_type3A_1013 = arith.fptosi %add3A_1010 : vector<16xf32> to vector<16xi32>
        %convert_element_type3A_1014 = arith.sitofp %convert_element_type3A_1011 : vector<16xi32> to vector<16xf32>
        %sub3A_1015 = arith.subf %add3A_1008, %convert_element_type3A_1014 : vector<16xf32>
        %convert_element_type3A_1016 = arith.sitofp %convert_element_type3A_1012 : vector<16xi32> to vector<16xf32>
        %sub3A_1017 = arith.subf %add3A_1009, %convert_element_type3A_1016 : vector<16xf32>
        %convert_element_type3A_1018 = arith.sitofp %convert_element_type3A_1013 : vector<16xi32> to vector<16xf32>
        %sub3A_1019 = arith.subf %add3A_1010, %convert_element_type3A_1018 : vector<16xf32>
        %mul3A_1020 = arith.constant 400 : i32
        %mul3A_1021 = vector.broadcast %mul3A_1020 : i32 to vector<16xi32>
        %mul3A_1022 = arith.muli %convert_element_type3A_1011, %mul3A_1021 : vector<16xi32>
        %add3A_1023 = arith.addi %mul3A_1022, %convert_element_type3A_1012 : vector<16xi32>
        %swap3A_1024 = arith.constant 3 : i32
        %swap3A_1025 = arith.index_cast %swap3A_1024 : i32 to index
        %swap3A_1026 = arith.index_cast %mul3A_971 : i32 to index
        %swap3A_1027 = tpu.vector_load %arg43[%swap3A_1025, %swap3A_1026] {strides = array<i32>} : memref<4x192xi32, #tpu.memory_space<vmem>>, vector<16xi32>,
        tpu.vector_store %arg43[%swap3A_1025, %swap3A_1026], %add3A_1023 {strides = array<i32>} : memref<4x192xi32, #tpu.memory_space<vmem>>, vector<16xi32>,
        %mul3A_1028 = arith.constant 24000 : i32
        %mul3A_1029 = vector.broadcast %mul3A_1028 : i32 to vector<16xi32>
        %mul3A_1030 = arith.muli %convert_element_type3A_1011, %mul3A_1029 : vector<16xi32>
        %mul3A_1031 = arith.constant 60 : i32
        %mul3A_1032 = vector.broadcast %mul3A_1031 : i32 to vector<16xi32>
        %mul3A_1033 = arith.muli %convert_element_type3A_1012, %mul3A_1032 : vector<16xi32>
        %add3A_1034 = arith.addi %mul3A_1030, %mul3A_1033 : vector<16xi32>
        %add3A_1035 = arith.addi %add3A_1034, %convert_element_type3A_1013 : vector<16xi32>
        %swap3A_1036 = arith.constant 3 : i32
        %swap3A_1037 = arith.index_cast %swap3A_1036 : i32 to index
        %swap3A_1038 = arith.index_cast %mul3A_971 : i32 to index
        %swap3A_1039 = tpu.vector_load %arg46[%swap3A_1037, %swap3A_1038] {strides = array<i32>} : memref<4x192xi32, #tpu.memory_space<vmem>>, vector<16xi32>,
        tpu.vector_store %arg46[%swap3A_1037, %swap3A_1038], %add3A_1035 {strides = array<i32>} : memref<4x192xi32, #tpu.memory_space<vmem>>, vector<16xi32>,
        %swap3A_1040 = arith.constant 3 : i32
        %swap3A_1041 = arith.constant 0 : i32
        %swap3A_1042 = arith.index_cast %swap3A_1040 : i32 to index
        %swap3A_1043 = arith.index_cast %swap3A_1041 : i32 to index
        %swap3A_1044 = arith.index_cast %mul3A_971 : i32 to index
        %swap3A_1045 = tpu.vector_load %arg44[%swap3A_1042, %swap3A_1043, %swap3A_1044] {strides = array<i32>} : memref<4x2x192xi32, #tpu.memory_space<vmem>>, vector<16xi32>,
        tpu.vector_store %arg44[%swap3A_1042, %swap3A_1043, %swap3A_1044], %convert_element_type3A_1011 {strides = array<i32>} : memref<4x2x192xi32, #tpu.memory_space<vmem>>, vector<16xi32>,
        %swap3A_1046 = arith.constant 3 : i32
        %swap3A_1047 = arith.constant 1 : i32
        %swap3A_1048 = arith.index_cast %swap3A_1046 : i32 to index
        %swap3A_1049 = arith.index_cast %swap3A_1047 : i32 to index
        %swap3A_1050 = arith.index_cast %mul3A_971 : i32 to index
        %swap3A_1051 = tpu.vector_load %arg44[%swap3A_1048, %swap3A_1049, %swap3A_1050] {strides = array<i32>} : memref<4x2x192xi32, #tpu.memory_space<vmem>>, vector<16xi32>,
        tpu.vector_store %arg44[%swap3A_1048, %swap3A_1049, %swap3A_1050], %convert_element_type3A_1012 {strides = array<i32>} : memref<4x2x192xi32, #tpu.memory_space<vmem>>, vector<16xi32>,
        %swap3A_1052 = arith.constant 3 : i32
        %swap3A_1053 = arith.constant 0 : i32
        %swap3A_1054 = arith.index_cast %swap3A_1052 : i32 to index
        %swap3A_1055 = arith.index_cast %swap3A_1053 : i32 to index
        %swap3A_1056 = arith.index_cast %mul3A_971 : i32 to index
        %swap3A_1057 = tpu.vector_load %arg45[%swap3A_1054, %swap3A_1055, %swap3A_1056] {strides = array<i32>} : memref<4x2x192xf32, #tpu.memory_space<vmem>>, vector<16xf32>,
        tpu.vector_store %arg45[%swap3A_1054, %swap3A_1055, %swap3A_1056], %sub3A_1015 {strides = array<i32>} : memref<4x2x192xf32, #tpu.memory_space<vmem>>, vector<16xf32>,
        %swap3A_1058 = arith.constant 3 : i32
        %swap3A_1059 = arith.constant 1 : i32
        %swap3A_1060 = arith.index_cast %swap3A_1058 : i32 to index
        %swap3A_1061 = arith.index_cast %swap3A_1059 : i32 to index
        %swap3A_1062 = arith.index_cast %mul3A_971 : i32 to index
        %swap3A_1063 = tpu.vector_load %arg45[%swap3A_1060, %swap3A_1061, %swap3A_1062] {strides = array<i32>} : memref<4x2x192xf32, #tpu.memory_space<vmem>>, vector<16xf32>,
        tpu.vector_store %arg45[%swap3A_1060, %swap3A_1061, %swap3A_1062], %sub3A_1017 {strides = array<i32>} : memref<4x2x192xf32, #tpu.memory_space<vmem>>, vector<16xf32>,
        %swap3A_1064 = arith.constant 0 : i32
        %swap3A_1065 = arith.constant 3 : i32
        %swap3A_1066 = arith.index_cast %swap3A_1064 : i32 to index
        %swap3A_1067 = arith.index_cast %swap3A_1065 : i32 to index
        %swap3A_1068 = arith.index_cast %mul3A_971 : i32 to index
        %swap3A_1069 = tpu.vector_load %arg47[%swap3A_1066, %swap3A_1067, %swap3A_1068] {strides = array<i32>} : memref<3x4x192xi32, #tpu.memory_space<vmem>>, vector<16xi32>,
        tpu.vector_store %arg47[%swap3A_1066, %swap3A_1067, %swap3A_1068], %convert_element_type3A_1011 {strides = array<i32>} : memref<3x4x192xi32, #tpu.memory_space<vmem>>, vector<16xi32>,
        %swap3A_1070 = arith.constant 1 : i32
        %swap3A_1071 = arith.constant 3 : i32
        %swap3A_1072 = arith.index_cast %swap3A_1070 : i32 to index
        %swap3A_1073 = arith.index_cast %swap3A_1071 : i32 to index
        %swap3A_1074 = arith.index_cast %mul3A_971 : i32 to index
        %swap3A_1075 = tpu.vector_load %arg47[%swap3A_1072, %swap3A_1073, %swap3A_1074] {strides = array<i32>} : memref<3x4x192xi32, #tpu.memory_space<vmem>>, vector<16xi32>,
        tpu.vector_store %arg47[%swap3A_1072, %swap3A_1073, %swap3A_1074], %convert_element_type3A_1012 {strides = array<i32>} : memref<3x4x192xi32, #tpu.memory_space<vmem>>, vector<16xi32>,
        %swap3A_1076 = arith.constant 2 : i32
        %swap3A_1077 = arith.constant 3 : i32
        %swap3A_1078 = arith.index_cast %swap3A_1076 : i32 to index
        %swap3A_1079 = arith.index_cast %swap3A_1077 : i32 to index
        %swap3A_1080 = arith.index_cast %mul3A_971 : i32 to index
        %swap3A_1081 = tpu.vector_load %arg47[%swap3A_1078, %swap3A_1079, %swap3A_1080] {strides = array<i32>} : memref<3x4x192xi32, #tpu.memory_space<vmem>>, vector<16xi32>,
        tpu.vector_store %arg47[%swap3A_1078, %swap3A_1079, %swap3A_1080], %convert_element_type3A_1013 {strides = array<i32>} : memref<3x4x192xi32, #tpu.memory_space<vmem>>, vector<16xi32>,
        %swap3A_1082 = arith.constant 3 : i32
        %swap3A_1083 = arith.constant 0 : i32
        %swap3A_1084 = arith.index_cast %swap3A_1082 : i32 to index
        %swap3A_1085 = arith.index_cast %swap3A_1083 : i32 to index
        %swap3A_1086 = arith.index_cast %mul3A_971 : i32 to index
        %swap3A_1087 = tpu.vector_load %arg48[%swap3A_1084, %swap3A_1085, %swap3A_1086] {strides = array<i32>} : memref<4x2x192xf32, #tpu.memory_space<vmem>>, vector<16xf32>,
        tpu.vector_store %arg48[%swap3A_1084, %swap3A_1085, %swap3A_1086], %sub3A_1015 {strides = array<i32>} : memref<4x2x192xf32, #tpu.memory_space<vmem>>, vector<16xf32>,
        %swap3A_1088 = arith.constant 3 : i32
        %swap3A_1089 = arith.constant 1 : i32
        %swap3A_1090 = arith.index_cast %swap3A_1088 : i32 to index
        %swap3A_1091 = arith.index_cast %swap3A_1089 : i32 to index
        %swap3A_1092 = arith.index_cast %mul3A_971 : i32 to index
        %swap3A_1093 = tpu.vector_load %arg48[%swap3A_1090, %swap3A_1091, %swap3A_1092] {strides = array<i32>} : memref<4x2x192xf32, #tpu.memory_space<vmem>>, vector<16xf32>,
        tpu.vector_store %arg48[%swap3A_1090, %swap3A_1091, %swap3A_1092], %sub3A_1019 {strides = array<i32>} : memref<4x2x192xf32, #tpu.memory_space<vmem>>, vector<16xf32>,
        %convert_element_type3A_1094 = arith.fptosi %mul3A_995 : vector<16xf32> to vector<16xi32>
        %convert_element_type3A_1095 = arith.fptosi %mul3A_1001 : vector<16xf32> to vector<16xi32>
        %convert_element_type3A_1096 = arith.fptosi %mul3A_1007 : vector<16xf32> to vector<16xi32>
        %convert_element_type3A_1097 = arith.sitofp %convert_element_type3A_1094 : vector<16xi32> to vector<16xf32>
        %sub3A_1098 = arith.subf %mul3A_995, %convert_element_type3A_1097 : vector<16xf32>
        %convert_element_type3A_1099 = arith.sitofp %convert_element_type3A_1095 : vector<16xi32> to vector<16xf32>
        %sub3A_1100 = arith.subf %mul3A_1001, %convert_element_type3A_1099 : vector<16xf32>
        %convert_element_type3A_1101 = arith.sitofp %convert_element_type3A_1096 : vector<16xi32> to vector<16xf32>
        %sub3A_1102 = arith.subf %mul3A_1007, %convert_element_type3A_1101 : vector<16xf32>
        %mul3A_1103 = arith.constant 200 : i32
        %mul3A_1104 = vector.broadcast %mul3A_1103 : i32 to vector<16xi32>
        %mul3A_1105 = arith.muli %convert_element_type3A_1094, %mul3A_1104 : vector<16xi32>
        %add3A_1106 = arith.addi %mul3A_1105, %convert_element_type3A_1095 : vector<16xi32>
        %swap3A_1107 = arith.constant 3 : i32
        %swap3A_1108 = arith.index_cast %swap3A_1107 : i32 to index
        %swap3A_1109 = arith.index_cast %mul3A_971 : i32 to index
        %swap3A_1110 = tpu.vector_load %arg49[%swap3A_1108, %swap3A_1109] {strides = array<i32>} : memref<4x192xi32, #tpu.memory_space<vmem>>, vector<16xi32>,
        tpu.vector_store %arg49[%swap3A_1108, %swap3A_1109], %add3A_1106 {strides = array<i32>} : memref<4x192xi32, #tpu.memory_space<vmem>>, vector<16xi32>,
        %mul3A_1111 = arith.constant 6000 : i32
        %mul3A_1112 = vector.broadcast %mul3A_1111 : i32 to vector<16xi32>
        %mul3A_1113 = arith.muli %convert_element_type3A_1094, %mul3A_1112 : vector<16xi32>
        %mul3A_1114 = arith.constant 30 : i32
        %mul3A_1115 = vector.broadcast %mul3A_1114 : i32 to vector<16xi32>
        %mul3A_1116 = arith.muli %convert_element_type3A_1095, %mul3A_1115 : vector<16xi32>
        %add3A_1117 = arith.addi %mul3A_1113, %mul3A_1116 : vector<16xi32>
        %add3A_1118 = arith.addi %add3A_1117, %convert_element_type3A_1096 : vector<16xi32>
        %swap3A_1119 = arith.constant 3 : i32
        %swap3A_1120 = arith.index_cast %swap3A_1119 : i32 to index
        %swap3A_1121 = arith.index_cast %mul3A_971 : i32 to index
        %swap3A_1122 = tpu.vector_load %arg52[%swap3A_1120, %swap3A_1121] {strides = array<i32>} : memref<4x192xi32, #tpu.memory_space<vmem>>, vector<16xi32>,
        tpu.vector_store %arg52[%swap3A_1120, %swap3A_1121], %add3A_1118 {strides = array<i32>} : memref<4x192xi32, #tpu.memory_space<vmem>>, vector<16xi32>,
        %swap3A_1123 = arith.constant 3 : i32
        %swap3A_1124 = arith.constant 0 : i32
        %swap3A_1125 = arith.index_cast %swap3A_1123 : i32 to index
        %swap3A_1126 = arith.index_cast %swap3A_1124 : i32 to index
        %swap3A_1127 = arith.index_cast %mul3A_971 : i32 to index
        %swap3A_1128 = tpu.vector_load %arg50[%swap3A_1125, %swap3A_1126, %swap3A_1127] {strides = array<i32>} : memref<4x2x192xi32, #tpu.memory_space<vmem>>, vector<16xi32>,
        tpu.vector_store %arg50[%swap3A_1125, %swap3A_1126, %swap3A_1127], %convert_element_type3A_1094 {strides = array<i32>} : memref<4x2x192xi32, #tpu.memory_space<vmem>>, vector<16xi32>,
        %swap3A_1129 = arith.constant 3 : i32
        %swap3A_1130 = arith.constant 1 : i32
        %swap3A_1131 = arith.index_cast %swap3A_1129 : i32 to index
        %swap3A_1132 = arith.index_cast %swap3A_1130 : i32 to index
        %swap3A_1133 = arith.index_cast %mul3A_971 : i32 to index
        %swap3A_1134 = tpu.vector_load %arg50[%swap3A_1131, %swap3A_1132, %swap3A_1133] {strides = array<i32>} : memref<4x2x192xi32, #tpu.memory_space<vmem>>, vector<16xi32>,
        tpu.vector_store %arg50[%swap3A_1131, %swap3A_1132, %swap3A_1133], %convert_element_type3A_1095 {strides = array<i32>} : memref<4x2x192xi32, #tpu.memory_space<vmem>>, vector<16xi32>,
        %swap3A_1135 = arith.constant 3 : i32
        %swap3A_1136 = arith.constant 0 : i32
        %swap3A_1137 = arith.index_cast %swap3A_1135 : i32 to index
        %swap3A_1138 = arith.index_cast %swap3A_1136 : i32 to index
        %swap3A_1139 = arith.index_cast %mul3A_971 : i32 to index
        %swap3A_1140 = tpu.vector_load %arg51[%swap3A_1137, %swap3A_1138, %swap3A_1139] {strides = array<i32>} : memref<4x2x192xf32, #tpu.memory_space<vmem>>, vector<16xf32>,
        tpu.vector_store %arg51[%swap3A_1137, %swap3A_1138, %swap3A_1139], %sub3A_1098 {strides = array<i32>} : memref<4x2x192xf32, #tpu.memory_space<vmem>>, vector<16xf32>,
        %swap3A_1141 = arith.constant 3 : i32
        %swap3A_1142 = arith.constant 1 : i32
        %swap3A_1143 = arith.index_cast %swap3A_1141 : i32 to index
        %swap3A_1144 = arith.index_cast %swap3A_1142 : i32 to index
        %swap3A_1145 = arith.index_cast %mul3A_971 : i32 to index
        %swap3A_1146 = tpu.vector_load %arg51[%swap3A_1143, %swap3A_1144, %swap3A_1145] {strides = array<i32>} : memref<4x2x192xf32, #tpu.memory_space<vmem>>, vector<16xf32>,
        tpu.vector_store %arg51[%swap3A_1143, %swap3A_1144, %swap3A_1145], %sub3A_1100 {strides = array<i32>} : memref<4x2x192xf32, #tpu.memory_space<vmem>>, vector<16xf32>,
        %swap3A_1147 = arith.constant 0 : i32
        %swap3A_1148 = arith.constant 3 : i32
        %swap3A_1149 = arith.index_cast %swap3A_1147 : i32 to index
        %swap3A_1150 = arith.index_cast %swap3A_1148 : i32 to index
        %swap3A_1151 = arith.index_cast %mul3A_971 : i32 to index
        %swap3A_1152 = tpu.vector_load %arg53[%swap3A_1149, %swap3A_1150, %swap3A_1151] {strides = array<i32>} : memref<3x4x192xi32, #tpu.memory_space<vmem>>, vector<16xi32>,
        tpu.vector_store %arg53[%swap3A_1149, %swap3A_1150, %swap3A_1151], %convert_element_type3A_1094 {strides = array<i32>} : memref<3x4x192xi32, #tpu.memory_space<vmem>>, vector<16xi32>,
        %swap3A_1153 = arith.constant 1 : i32
        %swap3A_1154 = arith.constant 3 : i32
        %swap3A_1155 = arith.index_cast %swap3A_1153 : i32 to index
        %swap3A_1156 = arith.index_cast %swap3A_1154 : i32 to index
        %swap3A_1157 = arith.index_cast %mul3A_971 : i32 to index
        %swap3A_1158 = tpu.vector_load %arg53[%swap3A_1155, %swap3A_1156, %swap3A_1157] {strides = array<i32>} : memref<3x4x192xi32, #tpu.memory_space<vmem>>, vector<16xi32>,
        tpu.vector_store %arg53[%swap3A_1155, %swap3A_1156, %swap3A_1157], %convert_element_type3A_1095 {strides = array<i32>} : memref<3x4x192xi32, #tpu.memory_space<vmem>>, vector<16xi32>,
        %swap3A_1159 = arith.constant 2 : i32
        %swap3A_1160 = arith.constant 3 : i32
        %swap3A_1161 = arith.index_cast %swap3A_1159 : i32 to index
        %swap3A_1162 = arith.index_cast %swap3A_1160 : i32 to index
        %swap3A_1163 = arith.index_cast %mul3A_971 : i32 to index
        %swap3A_1164 = tpu.vector_load %arg53[%swap3A_1161, %swap3A_1162, %swap3A_1163] {strides = array<i32>} : memref<3x4x192xi32, #tpu.memory_space<vmem>>, vector<16xi32>,
        tpu.vector_store %arg53[%swap3A_1161, %swap3A_1162, %swap3A_1163], %convert_element_type3A_1096 {strides = array<i32>} : memref<3x4x192xi32, #tpu.memory_space<vmem>>, vector<16xi32>,
        %swap3A_1165 = arith.constant 3 : i32
        %swap3A_1166 = arith.constant 0 : i32
        %swap3A_1167 = arith.index_cast %swap3A_1165 : i32 to index
        %swap3A_1168 = arith.index_cast %swap3A_1166 : i32 to index
        %swap3A_1169 = arith.index_cast %mul3A_971 : i32 to index
        %swap3A_1170 = tpu.vector_load %arg54[%swap3A_1167, %swap3A_1168, %swap3A_1169] {strides = array<i32>} : memref<4x2x192xf32, #tpu.memory_space<vmem>>, vector<16xf32>,
        tpu.vector_store %arg54[%swap3A_1167, %swap3A_1168, %swap3A_1169], %sub3A_1098 {strides = array<i32>} : memref<4x2x192xf32, #tpu.memory_space<vmem>>, vector<16xf32>,
        %swap3A_1171 = arith.constant 3 : i32
        %swap3A_1172 = arith.constant 1 : i32
        %swap3A_1173 = arith.index_cast %swap3A_1171 : i32 to index
        %swap3A_1174 = arith.index_cast %swap3A_1172 : i32 to index
        %swap3A_1175 = arith.index_cast %mul3A_971 : i32 to index
        %swap3A_1176 = tpu.vector_load %arg54[%swap3A_1173, %swap3A_1174, %swap3A_1175] {strides = array<i32>} : memref<4x2x192xf32, #tpu.memory_space<vmem>>, vector<16xf32>,
        tpu.vector_store %arg54[%swap3A_1173, %swap3A_1174, %swap3A_1175], %sub3A_1102 {strides = array<i32>} : memref<4x2x192xf32, #tpu.memory_space<vmem>>, vector<16xf32>,
      }
      %scan3A_157 = arith.constant 12 : i32
      %dma_start3A_158 = arith.constant 0 : i32
      %dma_start3A_159 = arith.constant 0 : i32
      %dma_start3A_160 = arith.constant 119808 : i32
      %dma_start3A_161 = tpu.memref_slice %arg3[%dma_start3A_158, %dma_start3A_159, %dma_start3A_160] : memref<4x4x120000xf32, #tpu.memory_space<hbm>> -> memref<4x4x192xf32, #tpu.memory_space<hbm>>
      %dma_start3A_162 = arith.constant 0 : i32
      %dma_start3A_163 = arith.constant 0 : i32
      %dma_start3A_164 = arith.constant 119808 : i32
      %dma_start3A_165 = tpu.memref_slice %arg3[%dma_start3A_162, %dma_start3A_163, %dma_start3A_164] : memref<4x4x120000xf32, #tpu.memory_space<hbm>> -> memref<4x4x192xf32, #tpu.memory_space<hbm>>
      tpu.enqueue_dma source(%arg42 : memref<4x4x192xf32, #tpu.memory_space<vmem>>) target(%dma_start3A_165 : memref<4x4x192xf32, #tpu.memory_space<hbm>>) target_semaphore(%arg57 : memref<!tpu.dma_semaphore, #tpu.memory_space<semaphore_mem>>)
      %dma_start3A_166 = arith.constant 0 : i32
      %dma_start3A_167 = arith.constant 119808 : i32
      %dma_start3A_168 = tpu.memref_slice %arg4[%dma_start3A_166, %dma_start3A_167] : memref<4x120000xi32, #tpu.memory_space<hbm>> -> memref<4x192xi32, #tpu.memory_space<hbm>>
      %dma_start3A_169 = arith.constant 0 : i32
      %dma_start3A_170 = arith.constant 119808 : i32
      %dma_start3A_171 = tpu.memref_slice %arg4[%dma_start3A_169, %dma_start3A_170] : memref<4x120000xi32, #tpu.memory_space<hbm>> -> memref<4x192xi32, #tpu.memory_space<hbm>>
      tpu.enqueue_dma source(%arg43 : memref<4x192xi32, #tpu.memory_space<vmem>>) target(%dma_start3A_171 : memref<4x192xi32, #tpu.memory_space<hbm>>) target_semaphore(%arg57 : memref<!tpu.dma_semaphore, #tpu.memory_space<semaphore_mem>>)
      %dma_start3A_172 = arith.constant 0 : i32
      %dma_start3A_173 = arith.constant 0 : i32
      %dma_start3A_174 = arith.constant 119808 : i32
      %dma_start3A_175 = tpu.memref_slice %arg5[%dma_start3A_172, %dma_start3A_173, %dma_start3A_174] : memref<4x2x120000xi32, #tpu.memory_space<hbm>> -> memref<4x2x192xi32, #tpu.memory_space<hbm>>
      %dma_start3A_176 = arith.constant 0 : i32
      %dma_start3A_177 = arith.constant 0 : i32
      %dma_start3A_178 = arith.constant 119808 : i32
      %dma_start3A_179 = tpu.memref_slice %arg5[%dma_start3A_176, %dma_start3A_177, %dma_start3A_178] : memref<4x2x120000xi32, #tpu.memory_space<hbm>> -> memref<4x2x192xi32, #tpu.memory_space<hbm>>
      tpu.enqueue_dma source(%arg44 : memref<4x2x192xi32, #tpu.memory_space<vmem>>) target(%dma_start3A_179 : memref<4x2x192xi32, #tpu.memory_space<hbm>>) target_semaphore(%arg57 : memref<!tpu.dma_semaphore, #tpu.memory_space<semaphore_mem>>)
      %dma_start3A_180 = arith.constant 0 : i32
      %dma_start3A_181 = arith.constant 0 : i32
      %dma_start3A_182 = arith.constant 119808 : i32
      %dma_start3A_183 = tpu.memref_slice %arg6[%dma_start3A_180, %dma_start3A_181, %dma_start3A_182] : memref<4x2x120000xf32, #tpu.memory_space<hbm>> -> memref<4x2x192xf32, #tpu.memory_space<hbm>>
      %dma_start3A_184 = arith.constant 0 : i32
      %dma_start3A_185 = arith.constant 0 : i32
      %dma_start3A_186 = arith.constant 119808 : i32
      %dma_start3A_187 = tpu.memref_slice %arg6[%dma_start3A_184, %dma_start3A_185, %dma_start3A_186] : memref<4x2x120000xf32, #tpu.memory_space<hbm>> -> memref<4x2x192xf32, #tpu.memory_space<hbm>>
      tpu.enqueue_dma source(%arg45 : memref<4x2x192xf32, #tpu.memory_space<vmem>>) target(%dma_start3A_187 : memref<4x2x192xf32, #tpu.memory_space<hbm>>) target_semaphore(%arg57 : memref<!tpu.dma_semaphore, #tpu.memory_space<semaphore_mem>>)
      %dma_start3A_188 = arith.constant 0 : i32
      %dma_start3A_189 = arith.constant 119808 : i32
      %dma_start3A_190 = tpu.memref_slice %arg7[%dma_start3A_188, %dma_start3A_189] : memref<4x120000xi32, #tpu.memory_space<hbm>> -> memref<4x192xi32, #tpu.memory_space<hbm>>
      %dma_start3A_191 = arith.constant 0 : i32
      %dma_start3A_192 = arith.constant 119808 : i32
      %dma_start3A_193 = tpu.memref_slice %arg7[%dma_start3A_191, %dma_start3A_192] : memref<4x120000xi32, #tpu.memory_space<hbm>> -> memref<4x192xi32, #tpu.memory_space<hbm>>
      tpu.enqueue_dma source(%arg46 : memref<4x192xi32, #tpu.memory_space<vmem>>) target(%dma_start3A_193 : memref<4x192xi32, #tpu.memory_space<hbm>>) target_semaphore(%arg57 : memref<!tpu.dma_semaphore, #tpu.memory_space<semaphore_mem>>)
      %dma_start3A_194 = arith.constant 0 : i32
      %dma_start3A_195 = arith.constant 0 : i32
      %dma_start3A_196 = arith.constant 119808 : i32
      %dma_start3A_197 = tpu.memref_slice %arg8[%dma_start3A_194, %dma_start3A_195, %dma_start3A_196] : memref<3x4x120000xi32, #tpu.memory_space<hbm>> -> memref<3x4x192xi32, #tpu.memory_space<hbm>>
      %dma_start3A_198 = arith.constant 0 : i32
      %dma_start3A_199 = arith.constant 0 : i32
      %dma_start3A_200 = arith.constant 119808 : i32
      %dma_start3A_201 = tpu.memref_slice %arg8[%dma_start3A_198, %dma_start3A_199, %dma_start3A_200] : memref<3x4x120000xi32, #tpu.memory_space<hbm>> -> memref<3x4x192xi32, #tpu.memory_space<hbm>>
      tpu.enqueue_dma source(%arg47 : memref<3x4x192xi32, #tpu.memory_space<vmem>>) target(%dma_start3A_201 : memref<3x4x192xi32, #tpu.memory_space<hbm>>) target_semaphore(%arg57 : memref<!tpu.dma_semaphore, #tpu.memory_space<semaphore_mem>>)
      %dma_start3A_202 = arith.constant 0 : i32
      %dma_start3A_203 = arith.constant 0 : i32
      %dma_start3A_204 = arith.constant 119808 : i32
      %dma_start3A_205 = tpu.memref_slice %arg9[%dma_start3A_202, %dma_start3A_203, %dma_start3A_204] : memref<4x2x120000xf32, #tpu.memory_space<hbm>> -> memref<4x2x192xf32, #tpu.memory_space<hbm>>
      %dma_start3A_206 = arith.constant 0 : i32
      %dma_start3A_207 = arith.constant 0 : i32
      %dma_start3A_208 = arith.constant 119808 : i32
      %dma_start3A_209 = tpu.memref_slice %arg9[%dma_start3A_206, %dma_start3A_207, %dma_start3A_208] : memref<4x2x120000xf32, #tpu.memory_space<hbm>> -> memref<4x2x192xf32, #tpu.memory_space<hbm>>
      tpu.enqueue_dma source(%arg48 : memref<4x2x192xf32, #tpu.memory_space<vmem>>) target(%dma_start3A_209 : memref<4x2x192xf32, #tpu.memory_space<hbm>>) target_semaphore(%arg57 : memref<!tpu.dma_semaphore, #tpu.memory_space<semaphore_mem>>)
      %dma_start3A_210 = arith.constant 0 : i32
      %dma_start3A_211 = arith.constant 119808 : i32
      %dma_start3A_212 = tpu.memref_slice %arg10[%dma_start3A_210, %dma_start3A_211] : memref<4x120000xi32, #tpu.memory_space<hbm>> -> memref<4x192xi32, #tpu.memory_space<hbm>>
      %dma_start3A_213 = arith.constant 0 : i32
      %dma_start3A_214 = arith.constant 119808 : i32
      %dma_start3A_215 = tpu.memref_slice %arg10[%dma_start3A_213, %dma_start3A_214] : memref<4x120000xi32, #tpu.memory_space<hbm>> -> memref<4x192xi32, #tpu.memory_space<hbm>>
      tpu.enqueue_dma source(%arg49 : memref<4x192xi32, #tpu.memory_space<vmem>>) target(%dma_start3A_215 : memref<4x192xi32, #tpu.memory_space<hbm>>) target_semaphore(%arg57 : memref<!tpu.dma_semaphore, #tpu.memory_space<semaphore_mem>>)
      %dma_start3A_216 = arith.constant 0 : i32
      %dma_start3A_217 = arith.constant 0 : i32
      %dma_start3A_218 = arith.constant 119808 : i32
      %dma_start3A_219 = tpu.memref_slice %arg11[%dma_start3A_216, %dma_start3A_217, %dma_start3A_218] : memref<4x2x120000xi32, #tpu.memory_space<hbm>> -> memref<4x2x192xi32, #tpu.memory_space<hbm>>
      %dma_start3A_220 = arith.constant 0 : i32
      %dma_start3A_221 = arith.constant 0 : i32
      %dma_start3A_222 = arith.constant 119808 : i32
      %dma_start3A_223 = tpu.memref_slice %arg11[%dma_start3A_220, %dma_start3A_221, %dma_start3A_222] : memref<4x2x120000xi32, #tpu.memory_space<hbm>> -> memref<4x2x192xi32, #tpu.memory_space<hbm>>
      tpu.enqueue_dma source(%arg50 : memref<4x2x192xi32, #tpu.memory_space<vmem>>) target(%dma_start3A_223 : memref<4x2x192xi32, #tpu.memory_space<hbm>>) target_semaphore(%arg57 : memref<!tpu.dma_semaphore, #tpu.memory_space<semaphore_mem>>)
      %dma_start3A_224 = arith.constant 0 : i32
      %dma_start3A_225 = arith.constant 0 : i32
      %dma_start3A_226 = arith.constant 119808 : i32
      %dma_start3A_227 = tpu.memref_slice %arg12[%dma_start3A_224, %dma_start3A_225, %dma_start3A_226] : memref<4x2x120000xf32, #tpu.memory_space<hbm>> -> memref<4x2x192xf32, #tpu.memory_space<hbm>>
      %dma_start3A_228 = arith.constant 0 : i32
      %dma_start3A_229 = arith.constant 0 : i32
      %dma_start3A_230 = arith.constant 119808 : i32
      %dma_start3A_231 = tpu.memref_slice %arg12[%dma_start3A_228, %dma_start3A_229, %dma_start3A_230] : memref<4x2x120000xf32, #tpu.memory_space<hbm>> -> memref<4x2x192xf32, #tpu.memory_space<hbm>>
      tpu.enqueue_dma source(%arg51 : memref<4x2x192xf32, #tpu.memory_space<vmem>>) target(%dma_start3A_231 : memref<4x2x192xf32, #tpu.memory_space<hbm>>) target_semaphore(%arg57 : memref<!tpu.dma_semaphore, #tpu.memory_space<semaphore_mem>>)
      %dma_start3A_232 = arith.constant 0 : i32
      %dma_start3A_233 = arith.constant 119808 : i32
      %dma_start3A_234 = tpu.memref_slice %arg13[%dma_start3A_232, %dma_start3A_233] : memref<4x120000xi32, #tpu.memory_space<hbm>> -> memref<4x192xi32, #tpu.memory_space<hbm>>
      %dma_start3A_235 = arith.constant 0 : i32
      %dma_start3A_236 = arith.constant 119808 : i32
      %dma_start3A_237 = tpu.memref_slice %arg13[%dma_start3A_235, %dma_start3A_236] : memref<4x120000xi32, #tpu.memory_space<hbm>> -> memref<4x192xi32, #tpu.memory_space<hbm>>
      tpu.enqueue_dma source(%arg52 : memref<4x192xi32, #tpu.memory_space<vmem>>) target(%dma_start3A_237 : memref<4x192xi32, #tpu.memory_space<hbm>>) target_semaphore(%arg57 : memref<!tpu.dma_semaphore, #tpu.memory_space<semaphore_mem>>)
      %dma_start3A_238 = arith.constant 0 : i32
      %dma_start3A_239 = arith.constant 0 : i32
      %dma_start3A_240 = arith.constant 119808 : i32
      %dma_start3A_241 = tpu.memref_slice %arg14[%dma_start3A_238, %dma_start3A_239, %dma_start3A_240] : memref<3x4x120000xi32, #tpu.memory_space<hbm>> -> memref<3x4x192xi32, #tpu.memory_space<hbm>>
      %dma_start3A_242 = arith.constant 0 : i32
      %dma_start3A_243 = arith.constant 0 : i32
      %dma_start3A_244 = arith.constant 119808 : i32
      %dma_start3A_245 = tpu.memref_slice %arg14[%dma_start3A_242, %dma_start3A_243, %dma_start3A_244] : memref<3x4x120000xi32, #tpu.memory_space<hbm>> -> memref<3x4x192xi32, #tpu.memory_space<hbm>>
      tpu.enqueue_dma source(%arg53 : memref<3x4x192xi32, #tpu.memory_space<vmem>>) target(%dma_start3A_245 : memref<3x4x192xi32, #tpu.memory_space<hbm>>) target_semaphore(%arg57 : memref<!tpu.dma_semaphore, #tpu.memory_space<semaphore_mem>>)
      %dma_start3A_246 = arith.constant 0 : i32
      %dma_start3A_247 = arith.constant 0 : i32
      %dma_start3A_248 = arith.constant 119808 : i32
      %dma_start3A_249 = tpu.memref_slice %arg15[%dma_start3A_246, %dma_start3A_247, %dma_start3A_248] : memref<4x2x120000xf32, #tpu.memory_space<hbm>> -> memref<4x2x192xf32, #tpu.memory_space<hbm>>
      %dma_start3A_250 = arith.constant 0 : i32
      %dma_start3A_251 = arith.constant 0 : i32
      %dma_start3A_252 = arith.constant 119808 : i32
      %dma_start3A_253 = tpu.memref_slice %arg15[%dma_start3A_250, %dma_start3A_251, %dma_start3A_252] : memref<4x2x120000xf32, #tpu.memory_space<hbm>> -> memref<4x2x192xf32, #tpu.memory_space<hbm>>
      tpu.enqueue_dma source(%arg54 : memref<4x2x192xf32, #tpu.memory_space<vmem>>) target(%dma_start3A_253 : memref<4x2x192xf32, #tpu.memory_space<hbm>>) target_semaphore(%arg57 : memref<!tpu.dma_semaphore, #tpu.memory_space<semaphore_mem>>)
      %dma_wait3A_254 = arith.constant 0 : i32
      %dma_wait3A_255 = arith.constant 0 : i32
      %dma_wait3A_256 = arith.constant 119808 : i32
      %dma_wait3A_257 = tpu.memref_slice %arg3[%dma_wait3A_254, %dma_wait3A_255, %dma_wait3A_256] : memref<4x4x120000xf32, #tpu.memory_space<hbm>> -> memref<4x4x192xf32, #tpu.memory_space<hbm>>
      %dma_wait3A_258 = arith.constant 0 : i32
      %dma_wait3A_259 = arith.constant 0 : i32
      %dma_wait3A_260 = arith.constant 119808 : i32
      %dma_wait3A_261 = tpu.memref_slice %arg3[%dma_wait3A_258, %dma_wait3A_259, %dma_wait3A_260] : memref<4x4x120000xf32, #tpu.memory_space<hbm>> -> memref<4x4x192xf32, #tpu.memory_space<hbm>>
      tpu.wait_dma2 semaphore(%arg57 : memref<!tpu.dma_semaphore, #tpu.memory_space<semaphore_mem>>) src(%arg42 : memref<4x4x192xf32, #tpu.memory_space<vmem>>) dst(%dma_wait3A_261 : memref<4x4x192xf32, #tpu.memory_space<hbm>>)
      %dma_wait3A_262 = arith.constant 0 : i32
      %dma_wait3A_263 = arith.constant 119808 : i32
      %dma_wait3A_264 = tpu.memref_slice %arg4[%dma_wait3A_262, %dma_wait3A_263] : memref<4x120000xi32, #tpu.memory_space<hbm>> -> memref<4x192xi32, #tpu.memory_space<hbm>>
      %dma_wait3A_265 = arith.constant 0 : i32
      %dma_wait3A_266 = arith.constant 119808 : i32
      %dma_wait3A_267 = tpu.memref_slice %arg4[%dma_wait3A_265, %dma_wait3A_266] : memref<4x120000xi32, #tpu.memory_space<hbm>> -> memref<4x192xi32, #tpu.memory_space<hbm>>
      tpu.wait_dma2 semaphore(%arg57 : memref<!tpu.dma_semaphore, #tpu.memory_space<semaphore_mem>>) src(%arg43 : memref<4x192xi32, #tpu.memory_space<vmem>>) dst(%dma_wait3A_267 : memref<4x192xi32, #tpu.memory_space<hbm>>)
      %dma_wait3A_268 = arith.constant 0 : i32
      %dma_wait3A_269 = arith.constant 0 : i32
      %dma_wait3A_270 = arith.constant 119808 : i32
      %dma_wait3A_271 = tpu.memref_slice %arg5[%dma_wait3A_268, %dma_wait3A_269, %dma_wait3A_270] : memref<4x2x120000xi32, #tpu.memory_space<hbm>> -> memref<4x2x192xi32, #tpu.memory_space<hbm>>
      %dma_wait3A_272 = arith.constant 0 : i32
      %dma_wait3A_273 = arith.constant 0 : i32
      %dma_wait3A_274 = arith.constant 119808 : i32
      %dma_wait3A_275 = tpu.memref_slice %arg5[%dma_wait3A_272, %dma_wait3A_273, %dma_wait3A_274] : memref<4x2x120000xi32, #tpu.memory_space<hbm>> -> memref<4x2x192xi32, #tpu.memory_space<hbm>>
      tpu.wait_dma2 semaphore(%arg57 : memref<!tpu.dma_semaphore, #tpu.memory_space<semaphore_mem>>) src(%arg44 : memref<4x2x192xi32, #tpu.memory_space<vmem>>) dst(%dma_wait3A_275 : memref<4x2x192xi32, #tpu.memory_space<hbm>>)
      %dma_wait3A_276 = arith.constant 0 : i32
      %dma_wait3A_277 = arith.constant 0 : i32
      %dma_wait3A_278 = arith.constant 119808 : i32
      %dma_wait3A_279 = tpu.memref_slice %arg6[%dma_wait3A_276, %dma_wait3A_277, %dma_wait3A_278] : memref<4x2x120000xf32, #tpu.memory_space<hbm>> -> memref<4x2x192xf32, #tpu.memory_space<hbm>>
      %dma_wait3A_280 = arith.constant 0 : i32
      %dma_wait3A_281 = arith.constant 0 : i32
      %dma_wait3A_282 = arith.constant 119808 : i32
      %dma_wait3A_283 = tpu.memref_slice %arg6[%dma_wait3A_280, %dma_wait3A_281, %dma_wait3A_282] : memref<4x2x120000xf32, #tpu.memory_space<hbm>> -> memref<4x2x192xf32, #tpu.memory_space<hbm>>
      tpu.wait_dma2 semaphore(%arg57 : memref<!tpu.dma_semaphore, #tpu.memory_space<semaphore_mem>>) src(%arg45 : memref<4x2x192xf32, #tpu.memory_space<vmem>>) dst(%dma_wait3A_283 : memref<4x2x192xf32, #tpu.memory_space<hbm>>)
      %dma_wait3A_284 = arith.constant 0 : i32
      %dma_wait3A_285 = arith.constant 119808 : i32
      %dma_wait3A_286 = tpu.memref_slice %arg7[%dma_wait3A_284, %dma_wait3A_285] : memref<4x120000xi32, #tpu.memory_space<hbm>> -> memref<4x192xi32, #tpu.memory_space<hbm>>
      %dma_wait3A_287 = arith.constant 0 : i32
      %dma_wait3A_288 = arith.constant 119808 : i32
      %dma_wait3A_289 = tpu.memref_slice %arg7[%dma_wait3A_287, %dma_wait3A_288] : memref<4x120000xi32, #tpu.memory_space<hbm>> -> memref<4x192xi32, #tpu.memory_space<hbm>>
      tpu.wait_dma2 semaphore(%arg57 : memref<!tpu.dma_semaphore, #tpu.memory_space<semaphore_mem>>) src(%arg46 : memref<4x192xi32, #tpu.memory_space<vmem>>) dst(%dma_wait3A_289 : memref<4x192xi32, #tpu.memory_space<hbm>>)
      %dma_wait3A_290 = arith.constant 0 : i32
      %dma_wait3A_291 = arith.constant 0 : i32
      %dma_wait3A_292 = arith.constant 119808 : i32
      %dma_wait3A_293 = tpu.memref_slice %arg8[%dma_wait3A_290, %dma_wait3A_291, %dma_wait3A_292] : memref<3x4x120000xi32, #tpu.memory_space<hbm>> -> memref<3x4x192xi32, #tpu.memory_space<hbm>>
      %dma_wait3A_294 = arith.constant 0 : i32
      %dma_wait3A_295 = arith.constant 0 : i32
      %dma_wait3A_296 = arith.constant 119808 : i32
      %dma_wait3A_297 = tpu.memref_slice %arg8[%dma_wait3A_294, %dma_wait3A_295, %dma_wait3A_296] : memref<3x4x120000xi32, #tpu.memory_space<hbm>> -> memref<3x4x192xi32, #tpu.memory_space<hbm>>
      tpu.wait_dma2 semaphore(%arg57 : memref<!tpu.dma_semaphore, #tpu.memory_space<semaphore_mem>>) src(%arg47 : memref<3x4x192xi32, #tpu.memory_space<vmem>>) dst(%dma_wait3A_297 : memref<3x4x192xi32, #tpu.memory_space<hbm>>)
      %dma_wait3A_298 = arith.constant 0 : i32
      %dma_wait3A_299 = arith.constant 0 : i32
      %dma_wait3A_300 = arith.constant 119808 : i32
      %dma_wait3A_301 = tpu.memref_slice %arg9[%dma_wait3A_298, %dma_wait3A_299, %dma_wait3A_300] : memref<4x2x120000xf32, #tpu.memory_space<hbm>> -> memref<4x2x192xf32, #tpu.memory_space<hbm>>
      %dma_wait3A_302 = arith.constant 0 : i32
      %dma_wait3A_303 = arith.constant 0 : i32
      %dma_wait3A_304 = arith.constant 119808 : i32
      %dma_wait3A_305 = tpu.memref_slice %arg9[%dma_wait3A_302, %dma_wait3A_303, %dma_wait3A_304] : memref<4x2x120000xf32, #tpu.memory_space<hbm>> -> memref<4x2x192xf32, #tpu.memory_space<hbm>>
      tpu.wait_dma2 semaphore(%arg57 : memref<!tpu.dma_semaphore, #tpu.memory_space<semaphore_mem>>) src(%arg48 : memref<4x2x192xf32, #tpu.memory_space<vmem>>) dst(%dma_wait3A_305 : memref<4x2x192xf32, #tpu.memory_space<hbm>>)
      %dma_wait3A_306 = arith.constant 0 : i32
      %dma_wait3A_307 = arith.constant 119808 : i32
      %dma_wait3A_308 = tpu.memref_slice %arg10[%dma_wait3A_306, %dma_wait3A_307] : memref<4x120000xi32, #tpu.memory_space<hbm>> -> memref<4x192xi32, #tpu.memory_space<hbm>>
      %dma_wait3A_309 = arith.constant 0 : i32
      %dma_wait3A_310 = arith.constant 119808 : i32
      %dma_wait3A_311 = tpu.memref_slice %arg10[%dma_wait3A_309, %dma_wait3A_310] : memref<4x120000xi32, #tpu.memory_space<hbm>> -> memref<4x192xi32, #tpu.memory_space<hbm>>
      tpu.wait_dma2 semaphore(%arg57 : memref<!tpu.dma_semaphore, #tpu.memory_space<semaphore_mem>>) src(%arg49 : memref<4x192xi32, #tpu.memory_space<vmem>>) dst(%dma_wait3A_311 : memref<4x192xi32, #tpu.memory_space<hbm>>)
      %dma_wait3A_312 = arith.constant 0 : i32
      %dma_wait3A_313 = arith.constant 0 : i32
      %dma_wait3A_314 = arith.constant 119808 : i32
      %dma_wait3A_315 = tpu.memref_slice %arg11[%dma_wait3A_312, %dma_wait3A_313, %dma_wait3A_314] : memref<4x2x120000xi32, #tpu.memory_space<hbm>> -> memref<4x2x192xi32, #tpu.memory_space<hbm>>
      %dma_wait3A_316 = arith.constant 0 : i32
      %dma_wait3A_317 = arith.constant 0 : i32
      %dma_wait3A_318 = arith.constant 119808 : i32
      %dma_wait3A_319 = tpu.memref_slice %arg11[%dma_wait3A_316, %dma_wait3A_317, %dma_wait3A_318] : memref<4x2x120000xi32, #tpu.memory_space<hbm>> -> memref<4x2x192xi32, #tpu.memory_space<hbm>>
      tpu.wait_dma2 semaphore(%arg57 : memref<!tpu.dma_semaphore, #tpu.memory_space<semaphore_mem>>) src(%arg50 : memref<4x2x192xi32, #tpu.memory_space<vmem>>) dst(%dma_wait3A_319 : memref<4x2x192xi32, #tpu.memory_space<hbm>>)
      %dma_wait3A_320 = arith.constant 0 : i32
      %dma_wait3A_321 = arith.constant 0 : i32
      %dma_wait3A_322 = arith.constant 119808 : i32
      %dma_wait3A_323 = tpu.memref_slice %arg12[%dma_wait3A_320, %dma_wait3A_321, %dma_wait3A_322] : memref<4x2x120000xf32, #tpu.memory_space<hbm>> -> memref<4x2x192xf32, #tpu.memory_space<hbm>>
      %dma_wait3A_324 = arith.constant 0 : i32
      %dma_wait3A_325 = arith.constant 0 : i32
      %dma_wait3A_326 = arith.constant 119808 : i32
      %dma_wait3A_327 = tpu.memref_slice %arg12[%dma_wait3A_324, %dma_wait3A_325, %dma_wait3A_326] : memref<4x2x120000xf32, #tpu.memory_space<hbm>> -> memref<4x2x192xf32, #tpu.memory_space<hbm>>
      tpu.wait_dma2 semaphore(%arg57 : memref<!tpu.dma_semaphore, #tpu.memory_space<semaphore_mem>>) src(%arg51 : memref<4x2x192xf32, #tpu.memory_space<vmem>>) dst(%dma_wait3A_327 : memref<4x2x192xf32, #tpu.memory_space<hbm>>)
      %dma_wait3A_328 = arith.constant 0 : i32
      %dma_wait3A_329 = arith.constant 119808 : i32
      %dma_wait3A_330 = tpu.memref_slice %arg13[%dma_wait3A_328, %dma_wait3A_329] : memref<4x120000xi32, #tpu.memory_space<hbm>> -> memref<4x192xi32, #tpu.memory_space<hbm>>
      %dma_wait3A_331 = arith.constant 0 : i32
      %dma_wait3A_332 = arith.constant 119808 : i32
      %dma_wait3A_333 = tpu.memref_slice %arg13[%dma_wait3A_331, %dma_wait3A_332] : memref<4x120000xi32, #tpu.memory_space<hbm>> -> memref<4x192xi32, #tpu.memory_space<hbm>>
      tpu.wait_dma2 semaphore(%arg57 : memref<!tpu.dma_semaphore, #tpu.memory_space<semaphore_mem>>) src(%arg52 : memref<4x192xi32, #tpu.memory_space<vmem>>) dst(%dma_wait3A_333 : memref<4x192xi32, #tpu.memory_space<hbm>>)
      %dma_wait3A_334 = arith.constant 0 : i32
      %dma_wait3A_335 = arith.constant 0 : i32
      %dma_wait3A_336 = arith.constant 119808 : i32
      %dma_wait3A_337 = tpu.memref_slice %arg14[%dma_wait3A_334, %dma_wait3A_335, %dma_wait3A_336] : memref<3x4x120000xi32, #tpu.memory_space<hbm>> -> memref<3x4x192xi32, #tpu.memory_space<hbm>>
      %dma_wait3A_338 = arith.constant 0 : i32
      %dma_wait3A_339 = arith.constant 0 : i32
      %dma_wait3A_340 = arith.constant 119808 : i32
      %dma_wait3A_341 = tpu.memref_slice %arg14[%dma_wait3A_338, %dma_wait3A_339, %dma_wait3A_340] : memref<3x4x120000xi32, #tpu.memory_space<hbm>> -> memref<3x4x192xi32, #tpu.memory_space<hbm>>
      tpu.wait_dma2 semaphore(%arg57 : memref<!tpu.dma_semaphore, #tpu.memory_space<semaphore_mem>>) src(%arg53 : memref<3x4x192xi32, #tpu.memory_space<vmem>>) dst(%dma_wait3A_341 : memref<3x4x192xi32, #tpu.memory_space<hbm>>)
      %dma_wait3A_342 = arith.constant 0 : i32
      %dma_wait3A_343 = arith.constant 0 : i32
      %dma_wait3A_344 = arith.constant 119808 : i32
      %dma_wait3A_345 = tpu.memref_slice %arg15[%dma_wait3A_342, %dma_wait3A_343, %dma_wait3A_344] : memref<4x2x120000xf32, #tpu.memory_space<hbm>> -> memref<4x2x192xf32, #tpu.memory_space<hbm>>
      %dma_wait3A_346 = arith.constant 0 : i32
      %dma_wait3A_347 = arith.constant 0 : i32
      %dma_wait3A_348 = arith.constant 119808 : i32
      %dma_wait3A_349 = tpu.memref_slice %arg15[%dma_wait3A_346, %dma_wait3A_347, %dma_wait3A_348] : memref<4x2x120000xf32, #tpu.memory_space<hbm>> -> memref<4x2x192xf32, #tpu.memory_space<hbm>>
      tpu.wait_dma2 semaphore(%arg57 : memref<!tpu.dma_semaphore, #tpu.memory_space<semaphore_mem>>) src(%arg54 : memref<4x2x192xf32, #tpu.memory_space<vmem>>) dst(%dma_wait3A_349 : memref<4x2x192xf32, #tpu.memory_space<hbm>>)
    } else {
    }
    return
  }
}

</mosaic_0001>

<sc_bundles>
// kernel: pc_preprocessor3d_sc.3.cloned.1.call-start
scs
__scs_entry_jumppad:
0x0: {  	(pc) =	sbr.rel $0x88, $3  }
0x1: {  	(tag) =	ssettag $0x0;
	lr =	simm.s32 $0x1  }
0x2: {  	[smem:$0x3FA0] =	sst lr;
	_ =	strace $0xD0000000  }
0x3: {  	_ = 	snop  }
0x4: {  	_ = 	snop  }
0x5: {  	_ = 	snop  }
0x6: {  	_ = 	snop  }
0x7: {  	_ = 	snop  }
__scs_overlays_trampoline_lowered:
0x8: {  	[smem:$0x3FAF] =	sst s0  }
0x9: {  	[smem:$0x3FB0] =	sst s1  }
0xa: {  	[smem:$0x3FB1] =	sst s2  }
0xb: {  	[smem:$0x3FB2] =	sst s3  }
0xc: {  	[smem:$0x3FB3] =	sst s4  }
0xd: {  	[smem:$0x3FB4] =	sst s5  }
0xe: {  	[smem:$0x3FB5] =	sst s6  }
0xf: {  	[smem:$0x3FB6] =	sst s7  }
0x10: {  	[smem:$0x3FB7] =	sst s8  }
0x11: {  	[smem:$0x3FB8] =	sst s9;
	s0 =	simm.s32 @!p0 $0x0  }
0x12: {  	s1 =	sld [smem:$0x3F9E];
	s0 =	simm.s32 @p0 $0x1  }
0x13: {  	[smem:$0x3FB9] =	sst s0;
	s0 =	simm.s32 @!p1 $0x0  }
0x14: {  	s2 =	sld [smem:$0x3F9D];
	s0 =	simm.s32 @p1 $0x1  }
0x15: {  	[smem:$0x3FBA] =	sst s0;
	s0 =	simm.s32 @!p2 $0x0  }
0x16: {  	s3 =	sld [smem:$0x3FDB];
	s0 =	simm.s32 @p2 $0x1  }
0x17: {  	s4 =	simm.s32 $0x1BF5;
	[smem:$0x3FBC] =	sst s0  }
0x18: {  	s0 =	sld [smem:$0x3F9F];
	_ =	swait.ge [sflag:s4], $0x0  }
0x19: {  	s7 =	sld [smem:$0x3FA0]  }
0x1a: {  	s8 =	sadd.s32 $0xFFFFE003, lr  }
0x1b: {  	s9 =	sadd.s32 $0xFFFFFEF7, lr;
	s5 =	simm.s32 $0xFFFFFFFF;
	p2 =	slt.u32 s8, $0xFFFFF086  }
0x1c: {  	p1 =	slt.u32 s9, $0xF7A;
	s5 =	simm.s32 @!p2 $0x0  }
0x1d: {  	s5 =	simm.s32 @p1 $0x1;
	p0 =	seq.s32 s7, s2  }
0x1e: {  	s7 =	smul.u32 @!p0 $0xF7A, s2;
	p2 =	seq.s32 @!p0 s5, $0x0  }
0x1f: {  	s9 =	smul.u32 $0xF7A, s1;
	s8 =	simm.s32 @!p0 $0x1BF5;
	p2 =	por !p2, p0  }
0x20: {  	[sflag:s8] =	ssyncset.s32 @!p0 $0xFFFFF086;
	s6 =	sadd.s32 @!p0 s3, s7;
	s7 =	simm.s32 @!p0 $0x108  }
0x21: {  	s3 =	sadd.s32 s3, s9;
	s6 =	sadd.s32 @!p0 $0x88, s6;
	s7 =	simm.s32 @p2 $0x1082  }
0x22: {  	[simem:s7], [sflag:s8] =	dma.local @!p0 [hbm:s6], $0xF7A  }
0x23: {  	s9 =	sor.u32 $0xD0000000, s2;
	s6 =	simm.s32 $0x108;
	_ =	swait.ge @!p0 [sflag:s8], $0x0  }
0x24: {  	s3 =	sadd.s32 $0x88, s3;
	s6 =	simm.s32 @!p1 $0x1082;
	[sflag:s4] =	ssyncset.s32 $0xFFFFF086  }
0x25: {  	[simem:s6], [sflag:s4] =	dma.local [hbm:s3], $0xF7A  }
0x26: {  	[smem:$0x3FA0] =	sst s1;
	(tag) =	ssettag s2;
	_ =	strace s9  }
0x27: {  	s1 =	sld [smem:$0x3FB0]  }
0x28: {  	s2 =	sld [smem:$0x3FB1]  }
0x29: {  	s4 =	sld [smem:$0x3FB3]  }
0x2a: {  	p0 =	seq.s32 s5, $0x0;
	s5 =	sld [smem:$0x3FB4]  }
0x2b: {  	s6 =	sld [smem:$0x3FB5]  }
0x2c: {  	s7 =	sld [smem:$0x3FB6]  }
0x2d: {  	s3 =	simm.s32 $0x108;
	s8 =	sld [smem:$0x3FB7]  }
0x2e: {  	s3 =	simm.s32 @!p0 $0x1082;
	s9 =	sld [smem:$0x3FB8]  }
0x2f: {  	lr =	sadd.s32 s0, s3;
	s0 =	sld [smem:$0x3FAF]  }
0x30: {  	s3 =	sld [smem:$0x3FB2]  }
0x31: {  	[smem:$0x3FBB] =	sst s10  }
0x32: {  	s10 =	sld [smem:$0x3FB9];
	_ =	sdelay $0x3  }
0x33: {  	p0 =	seq.s32 s10, $0x1;
	s10 =	sld [smem:$0x3FBB];
	_ =	sdelay $0x3  }
0x34: {  	[smem:$0x3FBB] =	sst s10  }
0x35: {  	s10 =	sld [smem:$0x3FBA];
	_ =	sdelay $0x3  }
0x36: {  	p1 =	seq.s32 s10, $0x1;
	s10 =	sld [smem:$0x3FBB];
	_ =	sdelay $0x3  }
0x37: {  	[smem:$0x3FBB] =	sst s10  }
0x38: {  	s10 =	sld [smem:$0x3FBC]  }
0x39: {  	_ = 	snop;
	(pc) =	sbr.ind lr, $3  }
0x3a: {  	_ = 	snop  }
0x3b: {  	_ = 	snop  }
0x3c: {  	p2 =	seq.s32 s10, $0x1;
	s10 =	sld [smem:$0x3FBB]  }
0x3d: {  	_ =	shalt  }
0x3e: {  	_ =	shalt  }
0x3f: {  	_ =	shalt  }
0x40: {  	_ =	shalt  }
0x41: {  	_ =	shalt  }
0x42: {  	_ =	shalt  }
0x43: {  	_ =	shalt  }
0x44: {  	_ =	shalt  }
0x45: {  	_ =	shalt  }
0x46: {  	_ =	shalt  }
0x47: {  	_ =	shalt  }
0x48: {  	_ =	shalt  }
0x49: {  	_ =	shalt  }
0x4a: {  	_ =	shalt  }
0x4b: {  	_ =	shalt  }
0x4c: {  	_ =	shalt  }
0x4d: {  	_ =	shalt  }
0x4e: {  	_ =	shalt  }
0x4f: {  	_ =	shalt  }
0x50: {  	_ =	shalt  }
0x51: {  	_ =	shalt  }
0x52: {  	_ =	shalt  }
0x53: {  	_ =	shalt  }
0x54: {  	_ =	shalt  }
0x55: {  	_ =	shalt  }
0x56: {  	_ =	shalt  }
0x57: {  	_ =	shalt  }
0x58: {  	_ =	shalt  }
0x59: {  	_ =	shalt  }
0x5a: {  	_ =	shalt  }
0x5b: {  	_ =	shalt  }
0x5c: {  	_ =	shalt  }
0x5d: {  	_ =	shalt  }
0x5e: {  	_ =	shalt  }
0x5f: {  	_ =	shalt  }
0x60: {  	_ =	shalt  }
0x61: {  	_ =	shalt  }
0x62: {  	_ =	shalt  }
0x63: {  	_ =	shalt  }
0x64: {  	_ =	shalt  }
0x65: {  	_ =	shalt  }
0x66: {  	_ =	shalt  }
0x67: {  	_ =	shalt  }
0x68: {  	_ =	shalt  }
0x69: {  	_ =	shalt  }
0x6a: {  	_ =	shalt  }
0x6b: {  	_ =	shalt  }
0x6c: {  	_ =	shalt  }
0x6d: {  	_ =	shalt  }
0x6e: {  	_ =	shalt  }
0x6f: {  	_ =	shalt  }
0x70: {  	_ =	shalt  }
0x71: {  	_ =	shalt  }
0x72: {  	_ =	shalt  }
0x73: {  	_ =	shalt  }
0x74: {  	_ =	shalt  }
0x75: {  	_ =	shalt  }
0x76: {  	_ =	shalt  }
0x77: {  	_ =	shalt  }
0x78: {  	_ =	shalt  }
0x79: {  	_ =	shalt  }
0x7a: {  	_ =	shalt  }
0x7b: {  	_ =	shalt  }
0x7c: {  	_ =	shalt  }
0x7d: {  	_ =	shalt  }
0x7e: {  	_ =	shalt  }
0x7f: {  	_ =	shalt  }
0x80: {  	_ =	shalt  }
0x81: {  	_ =	shalt  }
0x82: {  	_ =	shalt  }
0x83: {  	_ =	shalt  }
0x84: {  	_ =	shalt  }
0x85: {  	_ =	shalt  }
0x86: {  	_ =	shalt  }
0x87: {  	_ =	shalt  }
.Lfunc_end0:
.L_simem_size_0:
called_computation_lowered:
.L_overlay_start_0:
0x88: {  	s2 =	sld [smem:$0x3FD9]  }
0x89: {  	s3 =	sld [smem:$0x3FFE];
	_ =	sdelay $0x1  }
0x8a: {  	s1 =	srdreg.scid  }
0x8b: {  	s0 =	sand.u32 $0x1, s1  }
0x8c: {  	s25 =	sshll.u32 s0, $0xA;
	s2 =	sadd.s32 s3, s2  }
0x8d: {  	s2 =	sadd.s32 s2, s25  }
0x8e: {  	[smem:$0x3FC7] =	sst s2  }
0x8f: {  	_ = 	snop  }
0x90: {  	s11 =	sld [smem:$0x3FD0];
	_ =	sdelay $0x2  }
0x91: {  	s15 =	simm.s32 $0xA;
	s12 =	simm.s32 $0x10;
	s2 =	sld [smem:$0x3FC9]  }
0x92: {  	[smem:s12], [sflag:s15] =	dma.local [hbm:s11], $0x1  }
0x93: {  	_ =	swait.eq [sflag:s15], $0x1  }
0x94: {  	s3 =	sld [smem:$0x10]  }
0x95: {  	s4 =	sld [smem:$0x11]  }
0x96: {  	s5 =	sld [smem:$0x12]  }
0x97: {  	s6 =	sld [smem:$0x13]  }
0x98: {  	s7 =	sld [smem:$0x14]  }
0x99: {  	s8 =	sld [smem:$0x15];
	[sflag:s15] =	ssyncset.done $0x0  }
0x9a: {  	s9 =	sld [smem:$0x16];
	[sflag:s15] =	ssyncadd.s32 $0xFFFFFFFF  }
0x9b: {  	s11 =	sadd.s32 $0x1, s11;
	s10 =	sld [smem:$0x17]  }
0x9c: {  	[smem:s12], [sflag:s15] =	dma.local [hbm:s11], $0x1  }
0x9d: {  	_ =	swait.eq [sflag:s15], $0x1  }
0x9e: {  	s11 =	sld [smem:$0x10]  }
0x9f: {  	s12 =	sld [smem:$0x11]  }
0xa0: {  	s13 =	sld [smem:$0x12];
	[sflag:s15] =	ssyncset.done $0x0  }
0xa1: {  	s14 =	sld [smem:$0x13];
	[sflag:s15] =	ssyncadd.s32 $0xFFFFFFFF  }
0xa2: {  	s15 =	sld [smem:$0x14];
	(tm) =	ssettm $0x1  }
0xa3: {  	s16 =	sld [smem:$0x3FFB];
	_ =	sdelay $0x3  }
0xa4: {  	_ =	strace s16  }
0xa5: {  	s16 =	sld [smem:$0x3FFC];
	_ =	sdelay $0x3  }
0xa6: {  	_ =	strace s16  }
0xa7: {  	s16 =	sld [smem:$0x3FFD];
	_ =	sdelay $0x3  }
0xa8: {  	_ =	strace s16  }
0xa9: {  	_ =	strace $0x8FFFFFFF  }
0xaa: {  	s26 =	sld [smem:$0x3FDB];
	_ =	sdelay $0x1  }
0xab: {  	s17 =	simm.s32 $_scs_section_size  }
0xac: {  	s18 =	simm.s32 $_size__tile_task_arg_handler_lowered;
	s19 =	simm.s32 $_tile_task_arg_handler_lowered  }
0xad: {  	s30 =	simm.s32 $0x1BFF;
	s29 =	sshll.u32 s19, $0x1;
	s17 =	sadd.s32 s17, s26  }
0xae: {  	s20 =	simm.s32 $0x60;
	s28 =	sshll.u32 s18, $0x1;
	s18 =	sadd.s32 s29, s17  }
0xaf: {  	[timem:s20], [sflag:s30] =	dma.local [hbm:s18], s28  }
0xb0: {  	_ =	swait.ge [sflag:s30], s28  }
0xb1: {  	s31 =	simm.s32 $_tile_overlayer_lowered;
	s16 =	ssub.s32 $0x0, s28;
	[sflag:s30] =	ssyncset.done $0x0  }
0xb2: {  	s20 =	simm.s32 $_size__tile_overlayer_lowered;
	s18 =	sshll.u32 s31, $0x1;
	[sflag:s30] =	ssyncadd.s32 s16  }
0xb3: {  	s22 =	simm.s32 $0x0;
	s21 =	sshll.u32 s20, $0x1;
	s18 =	sadd.s32 s18, s17  }
0xb4: {  	[timem:s22], [sflag:s30] =	dma.local [hbm:s18], s21  }
0xb5: {  	_ =	swait.ge [sflag:s30], s21  }
0xb6: {  	s23 =	ssub.s32 $0x0, s21;
	[sflag:s30] =	ssyncset.done $0x0  }
0xb7: {  	[sflag:s30] =	ssyncadd.s32 s23;
	_ =	sdelay $0x1  }
0xb8: {  	s24 =	simm.s32 $0x1B8B  }
0xb9: {  	_ =	swait.ge [sflag:s24], $0x1  }
0xba: {  	[sflag:s24] =	ssyncset.done $0x0  }
0xbb: {  	s25 =	simm.s32 $0x1B8E;
	[sflag:s24] =	ssyncadd.s32 $0xFFFFFFFF  }
0xbc: {  	s26 =	simm.s32 $execute0_lowered;
	[smem:$0x3FD2] =	sst s25  }
0xbd: {  	s18 =	sshll.u32 s26, $0x1;
	_ =	strace $0x80000046;
	[dreg:$0x1] =	wrdreg $0xFFFFFFFF  }
0xbe: {  	s28 =	simm.s32 $_size_execute0_lowered;
	s17 =	sadd.s32 s17, s18;
	[dreg:$0x0] =	wrdreg $0x0  }
0xbf: {  	s18 =	sshll.u32 s28, $0x1;
	[dreg:$0x2] =	wrdreg s17  }
0xc0: {  	[dreg:$0x3] =	wrdreg s18  }
0xc1: {  	[dreg:$0x4] =	wrdreg $0xC0  }
0xc2: {  	_ =	task [dreg:s22], $0x5FFFF  }
0xc3: {  	[dreg:$0x1] =	wrdreg $0xFFFFFFFF  }
0xc4: {  	[dreg:$0x0] =	wrdreg $0x30  }
0xc5: {  	[dreg:$0x2] =	wrdreg $0x0  }
0xc6: {  	[dreg:$0x3] =	wrdreg $0x9  }
0xc7: {  	_ =	task [dreg:s22], $0x4FFFF  }
0xc8: {  	[dreg:$0x1] =	wrdreg $0xFFFFFFFF  }
0xc9: {  	[dreg:$0x0] =	wrdreg $0x60  }
0xca: {  	[dreg:$0x2] =	wrdreg s2  }
0xcb: {  	[dreg:$0x3] =	wrdreg s3  }
0xcc: {  	[dreg:$0x4] =	wrdreg s4  }
0xcd: {  	[dreg:$0x5] =	wrdreg s5  }
0xce: {  	[dreg:$0x6] =	wrdreg s6  }
0xcf: {  	[dreg:$0x7] =	wrdreg s7  }
0xd0: {  	[dreg:$0x8] =	wrdreg s8  }
0xd1: {  	[dreg:$0x9] =	wrdreg s9  }
0xd2: {  	[dreg:$0xa] =	wrdreg s10  }
0xd3: {  	[dreg:$0xb] =	wrdreg s11  }
0xd4: {  	[dreg:$0xc] =	wrdreg s12  }
0xd5: {  	[dreg:$0xd] =	wrdreg s13  }
0xd6: {  	[dreg:$0xe] =	wrdreg s14  }
0xd7: {  	[dreg:$0xf] =	wrdreg s15  }
0xd8: {  	_ =	task.clear_ibuf [dreg:s22], $0x10FFFF;
	_ =	strace $0x90000046  }
0xd9: {  	s29 =	simm.s32 $0x9;
	_ =	strace $0x80000048  }
0xda: {  	_ =	swait.ge [sflag:s29], $0x1  }
0xdb: {  	[sflag:s29] =	ssyncadd.s32 $0xFFFFFFFF  }
0xdc: {  	_ =	strace $0x90000048  }
0xdd: {  	_ =	sfence  }
0xde: {  	s30 =	sld [smem:$0x0];
	_ =	sdelay $0x2  }
0xdf: {  	s31 =	sshll.u32 s1, $0xD;
	s1 =	sshrl.u32 s1, $0x2  }
0xe0: {  	s3 =	sand.u32 $0x4000, s31;
	s1 =	sadd.s32 s1, s30  }
0xe1: {  	s0 =	sor.u32 s3, s0;
	s1 =	sshll.u32 s1, $0x11  }
0xe2: {  	s0 =	sor.u32 s1, s0  }
0xe3: {  	s0 =	sadd.s32 $0x8F2B, s0  }
0xe4: {  	[sflag:s0] =	ssyncadd.remote.s32 $0x1  }
0xe5: {  	_ =	sfence.sel $0xFFFF  }
0xe6: {  	[dreg:$0x0] =	wrdreg $0xFFFFFFFF;
	(pc) =	sbr.abs _section_cstart, $3  }
0xe7: {  	[dreg:$0x1] =	wrdreg $0xFFFFFFFF  }
0xe8: {  	_ =	task.clear_ibuf [dreg:s22], $0x2FFFF;
	_ =	strace $0x9FFFFFFF  }
0xe9: {  	(tm) =	ssettm $0x7FFFFFFF  }
tec
_tile_task_arg_handler_lowered:
.L_overlay_start_1:
0x0: {  	(tag) =	ssettag $0x1  }
0x1: {  	s0 =	rddreg [dreg:$0x0]  }
0x2: {  	s1 =	rddreg [dreg:$0x1]  }
0x3: {  	s2 =	rddreg [dreg:$0x2]  }
0x4: {  	s3 =	rddreg [dreg:$0x3]  }
0x5: {  	s4 =	rddreg [dreg:$0x4]  }
0x6: {  	s5 =	rddreg [dreg:$0x5]  }
0x7: {  	s6 =	rddreg [dreg:$0x6]  }
0x8: {  	s7 =	rddreg [dreg:$0x7]  }
0x9: {  	s8 =	rddreg [dreg:$0x8]  }
0xa: {  	s9 =	rddreg [dreg:$0x9]  }
0xb: {  	s10 =	rddreg [dreg:$0xa]  }
0xc: {  	s11 =	rddreg [dreg:$0xb]  }
0xd: {  	s12 =	rddreg [dreg:$0xc]  }
0xe: {  	s13 =	rddreg [dreg:$0xd]  }
0xf: {  	[smem:s0] =	sst s1  }
0x10: {  	[smem:s0+$0x1] =	sst s2  }
0x11: {  	[smem:s0+$0x2] =	sst s3  }
0x12: {  	[smem:s0+$0x3] =	sst s4  }
0x13: {  	[smem:s0+$0x4] =	sst s5  }
0x14: {  	[smem:s0+$0x5] =	sst s6  }
0x15: {  	[smem:s0+$0x6] =	sst s7  }
0x16: {  	[smem:s0+$0x7] =	sst s8  }
0x17: {  	[smem:s0+$0x8] =	sst s9  }
0x18: {  	[smem:s0+$0x9] =	sst s10  }
0x19: {  	[smem:s0+$0xA] =	sst s11  }
0x1a: {  	[smem:s0+$0xB] =	sst s12  }
0x1b: {  	[smem:s0+$0xC] =	sst s13;
	_ =	shalt  }
.Lfunc_end2:
execute0_lowered:
.L_overlay_start_2:
0x1c: {  	(tag) =	ssettag $0x2  }
0x1d: {  	s0 =	rddreg [dreg:$0x0]  }
0x1e: {  	s1 =	rddreg [dreg:$0x1]  }
0x1f: {  	s2 =	rddreg [dreg:$0x2]  }
0x20: {  	s3 =	rddreg [dreg:$0x3]  }
0x21: {  	s4 =	rddreg [dreg:$0x4]  }
0x22: {  	s5 =	rddreg [dreg:$0x5]  }
0x23: {  	s6 =	rddreg [dreg:$0x6]  }
0x24: {  	s7 =	rddreg [dreg:$0x7]  }
0x25: {  	s8 =	rddreg [dreg:$0x8]  }
0x26: {  	s9 =	rddreg [dreg:$0x9]  }
0x27: {  	s10 =	rddreg [dreg:$0xa]  }
0x28: {  	s11 =	rddreg [dreg:$0xb]  }
0x29: {  	s13 =	rddreg [dreg:$0xc]  }
0x2a: {  	s14 =	rddreg [dreg:$0xd];
	s16 =	simm.s32 $0x0  }
0x2b: {  	[smem:$0x7FF] =	sst s16  }
0x2c: {  	s17 =	sld [smem:$0x0]  }
0x2d: {  	s12 =	srdreg.scid;
	s15 =	stileid.u32;
	s28 =	simm.s32 $0x1  }
0x2e: {  	s30 =	simm.s32 $0x300;
	s31 =	simm.s32 $0x3AA00;
	s12 =	sand.u32 $0x1, s12  }
0x2f: {  	s15 =	sshll.u32 s15, $0x1;
	s24 =	sadd.s32 $0xEA00, s0;
	[dreg:$0xe] =	wrdreg s17  }
0x30: {  	s25 =	sadd.s32 $0xEA00, s1;
	_ =	strace $0x80000047;
	[dreg:$0x11] =	wrdreg s24  }
0x31: {  	s26 =	sadd.s32 $0xEA00, s2;
	s29 =	sadd.s32 $0x7500, s3;
	[dreg:$0x12] =	wrdreg s25  }
0x32: {  	s21 =	sadd.s32 $0x7500, s7;
	s17 =	sor.u32 s12, s15;
	[dreg:$0x13] =	wrdreg s26  }
0x33: {  	s12 =	ssub.s32 $0x2, s12;
	s15 =	ssub.s32 $0x137, s17;
	[dreg:$0x14] =	wrdreg s29  }
0x34: {  	s19 =	smul.u32 $0xC0, s17;
	s23 =	sor.u32 $0x20, s17;
	[dreg:$0x19] =	wrdreg s21  }
0x35: {  	s20 =	sshrl.u32 s12, $0x1;
	s24 =	sadd.s32 $0x7500, s10;
	[dreg:$0x10] =	wrdreg s23  }
0x36: {  	p2 =	sne.s32 s17, $0x1F;
	s25 =	sadd.s32 $0xEA00, s11;
	[dreg:$0x1c] =	wrdreg s24  }
0x37: {  	s26 =	sadd.s32 $0xEA00, s13;
	s29 =	sadd.s32 $0x7500, s14;
	[dreg:$0x1d] =	wrdreg s25  }
0x38: {  	s21 =	simm.s32 $0x2;
	s18 =	sshrl.u32 s15, $0x5;
	[dreg:$0x1e] =	wrdreg s26  }
0x39: {  	s12 =	ssub.s32 s12, s20;
	s20 =	sadd.s32 $0xEA00, s6;
	[dreg:$0x1f] =	wrdreg s29  }
0x3a: {  	s15 =	sand.u32 $0x20, s15;
	s23 =	sadd.s32 $0x7500, s9;
	[dreg:$0x18] =	wrdreg s20  }
0x3b: {  	s24 =	simm.s32 $0x600;
	s19 =	sadd.s32 s0, s19;
	[dreg:$0x1b] =	wrdreg s23  }
.Ltmp0:
0x3c: {  	s12 =	smax.u32 s12, $0x1;
	[dreg:$0xf] =	wrdreg s19;
	(pc) =	sbr.rel .LBB3_1-.Ltmp0, $4  }
0x3d: {  	p1 =	sne.s32 s15, $0x0;
	s15 =	sadd.s32 $0x7500, s4;
	[dreg:$0x15] =	wrdreg s12  }
0x3e: {  	s22 =	sand.u32 $0x1, s18;
	[dreg:$0x16] =	wrdreg s15;
	s19 =	sadd.s32 $0xEA00, s5  }
0x3f: {  	p0 =	seq.s32 s22, $0x1;
	s22 =	sadd.s32 $0xEA00, s8;
	[dreg:$0x17] =	wrdreg s19  }
0x40: {  	s26 =	simm.s32 $0x75400;
	s15 =	simm.s32 $0x0;
	[dreg:$0x1a] =	wrdreg s22  }
.LBB3_12:
0x41: {  	[tilespmem:s12+$0x15C00] =	vst v15  }
0x42: {  	v11 =	vsub.f32 v11, v13;
	s0 =	sor.u32 $0x680, s20;
	[tilespmem:s25+$0x15200] =	vst v7  }
0x43: {  	v8 =	vsub.f32 v8, v12;
	[tilespmem:s0+$0x14C00] =	vst v5  }
0x44: {  	[tilespmem:s25+$0x15A00] =	vst v11  }
0x45: {  	[tilespmem:s0+$0x15400] =	vst v8  }
0x46: {  	v4 =	vcvt.f32.s32 v4;
	v6 =	vcvt.f32.s32 v6;
	s1 =	sor.u32 $0x580, s19;
	[tilespmem:s12+$0x16000] =	vst v7  }
0x47: {  	v56 =	vsub.f32 v10, v14;
	s2 =	sor.u32 $0x980, s19;
	[tilespmem:s1+$0x16000] =	vst v5  }
0x48: {  	v57 =	vmul.u32 $0x1770, v4;
	v58 =	vmul.u32 $0x1E, v6;
	v59 =	vmul.u32 $0xC8, v4;
	[tilespmem:s2+$0x16000] =	vst v9  }
0x49: {  	v3 =	vcvt.f32.s32 v3;
	[tilespmem:s25+$0x17200] =	vst v11  }
0x4a: {  	v60 =	vadd.s32 v6, v59;
	v5 =	vadd.s32 v57, v58;
	[tilespmem:s0+$0x16C00] =	vst v56  }
0x4b: {  	v61 =	vcvt.s32.f32 v4;
	v5 =	vadd.s32 v3, v5;
	[tilespmem:s12+$0x17400] =	vst v60  }
0x4c: {  	v62 =	vcvt.s32.f32 v6;
	[tilespmem:s12+$0x18800] =	vst v5  }
0x4d: {  	v2 =	vsub.f32 v2, v61;
	[tilespmem:s25+$0x17E00] =	vst v4  }
0x4e: {  	v1 =	vsub.f32 v1, v62;
	[tilespmem:s0+$0x17800] =	vst v6  }
0x4f: {  	[tilespmem:s25+$0x18600] =	vst v2  }
0x50: {  	[tilespmem:s0+$0x18000] =	vst v1  }
0x51: {  	v63 =	vcvt.s32.f32 v3;
	[tilespmem:s12+$0x18C00] =	vst v4  }
0x52: {  	[tilespmem:s1+$0x18C00] =	vst v6  }
0x53: {  	v0 =	vsub.f32 v0, v63;
	[tilespmem:s2+$0x18C00] =	vst v3  }
0x54: {  	[tilespmem:s25+$0x19E00] =	vst v2  }
0x55: {  	s22 =	rddreg [dreg:$0x12];
	s23 =	simm.s32 $0x13800;
	s1 =	simm.s32 $0x400;
	[tilespmem:s0+$0x19800] =	vst v0  }
0x56: {  	[hbm4b:s22+s1] =	stream.strided.scatter [tilespmem:s23], [sflag:$0x3], $0x1000, s26, s1, $0x38;
	[tilespmem:$0x1A000] =	vst v63  }
0x57: {  	s29 =	simm.s32 $0x14800;
	s25 =	rddreg [dreg:$0x13]  }
0x58: {  	[hbm4b:s25+s16] =	stream.linear.scatter [tilespmem:s29], [sflag:$0x3], $0x400, $0x38;
	[tilespmem:$0x1A000] =	vst v63  }
0x59: {  	s15 =	simm.s32 $0x14C00;
	s12 =	rddreg [dreg:$0x14];
	s2 =	simm.s32 $0x200  }
0x5a: {  	[hbm4b:s12+s2] =	stream.strided.scatter [tilespmem:s15], [sflag:$0x3], $0x800, s31, s2, $0x38;
	[tilespmem:$0x1A000] =	vst v63  }
0x5b: {  	s19 =	rddreg [dreg:$0x16];
	s20 =	simm.s32 $0x15400  }
0x5c: {  	[hbm4b:s19+s2] =	stream.strided.scatter [tilespmem:s20], [sflag:$0x3], $0x800, s31, s2, $0x38;
	[tilespmem:$0x1A000] =	vst v63  }
0x5d: {  	s22 =	rddreg [dreg:$0x17];
	s23 =	simm.s32 $0x15C00  }
0x5e: {  	[hbm4b:s22+s16] =	stream.linear.scatter [tilespmem:s23], [sflag:$0x3], $0x400, $0x38;
	[tilespmem:$0x1A000] =	vst v63  }
0x5f: {  	s25 =	rddreg [dreg:$0x18];
	s29 =	simm.s32 $0x16000  }
0x60: {  	[hbm4b:s25+s1] =	stream.strided.scatter [tilespmem:s29], [sflag:$0x3], $0xC00, s26, s1, $0x38;
	[tilespmem:$0x1A000] =	vst v63  }
0x61: {  	s12 =	rddreg [dreg:$0x19];
	s15 =	simm.s32 $0x16C00  }
0x62: {  	[hbm4b:s12+s2] =	stream.strided.scatter [tilespmem:s15], [sflag:$0x3], $0x800, s31, s2, $0x38;
	[tilespmem:$0x1A000] =	vst v63  }
0x63: {  	s19 =	rddreg [dreg:$0x1a];
	s20 =	simm.s32 $0x17400  }
0x64: {  	[hbm4b:s19+s16] =	stream.linear.scatter [tilespmem:s20], [sflag:$0x3], $0x400, $0x38;
	[tilespmem:$0x1A000] =	vst v63  }
0x65: {  	s22 =	rddreg [dreg:$0x1b];
	s23 =	simm.s32 $0x17800  }
0x66: {  	[hbm4b:s22+s2] =	stream.strided.scatter [tilespmem:s23], [sflag:$0x3], $0x800, s31, s2, $0x38;
	[tilespmem:$0x1A000] =	vst v63  }
0x67: {  	s25 =	rddreg [dreg:$0x1c];
	s29 =	simm.s32 $0x18000  }
0x68: {  	[hbm4b:s25+s2] =	stream.strided.scatter [tilespmem:s29], [sflag:$0x3], $0x800, s31, s2, $0x38;
	[tilespmem:$0x1A000] =	vst v63  }
0x69: {  	s15 =	rddreg [dreg:$0x1d];
	s19 =	simm.s32 $0x18800  }
0x6a: {  	[hbm4b:s15+s16] =	stream.linear.scatter [tilespmem:s19], [sflag:$0x3], $0x400, $0x38;
	[tilespmem:$0x1A000] =	vst v63  }
0x6b: {  	s20 =	rddreg [dreg:$0x1e];
	s22 =	simm.s32 $0x18C00  }
0x6c: {  	[hbm4b:s20+s1] =	stream.strided.scatter [tilespmem:s22], [sflag:$0x3], $0xC00, s26, s1, $0x38;
	[tilespmem:$0x1A000] =	vst v63  }
0x6d: {  	s23 =	rddreg [dreg:$0x1f];
	s25 =	simm.s32 $0x19800;
	s29 =	simm.s32 $0x3  }
0x6e: {  	[hbm4b:s23+s2] =	stream.strided.scatter [tilespmem:s25], [sflag:$0x3], $0x800, s31, s2, $0x38;
	[tilespmem:$0x1A000] =	vst v63  }
0x6f: {  	_ =	swait.ge [sflag:s29], $0x1000  }
0x70: {  	[sflag:s29] =	ssyncset.done $0x0  }
0x71: {  	[sflag:s29] =	ssyncadd.s32 $0xFFFFF000  }
0x72: {  	_ =	swait.ge [sflag:s29], $0x400  }
0x73: {  	[sflag:s29] =	ssyncset.done $0x0  }
0x74: {  	[sflag:s29] =	ssyncadd.s32 $0xFFFFFC00  }
0x75: {  	_ =	swait.ge [sflag:s29], $0x800  }
0x76: {  	[sflag:s29] =	ssyncset.done $0x0  }
0x77: {  	[sflag:s29] =	ssyncadd.s32 $0xFFFFF800  }
0x78: {  	_ =	swait.ge [sflag:s29], $0x800  }
0x79: {  	[sflag:s29] =	ssyncset.done $0x0  }
0x7a: {  	[sflag:s29] =	ssyncadd.s32 $0xFFFFF800  }
0x7b: {  	_ =	swait.ge [sflag:s29], $0x400  }
0x7c: {  	[sflag:s29] =	ssyncset.done $0x0  }
0x7d: {  	[sflag:s29] =	ssyncadd.s32 $0xFFFFFC00  }
0x7e: {  	_ =	swait.ge [sflag:s29], $0xC00  }
0x7f: {  	[sflag:s29] =	ssyncset.done $0x0  }
0x80: {  	[sflag:s29] =	ssyncadd.s32 $0xFFFFF400  }
0x81: {  	_ =	swait.ge [sflag:s29], $0x800  }
0x82: {  	[sflag:s29] =	ssyncset.done $0x0  }
0x83: {  	[sflag:s29] =	ssyncadd.s32 $0xFFFFF800  }
0x84: {  	_ =	swait.ge [sflag:s29], $0x400  }
0x85: {  	[sflag:s29] =	ssyncset.done $0x0  }
0x86: {  	[sflag:s29] =	ssyncadd.s32 $0xFFFFFC00  }
0x87: {  	_ =	swait.ge [sflag:s29], $0x800  }
0x88: {  	[sflag:s29] =	ssyncset.done $0x0  }
0x89: {  	[sflag:s29] =	ssyncadd.s32 $0xFFFFF800  }
0x8a: {  	_ =	swait.ge [sflag:s29], $0x800  }
0x8b: {  	[sflag:s29] =	ssyncset.done $0x0  }
0x8c: {  	[sflag:s29] =	ssyncadd.s32 $0xFFFFF800  }
0x8d: {  	_ =	swait.ge [sflag:s29], $0x400  }
0x8e: {  	[sflag:s29] =	ssyncset.done $0x0  }
0x8f: {  	[sflag:s29] =	ssyncadd.s32 $0xFFFFFC00  }
0x90: {  	_ =	swait.ge [sflag:s29], $0xC00  }
0x91: {  	[sflag:s29] =	ssyncset.done $0x0  }
0x92: {  	[sflag:s29] =	ssyncadd.s32 $0xFFFFF400  }
0x93: {  	_ =	swait.ge [sflag:s29], $0x800  }
0x94: {  	[sflag:s29] =	ssyncset.done $0x0  }
0x95: {  	s15 =	sld [smem:$0x7FD];
	[sflag:s29] =	ssyncadd.s32 $0xFFFFF800  }
0x96: {  	s0 =	rddreg [dreg:$0x0]  }
0x97: {  	s1 =	rddreg [dreg:$0x1]  }
0x98: {  	s2 =	rddreg [dreg:$0x2]  }
.LBB3_13:
0x99: {  	s15 =	sadd.s32 $0x1, s15;
	s12 =	rddreg [dreg:$0x15]  }
0x9a: {  	p3 =	sne.s32 s15, s12  }
.Ltmp1:
0x9b: {  	_ = 	snop;
	(pc) =	sbr.rel @!p3 .LBB3_14-.Ltmp1, $1  }
0x9c: {  	_ =	sdelay $0x3  }
.LBB3_1:
.Ltmp2:
0x9d: {  	(pc) =	sbr.rel .LBB3_2-.Ltmp2, $4  }
0x9e: {  	_ = 	snop  }
0x9f: {  	[smem:$0x7FD] =	sst s15  }
0xa0: {  	s12 =	rddreg [dreg:$0xf];
	s23 =	simm.s32 $0x0  }
0xa1: {  	[tilespmem:s16], [sflag:$0x1] =	stream.strided.gather [hbm4b:s12+s24], $0x1800, s26, s24, $0x38;
	[tilespmem:$0x1A000] =	vst v63  }
.LBB3_8:
0xa2: {  	s23 =	sadd.s32 $0x1, s23  }
0xa3: {  	p3 =	sne.s32 s23, $0x5  }
.Ltmp3:
0xa4: {  	_ = 	snop;
	(pc) =	sbr.rel @!p3 .LBB3_9-.Ltmp3, $1  }
0xa5: {  	_ =	sdelay $0x3  }
.LBB3_2:
0xa6: {  	s19 =	sshll.u32 s23, $0x1  }
0xa7: {  	p4 =	sge.u32 s19, s18  }
0xa8: {  	s12 =	sshll.u32 @!p4 s23, $0x6  }
0xa9: {  	s12 =	sor.u32 @!p4 s17, s12  }
0xaa: {  	s12 =	smul.u32 @!p4 $0x600, s12;
	_ =	sdelay $0x1  }
0xab: {  	s12 =	sshrl.u32 @!p4 s12, $0x3  }
0xac: {  	p3 =	seq.s32 s23, $0x0;
	s15 =	simm.s32 @!p4 $0x600;
	s12 =	sadd.s32 @!p4 s0, s12  }
0xad: {  	s20 =	simm.s32 @!p4 $0x75400;
	s22 =	simm.s32 @!p4 $0x1800;
	s12 =	sadd.s32 @!p4 $0x1800, s12  }
0xae: {  	[tilespmem:s22], [sflag:$0x2] =	stream.strided.gather @!p4 [hbm4b:s12+s15], $0x1800, s20, s15, $0x38;
	[tilespmem:$0x1A000] =	vst v63  }
0xaf: {  	s12 =	simm.s32 @!p3 $0x3  }
0xb0: {  	_ =	swait.ge @!p3 [sflag:s12], $0x1800  }
0xb1: {  	[sflag:s12] =	ssyncset.done @!p3 $0x0  }
0xb2: {  	[sflag:s12] =	ssyncadd.s32 @!p3 $0xFFFFE800  }
0xb3: {  	_ =	swait.ge @!p3 [sflag:s12], $0x600  }
0xb4: {  	[sflag:s12] =	ssyncset.done @!p3 $0x0  }
0xb5: {  	[sflag:s12] =	ssyncadd.s32 @!p3 $0xFFFFFA00  }
0xb6: {  	_ =	swait.ge @!p3 [sflag:s12], $0xC00  }
0xb7: {  	[sflag:s12] =	ssyncset.done @!p3 $0x0  }
0xb8: {  	[sflag:s12] =	ssyncadd.s32 @!p3 $0xFFFFF400  }
0xb9: {  	_ =	swait.ge @!p3 [sflag:s12], $0xC00  }
0xba: {  	[sflag:s12] =	ssyncset.done @!p3 $0x0  }
0xbb: {  	[sflag:s12] =	ssyncadd.s32 @!p3 $0xFFFFF400  }
0xbc: {  	_ =	swait.ge @!p3 [sflag:s12], $0x600  }
0xbd: {  	[sflag:s12] =	ssyncset.done @!p3 $0x0  }
0xbe: {  	[sflag:s12] =	ssyncadd.s32 @!p3 $0xFFFFFA00  }
0xbf: {  	_ =	swait.ge @!p3 [sflag:s12], $0x1200  }
0xc0: {  	[sflag:s12] =	ssyncset.done @!p3 $0x0  }
0xc1: {  	[sflag:s12] =	ssyncadd.s32 @!p3 $0xFFFFEE00  }
0xc2: {  	_ =	swait.ge @!p3 [sflag:s12], $0xC00  }
0xc3: {  	[sflag:s12] =	ssyncset.done @!p3 $0x0  }
0xc4: {  	[sflag:s12] =	ssyncadd.s32 @!p3 $0xFFFFF400  }
0xc5: {  	_ =	swait.ge @!p3 [sflag:s12], $0x600  }
0xc6: {  	[sflag:s12] =	ssyncset.done @!p3 $0x0  }
0xc7: {  	[sflag:s12] =	ssyncadd.s32 @!p3 $0xFFFFFA00  }
0xc8: {  	_ =	swait.ge @!p3 [sflag:s12], $0xC00  }
0xc9: {  	[sflag:s12] =	ssyncset.done @!p3 $0x0  }
0xca: {  	[sflag:s12] =	ssyncadd.s32 @!p3 $0xFFFFF400  }
0xcb: {  	_ =	swait.ge @!p3 [sflag:s12], $0xC00  }
0xcc: {  	[sflag:s12] =	ssyncset.done @!p3 $0x0  }
0xcd: {  	[sflag:s12] =	ssyncadd.s32 @!p3 $0xFFFFF400  }
0xce: {  	_ =	swait.ge @!p3 [sflag:s12], $0x600  }
0xcf: {  	[sflag:s12] =	ssyncset.done @!p3 $0x0  }
0xd0: {  	[sflag:s12] =	ssyncadd.s32 @!p3 $0xFFFFFA00  }
0xd1: {  	_ =	swait.ge @!p3 [sflag:s12], $0x1200  }
0xd2: {  	[sflag:s12] =	ssyncset.done @!p3 $0x0  }
0xd3: {  	[sflag:s12] =	ssyncadd.s32 @!p3 $0xFFFFEE00  }
0xd4: {  	_ =	swait.ge @!p3 [sflag:s12], $0xC00  }
0xd5: {  	[sflag:s12] =	ssyncset.done @!p3 $0x0  }
0xd6: {  	[sflag:s12] =	ssyncadd.s32 @!p3 $0xFFFFF400  }
0xd7: {  	_ =	swait.ge [sflag:s28], $0x1800  }
0xd8: {  	[sflag:s28] =	ssyncset.done $0x0  }
0xd9: {  	s20 =	simm.s32 $0x0;
	s12 =	simm.s32 $0x0;
	[sflag:s28] =	ssyncadd.s32 $0xFFFFE800  }
.LBB3_3:
0xda: {  	s22 =	sshrl.u32 s20, $0x3  }
0xdb: {  	s29 =	sand.u32 $0x70, s12;
	s15 =	sshll.u32 s22, $0x9  }
0xdc: {  	s25 =	sor.u32 s29, s15  }
0xdd: {  	v0 =	vld [tilespmem:s25+$0x0]  }
0xde: {  	v1 =	vld [tilespmem:s25+$0x80]  }
0xdf: {  	v2 =	vld [tilespmem:s25+$0x100];
	_ =	sdelay $0x3  }
0xe0: {  	v0 =	vadd.f32 $5.000000000e+01, v0;
	v1 =	vadd.f32 $5.000000000e+01, v1  }
0xe1: {  	v2 =	vadd.f32 $4.000000000e+00, v2  }
0xe2: {  	v0 =	vadd.f32 v0, v0;
	v1 =	vadd.f32 v1, v1;
	_ =	sdelay $0x1  }
0xe3: {  	v2 =	vmul.f32 $5.000000000e+00, v2;
	v3 =	vadd.f32 v0, v0;
	v4 =	vadd.f32 v1, v1;
	_ =	sdelay $0x1  }
0xe4: {  	v5 =	vadd.f32 v2, v2;
	v6 =	vtrunc.f32 v3;
	v7 =	vtrunc.f32 v4  }
0xe5: {  	v6 =	vcvt.f32.s32 v6;
	v7 =	vcvt.f32.s32 v7  }
0xe6: {  	v8 =	vtrunc.f32 v5  }
0xe7: {  	v9 =	vmul.u32 $0x190, v6;
	v10 =	vmul.u32 $0x5DC0, v6;
	v11 =	vmul.u32 $0x3C, v7  }
0xe8: {  	v8 =	vcvt.f32.s32 v8  }
0xe9: {  	v9 =	vadd.s32 v7, v9;
	v10 =	vadd.s32 v10, v11  }
0xea: {  	s22 =	sshll.u32 s22, $0x8;
	v22 =	vcvt.s32.f32 v6;
	[tilespmem:s25+$0x3000] =	vst v9;
	v23 =	vadd.s32 v8, v10  }
0xeb: {  	s29 =	sor.u32 s29, s22;
	v24 =	vcvt.s32.f32 v7;
	[tilespmem:s25+$0x4E00] =	vst v23  }
0xec: {  	v3 =	vsub.f32 v3, v22;
	[tilespmem:s29+$0x3600] =	vst v6  }
0xed: {  	v4 =	vsub.f32 v4, v24;
	[tilespmem:s29+$0x3680] =	vst v7  }
0xee: {  	v26 =	vtrunc.f32 v0;
	[tilespmem:s29+$0x4200] =	vst v3  }
0xef: {  	v27 =	vtrunc.f32 v1;
	v25 =	vcvt.s32.f32 v8;
	[tilespmem:s29+$0x4280] =	vst v4  }
0xf0: {  	v28 =	vcvt.f32.s32 v27;
	v4 =	vcvt.f32.s32 v26;
	[tilespmem:s25+$0x5400] =	vst v6  }
0xf1: {  	v29 =	vtrunc.f32 v2;
	v5 =	vsub.f32 v5, v25;
	[tilespmem:s25+$0x5A00] =	vst v7  }
0xf2: {  	v10 =	vmul.u32 $0x1E, v28;
	[tilespmem:s25+$0x6000] =	vst v8;
	v30 =	vmul.u32 $0xC8, v4;
	v31 =	vmul.u32 $0x1770, v4  }
0xf3: {  	v32 =	vcvt.f32.s32 v29;
	[tilespmem:s29+$0x6600] =	vst v3  }
0xf4: {  	[tilespmem:s29+$0x6680] =	vst v5;
	v33 =	vadd.s32 v28, v30;
	v34 =	vadd.s32 v31, v10  }
0xf5: {  	v35 =	vcvt.s32.f32 v4;
	[tilespmem:s25+$0x7200] =	vst v33;
	v36 =	vadd.s32 v32, v34  }
0xf6: {  	v37 =	vcvt.s32.f32 v28;
	[tilespmem:s25+$0x9000] =	vst v36  }
0xf7: {  	v0 =	vsub.f32 v0, v35;
	[tilespmem:s29+$0x7800] =	vst v4  }
0xf8: {  	v1 =	vsub.f32 v1, v37;
	[tilespmem:s29+$0x7880] =	vst v28  }
0xf9: {  	[tilespmem:s29+$0x8400] =	vst v0  }
0xfa: {  	[tilespmem:s29+$0x8480] =	vst v1  }
0xfb: {  	v38 =	vcvt.s32.f32 v32;
	[tilespmem:s25+$0x9600] =	vst v4  }
0xfc: {  	[tilespmem:s25+$0x9C00] =	vst v28  }
0xfd: {  	v1 =	vsub.f32 v2, v38;
	[tilespmem:s25+$0xA200] =	vst v32  }
0xfe: {  	[tilespmem:s29+$0xA800] =	vst v0  }
0xff: {  	[tilespmem:s29+$0xA880] =	vst v1  }
0x100: {  	v0 =	vld [tilespmem:s25+$0x600]  }
0x101: {  	v1 =	vld [tilespmem:s25+$0x680]  }
0x102: {  	v39 =	vld [tilespmem:s25+$0x700];
	_ =	sdelay $0x3  }
0x103: {  	v0 =	vadd.f32 $5.000000000e+01, v0;
	v1 =	vadd.f32 $5.000000000e+01, v1  }
0x104: {  	v2 =	vadd.f32 $4.000000000e+00, v39  }
0x105: {  	v0 =	vadd.f32 v0, v0;
	v1 =	vadd.f32 v1, v1;
	_ =	sdelay $0x1  }
0x106: {  	v2 =	vmul.f32 $5.000000000e+00, v2;
	v40 =	vadd.f32 v0, v0;
	v41 =	vadd.f32 v1, v1;
	_ =	sdelay $0x1  }
0x107: {  	v42 =	vadd.f32 v2, v2;
	v43 =	vtrunc.f32 v40;
	v44 =	vtrunc.f32 v41  }
0x108: {  	v6 =	vcvt.f32.s32 v43;
	v7 =	vcvt.f32.s32 v44  }
0x109: {  	v45 =	vtrunc.f32 v42  }
0x10a: {  	v46 =	vmul.u32 $0x190, v6;
	v47 =	vmul.u32 $0x5DC0, v6;
	v48 =	vmul.u32 $0x3C, v7  }
0x10b: {  	v8 =	vcvt.f32.s32 v45  }
0x10c: {  	v9 =	vadd.s32 v7, v46;
	v10 =	vadd.s32 v47, v48  }
0x10d: {  	v49 =	vcvt.s32.f32 v6;
	[tilespmem:s25+$0x3080] =	vst v9;
	v50 =	vadd.s32 v8, v10  }
0x10e: {  	v51 =	vcvt.s32.f32 v7;
	[tilespmem:s25+$0x4E80] =	vst v50  }
0x10f: {  	v3 =	vsub.f32 v40, v49;
	[tilespmem:s29+$0x3900] =	vst v6  }
0x110: {  	v4 =	vsub.f32 v41, v51;
	[tilespmem:s29+$0x3980] =	vst v7  }
0x111: {  	v53 =	vtrunc.f32 v0;
	[tilespmem:s29+$0x4500] =	vst v3  }
0x112: {  	v54 =	vtrunc.f32 v1;
	v52 =	vcvt.s32.f32 v8;
	[tilespmem:s29+$0x4580] =	vst v4  }
0x113: {  	v55 =	vcvt.f32.s32 v54;
	v4 =	vcvt.f32.s32 v53;
	[tilespmem:s25+$0x5480] =	vst v6  }
0x114: {  	v56 =	vtrunc.f32 v2;
	v5 =	vsub.f32 v42, v52;
	[tilespmem:s25+$0x5A80] =	vst v7  }
0x115: {  	v10 =	vmul.u32 $0x1E, v55;
	[tilespmem:s25+$0x6080] =	vst v8;
	v57 =	vmul.u32 $0xC8, v4;
	v58 =	vmul.u32 $0x1770, v4  }
0x116: {  	v59 =	vcvt.f32.s32 v56;
	[tilespmem:s29+$0x6900] =	vst v3  }
0x117: {  	[tilespmem:s29+$0x6980] =	vst v5;
	v60 =	vadd.s32 v55, v57;
	v61 =	vadd.s32 v58, v10  }
0x118: {  	v62 =	vcvt.s32.f32 v4;
	[tilespmem:s25+$0x7280] =	vst v60;
	v63 =	vadd.s32 v59, v61  }
0x119: {  	v9 =	vcvt.s32.f32 v55;
	[tilespmem:s25+$0x9080] =	vst v63  }
0x11a: {  	v0 =	vsub.f32 v0, v62;
	[tilespmem:s29+$0x7B00] =	vst v4  }
0x11b: {  	v1 =	vsub.f32 v1, v9;
	[tilespmem:s29+$0x7B80] =	vst v55  }
0x11c: {  	[tilespmem:s29+$0x8700] =	vst v0  }
0x11d: {  	[tilespmem:s29+$0x8780] =	vst v1  }
0x11e: {  	v10 =	vcvt.s32.f32 v59;
	[tilespmem:s25+$0x9680] =	vst v4  }
0x11f: {  	[tilespmem:s25+$0x9C80] =	vst v55  }
0x120: {  	v1 =	vsub.f32 v2, v10;
	[tilespmem:s25+$0xA280] =	vst v59  }
0x121: {  	[tilespmem:s29+$0xAB00] =	vst v0  }
0x122: {  	[tilespmem:s29+$0xAB80] =	vst v1  }
0x123: {  	v0 =	vld [tilespmem:s25+$0xC00]  }
0x124: {  	v1 =	vld [tilespmem:s25+$0xC80]  }
0x125: {  	v11 =	vld [tilespmem:s25+$0xD00];
	_ =	sdelay $0x3  }
0x126: {  	v0 =	vadd.f32 $5.000000000e+01, v0;
	v1 =	vadd.f32 $5.000000000e+01, v1  }
0x127: {  	v2 =	vadd.f32 $4.000000000e+00, v11  }
0x128: {  	v0 =	vadd.f32 v0, v0;
	v1 =	vadd.f32 v1, v1;
	_ =	sdelay $0x1  }
0x129: {  	v2 =	vmul.f32 $5.000000000e+00, v2;
	v12 =	vadd.f32 v0, v0;
	v13 =	vadd.f32 v1, v1;
	_ =	sdelay $0x1  }
0x12a: {  	v14 =	vadd.f32 v2, v2;
	v15 =	vtrunc.f32 v12;
	v16 =	vtrunc.f32 v13  }
0x12b: {  	v6 =	vcvt.f32.s32 v15;
	v7 =	vcvt.f32.s32 v16  }
0x12c: {  	v17 =	vtrunc.f32 v14  }
0x12d: {  	v18 =	vmul.u32 $0x190, v6;
	v19 =	vmul.u32 $0x5DC0, v6;
	v20 =	vmul.u32 $0x3C, v7  }
0x12e: {  	v8 =	vcvt.f32.s32 v17  }
0x12f: {  	v9 =	vadd.s32 v7, v18;
	v10 =	vadd.s32 v19, v20  }
0x130: {  	v21 =	vcvt.s32.f32 v6;
	[tilespmem:s25+$0x3100] =	vst v9;
	v22 =	vadd.s32 v8, v10  }
0x131: {  	v23 =	vcvt.s32.f32 v7;
	[tilespmem:s25+$0x4F00] =	vst v22  }
0x132: {  	v3 =	vsub.f32 v12, v21;
	[tilespmem:s29+$0x3C00] =	vst v6  }
0x133: {  	v4 =	vsub.f32 v13, v23;
	[tilespmem:s29+$0x3C80] =	vst v7  }
0x134: {  	v25 =	vtrunc.f32 v0;
	[tilespmem:s29+$0x4800] =	vst v3  }
0x135: {  	v26 =	vtrunc.f32 v1;
	v24 =	vcvt.s32.f32 v8;
	[tilespmem:s29+$0x4880] =	vst v4  }
0x136: {  	v27 =	vcvt.f32.s32 v26;
	v4 =	vcvt.f32.s32 v25;
	[tilespmem:s25+$0x5500] =	vst v6  }
0x137: {  	v28 =	vtrunc.f32 v2;
	v5 =	vsub.f32 v14, v24;
	[tilespmem:s25+$0x5B00] =	vst v7  }
0x138: {  	v10 =	vmul.u32 $0x1E, v27;
	[tilespmem:s25+$0x6100] =	vst v8;
	v29 =	vmul.u32 $0xC8, v4;
	v30 =	vmul.u32 $0x1770, v4  }
0x139: {  	v31 =	vcvt.f32.s32 v28;
	[tilespmem:s29+$0x6C00] =	vst v3  }
0x13a: {  	[tilespmem:s29+$0x6C80] =	vst v5;
	v32 =	vadd.s32 v27, v29;
	v33 =	vadd.s32 v30, v10  }
0x13b: {  	v34 =	vcvt.s32.f32 v4;
	[tilespmem:s25+$0x7300] =	vst v32;
	v35 =	vadd.s32 v31, v33  }
0x13c: {  	v36 =	vcvt.s32.f32 v27;
	[tilespmem:s25+$0x9100] =	vst v35  }
0x13d: {  	v0 =	vsub.f32 v0, v34;
	[tilespmem:s29+$0x7E00] =	vst v4  }
0x13e: {  	v1 =	vsub.f32 v1, v36;
	[tilespmem:s29+$0x7E80] =	vst v27  }
0x13f: {  	[tilespmem:s29+$0x8A00] =	vst v0  }
0x140: {  	[tilespmem:s29+$0x8A80] =	vst v1  }
0x141: {  	v37 =	vcvt.s32.f32 v31;
	[tilespmem:s25+$0x9700] =	vst v4  }
0x142: {  	[tilespmem:s25+$0x9D00] =	vst v27  }
0x143: {  	v1 =	vsub.f32 v2, v37;
	[tilespmem:s25+$0xA300] =	vst v31  }
0x144: {  	[tilespmem:s29+$0xAE00] =	vst v0  }
0x145: {  	[tilespmem:s29+$0xAE80] =	vst v1  }
0x146: {  	v0 =	vld [tilespmem:s25+$0x1200]  }
0x147: {  	v1 =	vld [tilespmem:s25+$0x1280]  }
0x148: {  	v38 =	vld [tilespmem:s25+$0x1300];
	_ =	sdelay $0x3  }
0x149: {  	v0 =	vadd.f32 $5.000000000e+01, v0;
	v1 =	vadd.f32 $5.000000000e+01, v1  }
0x14a: {  	v2 =	vadd.f32 $4.000000000e+00, v38  }
0x14b: {  	v0 =	vadd.f32 v0, v0;
	v1 =	vadd.f32 v1, v1;
	_ =	sdelay $0x1  }
0x14c: {  	v2 =	vmul.f32 $5.000000000e+00, v2;
	v39 =	vadd.f32 v0, v0;
	v40 =	vadd.f32 v1, v1;
	_ =	sdelay $0x1  }
0x14d: {  	v41 =	vadd.f32 v2, v2;
	v42 =	vtrunc.f32 v39;
	v43 =	vtrunc.f32 v40  }
0x14e: {  	v6 =	vcvt.f32.s32 v42;
	v7 =	vcvt.f32.s32 v43  }
0x14f: {  	v44 =	vtrunc.f32 v41  }
0x150: {  	v45 =	vmul.u32 $0x190, v6;
	v46 =	vmul.u32 $0x5DC0, v6;
	v47 =	vmul.u32 $0x3C, v7  }
0x151: {  	s15 =	sor.u32 s15, s12;
	v8 =	vcvt.f32.s32 v44  }
0x152: {  	s15 =	sor.u32 $0x180, s15;
	v10 =	vadd.s32 v46, v47;
	v9 =	vadd.s32 v7, v45  }
0x153: {  	v48 =	vcvt.s32.f32 v6;
	[tilespmem:s15+$0x3000] =	vst v9;
	v10 =	vadd.s32 v8, v10  }
0x154: {  	v49 =	vcvt.s32.f32 v7;
	[tilespmem:s15+$0x4E00] =	vst v10  }
0x155: {  	v3 =	vsub.f32 v39, v48;
	[tilespmem:s29+$0x3F00] =	vst v6  }
0x156: {  	v4 =	vsub.f32 v40, v49;
	[tilespmem:s29+$0x3F80] =	vst v7  }
0x157: {  	v51 =	vtrunc.f32 v0;
	[tilespmem:s29+$0x4B00] =	vst v3  }
0x158: {  	v52 =	vtrunc.f32 v1;
	v50 =	vcvt.s32.f32 v8;
	[tilespmem:s29+$0x4B80] =	vst v4  }
0x159: {  	v53 =	vcvt.f32.s32 v52;
	v4 =	vcvt.f32.s32 v51;
	[tilespmem:s15+$0x5400] =	vst v6  }
0x15a: {  	v54 =	vtrunc.f32 v2;
	v5 =	vsub.f32 v41, v50;
	[tilespmem:s25+$0x5B80] =	vst v7  }
0x15b: {  	v10 =	vmul.u32 $0x1E, v53;
	[tilespmem:s25+$0x6180] =	vst v8;
	v55 =	vmul.u32 $0xC8, v4;
	v56 =	vmul.u32 $0x1770, v4  }
0x15c: {  	v57 =	vcvt.f32.s32 v54;
	[tilespmem:s29+$0x6F00] =	vst v3  }
0x15d: {  	[tilespmem:s29+$0x6F80] =	vst v5;
	v58 =	vadd.s32 v53, v55;
	v59 =	vadd.s32 v56, v10  }
0x15e: {  	v60 =	vcvt.s32.f32 v4;
	[tilespmem:s15+$0x7200] =	vst v58;
	v61 =	vadd.s32 v57, v59  }
0x15f: {  	v62 =	vcvt.s32.f32 v53;
	[tilespmem:s15+$0x9000] =	vst v61  }
0x160: {  	v0 =	vsub.f32 v0, v60;
	[tilespmem:s29+$0x8100] =	vst v4  }
0x161: {  	v1 =	vsub.f32 v1, v62;
	[tilespmem:s29+$0x8180] =	vst v53  }
0x162: {  	[tilespmem:s29+$0x8D00] =	vst v0  }
0x163: {  	p5 =	sne.s32 s20, $0x17;
	[tilespmem:s29+$0x8D80] =	vst v1  }
.Ltmp4:
0x164: {  	v63 =	vcvt.s32.f32 v57;
	[tilespmem:s15+$0x9600] =	vst v4;
	(pc) =	sbr.rel @p5 .LBB3_3-.Ltmp4, $4  }
0x165: {  	[tilespmem:s25+$0x9D80] =	vst v53  }
0x166: {  	v1 =	vsub.f32 v2, v63;
	[tilespmem:s25+$0xA380] =	vst v57  }
0x167: {  	[tilespmem:s29+$0xB100] =	vst v0  }
0x168: {  	s20 =	sadd.s32 $0x1, s20;
	s12 =	sadd.s32 $0x10, s12;
	[tilespmem:s29+$0xB180] =	vst v1  }
0x169: {  	s20 =	sshll.u32 s23, $0x6  }
0x16a: {  	s12 =	sor.u32 s17, s20  }
0x16b: {  	s15 =	smul.u32 $0xC0, s12;
	_ =	sdelay $0x1  }
0x16c: {  	s22 =	sadd.s32 s1, s15  }
0x16d: {  	[hbm4b:s22+s24] =	stream.strided.scatter [tilespmem:s16], [sflag:$0x3], $0x1800, s26, s24, $0x38;
	[tilespmem:$0x1A000] =	vst v63  }
0x16e: {  	s25 =	simm.s32 $0x3000;
	s12 =	smul.u32 $0x60, s12;
	s29 =	sadd.s32 s2, s15  }
0x16f: {  	[hbm4b:s29+s16] =	stream.linear.scatter [tilespmem:s25], [sflag:$0x3], $0x600, $0x38;
	[tilespmem:$0x1A000] =	vst v63  }
0x170: {  	s25 =	sadd.s32 s3, s12;
	s29 =	simm.s32 $0x3600  }
0x171: {  	[hbm4b:s25+s30] =	stream.strided.scatter [tilespmem:s29], [sflag:$0x3], $0xC00, s31, s30, $0x38;
	[tilespmem:$0x1A000] =	vst v63  }
0x172: {  	s25 =	sadd.s32 s4, s12;
	s29 =	simm.s32 $0x4200  }
0x173: {  	[hbm4b:s25+s30] =	stream.strided.scatter [tilespmem:s29], [sflag:$0x3], $0xC00, s31, s30, $0x38;
	[tilespmem:$0x1A000] =	vst v63  }
0x174: {  	s25 =	sadd.s32 s5, s15;
	s29 =	simm.s32 $0x4E00  }
0x175: {  	[hbm4b:s25+s16] =	stream.linear.scatter [tilespmem:s29], [sflag:$0x3], $0x600, $0x38;
	[tilespmem:$0x1A000] =	vst v63  }
0x176: {  	s25 =	sadd.s32 s6, s15;
	s29 =	simm.s32 $0x5400  }
0x177: {  	[hbm4b:s25+s24] =	stream.strided.scatter [tilespmem:s29], [sflag:$0x3], $0x1200, s26, s24, $0x38;
	[tilespmem:$0x1A000] =	vst v63  }
0x178: {  	s25 =	sadd.s32 s7, s12;
	s29 =	simm.s32 $0x6600  }
0x179: {  	[hbm4b:s25+s30] =	stream.strided.scatter [tilespmem:s29], [sflag:$0x3], $0xC00, s31, s30, $0x38;
	[tilespmem:$0x1A000] =	vst v63  }
0x17a: {  	s25 =	sadd.s32 s8, s15;
	s29 =	simm.s32 $0x7200  }
0x17b: {  	[hbm4b:s25+s16] =	stream.linear.scatter [tilespmem:s29], [sflag:$0x3], $0x600, $0x38;
	[tilespmem:$0x1A000] =	vst v63  }
0x17c: {  	s25 =	sadd.s32 s9, s12;
	s29 =	simm.s32 $0x7800  }
0x17d: {  	[hbm4b:s25+s30] =	stream.strided.scatter [tilespmem:s29], [sflag:$0x3], $0xC00, s31, s30, $0x38;
	[tilespmem:$0x1A000] =	vst v63  }
0x17e: {  	s25 =	sadd.s32 s10, s12;
	s29 =	simm.s32 $0x8400  }
0x17f: {  	[hbm4b:s25+s30] =	stream.strided.scatter [tilespmem:s29], [sflag:$0x3], $0xC00, s31, s30, $0x38;
	[tilespmem:$0x1A000] =	vst v63  }
0x180: {  	s25 =	sadd.s32 s11, s15;
	s29 =	simm.s32 $0x9000  }
0x181: {  	[hbm4b:s25+s16] =	stream.linear.scatter [tilespmem:s29], [sflag:$0x3], $0x600, $0x38;
	[tilespmem:$0x1A000] =	vst v63  }
.Ltmp5:
0x182: {  	_ = 	snop;
	(pc) =	sbr.rel @p4 .LBB3_8-.Ltmp5, $4  }
0x183: {  	s15 =	sadd.s32 s13, s15;
	s25 =	simm.s32 $0x9600  }
0x184: {  	[hbm4b:s15+s24] =	stream.strided.scatter [tilespmem:s25], [sflag:$0x3], $0x1200, s26, s24, $0x38;
	[tilespmem:$0x1A000] =	vst v63  }
0x185: {  	s12 =	sadd.s32 s14, s12;
	s29 =	simm.s32 $0xA800  }
0x186: {  	[hbm4b:s12+s30] =	stream.strided.scatter [tilespmem:s29], [sflag:$0x3], $0xC00, s31, s30, $0x38;
	[tilespmem:$0x1A000] =	vst v63  }
0x187: {  	s12 =	sadd.s32 $0x2, s19  }
0x188: {  	p4 =	sgt.u32 s12, s18  }
0x189: {  	s12 =	sshll.u32 @!p4 s12, $0x5  }
0x18a: {  	s12 =	sor.u32 @!p4 s17, s12  }
0x18b: {  	s12 =	smul.u32 @!p4 $0xC0, s12  }
0x18c: {  	s15 =	simm.s32 @!p4 $0x600  }
0x18d: {  	s19 =	simm.s32 @!p4 $0x75400;
	s22 =	simm.s32 @!p4 $0x0;
	s12 =	sadd.s32 @!p4 s0, s12  }
0x18e: {  	[tilespmem:s22], [sflag:$0x1] =	stream.strided.gather @!p4 [hbm4b:s12+s15], $0x1800, s19, s15, $0x38;
	[tilespmem:$0x1A000] =	vst v63  }
0x18f: {  	s12 =	simm.s32 @!p3 $0x4  }
0x190: {  	_ =	swait.ge @!p3 [sflag:s12], $0x1800  }
0x191: {  	[sflag:s12] =	ssyncset.done @!p3 $0x0  }
0x192: {  	[sflag:s12] =	ssyncadd.s32 @!p3 $0xFFFFE800  }
0x193: {  	_ =	swait.ge @!p3 [sflag:s12], $0x600  }
0x194: {  	[sflag:s12] =	ssyncset.done @!p3 $0x0  }
0x195: {  	[sflag:s12] =	ssyncadd.s32 @!p3 $0xFFFFFA00  }
0x196: {  	_ =	swait.ge @!p3 [sflag:s12], $0xC00  }
0x197: {  	[sflag:s12] =	ssyncset.done @!p3 $0x0  }
0x198: {  	[sflag:s12] =	ssyncadd.s32 @!p3 $0xFFFFF400  }
0x199: {  	_ =	swait.ge @!p3 [sflag:s12], $0xC00  }
0x19a: {  	[sflag:s12] =	ssyncset.done @!p3 $0x0  }
0x19b: {  	[sflag:s12] =	ssyncadd.s32 @!p3 $0xFFFFF400  }
0x19c: {  	_ =	swait.ge @!p3 [sflag:s12], $0x600  }
0x19d: {  	[sflag:s12] =	ssyncset.done @!p3 $0x0  }
0x19e: {  	[sflag:s12] =	ssyncadd.s32 @!p3 $0xFFFFFA00  }
0x19f: {  	_ =	swait.ge @!p3 [sflag:s12], $0x1200  }
0x1a0: {  	[sflag:s12] =	ssyncset.done @!p3 $0x0  }
0x1a1: {  	[sflag:s12] =	ssyncadd.s32 @!p3 $0xFFFFEE00  }
0x1a2: {  	_ =	swait.ge @!p3 [sflag:s12], $0xC00  }
0x1a3: {  	[sflag:s12] =	ssyncset.done @!p3 $0x0  }
0x1a4: {  	[sflag:s12] =	ssyncadd.s32 @!p3 $0xFFFFF400  }
0x1a5: {  	_ =	swait.ge @!p3 [sflag:s12], $0x600  }
0x1a6: {  	[sflag:s12] =	ssyncset.done @!p3 $0x0  }
0x1a7: {  	[sflag:s12] =	ssyncadd.s32 @!p3 $0xFFFFFA00  }
0x1a8: {  	_ =	swait.ge @!p3 [sflag:s12], $0xC00  }
0x1a9: {  	[sflag:s12] =	ssyncset.done @!p3 $0x0  }
0x1aa: {  	[sflag:s12] =	ssyncadd.s32 @!p3 $0xFFFFF400  }
0x1ab: {  	_ =	swait.ge @!p3 [sflag:s12], $0xC00  }
0x1ac: {  	[sflag:s12] =	ssyncset.done @!p3 $0x0  }
0x1ad: {  	[sflag:s12] =	ssyncadd.s32 @!p3 $0xFFFFF400  }
0x1ae: {  	_ =	swait.ge @!p3 [sflag:s12], $0x600  }
0x1af: {  	[sflag:s12] =	ssyncset.done @!p3 $0x0  }
0x1b0: {  	[sflag:s12] =	ssyncadd.s32 @!p3 $0xFFFFFA00  }
0x1b1: {  	_ =	swait.ge @!p3 [sflag:s12], $0x1200  }
0x1b2: {  	[sflag:s12] =	ssyncset.done @!p3 $0x0  }
0x1b3: {  	[sflag:s12] =	ssyncadd.s32 @!p3 $0xFFFFEE00  }
0x1b4: {  	_ =	swait.ge @!p3 [sflag:s12], $0xC00  }
0x1b5: {  	[sflag:s12] =	ssyncset.done @!p3 $0x0  }
0x1b6: {  	[sflag:s12] =	ssyncadd.s32 @!p3 $0xFFFFF400  }
0x1b7: {  	_ =	swait.ge [sflag:s21], $0x1800  }
0x1b8: {  	[sflag:s21] =	ssyncset.done $0x0  }
0x1b9: {  	s19 =	simm.s32 $0x0;
	s12 =	simm.s32 $0x0;
	[sflag:s21] =	ssyncadd.s32 $0xFFFFE800  }
.LBB3_6:
0x1ba: {  	s22 =	sshrl.u32 s19, $0x3  }
0x1bb: {  	s29 =	sand.u32 $0x70, s12;
	s15 =	sshll.u32 s22, $0x9  }
0x1bc: {  	s25 =	sor.u32 s29, s15  }
0x1bd: {  	v0 =	vld [tilespmem:s25+$0x1800]  }
0x1be: {  	v1 =	vld [tilespmem:s25+$0x1880]  }
0x1bf: {  	v2 =	vld [tilespmem:s25+$0x1900];
	_ =	sdelay $0x3  }
0x1c0: {  	v0 =	vadd.f32 $5.000000000e+01, v0;
	v1 =	vadd.f32 $5.000000000e+01, v1  }
0x1c1: {  	v2 =	vadd.f32 $4.000000000e+00, v2  }
0x1c2: {  	v0 =	vadd.f32 v0, v0;
	v1 =	vadd.f32 v1, v1;
	_ =	sdelay $0x1  }
0x1c3: {  	v2 =	vmul.f32 $5.000000000e+00, v2;
	v3 =	vadd.f32 v0, v0;
	v4 =	vadd.f32 v1, v1;
	_ =	sdelay $0x1  }
0x1c4: {  	v5 =	vadd.f32 v2, v2;
	v6 =	vtrunc.f32 v3;
	v7 =	vtrunc.f32 v4  }
0x1c5: {  	v6 =	vcvt.f32.s32 v6;
	v7 =	vcvt.f32.s32 v7  }
0x1c6: {  	v8 =	vtrunc.f32 v5  }
0x1c7: {  	v9 =	vmul.u32 $0x190, v6;
	v10 =	vmul.u32 $0x5DC0, v6;
	v11 =	vmul.u32 $0x3C, v7  }
0x1c8: {  	v8 =	vcvt.f32.s32 v8  }
0x1c9: {  	v9 =	vadd.s32 v7, v9;
	v10 =	vadd.s32 v10, v11  }
0x1ca: {  	s22 =	sshll.u32 s22, $0x8;
	v22 =	vcvt.s32.f32 v6;
	[tilespmem:s25+$0xB400] =	vst v9;
	v23 =	vadd.s32 v8, v10  }
0x1cb: {  	s29 =	sor.u32 s29, s22;
	v24 =	vcvt.s32.f32 v7;
	[tilespmem:s25+$0xD200] =	vst v23  }
0x1cc: {  	v3 =	vsub.f32 v3, v22;
	[tilespmem:s29+$0xBA00] =	vst v6  }
0x1cd: {  	v4 =	vsub.f32 v4, v24;
	[tilespmem:s29+$0xBA80] =	vst v7  }
0x1ce: {  	v26 =	vtrunc.f32 v0;
	[tilespmem:s29+$0xC600] =	vst v3  }
0x1cf: {  	v27 =	vtrunc.f32 v1;
	v25 =	vcvt.s32.f32 v8;
	[tilespmem:s29+$0xC680] =	vst v4  }
0x1d0: {  	v28 =	vcvt.f32.s32 v27;
	v4 =	vcvt.f32.s32 v26;
	[tilespmem:s25+$0xD800] =	vst v6  }
0x1d1: {  	v29 =	vtrunc.f32 v2;
	v5 =	vsub.f32 v5, v25;
	[tilespmem:s25+$0xDE00] =	vst v7  }
0x1d2: {  	v10 =	vmul.u32 $0x1E, v28;
	[tilespmem:s25+$0xE400] =	vst v8;
	v30 =	vmul.u32 $0xC8, v4;
	v31 =	vmul.u32 $0x1770, v4  }
0x1d3: {  	v32 =	vcvt.f32.s32 v29;
	[tilespmem:s29+$0xEA00] =	vst v3  }
0x1d4: {  	[tilespmem:s29+$0xEA80] =	vst v5;
	v33 =	vadd.s32 v28, v30;
	v34 =	vadd.s32 v31, v10  }
0x1d5: {  	v35 =	vcvt.s32.f32 v4;
	[tilespmem:s25+$0xF600] =	vst v33;
	v36 =	vadd.s32 v32, v34  }
0x1d6: {  	v37 =	vcvt.s32.f32 v28;
	[tilespmem:s25+$0x11400] =	vst v36  }
0x1d7: {  	v0 =	vsub.f32 v0, v35;
	[tilespmem:s29+$0xFC00] =	vst v4  }
0x1d8: {  	v1 =	vsub.f32 v1, v37;
	[tilespmem:s29+$0xFC80] =	vst v28  }
0x1d9: {  	[tilespmem:s29+$0x10800] =	vst v0  }
0x1da: {  	[tilespmem:s29+$0x10880] =	vst v1  }
0x1db: {  	v38 =	vcvt.s32.f32 v32;
	[tilespmem:s25+$0x11A00] =	vst v4  }
0x1dc: {  	[tilespmem:s25+$0x12000] =	vst v28  }
0x1dd: {  	v1 =	vsub.f32 v2, v38;
	[tilespmem:s25+$0x12600] =	vst v32  }
0x1de: {  	[tilespmem:s29+$0x12C00] =	vst v0  }
0x1df: {  	[tilespmem:s29+$0x12C80] =	vst v1  }
0x1e0: {  	v0 =	vld [tilespmem:s25+$0x1E00]  }
0x1e1: {  	v1 =	vld [tilespmem:s25+$0x1E80]  }
0x1e2: {  	v39 =	vld [tilespmem:s25+$0x1F00];
	_ =	sdelay $0x3  }
0x1e3: {  	v0 =	vadd.f32 $5.000000000e+01, v0;
	v1 =	vadd.f32 $5.000000000e+01, v1  }
0x1e4: {  	v2 =	vadd.f32 $4.000000000e+00, v39  }
0x1e5: {  	v0 =	vadd.f32 v0, v0;
	v1 =	vadd.f32 v1, v1;
	_ =	sdelay $0x1  }
0x1e6: {  	v2 =	vmul.f32 $5.000000000e+00, v2;
	v40 =	vadd.f32 v0, v0;
	v41 =	vadd.f32 v1, v1;
	_ =	sdelay $0x1  }
0x1e7: {  	v42 =	vadd.f32 v2, v2;
	v43 =	vtrunc.f32 v40;
	v44 =	vtrunc.f32 v41  }
0x1e8: {  	v6 =	vcvt.f32.s32 v43;
	v7 =	vcvt.f32.s32 v44  }
0x1e9: {  	v45 =	vtrunc.f32 v42  }
0x1ea: {  	v46 =	vmul.u32 $0x190, v6;
	v47 =	vmul.u32 $0x5DC0, v6;
	v48 =	vmul.u32 $0x3C, v7  }
0x1eb: {  	v8 =	vcvt.f32.s32 v45  }
0x1ec: {  	v9 =	vadd.s32 v7, v46;
	v10 =	vadd.s32 v47, v48  }
0x1ed: {  	v49 =	vcvt.s32.f32 v6;
	[tilespmem:s25+$0xB480] =	vst v9;
	v50 =	vadd.s32 v8, v10  }
0x1ee: {  	v51 =	vcvt.s32.f32 v7;
	[tilespmem:s25+$0xD280] =	vst v50  }
0x1ef: {  	v3 =	vsub.f32 v40, v49;
	[tilespmem:s29+$0xBD00] =	vst v6  }
0x1f0: {  	v4 =	vsub.f32 v41, v51;
	[tilespmem:s29+$0xBD80] =	vst v7  }
0x1f1: {  	v53 =	vtrunc.f32 v0;
	[tilespmem:s29+$0xC900] =	vst v3  }
0x1f2: {  	v54 =	vtrunc.f32 v1;
	v52 =	vcvt.s32.f32 v8;
	[tilespmem:s29+$0xC980] =	vst v4  }
0x1f3: {  	v55 =	vcvt.f32.s32 v54;
	v4 =	vcvt.f32.s32 v53;
	[tilespmem:s25+$0xD880] =	vst v6  }
0x1f4: {  	v56 =	vtrunc.f32 v2;
	v5 =	vsub.f32 v42, v52;
	[tilespmem:s25+$0xDE80] =	vst v7  }
0x1f5: {  	v10 =	vmul.u32 $0x1E, v55;
	[tilespmem:s25+$0xE480] =	vst v8;
	v57 =	vmul.u32 $0xC8, v4;
	v58 =	vmul.u32 $0x1770, v4  }
0x1f6: {  	v59 =	vcvt.f32.s32 v56;
	[tilespmem:s29+$0xED00] =	vst v3  }
0x1f7: {  	[tilespmem:s29+$0xED80] =	vst v5;
	v60 =	vadd.s32 v55, v57;
	v61 =	vadd.s32 v58, v10  }
0x1f8: {  	v62 =	vcvt.s32.f32 v4;
	[tilespmem:s25+$0xF680] =	vst v60;
	v63 =	vadd.s32 v59, v61  }
0x1f9: {  	v9 =	vcvt.s32.f32 v55;
	[tilespmem:s25+$0x11480] =	vst v63  }
0x1fa: {  	v0 =	vsub.f32 v0, v62;
	[tilespmem:s29+$0xFF00] =	vst v4  }
0x1fb: {  	v1 =	vsub.f32 v1, v9;
	[tilespmem:s29+$0xFF80] =	vst v55  }
0x1fc: {  	[tilespmem:s29+$0x10B00] =	vst v0  }
0x1fd: {  	[tilespmem:s29+$0x10B80] =	vst v1  }
0x1fe: {  	v10 =	vcvt.s32.f32 v59;
	[tilespmem:s25+$0x11A80] =	vst v4  }
0x1ff: {  	[tilespmem:s25+$0x12080] =	vst v55  }
0x200: {  	v1 =	vsub.f32 v2, v10;
	[tilespmem:s25+$0x12680] =	vst v59  }
0x201: {  	[tilespmem:s29+$0x12F00] =	vst v0  }
0x202: {  	[tilespmem:s29+$0x12F80] =	vst v1  }
0x203: {  	v0 =	vld [tilespmem:s25+$0x2400]  }
0x204: {  	v1 =	vld [tilespmem:s25+$0x2480]  }
0x205: {  	v11 =	vld [tilespmem:s25+$0x2500];
	_ =	sdelay $0x3  }
0x206: {  	v0 =	vadd.f32 $5.000000000e+01, v0;
	v1 =	vadd.f32 $5.000000000e+01, v1  }
0x207: {  	v2 =	vadd.f32 $4.000000000e+00, v11  }
0x208: {  	v0 =	vadd.f32 v0, v0;
	v1 =	vadd.f32 v1, v1;
	_ =	sdelay $0x1  }
0x209: {  	v2 =	vmul.f32 $5.000000000e+00, v2;
	v12 =	vadd.f32 v0, v0;
	v13 =	vadd.f32 v1, v1;
	_ =	sdelay $0x1  }
0x20a: {  	v14 =	vadd.f32 v2, v2;
	v15 =	vtrunc.f32 v12;
	v16 =	vtrunc.f32 v13  }
0x20b: {  	v6 =	vcvt.f32.s32 v15;
	v7 =	vcvt.f32.s32 v16  }
0x20c: {  	v17 =	vtrunc.f32 v14  }
0x20d: {  	v18 =	vmul.u32 $0x190, v6;
	v19 =	vmul.u32 $0x5DC0, v6;
	v20 =	vmul.u32 $0x3C, v7  }
0x20e: {  	v8 =	vcvt.f32.s32 v17  }
0x20f: {  	v9 =	vadd.s32 v7, v18;
	v10 =	vadd.s32 v19, v20  }
0x210: {  	v21 =	vcvt.s32.f32 v6;
	[tilespmem:s25+$0xB500] =	vst v9;
	v22 =	vadd.s32 v8, v10  }
0x211: {  	v23 =	vcvt.s32.f32 v7;
	[tilespmem:s25+$0xD300] =	vst v22  }
0x212: {  	v3 =	vsub.f32 v12, v21;
	[tilespmem:s29+$0xC000] =	vst v6  }
0x213: {  	v4 =	vsub.f32 v13, v23;
	[tilespmem:s29+$0xC080] =	vst v7  }
0x214: {  	v25 =	vtrunc.f32 v0;
	[tilespmem:s29+$0xCC00] =	vst v3  }
0x215: {  	v26 =	vtrunc.f32 v1;
	v24 =	vcvt.s32.f32 v8;
	[tilespmem:s29+$0xCC80] =	vst v4  }
0x216: {  	v27 =	vcvt.f32.s32 v26;
	v4 =	vcvt.f32.s32 v25;
	[tilespmem:s25+$0xD900] =	vst v6  }
0x217: {  	v28 =	vtrunc.f32 v2;
	v5 =	vsub.f32 v14, v24;
	[tilespmem:s25+$0xDF00] =	vst v7  }
0x218: {  	v10 =	vmul.u32 $0x1E, v27;
	[tilespmem:s25+$0xE500] =	vst v8;
	v29 =	vmul.u32 $0xC8, v4;
	v30 =	vmul.u32 $0x1770, v4  }
0x219: {  	v31 =	vcvt.f32.s32 v28;
	[tilespmem:s29+$0xF000] =	vst v3  }
0x21a: {  	[tilespmem:s29+$0xF080] =	vst v5;
	v32 =	vadd.s32 v27, v29;
	v33 =	vadd.s32 v30, v10  }
0x21b: {  	v34 =	vcvt.s32.f32 v4;
	[tilespmem:s25+$0xF700] =	vst v32;
	v35 =	vadd.s32 v31, v33  }
0x21c: {  	v36 =	vcvt.s32.f32 v27;
	[tilespmem:s25+$0x11500] =	vst v35  }
0x21d: {  	v0 =	vsub.f32 v0, v34;
	[tilespmem:s29+$0x10200] =	vst v4  }
0x21e: {  	v1 =	vsub.f32 v1, v36;
	[tilespmem:s29+$0x10280] =	vst v27  }
0x21f: {  	[tilespmem:s29+$0x10E00] =	vst v0  }
0x220: {  	[tilespmem:s29+$0x10E80] =	vst v1  }
0x221: {  	v37 =	vcvt.s32.f32 v31;
	[tilespmem:s25+$0x11B00] =	vst v4  }
0x222: {  	[tilespmem:s25+$0x12100] =	vst v27  }
0x223: {  	v1 =	vsub.f32 v2, v37;
	[tilespmem:s25+$0x12700] =	vst v31  }
0x224: {  	[tilespmem:s29+$0x13200] =	vst v0  }
0x225: {  	[tilespmem:s29+$0x13280] =	vst v1  }
0x226: {  	v0 =	vld [tilespmem:s25+$0x2A00]  }
0x227: {  	v1 =	vld [tilespmem:s25+$0x2A80]  }
0x228: {  	v38 =	vld [tilespmem:s25+$0x2B00];
	_ =	sdelay $0x3  }
0x229: {  	v0 =	vadd.f32 $5.000000000e+01, v0;
	v1 =	vadd.f32 $5.000000000e+01, v1  }
0x22a: {  	v2 =	vadd.f32 $4.000000000e+00, v38  }
0x22b: {  	v0 =	vadd.f32 v0, v0;
	v1 =	vadd.f32 v1, v1;
	_ =	sdelay $0x1  }
0x22c: {  	v2 =	vmul.f32 $5.000000000e+00, v2;
	v39 =	vadd.f32 v0, v0;
	v40 =	vadd.f32 v1, v1;
	_ =	sdelay $0x1  }
0x22d: {  	v41 =	vadd.f32 v2, v2;
	v42 =	vtrunc.f32 v39;
	v43 =	vtrunc.f32 v40  }
0x22e: {  	v6 =	vcvt.f32.s32 v42;
	v7 =	vcvt.f32.s32 v43  }
0x22f: {  	v44 =	vtrunc.f32 v41  }
0x230: {  	v45 =	vmul.u32 $0x190, v6;
	v46 =	vmul.u32 $0x5DC0, v6;
	v47 =	vmul.u32 $0x3C, v7  }
0x231: {  	s15 =	sor.u32 s15, s12;
	v8 =	vcvt.f32.s32 v44  }
0x232: {  	s15 =	sor.u32 $0x180, s15;
	v10 =	vadd.s32 v46, v47;
	v9 =	vadd.s32 v7, v45  }
0x233: {  	v48 =	vcvt.s32.f32 v6;
	[tilespmem:s15+$0xB400] =	vst v9;
	v10 =	vadd.s32 v8, v10  }
0x234: {  	v49 =	vcvt.s32.f32 v7;
	[tilespmem:s15+$0xD200] =	vst v10  }
0x235: {  	v3 =	vsub.f32 v39, v48;
	[tilespmem:s29+$0xC300] =	vst v6  }
0x236: {  	v4 =	vsub.f32 v40, v49;
	[tilespmem:s29+$0xC380] =	vst v7  }
0x237: {  	v51 =	vtrunc.f32 v0;
	[tilespmem:s29+$0xCF00] =	vst v3  }
0x238: {  	v52 =	vtrunc.f32 v1;
	v50 =	vcvt.s32.f32 v8;
	[tilespmem:s29+$0xCF80] =	vst v4  }
0x239: {  	v53 =	vcvt.f32.s32 v52;
	v4 =	vcvt.f32.s32 v51;
	[tilespmem:s15+$0xD800] =	vst v6  }
0x23a: {  	v54 =	vtrunc.f32 v2;
	v5 =	vsub.f32 v41, v50;
	[tilespmem:s25+$0xDF80] =	vst v7  }
0x23b: {  	v10 =	vmul.u32 $0x1E, v53;
	[tilespmem:s25+$0xE580] =	vst v8;
	v55 =	vmul.u32 $0xC8, v4;
	v56 =	vmul.u32 $0x1770, v4  }
0x23c: {  	v57 =	vcvt.f32.s32 v54;
	[tilespmem:s29+$0xF300] =	vst v3  }
0x23d: {  	[tilespmem:s29+$0xF380] =	vst v5;
	v58 =	vadd.s32 v53, v55;
	v59 =	vadd.s32 v56, v10  }
0x23e: {  	v60 =	vcvt.s32.f32 v4;
	[tilespmem:s15+$0xF600] =	vst v58;
	v61 =	vadd.s32 v57, v59  }
0x23f: {  	v62 =	vcvt.s32.f32 v53;
	[tilespmem:s15+$0x11400] =	vst v61  }
0x240: {  	v0 =	vsub.f32 v0, v60;
	[tilespmem:s29+$0x10500] =	vst v4  }
0x241: {  	v1 =	vsub.f32 v1, v62;
	[tilespmem:s29+$0x10580] =	vst v53  }
0x242: {  	[tilespmem:s29+$0x11100] =	vst v0  }
0x243: {  	p3 =	sne.s32 s19, $0x17;
	[tilespmem:s29+$0x11180] =	vst v1  }
.Ltmp6:
0x244: {  	v63 =	vcvt.s32.f32 v57;
	[tilespmem:s15+$0x11A00] =	vst v4;
	(pc) =	sbr.rel @p3 .LBB3_6-.Ltmp6, $4  }
0x245: {  	[tilespmem:s25+$0x12180] =	vst v53  }
0x246: {  	v1 =	vsub.f32 v2, v63;
	[tilespmem:s25+$0x12780] =	vst v57  }
0x247: {  	[tilespmem:s29+$0x13500] =	vst v0  }
0x248: {  	s19 =	sadd.s32 $0x1, s19;
	s12 =	sadd.s32 $0x10, s12;
	[tilespmem:s29+$0x13580] =	vst v1  }
0x249: {  	s12 =	rddreg [dreg:$0x10]  }
0x24a: {  	s12 =	sor.u32 s12, s20  }
0x24b: {  	s15 =	smul.u32 $0xC0, s12;
	_ =	sdelay $0x1  }
0x24c: {  	s22 =	simm.s32 $0x1800;
	s19 =	sadd.s32 s1, s15  }
0x24d: {  	[hbm4b:s19+s24] =	stream.strided.scatter [tilespmem:s22], [sflag:$0x4], $0x1800, s26, s24, $0x38;
	[tilespmem:$0x1A000] =	vst v63  }
0x24e: {  	s29 =	simm.s32 $0xB400;
	s12 =	smul.u32 $0x60, s12;
	s25 =	sadd.s32 s2, s15  }
0x24f: {  	[hbm4b:s25+s16] =	stream.linear.scatter [tilespmem:s29], [sflag:$0x4], $0x600, $0x38;
	[tilespmem:$0x1A000] =	vst v63  }
0x250: {  	s20 =	sadd.s32 s3, s12;
	s22 =	simm.s32 $0xBA00  }
0x251: {  	[hbm4b:s20+s30] =	stream.strided.scatter [tilespmem:s22], [sflag:$0x4], $0xC00, s31, s30, $0x38;
	[tilespmem:$0x1A000] =	vst v63  }
0x252: {  	s25 =	sadd.s32 s4, s12;
	s29 =	simm.s32 $0xC600  }
0x253: {  	[hbm4b:s25+s30] =	stream.strided.scatter [tilespmem:s29], [sflag:$0x4], $0xC00, s31, s30, $0x38;
	[tilespmem:$0x1A000] =	vst v63  }
0x254: {  	s20 =	sadd.s32 s5, s15;
	s22 =	simm.s32 $0xD200  }
0x255: {  	[hbm4b:s20+s16] =	stream.linear.scatter [tilespmem:s22], [sflag:$0x4], $0x600, $0x38;
	[tilespmem:$0x1A000] =	vst v63  }
0x256: {  	s25 =	sadd.s32 s6, s15;
	s29 =	simm.s32 $0xD800  }
0x257: {  	[hbm4b:s25+s24] =	stream.strided.scatter [tilespmem:s29], [sflag:$0x4], $0x1200, s26, s24, $0x38;
	[tilespmem:$0x1A000] =	vst v63  }
0x258: {  	s20 =	sadd.s32 s7, s12;
	s22 =	simm.s32 $0xEA00  }
0x259: {  	[hbm4b:s20+s30] =	stream.strided.scatter [tilespmem:s22], [sflag:$0x4], $0xC00, s31, s30, $0x38;
	[tilespmem:$0x1A000] =	vst v63  }
0x25a: {  	s25 =	sadd.s32 s8, s15;
	s29 =	simm.s32 $0xF600  }
0x25b: {  	[hbm4b:s25+s16] =	stream.linear.scatter [tilespmem:s29], [sflag:$0x4], $0x600, $0x38;
	[tilespmem:$0x1A000] =	vst v63  }
0x25c: {  	s20 =	sadd.s32 s9, s12;
	s22 =	simm.s32 $0xFC00  }
0x25d: {  	[hbm4b:s20+s30] =	stream.strided.scatter [tilespmem:s22], [sflag:$0x4], $0xC00, s31, s30, $0x38;
	[tilespmem:$0x1A000] =	vst v63  }
0x25e: {  	s25 =	sadd.s32 s10, s12;
	s29 =	simm.s32 $0x10800  }
0x25f: {  	[hbm4b:s25+s30] =	stream.strided.scatter [tilespmem:s29], [sflag:$0x4], $0xC00, s31, s30, $0x38;
	[tilespmem:$0x1A000] =	vst v63  }
0x260: {  	s20 =	sadd.s32 s11, s15;
	s22 =	simm.s32 $0x11400  }
0x261: {  	[hbm4b:s20+s16] =	stream.linear.scatter [tilespmem:s22], [sflag:$0x4], $0x600, $0x38;
	[tilespmem:$0x1A000] =	vst v63  }
.Ltmp7:
0x262: {  	_ = 	snop;
	(pc) =	sbr.rel .LBB3_8-.Ltmp7, $4  }
0x263: {  	s15 =	sadd.s32 s13, s15;
	s25 =	simm.s32 $0x11A00  }
0x264: {  	[hbm4b:s15+s24] =	stream.strided.scatter [tilespmem:s25], [sflag:$0x4], $0x1200, s26, s24, $0x38;
	[tilespmem:$0x1A000] =	vst v63  }
0x265: {  	s12 =	sadd.s32 s14, s12;
	s29 =	simm.s32 $0x12C00  }
0x266: {  	[hbm4b:s12+s30] =	stream.strided.scatter [tilespmem:s29], [sflag:$0x4], $0xC00, s31, s30, $0x38;
	[tilespmem:$0x1A000] =	vst v63  }
.LBB3_9:
0x267: {  	s12 =	simm.s32 @!p1 $0x3  }
0x268: {  	_ =	swait.ge @!p1 [sflag:s12], $0x1800  }
0x269: {  	[sflag:s12] =	ssyncset.done @!p1 $0x0  }
0x26a: {  	[sflag:s12] =	ssyncadd.s32 @!p1 $0xFFFFE800  }
0x26b: {  	_ =	swait.ge @!p1 [sflag:s12], $0x600  }
0x26c: {  	[sflag:s12] =	ssyncset.done @!p1 $0x0  }
0x26d: {  	[sflag:s12] =	ssyncadd.s32 @!p1 $0xFFFFFA00  }
0x26e: {  	_ =	swait.ge @!p1 [sflag:s12], $0xC00  }
0x26f: {  	[sflag:s12] =	ssyncset.done @!p1 $0x0  }
0x270: {  	[sflag:s12] =	ssyncadd.s32 @!p1 $0xFFFFF400  }
0x271: {  	_ =	swait.ge @!p1 [sflag:s12], $0xC00  }
0x272: {  	[sflag:s12] =	ssyncset.done @!p1 $0x0  }
0x273: {  	[sflag:s12] =	ssyncadd.s32 @!p1 $0xFFFFF400  }
0x274: {  	_ =	swait.ge @!p1 [sflag:s12], $0x600  }
0x275: {  	[sflag:s12] =	ssyncset.done @!p1 $0x0  }
0x276: {  	[sflag:s12] =	ssyncadd.s32 @!p1 $0xFFFFFA00  }
0x277: {  	_ =	swait.ge @!p1 [sflag:s12], $0x1200  }
0x278: {  	[sflag:s12] =	ssyncset.done @!p1 $0x0  }
0x279: {  	[sflag:s12] =	ssyncadd.s32 @!p1 $0xFFFFEE00  }
0x27a: {  	_ =	swait.ge @!p1 [sflag:s12], $0xC00  }
0x27b: {  	[sflag:s12] =	ssyncset.done @!p1 $0x0  }
0x27c: {  	[sflag:s12] =	ssyncadd.s32 @!p1 $0xFFFFF400  }
0x27d: {  	_ =	swait.ge @!p1 [sflag:s12], $0x600  }
0x27e: {  	[sflag:s12] =	ssyncset.done @!p1 $0x0  }
0x27f: {  	[sflag:s12] =	ssyncadd.s32 @!p1 $0xFFFFFA00  }
0x280: {  	_ =	swait.ge @!p1 [sflag:s12], $0xC00  }
0x281: {  	[sflag:s12] =	ssyncset.done @!p1 $0x0  }
0x282: {  	[sflag:s12] =	ssyncadd.s32 @!p1 $0xFFFFF400  }
0x283: {  	_ =	swait.ge @!p1 [sflag:s12], $0xC00  }
0x284: {  	[sflag:s12] =	ssyncset.done @!p1 $0x0  }
0x285: {  	[sflag:s12] =	ssyncadd.s32 @!p1 $0xFFFFF400  }
0x286: {  	_ =	swait.ge @!p1 [sflag:s12], $0x600  }
0x287: {  	[sflag:s12] =	ssyncset.done @!p1 $0x0  }
0x288: {  	[sflag:s12] =	ssyncadd.s32 @!p1 $0xFFFFFA00  }
0x289: {  	_ =	swait.ge @!p1 [sflag:s12], $0x1200  }
0x28a: {  	[sflag:s12] =	ssyncset.done @!p1 $0x0  }
0x28b: {  	[sflag:s12] =	ssyncadd.s32 @!p1 $0xFFFFEE00  }
0x28c: {  	_ =	swait.ge @!p1 [sflag:s12], $0xC00  }
0x28d: {  	[sflag:s12] =	ssyncset.done @!p1 $0x0  }
0x28e: {  	[sflag:s12] =	ssyncadd.s32 @!p1 $0xFFFFF400;
	s12 =	simm.s32 @p0 $0x3  }
0x28f: {  	_ =	swait.ge @p0 [sflag:s12], $0x1800  }
0x290: {  	[sflag:s12] =	ssyncset.done @p0 $0x0  }
0x291: {  	[sflag:s12] =	ssyncadd.s32 @p0 $0xFFFFE800  }
0x292: {  	_ =	swait.ge @p0 [sflag:s12], $0x600  }
0x293: {  	[sflag:s12] =	ssyncset.done @p0 $0x0  }
0x294: {  	[sflag:s12] =	ssyncadd.s32 @p0 $0xFFFFFA00  }
0x295: {  	_ =	swait.ge @p0 [sflag:s12], $0xC00  }
0x296: {  	[sflag:s12] =	ssyncset.done @p0 $0x0  }
0x297: {  	[sflag:s12] =	ssyncadd.s32 @p0 $0xFFFFF400  }
0x298: {  	_ =	swait.ge @p0 [sflag:s12], $0xC00  }
0x299: {  	[sflag:s12] =	ssyncset.done @p0 $0x0  }
0x29a: {  	[sflag:s12] =	ssyncadd.s32 @p0 $0xFFFFF400  }
0x29b: {  	_ =	swait.ge @p0 [sflag:s12], $0x600  }
0x29c: {  	[sflag:s12] =	ssyncset.done @p0 $0x0  }
0x29d: {  	[sflag:s12] =	ssyncadd.s32 @p0 $0xFFFFFA00  }
0x29e: {  	_ =	swait.ge @p0 [sflag:s12], $0x1200  }
0x29f: {  	[sflag:s12] =	ssyncset.done @p0 $0x0  }
0x2a0: {  	[sflag:s12] =	ssyncadd.s32 @p0 $0xFFFFEE00  }
0x2a1: {  	_ =	swait.ge @p0 [sflag:s12], $0xC00  }
0x2a2: {  	[sflag:s12] =	ssyncset.done @p0 $0x0  }
0x2a3: {  	[sflag:s12] =	ssyncadd.s32 @p0 $0xFFFFF400  }
0x2a4: {  	_ =	swait.ge @p0 [sflag:s12], $0x600  }
0x2a5: {  	[sflag:s12] =	ssyncset.done @p0 $0x0  }
0x2a6: {  	[sflag:s12] =	ssyncadd.s32 @p0 $0xFFFFFA00  }
0x2a7: {  	_ =	swait.ge @p0 [sflag:s12], $0xC00  }
0x2a8: {  	[sflag:s12] =	ssyncset.done @p0 $0x0  }
0x2a9: {  	[sflag:s12] =	ssyncadd.s32 @p0 $0xFFFFF400  }
0x2aa: {  	_ =	swait.ge @p0 [sflag:s12], $0xC00  }
0x2ab: {  	[sflag:s12] =	ssyncset.done @p0 $0x0  }
0x2ac: {  	[sflag:s12] =	ssyncadd.s32 @p0 $0xFFFFF400  }
0x2ad: {  	_ =	swait.ge @p0 [sflag:s12], $0x600  }
0x2ae: {  	[sflag:s12] =	ssyncset.done @p0 $0x0  }
0x2af: {  	[sflag:s12] =	ssyncadd.s32 @p0 $0xFFFFFA00  }
0x2b0: {  	_ =	swait.ge @p0 [sflag:s12], $0x1200  }
0x2b1: {  	[sflag:s12] =	ssyncset.done @p0 $0x0  }
0x2b2: {  	[sflag:s12] =	ssyncadd.s32 @p0 $0xFFFFEE00  }
0x2b3: {  	_ =	swait.ge @p0 [sflag:s12], $0xC00  }
0x2b4: {  	[sflag:s12] =	ssyncset.done @p0 $0x0  }
0x2b5: {  	s29 =	simm.s32 $0x4;
	[sflag:s12] =	ssyncadd.s32 @p0 $0xFFFFF400  }
0x2b6: {  	_ =	swait.ge [sflag:s29], $0x1800  }
0x2b7: {  	[sflag:s29] =	ssyncset.done $0x0  }
0x2b8: {  	[sflag:s29] =	ssyncadd.s32 $0xFFFFE800  }
0x2b9: {  	_ =	swait.ge [sflag:s29], $0x600  }
0x2ba: {  	[sflag:s29] =	ssyncset.done $0x0  }
0x2bb: {  	[sflag:s29] =	ssyncadd.s32 $0xFFFFFA00  }
0x2bc: {  	_ =	swait.ge [sflag:s29], $0xC00  }
0x2bd: {  	[sflag:s29] =	ssyncset.done $0x0  }
0x2be: {  	[sflag:s29] =	ssyncadd.s32 $0xFFFFF400  }
0x2bf: {  	_ =	swait.ge [sflag:s29], $0xC00  }
0x2c0: {  	[sflag:s29] =	ssyncset.done $0x0  }
0x2c1: {  	[sflag:s29] =	ssyncadd.s32 $0xFFFFF400  }
0x2c2: {  	_ =	swait.ge [sflag:s29], $0x600  }
0x2c3: {  	[sflag:s29] =	ssyncset.done $0x0  }
0x2c4: {  	[sflag:s29] =	ssyncadd.s32 $0xFFFFFA00  }
0x2c5: {  	_ =	swait.ge [sflag:s29], $0x1200  }
0x2c6: {  	[sflag:s29] =	ssyncset.done $0x0  }
0x2c7: {  	[sflag:s29] =	ssyncadd.s32 $0xFFFFEE00  }
0x2c8: {  	_ =	swait.ge [sflag:s29], $0xC00  }
0x2c9: {  	[sflag:s29] =	ssyncset.done $0x0  }
0x2ca: {  	[sflag:s29] =	ssyncadd.s32 $0xFFFFF400  }
0x2cb: {  	_ =	swait.ge [sflag:s29], $0x600  }
0x2cc: {  	[sflag:s29] =	ssyncset.done $0x0  }
0x2cd: {  	[sflag:s29] =	ssyncadd.s32 $0xFFFFFA00  }
0x2ce: {  	_ =	swait.ge [sflag:s29], $0xC00  }
0x2cf: {  	[sflag:s29] =	ssyncset.done $0x0  }
0x2d0: {  	[sflag:s29] =	ssyncadd.s32 $0xFFFFF400  }
0x2d1: {  	_ =	swait.ge [sflag:s29], $0xC00  }
0x2d2: {  	[sflag:s29] =	ssyncset.done $0x0  }
0x2d3: {  	[sflag:s29] =	ssyncadd.s32 $0xFFFFF400  }
0x2d4: {  	_ =	swait.ge [sflag:s29], $0x600  }
0x2d5: {  	[sflag:s29] =	ssyncset.done $0x0  }
0x2d6: {  	[sflag:s29] =	ssyncadd.s32 $0xFFFFFA00  }
0x2d7: {  	_ =	swait.ge [sflag:s29], $0x1200  }
0x2d8: {  	[sflag:s29] =	ssyncset.done $0x0  }
.Ltmp8:
0x2d9: {  	[sflag:s29] =	ssyncadd.s32 $0xFFFFEE00;
	(pc) =	sbr.rel @p2 .LBB3_13-.Ltmp8, $4  }
0x2da: {  	_ =	swait.ge [sflag:s29], $0xC00  }
0x2db: {  	s15 =	sld [smem:$0x7FD]  }
0x2dc: {  	[sflag:s29] =	ssyncset.done $0x0  }
0x2dd: {  	[sflag:s29] =	ssyncadd.s32 $0xFFFFF400  }
0x2de: {  	s0 =	rddreg [dreg:$0x11];
	s1 =	simm.s32 $0x400;
	s2 =	simm.s32 $0x13800  }
0x2df: {  	[tilespmem:s2], [sflag:$0x1] =	stream.strided.gather [hbm4b:s0+s1], $0x1000, s26, s1, $0x38;
	[tilespmem:$0x1A000] =	vst v63  }
0x2e0: {  	s23 =	simm.s32 $0x0;
	_ =	swait.ge [sflag:s28], $0x1000  }
0x2e1: {  	s12 =	simm.s32 $0x0;
	s22 =	sand.u32 $0x70, s23;
	[sflag:s28] =	ssyncset.done $0x0  }
0x2e2: {  	s19 =	simm.s32 $0x0;
	s12 =	sor.u32 s22, s12;
	[sflag:s28] =	ssyncadd.s32 $0xFFFFF000  }
0x2e3: {  	s15 =	sor.u32 $0x80, s19;
	v0 =	vld [tilespmem:s12+$0x13800]  }
0x2e4: {  	v1 =	vld [tilespmem:s15+$0x13800]  }
0x2e5: {  	v2 =	vld [tilespmem:s12+$0x13900];
	_ =	sdelay $0x3  }
0x2e6: {  	v0 =	vadd.f32 $5.000000000e+01, v0;
	v1 =	vadd.f32 $5.000000000e+01, v1  }
0x2e7: {  	v2 =	vadd.f32 $4.000000000e+00, v2  }
0x2e8: {  	v0 =	vadd.f32 v0, v0;
	v1 =	vadd.f32 v1, v1;
	_ =	sdelay $0x1  }
0x2e9: {  	v2 =	vmul.f32 $5.000000000e+00, v2;
	v3 =	vadd.f32 v0, v0;
	v4 =	vadd.f32 v1, v1;
	_ =	sdelay $0x1  }
0x2ea: {  	v5 =	vadd.f32 v2, v2;
	v6 =	vtrunc.f32 v3;
	v7 =	vtrunc.f32 v4  }
0x2eb: {  	v6 =	vcvt.f32.s32 v6;
	v7 =	vcvt.f32.s32 v7  }
0x2ec: {  	v8 =	vtrunc.f32 v5  }
0x2ed: {  	v9 =	vmul.u32 $0x190, v6;
	v10 =	vmul.u32 $0x5DC0, v6;
	v11 =	vmul.u32 $0x3C, v7  }
0x2ee: {  	v8 =	vcvt.f32.s32 v8  }
0x2ef: {  	v9 =	vadd.s32 v7, v9;
	v10 =	vadd.s32 v10, v11  }
0x2f0: {  	s25 =	simm.s32 $0x0;
	v11 =	vcvt.s32.f32 v6;
	[tilespmem:s12+$0x14800] =	vst v9;
	v9 =	vadd.s32 v8, v10  }
0x2f1: {  	s20 =	simm.s32 $0x0;
	s25 =	sor.u32 s22, s25;
	v10 =	vcvt.s32.f32 v7;
	[tilespmem:s12+$0x15C00] =	vst v9  }
0x2f2: {  	s0 =	sor.u32 $0x80, s20;
	v3 =	vsub.f32 v3, v11;
	[tilespmem:s25+$0x14C00] =	vst v6  }
0x2f3: {  	v4 =	vsub.f32 v4, v10;
	[tilespmem:s0+$0x14C00] =	vst v7  }
0x2f4: {  	v9 =	vtrunc.f32 v0;
	[tilespmem:s25+$0x15400] =	vst v3  }
0x2f5: {  	v11 =	vcvt.s32.f32 v8;
	v10 =	vtrunc.f32 v1;
	[tilespmem:s0+$0x15400] =	vst v4  }
0x2f6: {  	v4 =	vcvt.f32.s32 v9;
	[tilespmem:s12+$0x16000] =	vst v6;
	v6 =	vcvt.f32.s32 v10  }
0x2f7: {  	v5 =	vsub.f32 v5, v11;
	v9 =	vtrunc.f32 v2;
	[tilespmem:s12+$0x16400] =	vst v7  }
0x2f8: {  	[tilespmem:s12+$0x16800] =	vst v8;
	v7 =	vmul.u32 $0xC8, v4;
	v8 =	vmul.u32 $0x1770, v4;
	v10 =	vmul.u32 $0x1E, v6  }
0x2f9: {  	[tilespmem:s25+$0x16C00] =	vst v3;
	v3 =	vcvt.f32.s32 v9  }
0x2fa: {  	[tilespmem:s0+$0x16C00] =	vst v5;
	v5 =	vadd.s32 v6, v7;
	v7 =	vadd.s32 v8, v10  }
0x2fb: {  	v8 =	vcvt.s32.f32 v4;
	[tilespmem:s12+$0x17400] =	vst v5;
	v5 =	vadd.s32 v3, v7  }
0x2fc: {  	v7 =	vcvt.s32.f32 v6;
	[tilespmem:s12+$0x18800] =	vst v5  }
0x2fd: {  	v0 =	vsub.f32 v0, v8;
	[tilespmem:s25+$0x17800] =	vst v4  }
0x2fe: {  	v1 =	vsub.f32 v1, v7;
	[tilespmem:s0+$0x17800] =	vst v6  }
0x2ff: {  	[tilespmem:s25+$0x18000] =	vst v0  }
0x300: {  	[tilespmem:s0+$0x18000] =	vst v1  }
0x301: {  	v1 =	vcvt.s32.f32 v3;
	[tilespmem:s12+$0x18C00] =	vst v4  }
0x302: {  	[tilespmem:s12+$0x19000] =	vst v6  }
0x303: {  	[tilespmem:s12+$0x19400] =	vst v3;
	v1 =	vsub.f32 v2, v1  }
0x304: {  	[tilespmem:s25+$0x19800] =	vst v0  }
0x305: {  	[tilespmem:s0+$0x19800] =	vst v1  }
0x306: {  	s1 =	sor.u32 $0x480, s19;
	v0 =	vld [tilespmem:s12+$0x13C00]  }
0x307: {  	v1 =	vld [tilespmem:s1+$0x13800]  }
0x308: {  	v2 =	vld [tilespmem:s12+$0x13D00];
	_ =	sdelay $0x3  }
0x309: {  	v0 =	vadd.f32 $5.000000000e+01, v0;
	v1 =	vadd.f32 $5.000000000e+01, v1  }
0x30a: {  	v2 =	vadd.f32 $4.000000000e+00, v2  }
0x30b: {  	v0 =	vadd.f32 v0, v0;
	v1 =	vadd.f32 v1, v1;
	_ =	sdelay $0x1  }
0x30c: {  	v2 =	vmul.f32 $5.000000000e+00, v2;
	v3 =	vadd.f32 v0, v0;
	v4 =	vadd.f32 v1, v1;
	_ =	sdelay $0x1  }
0x30d: {  	v5 =	vadd.f32 v2, v2;
	v6 =	vtrunc.f32 v3;
	v7 =	vtrunc.f32 v4  }
0x30e: {  	v6 =	vcvt.f32.s32 v6;
	v7 =	vcvt.f32.s32 v7  }
0x30f: {  	v8 =	vtrunc.f32 v5  }
0x310: {  	v9 =	vmul.u32 $0x190, v6;
	v10 =	vmul.u32 $0x5DC0, v6;
	v11 =	vmul.u32 $0x3C, v7  }
0x311: {  	v8 =	vcvt.f32.s32 v8  }
0x312: {  	v9 =	vadd.s32 v7, v9;
	v10 =	vadd.s32 v10, v11  }
0x313: {  	v11 =	vcvt.s32.f32 v6;
	[tilespmem:s15+$0x14800] =	vst v9;
	v9 =	vadd.s32 v8, v10  }
0x314: {  	v10 =	vcvt.s32.f32 v7;
	[tilespmem:s15+$0x15C00] =	vst v9  }
0x315: {  	s29 =	sor.u32 $0x280, s20;
	v3 =	vsub.f32 v3, v11;
	[tilespmem:s25+$0x14E00] =	vst v6  }
0x316: {  	v4 =	vsub.f32 v4, v10;
	[tilespmem:s29+$0x14C00] =	vst v7  }
0x317: {  	v9 =	vtrunc.f32 v0;
	[tilespmem:s25+$0x15600] =	vst v3  }
0x318: {  	v11 =	vcvt.s32.f32 v8;
	v10 =	vtrunc.f32 v1;
	[tilespmem:s29+$0x15400] =	vst v4  }
0x319: {  	v4 =	vcvt.f32.s32 v9;
	[tilespmem:s15+$0x16000] =	vst v6;
	v6 =	vcvt.f32.s32 v10  }
0x31a: {  	s2 =	sor.u32 $0x880, s19;
	v5 =	vsub.f32 v5, v11;
	v9 =	vtrunc.f32 v2;
	[tilespmem:s1+$0x16000] =	vst v7  }
0x31b: {  	v7 =	vmul.u32 $0xC8, v4;
	[tilespmem:s2+$0x16000] =	vst v8;
	v8 =	vmul.u32 $0x1770, v4;
	v10 =	vmul.u32 $0x1E, v6  }
0x31c: {  	[tilespmem:s25+$0x16E00] =	vst v3;
	v3 =	vcvt.f32.s32 v9  }
0x31d: {  	[tilespmem:s29+$0x16C00] =	vst v5;
	v5 =	vadd.s32 v6, v7;
	v7 =	vadd.s32 v8, v10  }
0x31e: {  	v8 =	vcvt.s32.f32 v4;
	[tilespmem:s15+$0x17400] =	vst v5;
	v5 =	vadd.s32 v3, v7  }
0x31f: {  	v7 =	vcvt.s32.f32 v6;
	[tilespmem:s15+$0x18800] =	vst v5  }
0x320: {  	v0 =	vsub.f32 v0, v8;
	[tilespmem:s25+$0x17A00] =	vst v4  }
0x321: {  	v1 =	vsub.f32 v1, v7;
	[tilespmem:s29+$0x17800] =	vst v6  }
0x322: {  	[tilespmem:s25+$0x18200] =	vst v0  }
0x323: {  	[tilespmem:s29+$0x18000] =	vst v1  }
0x324: {  	v1 =	vcvt.s32.f32 v3;
	[tilespmem:s15+$0x18C00] =	vst v4  }
0x325: {  	[tilespmem:s1+$0x18C00] =	vst v6  }
0x326: {  	v1 =	vsub.f32 v2, v1;
	[tilespmem:s2+$0x18C00] =	vst v3  }
0x327: {  	[tilespmem:s25+$0x19A00] =	vst v0  }
0x328: {  	[tilespmem:s29+$0x19800] =	vst v1  }
0x329: {  	v0 =	vld [tilespmem:s12+$0x14000]  }
0x32a: {  	v1 =	vld [tilespmem:s2+$0x13800]  }
0x32b: {  	v2 =	vld [tilespmem:s12+$0x14100];
	_ =	sdelay $0x3  }
0x32c: {  	v0 =	vadd.f32 $5.000000000e+01, v0;
	v1 =	vadd.f32 $5.000000000e+01, v1  }
0x32d: {  	v2 =	vadd.f32 $4.000000000e+00, v2  }
0x32e: {  	v0 =	vadd.f32 v0, v0;
	v1 =	vadd.f32 v1, v1;
	_ =	sdelay $0x1  }
0x32f: {  	v2 =	vmul.f32 $5.000000000e+00, v2;
	v3 =	vadd.f32 v0, v0;
	v4 =	vadd.f32 v1, v1;
	_ =	sdelay $0x1  }
0x330: {  	v5 =	vadd.f32 v2, v2;
	v6 =	vtrunc.f32 v3;
	v7 =	vtrunc.f32 v4  }
0x331: {  	v6 =	vcvt.f32.s32 v6;
	v7 =	vcvt.f32.s32 v7  }
0x332: {  	v8 =	vtrunc.f32 v5  }
0x333: {  	v9 =	vmul.u32 $0x190, v6;
	v10 =	vmul.u32 $0x5DC0, v6;
	v11 =	vmul.u32 $0x3C, v7  }
0x334: {  	v8 =	vcvt.f32.s32 v8  }
0x335: {  	v9 =	vadd.s32 v7, v9;
	v10 =	vadd.s32 v10, v11  }
0x336: {  	v11 =	vcvt.s32.f32 v6;
	[tilespmem:s12+$0x14900] =	vst v9;
	v9 =	vadd.s32 v8, v10  }
0x337: {  	v10 =	vcvt.s32.f32 v7;
	[tilespmem:s12+$0x15D00] =	vst v9  }
0x338: {  	s22 =	sor.u32 $0x480, s20;
	v3 =	vsub.f32 v3, v11;
	[tilespmem:s25+$0x15000] =	vst v6  }
0x339: {  	v4 =	vsub.f32 v4, v10;
	[tilespmem:s22+$0x14C00] =	vst v7  }
0x33a: {  	v9 =	vtrunc.f32 v0;
	[tilespmem:s25+$0x15800] =	vst v3  }
0x33b: {  	v11 =	vcvt.s32.f32 v8;
	v10 =	vtrunc.f32 v1;
	[tilespmem:s22+$0x15400] =	vst v4  }
0x33c: {  	v4 =	vcvt.f32.s32 v9;
	[tilespmem:s12+$0x16100] =	vst v6;
	v6 =	vcvt.f32.s32 v10  }
0x33d: {  	v5 =	vsub.f32 v5, v11;
	v9 =	vtrunc.f32 v2;
	[tilespmem:s12+$0x16900] =	vst v8  }
0x33e: {  	[tilespmem:s12+$0x16500] =	vst v7;
	v7 =	vmul.u32 $0xC8, v4;
	v8 =	vmul.u32 $0x1770, v4;
	v10 =	vmul.u32 $0x1E, v6  }
0x33f: {  	[tilespmem:s25+$0x17000] =	vst v3;
	v3 =	vcvt.f32.s32 v9  }
0x340: {  	[tilespmem:s22+$0x16C00] =	vst v5;
	v5 =	vadd.s32 v6, v7;
	v7 =	vadd.s32 v8, v10  }
0x341: {  	v8 =	vcvt.s32.f32 v4;
	[tilespmem:s12+$0x17500] =	vst v5;
	v5 =	vadd.s32 v3, v7  }
0x342: {  	v7 =	vcvt.s32.f32 v6;
	[tilespmem:s12+$0x18900] =	vst v5  }
0x343: {  	v0 =	vsub.f32 v0, v8;
	[tilespmem:s25+$0x17C00] =	vst v4  }
0x344: {  	v1 =	vsub.f32 v1, v7;
	[tilespmem:s22+$0x17800] =	vst v6  }
0x345: {  	[tilespmem:s25+$0x18400] =	vst v0  }
0x346: {  	[tilespmem:s22+$0x18000] =	vst v1  }
0x347: {  	v1 =	vcvt.s32.f32 v3;
	[tilespmem:s12+$0x18D00] =	vst v4  }
0x348: {  	[tilespmem:s12+$0x19100] =	vst v6  }
0x349: {  	[tilespmem:s12+$0x19500] =	vst v3;
	v1 =	vsub.f32 v2, v1  }
0x34a: {  	[tilespmem:s25+$0x19C00] =	vst v0  }
0x34b: {  	[tilespmem:s22+$0x19800] =	vst v1  }
0x34c: {  	v0 =	vld [tilespmem:s12+$0x14400]  }
0x34d: {  	v1 =	vld [tilespmem:s12+$0x14480];
	_ =	sdelay $0x1  }
0x34e: {  	v3 =	vld [tilespmem:s12+$0x14500];
	_ =	sdelay $0x1  }
0x34f: {  	v0 =	vadd.f32 $5.000000000e+01, v0  }
0x350: {  	v1 =	vadd.f32 $5.000000000e+01, v1  }
0x351: {  	v2 =	vadd.f32 v0, v0  }
0x352: {  	v0 =	vadd.f32 $4.000000000e+00, v3;
	v1 =	vadd.f32 v1, v1;
	_ =	sdelay $0x1  }
0x353: {  	v0 =	vmul.f32 $5.000000000e+00, v0;
	v11 =	vadd.f32 v2, v2;
	v8 =	vadd.f32 v1, v1  }
0x354: {  	v4 =	vtrunc.f32 v2  }
0x355: {  	v10 =	vadd.f32 v0, v0;
	v3 =	vtrunc.f32 v11;
	v5 =	vtrunc.f32 v8  }
0x356: {  	v7 =	vcvt.f32.s32 v3;
	v5 =	vcvt.f32.s32 v5  }
0x357: {  	v6 =	vtrunc.f32 v1;
	v9 =	vtrunc.f32 v10  }
0x358: {  	v12 =	vmul.u32 $0x190, v7;
	v14 =	vmul.u32 $0x5DC0, v7;
	v15 =	vmul.u32 $0x3C, v5  }
0x359: {  	v3 =	vtrunc.f32 v0;
	v9 =	vcvt.f32.s32 v9  }
0x35a: {  	s12 =	sor.u32 $0x180, s19;
	v13 =	vcvt.s32.f32 v7;
	v16 =	vadd.s32 v5, v12;
	v15 =	vadd.s32 v14, v15  }
0x35b: {  	s29 =	simm.s32 $0x1;
	v12 =	vcvt.s32.f32 v5;
	v14 =	vcvt.s32.f32 v9;
	[tilespmem:s12+$0x14800] =	vst v16;
	v15 =	vadd.s32 v9, v15  }
.LBB3_11:
0x35c: {  	p3 =	sne.s32 s29, $0xB  }
0x35d: {  	[tilespmem:s12+$0x15C00] =	vst v15;
	s23 =	sadd.s32 $0x10, s23;
	s1 =	smov.u32 s29;
	s29 =	sadd.s32 $0x1, s29  }
0x35e: {  	v11 =	vsub.f32 v11, v13;
	v10 =	vsub.f32 v10, v14;
	s0 =	sor.u32 $0x680, s20;
	[tilespmem:s25+$0x15200] =	vst v7  }
0x35f: {  	v8 =	vsub.f32 v8, v12;
	[tilespmem:s0+$0x14C00] =	vst v5  }
0x360: {  	[tilespmem:s25+$0x15A00] =	vst v11  }
0x361: {  	v4 =	vcvt.f32.s32 v4;
	v6 =	vcvt.f32.s32 v6;
	[tilespmem:s0+$0x15400] =	vst v8  }
0x362: {  	s15 =	sor.u32 $0x580, s19;
	[tilespmem:s12+$0x16000] =	vst v7  }
0x363: {  	s2 =	sor.u32 $0x980, s19;
	v8 =	vmul.u32 $0x1E, v6;
	v7 =	vmul.u32 $0x1770, v4;
	[tilespmem:s15+$0x16000] =	vst v5;
	v5 =	vcvt.s32.f32 v4  }
0x364: {  	v3 =	vcvt.f32.s32 v3;
	v12 =	vmul.u32 $0xC8, v4;
	[tilespmem:s2+$0x16000] =	vst v9;
	v9 =	vcvt.s32.f32 v6  }
0x365: {  	v7 =	vadd.s32 v7, v8;
	[tilespmem:s25+$0x17200] =	vst v11  }
0x366: {  	v2 =	vsub.f32 v2, v5;
	v5 =	vadd.s32 v6, v12;
	v7 =	vadd.s32 v3, v7;
	[tilespmem:s0+$0x16C00] =	vst v10  }
0x367: {  	v8 =	vcvt.s32.f32 v3;
	v1 =	vsub.f32 v1, v9;
	[tilespmem:s12+$0x17400] =	vst v5  }
0x368: {  	[tilespmem:s12+$0x18800] =	vst v7  }
0x369: {  	v0 =	vsub.f32 v0, v8;
	[tilespmem:s25+$0x17E00] =	vst v4  }
0x36a: {  	[tilespmem:s0+$0x17800] =	vst v6  }
0x36b: {  	[tilespmem:s25+$0x18600] =	vst v2  }
0x36c: {  	s20 =	sshrl.u32 s1, $0x3;
	[tilespmem:s0+$0x18000] =	vst v1  }
0x36d: {  	s1 =	sshll.u32 s20, $0x9;
	[tilespmem:s12+$0x18C00] =	vst v4  }
0x36e: {  	s22 =	sand.u32 $0x70, s23;
	s19 =	sadd.s32 s1, s23;
	[tilespmem:s15+$0x18C00] =	vst v6  }
0x36f: {  	s12 =	sor.u32 s22, s1;
	s15 =	sor.u32 $0x80, s19;
	[tilespmem:s2+$0x18C00] =	vst v3  }
0x370: {  	[tilespmem:s25+$0x19E00] =	vst v2  }
0x371: {  	[tilespmem:s0+$0x19800] =	vst v0  }
0x372: {  	v0 =	vld [tilespmem:s12+$0x13800]  }
0x373: {  	v1 =	vld [tilespmem:s15+$0x13800]  }
0x374: {  	v2 =	vld [tilespmem:s12+$0x13900];
	_ =	sdelay $0x2  }
0x375: {  	v0 =	vadd.f32 $5.000000000e+01, v0  }
0x376: {  	v1 =	vadd.f32 $5.000000000e+01, v1  }
0x377: {  	v0 =	vadd.f32 v0, v0;
	v2 =	vadd.f32 $4.000000000e+00, v2  }
0x378: {  	v1 =	vadd.f32 v1, v1  }
0x379: {  	v2 =	vmul.f32 $5.000000000e+00, v2;
	v3 =	vadd.f32 v0, v0;
	v4 =	vtrunc.f32 v0  }
0x37a: {  	v5 =	vadd.f32 v1, v1;
	v6 =	vtrunc.f32 v1  }
0x37b: {  	v7 =	vadd.f32 v2, v2;
	v8 =	vtrunc.f32 v3;
	v9 =	vtrunc.f32 v2  }
0x37c: {  	v10 =	vtrunc.f32 v5  }
0x37d: {  	v8 =	vcvt.f32.s32 v8;
	v10 =	vcvt.f32.s32 v10  }
0x37e: {  	v11 =	vtrunc.f32 v7  }
0x37f: {  	v12 =	vmul.u32 $0x190, v8;
	v13 =	vmul.u32 $0x5DC0, v8;
	v14 =	vmul.u32 $0x3C, v10  }
0x380: {  	v11 =	vcvt.f32.s32 v11;
	v15 =	vcvt.s32.f32 v8  }
0x381: {  	v16 =	vcvt.s32.f32 v10;
	v12 =	vadd.s32 v10, v12;
	v13 =	vadd.s32 v13, v14  }
0x382: {  	s0 =	sshll.u32 s20, $0x8;
	v3 =	vsub.f32 v3, v15;
	v14 =	vcvt.s32.f32 v11;
	[tilespmem:s12+$0x14800] =	vst v12;
	v12 =	vadd.s32 v11, v13  }
0x383: {  	s20 =	sadd.s32 s0, s23;
	s25 =	sor.u32 s22, s0;
	v5 =	vsub.f32 v5, v16;
	[tilespmem:s12+$0x15C00] =	vst v12  }
0x384: {  	s0 =	sor.u32 $0x80, s20;
	v7 =	vsub.f32 v7, v14;
	[tilespmem:s25+$0x14C00] =	vst v8  }
0x385: {  	[tilespmem:s0+$0x14C00] =	vst v10  }
0x386: {  	[tilespmem:s25+$0x15400] =	vst v3  }
0x387: {  	[tilespmem:s0+$0x15400] =	vst v5  }
0x388: {  	[tilespmem:s12+$0x16000] =	vst v8  }
0x389: {  	v4 =	vcvt.f32.s32 v4;
	v5 =	vcvt.f32.s32 v6;
	[tilespmem:s12+$0x16400] =	vst v10;
	_ =	sdelay $0x1  }
0x38a: {  	v6 =	vmul.u32 $0xC8, v4;
	v8 =	vmul.u32 $0x1770, v4;
	v10 =	vmul.u32 $0x1E, v5;
	[tilespmem:s12+$0x16800] =	vst v11  }
0x38b: {  	[tilespmem:s25+$0x16C00] =	vst v3;
	v3 =	vcvt.f32.s32 v9;
	v9 =	vcvt.s32.f32 v4  }
0x38c: {  	v6 =	vadd.s32 v5, v6;
	[tilespmem:s0+$0x16C00] =	vst v7;
	v7 =	vadd.s32 v8, v10  }
0x38d: {  	v8 =	vcvt.s32.f32 v3;
	[tilespmem:s12+$0x17400] =	vst v6;
	v6 =	vadd.s32 v3, v7  }
0x38e: {  	v7 =	vcvt.s32.f32 v5;
	[tilespmem:s12+$0x18800] =	vst v6  }
0x38f: {  	v0 =	vsub.f32 v0, v9;
	v2 =	vsub.f32 v2, v8;
	[tilespmem:s25+$0x17800] =	vst v4  }
0x390: {  	v1 =	vsub.f32 v1, v7;
	[tilespmem:s0+$0x17800] =	vst v5  }
0x391: {  	[tilespmem:s25+$0x18000] =	vst v0  }
0x392: {  	[tilespmem:s0+$0x18000] =	vst v1  }
0x393: {  	[tilespmem:s12+$0x18C00] =	vst v4  }
0x394: {  	[tilespmem:s12+$0x19000] =	vst v5  }
0x395: {  	[tilespmem:s12+$0x19400] =	vst v3  }
0x396: {  	[tilespmem:s25+$0x19800] =	vst v0  }
0x397: {  	[tilespmem:s0+$0x19800] =	vst v2  }
0x398: {  	s22 =	sor.u32 $0x480, s19;
	v0 =	vld [tilespmem:s12+$0x13C00]  }
0x399: {  	v1 =	vld [tilespmem:s22+$0x13800]  }
0x39a: {  	v2 =	vld [tilespmem:s12+$0x13D00];
	_ =	sdelay $0x2  }
0x39b: {  	v0 =	vadd.f32 $5.000000000e+01, v0  }
0x39c: {  	v1 =	vadd.f32 $5.000000000e+01, v1  }
0x39d: {  	v0 =	vadd.f32 v0, v0;
	v2 =	vadd.f32 $4.000000000e+00, v2  }
0x39e: {  	v1 =	vadd.f32 v1, v1  }
0x39f: {  	v2 =	vmul.f32 $5.000000000e+00, v2;
	v3 =	vadd.f32 v0, v0;
	v4 =	vtrunc.f32 v0  }
0x3a0: {  	v5 =	vadd.f32 v1, v1;
	v6 =	vtrunc.f32 v1  }
0x3a1: {  	v7 =	vadd.f32 v2, v2;
	v8 =	vtrunc.f32 v3;
	v9 =	vtrunc.f32 v2  }
0x3a2: {  	v10 =	vtrunc.f32 v5  }
0x3a3: {  	v8 =	vcvt.f32.s32 v8;
	v10 =	vcvt.f32.s32 v10  }
0x3a4: {  	v11 =	vtrunc.f32 v7  }
0x3a5: {  	v12 =	vmul.u32 $0x190, v8;
	v13 =	vmul.u32 $0x5DC0, v8;
	v14 =	vmul.u32 $0x3C, v10  }
0x3a6: {  	v11 =	vcvt.f32.s32 v11  }
0x3a7: {  	v12 =	vadd.s32 v10, v12;
	v13 =	vadd.s32 v13, v14  }
0x3a8: {  	v15 =	vcvt.s32.f32 v11;
	v14 =	vcvt.s32.f32 v8;
	[tilespmem:s15+$0x14800] =	vst v12;
	v12 =	vadd.s32 v11, v13  }
0x3a9: {  	v13 =	vcvt.s32.f32 v10;
	[tilespmem:s15+$0x15C00] =	vst v12  }
0x3aa: {  	s0 =	sor.u32 $0x280, s20;
	v7 =	vsub.f32 v7, v15;
	v3 =	vsub.f32 v3, v14;
	[tilespmem:s25+$0x14E00] =	vst v8  }
0x3ab: {  	v5 =	vsub.f32 v5, v13;
	[tilespmem:s0+$0x14C00] =	vst v10  }
0x3ac: {  	[tilespmem:s25+$0x15600] =	vst v3  }
0x3ad: {  	[tilespmem:s0+$0x15400] =	vst v5  }
0x3ae: {  	v4 =	vcvt.f32.s32 v4;
	v5 =	vcvt.f32.s32 v6;
	[tilespmem:s15+$0x16000] =	vst v8  }
0x3af: {  	s1 =	sor.u32 $0x880, s19;
	[tilespmem:s22+$0x16000] =	vst v10  }
0x3b0: {  	v6 =	vmul.u32 $0xC8, v4;
	v8 =	vmul.u32 $0x1770, v4;
	v10 =	vmul.u32 $0x1E, v5;
	[tilespmem:s1+$0x16000] =	vst v11  }
0x3b1: {  	[tilespmem:s25+$0x16E00] =	vst v3;
	v3 =	vcvt.f32.s32 v9;
	v9 =	vcvt.s32.f32 v4  }
0x3b2: {  	v6 =	vadd.s32 v5, v6;
	v8 =	vadd.s32 v8, v10;
	[tilespmem:s0+$0x16C00] =	vst v7;
	v7 =	vcvt.s32.f32 v5  }
0x3b3: {  	[tilespmem:s15+$0x17400] =	vst v6;
	v6 =	vadd.s32 v3, v8  }
0x3b4: {  	v1 =	vsub.f32 v1, v7;
	[tilespmem:s15+$0x18800] =	vst v6  }
0x3b5: {  	v0 =	vsub.f32 v0, v9;
	[tilespmem:s25+$0x17A00] =	vst v4  }
0x3b6: {  	[tilespmem:s0+$0x17800] =	vst v5  }
0x3b7: {  	[tilespmem:s25+$0x18200] =	vst v0  }
0x3b8: {  	[tilespmem:s0+$0x18000] =	vst v1  }
0x3b9: {  	v1 =	vcvt.s32.f32 v3;
	[tilespmem:s15+$0x18C00] =	vst v4  }
0x3ba: {  	[tilespmem:s22+$0x18C00] =	vst v5  }
0x3bb: {  	v1 =	vsub.f32 v2, v1;
	[tilespmem:s1+$0x18C00] =	vst v3  }
0x3bc: {  	[tilespmem:s25+$0x19A00] =	vst v0  }
0x3bd: {  	[tilespmem:s0+$0x19800] =	vst v1  }
0x3be: {  	v0 =	vld [tilespmem:s12+$0x14000]  }
0x3bf: {  	v1 =	vld [tilespmem:s1+$0x13800]  }
0x3c0: {  	v2 =	vld [tilespmem:s12+$0x14100];
	_ =	sdelay $0x2  }
0x3c1: {  	v0 =	vadd.f32 $5.000000000e+01, v0  }
0x3c2: {  	v1 =	vadd.f32 $5.000000000e+01, v1  }
0x3c3: {  	v0 =	vadd.f32 v0, v0;
	v2 =	vadd.f32 $4.000000000e+00, v2  }
0x3c4: {  	v1 =	vadd.f32 v1, v1  }
0x3c5: {  	v2 =	vmul.f32 $5.000000000e+00, v2;
	v3 =	vadd.f32 v0, v0;
	v4 =	vtrunc.f32 v0  }
0x3c6: {  	v5 =	vadd.f32 v1, v1;
	v6 =	vtrunc.f32 v1  }
0x3c7: {  	v7 =	vadd.f32 v2, v2;
	v8 =	vtrunc.f32 v3;
	v9 =	vtrunc.f32 v2  }
0x3c8: {  	v8 =	vcvt.f32.s32 v8;
	v10 =	vtrunc.f32 v5  }
0x3c9: {  	v10 =	vcvt.f32.s32 v10;
	v11 =	vtrunc.f32 v7  }
0x3ca: {  	v12 =	vcvt.s32.f32 v8;
	v13 =	vmul.u32 $0x190, v8;
	v14 =	vmul.u32 $0x5DC0, v8  }
0x3cb: {  	v15 =	vcvt.s32.f32 v10;
	v16 =	vmul.u32 $0x3C, v10  }
0x3cc: {  	v11 =	vcvt.f32.s32 v11;
	v3 =	vsub.f32 v3, v12;
	v12 =	vadd.s32 v10, v13  }
0x3cd: {  	v5 =	vsub.f32 v5, v15;
	[tilespmem:s12+$0x14900] =	vst v12;
	v12 =	vadd.s32 v14, v16  }
0x3ce: {  	v13 =	vcvt.s32.f32 v11;
	v12 =	vadd.s32 v11, v12  }
0x3cf: {  	[tilespmem:s12+$0x15D00] =	vst v12  }
0x3d0: {  	s0 =	sor.u32 $0x480, s20;
	v7 =	vsub.f32 v7, v13;
	[tilespmem:s25+$0x15000] =	vst v8  }
0x3d1: {  	[tilespmem:s0+$0x14C00] =	vst v10  }
0x3d2: {  	[tilespmem:s25+$0x15800] =	vst v3  }
0x3d3: {  	[tilespmem:s0+$0x15400] =	vst v5  }
0x3d4: {  	[tilespmem:s12+$0x16100] =	vst v8  }
0x3d5: {  	v4 =	vcvt.f32.s32 v4;
	v5 =	vcvt.f32.s32 v6;
	[tilespmem:s12+$0x16900] =	vst v11;
	_ =	sdelay $0x1  }
0x3d6: {  	v6 =	vmul.u32 $0xC8, v4;
	v8 =	vmul.u32 $0x1770, v4;
	[tilespmem:s12+$0x16500] =	vst v10;
	v10 =	vmul.u32 $0x1E, v5  }
0x3d7: {  	[tilespmem:s25+$0x17000] =	vst v3;
	v3 =	vcvt.f32.s32 v9;
	v9 =	vcvt.s32.f32 v5  }
0x3d8: {  	v6 =	vadd.s32 v5, v6;
	[tilespmem:s0+$0x16C00] =	vst v7;
	v7 =	vadd.s32 v8, v10  }
0x3d9: {  	v8 =	vcvt.s32.f32 v4;
	v1 =	vsub.f32 v1, v9;
	[tilespmem:s12+$0x17500] =	vst v6;
	v6 =	vadd.s32 v3, v7  }
0x3da: {  	v7 =	vcvt.s32.f32 v3;
	[tilespmem:s12+$0x18900] =	vst v6  }
0x3db: {  	v0 =	vsub.f32 v0, v8;
	[tilespmem:s25+$0x17C00] =	vst v4  }
0x3dc: {  	v2 =	vsub.f32 v2, v7;
	[tilespmem:s0+$0x17800] =	vst v5  }
0x3dd: {  	[tilespmem:s25+$0x18400] =	vst v0  }
0x3de: {  	[tilespmem:s0+$0x18000] =	vst v1  }
0x3df: {  	[tilespmem:s12+$0x18D00] =	vst v4  }
0x3e0: {  	[tilespmem:s12+$0x19100] =	vst v5  }
0x3e1: {  	[tilespmem:s12+$0x19500] =	vst v3  }
0x3e2: {  	[tilespmem:s25+$0x19C00] =	vst v0  }
0x3e3: {  	[tilespmem:s0+$0x19800] =	vst v2  }
0x3e4: {  	v0 =	vld [tilespmem:s12+$0x14400]  }
0x3e5: {  	v1 =	vld [tilespmem:s12+$0x14480]  }
0x3e6: {  	v3 =	vld [tilespmem:s12+$0x14500];
	_ =	sdelay $0x2  }
0x3e7: {  	v0 =	vadd.f32 $5.000000000e+01, v0  }
0x3e8: {  	v1 =	vadd.f32 $5.000000000e+01, v1  }
0x3e9: {  	v2 =	vadd.f32 v0, v0;
	v0 =	vadd.f32 $4.000000000e+00, v3  }
0x3ea: {  	v1 =	vadd.f32 v1, v1  }
0x3eb: {  	v0 =	vmul.f32 $5.000000000e+00, v0;
	v11 =	vadd.f32 v2, v2;
	v4 =	vtrunc.f32 v2  }
0x3ec: {  	v8 =	vadd.f32 v1, v1;
	v6 =	vtrunc.f32 v1  }
0x3ed: {  	v10 =	vadd.f32 v0, v0;
	v5 =	vtrunc.f32 v11;
	v3 =	vtrunc.f32 v0  }
0x3ee: {  	v9 =	vtrunc.f32 v8  }
0x3ef: {  	v7 =	vcvt.f32.s32 v5;
	v5 =	vcvt.f32.s32 v9  }
.Ltmp9:
0x3f0: {  	v9 =	vtrunc.f32 v10;
	(pc) =	sbr.rel @p3 .LBB3_11-.Ltmp9, $4  }
0x3f1: {  	v14 =	vmul.u32 $0x190, v7;
	v15 =	vmul.u32 $0x5DC0, v7;
	v16 =	vmul.u32 $0x3C, v5  }
0x3f2: {  	v9 =	vcvt.f32.s32 v9;
	v13 =	vcvt.s32.f32 v7  }
0x3f3: {  	s12 =	sor.u32 $0x180, s19;
	v12 =	vcvt.s32.f32 v5;
	v17 =	vadd.s32 v5, v14;
	v15 =	vadd.s32 v15, v16  }
0x3f4: {  	v14 =	vcvt.s32.f32 v9;
	[tilespmem:s12+$0x14800] =	vst v17;
	v15 =	vadd.s32 v9, v15  }
.Ltmp10:
0x3f5: {  	_ = 	snop;
	(pc) =	sbr.rel .LBB3_12-.Ltmp10, $1  }
0x3f6: {  	_ =	sdelay $0x3  }
.LBB3_14:
0x3f7: {  	_ =	sfence.sel $0x180000  }
0x3f8: {  	[bflag:$0x0] =	sbarrier.arrive $0xFFFF  }
0x3f9: {  	_ =	strace $0x90000047  }
0x3fa: {  	s0 =	stileid.u32;
	[bflag:$0x2] =	sbarrier.arrive $0xFFFF  }
0x3fb: {  	p0 =	sne.s32 s0, $0x0;
	s0 =	rddreg [dreg:$0xe]  }
0x3fc: {  	s0 =	sadd.s32 @!p0 $0x100000, s0  }
0x3fd: {  	[sflag:s0] =	ssyncadd.tile.s32 @!p0 $0x1;
	_ =	shalt  }
.Lfunc_end3:
_tile_overlayer_lowered:
.L_overlay_start_3:
0x3fe: {  	(tag) =	ssettag $0x3  }
0x3ff: {  	s0 =	rddreg [dreg:$0x0];
	s2 =	stileid.u32  }
0x400: {  	s1 =	rddreg [dreg:$0x1];
	p0 =	sne.s32 s2, $0x0  }
0x401: {  	s3 =	rddreg [dreg:$0x2];
	[bflag:$0x3] =	sbarrier.arrive $0xFFFF;
	s2 =	simm.s32 @!p0 $0x1C05  }
0x402: {  	[timem:s3], [sflag:s2] =	dma.local @!p0 [hbm:s0], s1  }
0x403: {  	s0 =	simm.s32 @!p0 $0x5  }
0x404: {  	_ =	swait.ge @!p0 [sflag:s0], s1  }
0x405: {  	s1 =	ssub.s32 @!p0 $0x0, s1;
	[sflag:s0] =	ssyncset.done @!p0 $0x0  }
0x406: {  	[sflag:s0] =	ssyncadd.s32 @!p0 s1  }
0x407: {  	[bflag:$0x3] =	sbarrier.arrive $0xFFFF  }
0x408: {  	_ =	shalt  }

</sc_bundles>
